<compile_context>
chip_gen: v7x
topology: tpu7x:2x2x1
jax: 0.10.2.dev20260603
libtpu: 0.0.44.dev20260713+nightly
codegen_flags: <defaults>
</compile_context>

<pallas_src>
import jax
import jax.numpy as jnp
from jax import lax
from jax.experimental import pallas as pl
from jax.experimental.pallas import tpu as pltpu
from jax.experimental.pallas import tpu_sc as plsc

_K = 64
_B = 2048
_N = 16384
_NW = 32
_SPLIT = 1536
_ROWS_PER_W = (_B - _SPLIT) // _NW
_CHUNKS = _N // 16
_TC_ROWS_PER_BLOCK = 32


def _splat(s, dtype=jnp.int32):
    return jnp.full((16,), s, dtype)


def _scalar(v):
    return v[0]


_GATHER_DNUMS = lax.GatherDimensionNumbers(
    offset_dims=(), collapsed_slice_dims=(0,), start_index_map=(0,))


def _take0(vec, idx_splat):
    g = lax.gather(vec, idx_splat[:, None], _GATHER_DNUMS, slice_sizes=(1,),
                   mode=lax.GatherScatterMode.PROMISE_IN_BOUNDS)
    return g[0]


def _scan_hist(hist_ref, target, exclude_zero, lane_iota):
    accs = [hist_ref[pl.ds(16 * j, 16)] for j in range(16)]
    rcs = [lax.rev(a, (0,)) for a in accs]
    css = [plsc.cumsum(rc) for rc in rcs]

    tots = [cs[15] for cs in css]
    carries = [jnp.int32(0)] * 16
    carry = jnp.int32(0)
    for j in range(15, -1, -1):
        carries[j] = carry
        carry = carry + tots[j]

    target_s = _splat(target)
    found = jnp.bool_(False)
    B = jnp.int32(0)
    above = jnp.int32(0)
    for j in range(15, -1, -1):
        cs = css[j] + _splat(carries[j])
        hit = cs >= target_s
        if exclude_zero and j == 0:
            hit = hit & (lane_iota != 15)
        anyhit = _scalar(plsc.all_reduce_population_count(hit)) > 0
        istar = plsc.all_reduce_ffs(hit)
        cs_at = _take0(cs, istar)
        rc_at = _take0(rcs[j], istar)
        newly = anyhit & jnp.logical_not(found)
        B = jnp.where(newly, 16 * j + 15 - _scalar(istar), B)
        above = jnp.where(newly, cs_at - rc_at, above)
        found = found | anyhit
    return found, B, target - above


def _sc_body(x_hbm, o_hbm, row_v, hist_v, cb1_v, cb2_v):
    wid = lax.axis_index("s") * 2 + lax.axis_index("c")
    lane_iota = lax.iota(jnp.int32, 16)
    ones16 = jnp.ones((16,), jnp.int32)
    zeros16 = jnp.zeros((16,), jnp.int32)

    def reset_hist():
        for j in range(16):
            hist_v[pl.ds(16 * j, 16)] = zeros16

    def do_row(rr, _):
        orow = wid * _ROWS_PER_W + rr
        row = _SPLIT + orow
        pltpu.sync_copy(x_hbm.at[row], row_v)

        reset_hist()

        def passA(i, _):
            v = row_v[pl.ds(i * 16, 16)]
            bits = plsc.bitcast(jnp.maximum(v, 0.0), jnp.int32)
            e = lax.shift_right_logical(bits, 23)
            plsc.addupdate_scatter(hist_v, [e], ones16)
            return 0
        lax.fori_loop(0, _CHUNKS, passA, 0, unroll=8)

        found1, B1, r1 = _scan_hist(hist_v, jnp.int32(_K), True, lane_iota)
        B1 = jnp.where(found1, B1, -1)

        reset_hist()
        B1s = _splat(B1)

        def passB(i, w):
            v = row_v[pl.ds(i * 16, 16)]
            bits = plsc.bitcast(jnp.maximum(v, 0.0), jnp.int32)
            e = lax.shift_right_logical(bits, 23)
            match = e == B1s
            b2 = lax.shift_right_logical(bits, 15) & 0xFF
            plsc.addupdate_scatter(hist_v, [b2], ones16,
                                   mask=match)
            plsc.store_compressed(cb1_v.at[pl.ds(w, 16)], bits, mask=match)
            return w + _scalar(plsc.all_reduce_population_count(match))
        m1 = lax.fori_loop(0, _CHUNKS, passB, jnp.int32(0), unroll=8)

        found2, B2, r2 = _scan_hist(hist_v, r1, False, lane_iota)

        reset_hist()
        B2s = _splat(B2)
        m1s = _splat(m1)
        trip1 = lax.shift_right_logical(m1 + 15, 4)

        def passC(i, w):
            bits = cb1_v[pl.ds(i * 16, 16)]
            valid = (i * 16 + lane_iota) < m1s
            b2 = lax.shift_right_logical(bits, 15) & 0xFF
            match = valid & (b2 == B2s)
            b3 = lax.shift_right_logical(bits, 7) & 0xFF
            plsc.addupdate_scatter(hist_v, [b3], ones16,
                                   mask=match)
            plsc.store_compressed(cb2_v.at[pl.ds(w, 16)], bits, mask=match)
            return w + _scalar(plsc.all_reduce_population_count(match))
        m2 = lax.fori_loop(0, trip1, passC, jnp.int32(0))

        found3, B3, r3 = _scan_hist(hist_v, r2, False, lane_iota)

        reset_hist()
        B3s = _splat(B3)
        m2s = _splat(m2)
        trip2 = lax.shift_right_logical(m2 + 15, 4)

        def passD(i, _):
            bits = cb2_v[pl.ds(i * 16, 16)]
            valid = (i * 16 + lane_iota) < m2s
            b3 = lax.shift_right_logical(bits, 7) & 0xFF
            match = valid & (b3 == B3s)
            b4 = bits & 0x7F
            plsc.addupdate_scatter(hist_v, [b4], ones16,
                                   mask=match)
            return 0
        lax.fori_loop(0, trip2, passD, 0)

        found4, B4, _r4 = _scan_hist(hist_v, r3, False, lane_iota)

        t_bits = (B1 << 23) | (B2 << 15) | (B3 << 7) | B4
        t_bits = jnp.where(found1, t_bits, jnp.int32(1))
        tf = plsc.bitcast(_splat(t_bits), jnp.float32)

        def passE(i, _):
            v = row_v[pl.ds(i * 16, 16)]
            row_v[pl.ds(i * 16, 16)] = jnp.where(v >= tf, v, 0.0)
            return 0
        lax.fori_loop(0, _CHUNKS, passE, 0, unroll=8)

        pltpu.sync_copy(row_v, o_hbm.at[orow])
        return 0

    lax.fori_loop(0, _ROWS_PER_W, do_row, 0)


def _tc_block(x_ref, o_ref):
    x = x_ref[...]
    rows = x.shape[0]

    def step(bit, t_bits, cur_cnt):
        cand = t_bits | (jnp.int32(1) << bit)
        cand_f = jax.lax.bitcast_convert_type(cand, jnp.float32)
        cnt = jnp.sum((x >= cand_f).astype(jnp.int32), axis=1, keepdims=True)
        take = cnt >= _K
        return (jnp.where(take, cand, t_bits), jnp.where(take, cnt, cur_cnt))

    def head(i, carry):
        t_bits, cur_cnt = carry
        return step(30 - i, t_bits, cur_cnt)

    t0 = jnp.zeros((rows, 1), jnp.int32)
    c0 = jnp.full((rows, 1), _N, jnp.int32)
    t_bits, cur_cnt = jax.lax.fori_loop(0, 18, head, (t0, c0), unroll=True)

    def cond(carry):
        bit, _, cur_cnt = carry
        return (bit >= 0) & jnp.any(cur_cnt != _K)

    def body(carry):
        bit, t_bits, cur_cnt = carry
        t_bits, cur_cnt = step(bit, t_bits, cur_cnt)
        return (bit - 1, t_bits, cur_cnt)

    _, t_bits, _ = jax.lax.while_loop(cond, body, (jnp.int32(12), t_bits, cur_cnt))
    t_f = jax.lax.bitcast_convert_type(t_bits, jnp.float32)
    keep = (x >= t_f) & (x > 0.0)
    o_ref[...] = jnp.where(keep, x, 0.0)


@jax.jit
def kernel(x):
    sc_out = pl.kernel(
        _sc_body,
        out_type=jax.ShapeDtypeStruct((_B - _SPLIT, _N), jnp.float32),
        mesh=plsc.VectorSubcoreMesh(core_axis_name="c", subcore_axis_name="s"),
        compiler_params=pltpu.CompilerParams(needs_layout_passes=False),
        scratch_types=[
            pltpu.VMEM((_N,), jnp.float32),
            pltpu.VMEM((256,), jnp.int32),
            pltpu.VMEM((_N + 16,), jnp.int32),
            pltpu.VMEM((_N + 16,), jnp.int32),
        ],
    )(x)
    tc_full = pl.pallas_call(
        _tc_block,
        grid=(_SPLIT // _TC_ROWS_PER_BLOCK,),
        in_specs=[pl.BlockSpec((_TC_ROWS_PER_BLOCK, _N), lambda i: (i, 0))],
        out_specs=pl.BlockSpec((_TC_ROWS_PER_BLOCK, _N), lambda i: (i, 0)),
        out_shape=jax.ShapeDtypeStruct((_B, _N), x.dtype),
    )(x)
    return jax.lax.dynamic_update_slice(tc_full, sc_out, (_SPLIT, 0))

# --- scband reference (transcript-rebuilt; emitter-appended) ---
"""Pipeline reference for scband-top-k-87110526698106 (READ-ONLY COPY).

The authoritative reference and input builder live on the scoring server;
editing this copy changes nothing except your own understanding.
"""

import jax, jax.numpy as jnp
import numpy as np

K = 64

def setup_inputs(seed: int = 0) -> dict:
    key = jax.random.key(seed)
    x = jax.random.normal(key, (2048, 16384), dtype=jnp.float32)
    return {"x": x}

def reference(x):
    # TopK activation: keep the K largest values per row, apply ReLU, zero the rest.
    values, indices = jax.lax.top_k(x, K)           # [B, K]
    activated = jnp.maximum(values, 0.0)            # act_fn = ReLU
    rows = jnp.arange(x.shape[0])[:, None]          # [B, 1]
    result = jnp.zeros_like(x).at[rows, indices].set(activated)
    return result

if __name__ == "__main__":
    import jax
    _d = setup_inputs()
    print(jax.jit(kernel)(*tuple(_d.values())))

</pallas_src>

<mosaic_0001>
#map = affine_map<(d0, d1) -> (0, 0)>
module attributes {stable_mosaic.version = 14 : i64} {
  func.func @_sc_body(%arg0: i32, %arg1: i32, %arg2: memref<2048x16384xf32, #tpu.memory_space<hbm>>, %arg3: memref<512x16384xf32, #tpu.memory_space<hbm>>, %arg4: memref<16384xf32, #tpu.memory_space<vmem>>, %arg5: memref<256xi32, #tpu.memory_space<vmem>>, %arg6: memref<16400xi32, #tpu.memory_space<vmem>>, %arg7: memref<16400xi32, #tpu.memory_space<vmem>>) attributes {dimension_semantics = [#tpu.dimension_semantics<core_parallel>, #tpu.dimension_semantics<subcore_parallel>], iteration_bounds = array<i64: 2, 16>, scalar_prefetch = 0 : i64, scratch_operands = 4 : i64, tpu.core_type = #tpu.core_type<sc_vector_subcore>, window_params = [{transform_indices = #map}, {transform_indices = #map}]} {
    %mul3A = arith.constant 2 : i32
    %mul3A_0 = arith.muli %arg1, %mul3A : i32
    %add3A = arith.addi %mul3A_0, %arg0 : i32
    %iota3A = tpu.iota {dimensions = array<i32: 0>} : vector<16xi32>
    %broadcast_in_dim3A = arith.constant 1 : i32
    %broadcast_in_dim3A_1 = vector.broadcast %broadcast_in_dim3A : i32 to vector<16xi32>
    %broadcast_in_dim3A_2 = arith.constant 0 : i32
    %broadcast_in_dim3A_3 = vector.broadcast %broadcast_in_dim3A_2 : i32 to vector<16xi32>
    %scan3A = arith.constant 0 : i32
    %scan3A_4 = arith.constant 0 : i32
    %scan3A_5 = arith.constant 16 : i32
    %scan3A_6 = arith.addi %scan3A_4, %scan3A_5 : i32
    %scan3A_7 = arith.constant 1 : i32
    %scan3A_8 = scf.for %scan3A_10 = %scan3A_4 to %scan3A_6 step %scan3A_7 iter_args(%scan3A_11 = %scan3A) -> (i32)  : i32 {
      %mul3A_12 = arith.constant 16 : i32
      %mul3A_13 = arith.muli %add3A, %mul3A_12 : i32
      %add3A_14 = arith.addi %mul3A_13, %scan3A_10 : i32
      %add3A_15 = arith.constant 1536 : i32
      %add3A_16 = arith.addi %add3A_15, %add3A_14 : i32
      "tpu.region"() ({
        %run_scoped3A = tpu.sem_alloc : memref<!tpu.dma_semaphore, #tpu.memory_space<semaphore_mem>>
        %dma_start3A = arith.constant 0 : i32
        %dma_start3A_2987 = tpu.memref_slice %arg2[%add3A_16, %dma_start3A] : memref<2048x16384xf32, #tpu.memory_space<hbm>> -> memref<1x16384xf32, #tpu.memory_space<hbm>>
        %dma_start3A_2988 = tpu.memref_squeeze %dma_start3A_2987 : memref<1x16384xf32, #tpu.memory_space<hbm>> -> memref<16384xf32, #tpu.memory_space<hbm>>
        %dma_start3A_2989 = arith.constant 0 : i32
        %dma_start3A_2990 = tpu.memref_slice %arg2[%add3A_16, %dma_start3A_2989] : memref<2048x16384xf32, #tpu.memory_space<hbm>> -> memref<1x16384xf32, #tpu.memory_space<hbm>>
        %dma_start3A_2991 = tpu.memref_squeeze %dma_start3A_2990 : memref<1x16384xf32, #tpu.memory_space<hbm>> -> memref<16384xf32, #tpu.memory_space<hbm>>
        tpu.enqueue_dma source(%dma_start3A_2991 : memref<16384xf32, #tpu.memory_space<hbm>>) target(%arg4 : memref<16384xf32, #tpu.memory_space<vmem>>) target_semaphore(%run_scoped3A : memref<!tpu.dma_semaphore, #tpu.memory_space<semaphore_mem>>)
        %dma_wait3A = arith.constant 0 : i32
        %dma_wait3A_2992 = tpu.memref_slice %arg2[%add3A_16, %dma_wait3A] : memref<2048x16384xf32, #tpu.memory_space<hbm>> -> memref<1x16384xf32, #tpu.memory_space<hbm>>
        %dma_wait3A_2993 = tpu.memref_squeeze %dma_wait3A_2992 : memref<1x16384xf32, #tpu.memory_space<hbm>> -> memref<16384xf32, #tpu.memory_space<hbm>>
        %dma_wait3A_2994 = arith.constant 0 : i32
        %dma_wait3A_2995 = tpu.memref_slice %arg2[%add3A_16, %dma_wait3A_2994] : memref<2048x16384xf32, #tpu.memory_space<hbm>> -> memref<1x16384xf32, #tpu.memory_space<hbm>>
        %dma_wait3A_2996 = tpu.memref_squeeze %dma_wait3A_2995 : memref<1x16384xf32, #tpu.memory_space<hbm>> -> memref<16384xf32, #tpu.memory_space<hbm>>
        tpu.wait_dma2 semaphore(%run_scoped3A : memref<!tpu.dma_semaphore, #tpu.memory_space<semaphore_mem>>) src(%dma_wait3A_2996 : memref<16384xf32, #tpu.memory_space<hbm>>) dst(%arg4 : memref<16384xf32, #tpu.memory_space<vmem>>)
        tpu.yield
      }) : () -> ()
      %swap3A = arith.constant 0 : index
      %swap3A_17 = tpu.vector_load %arg5[%swap3A] {strides = array<i32>} : memref<256xi32, #tpu.memory_space<vmem>>, vector<16xi32>,
      tpu.vector_store %arg5[%swap3A], %broadcast_in_dim3A_3 {strides = array<i32>} : memref<256xi32, #tpu.memory_space<vmem>>, vector<16xi32>,
      %swap3A_18 = arith.constant 16 : index
      %swap3A_19 = tpu.vector_load %arg5[%swap3A_18] {strides = array<i32>} : memref<256xi32, #tpu.memory_space<vmem>>, vector<16xi32>,
      tpu.vector_store %arg5[%swap3A_18], %broadcast_in_dim3A_3 {strides = array<i32>} : memref<256xi32, #tpu.memory_space<vmem>>, vector<16xi32>,
      %swap3A_20 = arith.constant 32 : index
      %swap3A_21 = tpu.vector_load %arg5[%swap3A_20] {strides = array<i32>} : memref<256xi32, #tpu.memory_space<vmem>>, vector<16xi32>,
      tpu.vector_store %arg5[%swap3A_20], %broadcast_in_dim3A_3 {strides = array<i32>} : memref<256xi32, #tpu.memory_space<vmem>>, vector<16xi32>,
      %swap3A_22 = arith.constant 48 : index
      %swap3A_23 = tpu.vector_load %arg5[%swap3A_22] {strides = array<i32>} : memref<256xi32, #tpu.memory_space<vmem>>, vector<16xi32>,
      tpu.vector_store %arg5[%swap3A_22], %broadcast_in_dim3A_3 {strides = array<i32>} : memref<256xi32, #tpu.memory_space<vmem>>, vector<16xi32>,
      %swap3A_24 = arith.constant 64 : index
      %swap3A_25 = tpu.vector_load %arg5[%swap3A_24] {strides = array<i32>} : memref<256xi32, #tpu.memory_space<vmem>>, vector<16xi32>,
      tpu.vector_store %arg5[%swap3A_24], %broadcast_in_dim3A_3 {strides = array<i32>} : memref<256xi32, #tpu.memory_space<vmem>>, vector<16xi32>,
      %swap3A_26 = arith.constant 80 : index
      %swap3A_27 = tpu.vector_load %arg5[%swap3A_26] {strides = array<i32>} : memref<256xi32, #tpu.memory_space<vmem>>, vector<16xi32>,
      tpu.vector_store %arg5[%swap3A_26], %broadcast_in_dim3A_3 {strides = array<i32>} : memref<256xi32, #tpu.memory_space<vmem>>, vector<16xi32>,
      %swap3A_28 = arith.constant 96 : index
      %swap3A_29 = tpu.vector_load %arg5[%swap3A_28] {strides = array<i32>} : memref<256xi32, #tpu.memory_space<vmem>>, vector<16xi32>,
      tpu.vector_store %arg5[%swap3A_28], %broadcast_in_dim3A_3 {strides = array<i32>} : memref<256xi32, #tpu.memory_space<vmem>>, vector<16xi32>,
      %swap3A_30 = arith.constant 112 : index
      %swap3A_31 = tpu.vector_load %arg5[%swap3A_30] {strides = array<i32>} : memref<256xi32, #tpu.memory_space<vmem>>, vector<16xi32>,
      tpu.vector_store %arg5[%swap3A_30], %broadcast_in_dim3A_3 {strides = array<i32>} : memref<256xi32, #tpu.memory_space<vmem>>, vector<16xi32>,
      %swap3A_32 = arith.constant 128 : index
      %swap3A_33 = tpu.vector_load %arg5[%swap3A_32] {strides = array<i32>} : memref<256xi32, #tpu.memory_space<vmem>>, vector<16xi32>,
      tpu.vector_store %arg5[%swap3A_32], %broadcast_in_dim3A_3 {strides = array<i32>} : memref<256xi32, #tpu.memory_space<vmem>>, vector<16xi32>,
      %swap3A_34 = arith.constant 144 : index
      %swap3A_35 = tpu.vector_load %arg5[%swap3A_34] {strides = array<i32>} : memref<256xi32, #tpu.memory_space<vmem>>, vector<16xi32>,
      tpu.vector_store %arg5[%swap3A_34], %broadcast_in_dim3A_3 {strides = array<i32>} : memref<256xi32, #tpu.memory_space<vmem>>, vector<16xi32>,
      %swap3A_36 = arith.constant 160 : index
      %swap3A_37 = tpu.vector_load %arg5[%swap3A_36] {strides = array<i32>} : memref<256xi32, #tpu.memory_space<vmem>>, vector<16xi32>,
      tpu.vector_store %arg5[%swap3A_36], %broadcast_in_dim3A_3 {strides = array<i32>} : memref<256xi32, #tpu.memory_space<vmem>>, vector<16xi32>,
      %swap3A_38 = arith.constant 176 : index
      %swap3A_39 = tpu.vector_load %arg5[%swap3A_38] {strides = array<i32>} : memref<256xi32, #tpu.memory_space<vmem>>, vector<16xi32>,
      tpu.vector_store %arg5[%swap3A_38], %broadcast_in_dim3A_3 {strides = array<i32>} : memref<256xi32, #tpu.memory_space<vmem>>, vector<16xi32>,
      %swap3A_40 = arith.constant 192 : index
      %swap3A_41 = tpu.vector_load %arg5[%swap3A_40] {strides = array<i32>} : memref<256xi32, #tpu.memory_space<vmem>>, vector<16xi32>,
      tpu.vector_store %arg5[%swap3A_40], %broadcast_in_dim3A_3 {strides = array<i32>} : memref<256xi32, #tpu.memory_space<vmem>>, vector<16xi32>,
      %swap3A_42 = arith.constant 208 : index
      %swap3A_43 = tpu.vector_load %arg5[%swap3A_42] {strides = array<i32>} : memref<256xi32, #tpu.memory_space<vmem>>, vector<16xi32>,
      tpu.vector_store %arg5[%swap3A_42], %broadcast_in_dim3A_3 {strides = array<i32>} : memref<256xi32, #tpu.memory_space<vmem>>, vector<16xi32>,
      %swap3A_44 = arith.constant 224 : index
      %swap3A_45 = tpu.vector_load %arg5[%swap3A_44] {strides = array<i32>} : memref<256xi32, #tpu.memory_space<vmem>>, vector<16xi32>,
      tpu.vector_store %arg5[%swap3A_44], %broadcast_in_dim3A_3 {strides = array<i32>} : memref<256xi32, #tpu.memory_space<vmem>>, vector<16xi32>,
      %swap3A_46 = arith.constant 240 : index
      %swap3A_47 = tpu.vector_load %arg5[%swap3A_46] {strides = array<i32>} : memref<256xi32, #tpu.memory_space<vmem>>, vector<16xi32>,
      tpu.vector_store %arg5[%swap3A_46], %broadcast_in_dim3A_3 {strides = array<i32>} : memref<256xi32, #tpu.memory_space<vmem>>, vector<16xi32>,
      %scan3A_48 = arith.constant 0 : i32
      %scan3A_49 = arith.constant 0 : i32
      %scan3A_50 = arith.constant 1024 : i32
      %scan3A_51 = arith.addi %scan3A_49, %scan3A_50 : i32
      %scan3A_52 = arith.constant 8 : i32
      %scan3A_53 = scf.for %scan3A_2987 = %scan3A_49 to %scan3A_51 step %scan3A_52 iter_args(%scan3A_2988 = %scan3A_48) -> (i32)  : i32 {
        %mul3A_2989 = arith.constant 16 : i32
        %mul3A_2990 = arith.muli %scan3A_2987, %mul3A_2989 : i32
        %get3A_2991 = arith.index_cast %mul3A_2990 : i32 to index
        %get3A_2992 = tpu.vector_load %arg4[%get3A_2991] {strides = array<i32>} : memref<16384xf32, #tpu.memory_space<vmem>>, vector<16xf32>,
        %max3A = arith.constant 0.000000e+00 : f32
        %max3A_2993 = vector.broadcast %max3A : f32 to vector<16xf32>
        %max3A_2994 = arith.maximumf %get3A_2992, %max3A_2993 : vector<16xf32>
        %bitcast3A_2995 = vector.bitcast %max3A_2994 : vector<16xf32> to vector<16xi32>
        %shift_right_logical3A_2996 = arith.constant 23 : i32
        %shift_right_logical3A_2997 = vector.broadcast %shift_right_logical3A_2996 : i32 to vector<16xi32>
        %shift_right_logical3A_2998 = arith.shrui %bitcast3A_2995, %shift_right_logical3A_2997 : vector<16xi32>
        tpu.vector_store_idx %arg5[%shift_right_logical3A_2998], %broadcast_in_dim3A_1 {add = true} : memref<256xi32, #tpu.memory_space<vmem>>[vector<16xi32>], vector<16xi32>,
        %scan3A_2999 = arith.constant 0 : i32
        %scan3A_3000 = arith.constant 1 : i32
        %scan3A_3001 = arith.addi %scan3A_2987, %scan3A_3000 : i32
        %mul3A_3002 = arith.constant 16 : i32
        %mul3A_3003 = arith.muli %scan3A_3001, %mul3A_3002 : i32
        %get3A_3004 = arith.index_cast %mul3A_3003 : i32 to index
        %get3A_3005 = tpu.vector_load %arg4[%get3A_3004] {strides = array<i32>} : memref<16384xf32, #tpu.memory_space<vmem>>, vector<16xf32>,
        %max3A_3006 = arith.constant 0.000000e+00 : f32
        %max3A_3007 = vector.broadcast %max3A_3006 : f32 to vector<16xf32>
        %max3A_3008 = arith.maximumf %get3A_3005, %max3A_3007 : vector<16xf32>
        %bitcast3A_3009 = vector.bitcast %max3A_3008 : vector<16xf32> to vector<16xi32>
        %shift_right_logical3A_3010 = arith.constant 23 : i32
        %shift_right_logical3A_3011 = vector.broadcast %shift_right_logical3A_3010 : i32 to vector<16xi32>
        %shift_right_logical3A_3012 = arith.shrui %bitcast3A_3009, %shift_right_logical3A_3011 : vector<16xi32>
        tpu.vector_store_idx %arg5[%shift_right_logical3A_3012], %broadcast_in_dim3A_1 {add = true} : memref<256xi32, #tpu.memory_space<vmem>>[vector<16xi32>], vector<16xi32>,
        %scan3A_3013 = arith.constant 0 : i32
        %scan3A_3014 = arith.constant 2 : i32
        %scan3A_3015 = arith.addi %scan3A_2987, %scan3A_3014 : i32
        %mul3A_3016 = arith.constant 16 : i32
        %mul3A_3017 = arith.muli %scan3A_3015, %mul3A_3016 : i32
        %get3A_3018 = arith.index_cast %mul3A_3017 : i32 to index
        %get3A_3019 = tpu.vector_load %arg4[%get3A_3018] {strides = array<i32>} : memref<16384xf32, #tpu.memory_space<vmem>>, vector<16xf32>,
        %max3A_3020 = arith.constant 0.000000e+00 : f32
        %max3A_3021 = vector.broadcast %max3A_3020 : f32 to vector<16xf32>
        %max3A_3022 = arith.maximumf %get3A_3019, %max3A_3021 : vector<16xf32>
        %bitcast3A_3023 = vector.bitcast %max3A_3022 : vector<16xf32> to vector<16xi32>
        %shift_right_logical3A_3024 = arith.constant 23 : i32
        %shift_right_logical3A_3025 = vector.broadcast %shift_right_logical3A_3024 : i32 to vector<16xi32>
        %shift_right_logical3A_3026 = arith.shrui %bitcast3A_3023, %shift_right_logical3A_3025 : vector<16xi32>
        tpu.vector_store_idx %arg5[%shift_right_logical3A_3026], %broadcast_in_dim3A_1 {add = true} : memref<256xi32, #tpu.memory_space<vmem>>[vector<16xi32>], vector<16xi32>,
        %scan3A_3027 = arith.constant 0 : i32
        %scan3A_3028 = arith.constant 3 : i32
        %scan3A_3029 = arith.addi %scan3A_2987, %scan3A_3028 : i32
        %mul3A_3030 = arith.constant 16 : i32
        %mul3A_3031 = arith.muli %scan3A_3029, %mul3A_3030 : i32
        %get3A_3032 = arith.index_cast %mul3A_3031 : i32 to index
        %get3A_3033 = tpu.vector_load %arg4[%get3A_3032] {strides = array<i32>} : memref<16384xf32, #tpu.memory_space<vmem>>, vector<16xf32>,
        %max3A_3034 = arith.constant 0.000000e+00 : f32
        %max3A_3035 = vector.broadcast %max3A_3034 : f32 to vector<16xf32>
        %max3A_3036 = arith.maximumf %get3A_3033, %max3A_3035 : vector<16xf32>
        %bitcast3A_3037 = vector.bitcast %max3A_3036 : vector<16xf32> to vector<16xi32>
        %shift_right_logical3A_3038 = arith.constant 23 : i32
        %shift_right_logical3A_3039 = vector.broadcast %shift_right_logical3A_3038 : i32 to vector<16xi32>
        %shift_right_logical3A_3040 = arith.shrui %bitcast3A_3037, %shift_right_logical3A_3039 : vector<16xi32>
        tpu.vector_store_idx %arg5[%shift_right_logical3A_3040], %broadcast_in_dim3A_1 {add = true} : memref<256xi32, #tpu.memory_space<vmem>>[vector<16xi32>], vector<16xi32>,
        %scan3A_3041 = arith.constant 0 : i32
        %scan3A_3042 = arith.constant 4 : i32
        %scan3A_3043 = arith.addi %scan3A_2987, %scan3A_3042 : i32
        %mul3A_3044 = arith.constant 16 : i32
        %mul3A_3045 = arith.muli %scan3A_3043, %mul3A_3044 : i32
        %get3A_3046 = arith.index_cast %mul3A_3045 : i32 to index
        %get3A_3047 = tpu.vector_load %arg4[%get3A_3046] {strides = array<i32>} : memref<16384xf32, #tpu.memory_space<vmem>>, vector<16xf32>,
        %max3A_3048 = arith.constant 0.000000e+00 : f32
        %max3A_3049 = vector.broadcast %max3A_3048 : f32 to vector<16xf32>
        %max3A_3050 = arith.maximumf %get3A_3047, %max3A_3049 : vector<16xf32>
        %bitcast3A_3051 = vector.bitcast %max3A_3050 : vector<16xf32> to vector<16xi32>
        %shift_right_logical3A_3052 = arith.constant 23 : i32
        %shift_right_logical3A_3053 = vector.broadcast %shift_right_logical3A_3052 : i32 to vector<16xi32>
        %shift_right_logical3A_3054 = arith.shrui %bitcast3A_3051, %shift_right_logical3A_3053 : vector<16xi32>
        tpu.vector_store_idx %arg5[%shift_right_logical3A_3054], %broadcast_in_dim3A_1 {add = true} : memref<256xi32, #tpu.memory_space<vmem>>[vector<16xi32>], vector<16xi32>,
        %scan3A_3055 = arith.constant 0 : i32
        %scan3A_3056 = arith.constant 5 : i32
        %scan3A_3057 = arith.addi %scan3A_2987, %scan3A_3056 : i32
        %mul3A_3058 = arith.constant 16 : i32
        %mul3A_3059 = arith.muli %scan3A_3057, %mul3A_3058 : i32
        %get3A_3060 = arith.index_cast %mul3A_3059 : i32 to index
        %get3A_3061 = tpu.vector_load %arg4[%get3A_3060] {strides = array<i32>} : memref<16384xf32, #tpu.memory_space<vmem>>, vector<16xf32>,
        %max3A_3062 = arith.constant 0.000000e+00 : f32
        %max3A_3063 = vector.broadcast %max3A_3062 : f32 to vector<16xf32>
        %max3A_3064 = arith.maximumf %get3A_3061, %max3A_3063 : vector<16xf32>
        %bitcast3A_3065 = vector.bitcast %max3A_3064 : vector<16xf32> to vector<16xi32>
        %shift_right_logical3A_3066 = arith.constant 23 : i32
        %shift_right_logical3A_3067 = vector.broadcast %shift_right_logical3A_3066 : i32 to vector<16xi32>
        %shift_right_logical3A_3068 = arith.shrui %bitcast3A_3065, %shift_right_logical3A_3067 : vector<16xi32>
        tpu.vector_store_idx %arg5[%shift_right_logical3A_3068], %broadcast_in_dim3A_1 {add = true} : memref<256xi32, #tpu.memory_space<vmem>>[vector<16xi32>], vector<16xi32>,
        %scan3A_3069 = arith.constant 0 : i32
        %scan3A_3070 = arith.constant 6 : i32
        %scan3A_3071 = arith.addi %scan3A_2987, %scan3A_3070 : i32
        %mul3A_3072 = arith.constant 16 : i32
        %mul3A_3073 = arith.muli %scan3A_3071, %mul3A_3072 : i32
        %get3A_3074 = arith.index_cast %mul3A_3073 : i32 to index
        %get3A_3075 = tpu.vector_load %arg4[%get3A_3074] {strides = array<i32>} : memref<16384xf32, #tpu.memory_space<vmem>>, vector<16xf32>,
        %max3A_3076 = arith.constant 0.000000e+00 : f32
        %max3A_3077 = vector.broadcast %max3A_3076 : f32 to vector<16xf32>
        %max3A_3078 = arith.maximumf %get3A_3075, %max3A_3077 : vector<16xf32>
        %bitcast3A_3079 = vector.bitcast %max3A_3078 : vector<16xf32> to vector<16xi32>
        %shift_right_logical3A_3080 = arith.constant 23 : i32
        %shift_right_logical3A_3081 = vector.broadcast %shift_right_logical3A_3080 : i32 to vector<16xi32>
        %shift_right_logical3A_3082 = arith.shrui %bitcast3A_3079, %shift_right_logical3A_3081 : vector<16xi32>
        tpu.vector_store_idx %arg5[%shift_right_logical3A_3082], %broadcast_in_dim3A_1 {add = true} : memref<256xi32, #tpu.memory_space<vmem>>[vector<16xi32>], vector<16xi32>,
        %scan3A_3083 = arith.constant 0 : i32
        %scan3A_3084 = arith.constant 7 : i32
        %scan3A_3085 = arith.addi %scan3A_2987, %scan3A_3084 : i32
        %mul3A_3086 = arith.constant 16 : i32
        %mul3A_3087 = arith.muli %scan3A_3085, %mul3A_3086 : i32
        %get3A_3088 = arith.index_cast %mul3A_3087 : i32 to index
        %get3A_3089 = tpu.vector_load %arg4[%get3A_3088] {strides = array<i32>} : memref<16384xf32, #tpu.memory_space<vmem>>, vector<16xf32>,
        %max3A_3090 = arith.constant 0.000000e+00 : f32
        %max3A_3091 = vector.broadcast %max3A_3090 : f32 to vector<16xf32>
        %max3A_3092 = arith.maximumf %get3A_3089, %max3A_3091 : vector<16xf32>
        %bitcast3A_3093 = vector.bitcast %max3A_3092 : vector<16xf32> to vector<16xi32>
        %shift_right_logical3A_3094 = arith.constant 23 : i32
        %shift_right_logical3A_3095 = vector.broadcast %shift_right_logical3A_3094 : i32 to vector<16xi32>
        %shift_right_logical3A_3096 = arith.shrui %bitcast3A_3093, %shift_right_logical3A_3095 : vector<16xi32>
        tpu.vector_store_idx %arg5[%shift_right_logical3A_3096], %broadcast_in_dim3A_1 {add = true} : memref<256xi32, #tpu.memory_space<vmem>>[vector<16xi32>], vector<16xi32>,
        %scan3A_3097 = arith.constant 0 : i32
        scf.yield %scan3A_3097 : i32
      }
      %scan3A_54 = arith.constant 1024 : i32
      %get3A = arith.constant 0 : index
      %get3A_55 = tpu.vector_load %arg5[%get3A] {strides = array<i32>} : memref<256xi32, #tpu.memory_space<vmem>>, vector<16xi32>,
      %get3A_56 = arith.constant 16 : index
      %get3A_57 = tpu.vector_load %arg5[%get3A_56] {strides = array<i32>} : memref<256xi32, #tpu.memory_space<vmem>>, vector<16xi32>,
      %get3A_58 = arith.constant 32 : index
      %get3A_59 = tpu.vector_load %arg5[%get3A_58] {strides = array<i32>} : memref<256xi32, #tpu.memory_space<vmem>>, vector<16xi32>,
      %get3A_60 = arith.constant 48 : index
      %get3A_61 = tpu.vector_load %arg5[%get3A_60] {strides = array<i32>} : memref<256xi32, #tpu.memory_space<vmem>>, vector<16xi32>,
      %get3A_62 = arith.constant 64 : index
      %get3A_63 = tpu.vector_load %arg5[%get3A_62] {strides = array<i32>} : memref<256xi32, #tpu.memory_space<vmem>>, vector<16xi32>,
      %get3A_64 = arith.constant 80 : index
      %get3A_65 = tpu.vector_load %arg5[%get3A_64] {strides = array<i32>} : memref<256xi32, #tpu.memory_space<vmem>>, vector<16xi32>,
      %get3A_66 = arith.constant 96 : index
      %get3A_67 = tpu.vector_load %arg5[%get3A_66] {strides = array<i32>} : memref<256xi32, #tpu.memory_space<vmem>>, vector<16xi32>,
      %get3A_68 = arith.constant 112 : index
      %get3A_69 = tpu.vector_load %arg5[%get3A_68] {strides = array<i32>} : memref<256xi32, #tpu.memory_space<vmem>>, vector<16xi32>,
      %get3A_70 = arith.constant 128 : index
      %get3A_71 = tpu.vector_load %arg5[%get3A_70] {strides = array<i32>} : memref<256xi32, #tpu.memory_space<vmem>>, vector<16xi32>,
      %get3A_72 = arith.constant 144 : index
      %get3A_73 = tpu.vector_load %arg5[%get3A_72] {strides = array<i32>} : memref<256xi32, #tpu.memory_space<vmem>>, vector<16xi32>,
      %get3A_74 = arith.constant 160 : index
      %get3A_75 = tpu.vector_load %arg5[%get3A_74] {strides = array<i32>} : memref<256xi32, #tpu.memory_space<vmem>>, vector<16xi32>,
      %get3A_76 = arith.constant 176 : index
      %get3A_77 = tpu.vector_load %arg5[%get3A_76] {strides = array<i32>} : memref<256xi32, #tpu.memory_space<vmem>>, vector<16xi32>,
      %get3A_78 = arith.constant 192 : index
      %get3A_79 = tpu.vector_load %arg5[%get3A_78] {strides = array<i32>} : memref<256xi32, #tpu.memory_space<vmem>>, vector<16xi32>,
      %get3A_80 = arith.constant 208 : index
      %get3A_81 = tpu.vector_load %arg5[%get3A_80] {strides = array<i32>} : memref<256xi32, #tpu.memory_space<vmem>>, vector<16xi32>,
      %get3A_82 = arith.constant 224 : index
      %get3A_83 = tpu.vector_load %arg5[%get3A_82] {strides = array<i32>} : memref<256xi32, #tpu.memory_space<vmem>>, vector<16xi32>,
      %get3A_84 = arith.constant 240 : index
      %get3A_85 = tpu.vector_load %arg5[%get3A_84] {strides = array<i32>} : memref<256xi32, #tpu.memory_space<vmem>>, vector<16xi32>,
      %rev3A = arith.constant 15 : i32
      %rev3A_86 = vector.broadcast %rev3A : i32 to vector<16xi32>
      %rev3A_87 = tpu.iota {dimensions = array<i32: 0>} : vector<16xi32>
      %rev3A_88 = arith.subi %rev3A_86, %rev3A_87 : vector<16xi32>
      %rev3A_89 = tpu.dynamic_gather %get3A_55[%rev3A_88] in [0] : vector<16xi32>, vector<16xi32> -> vector<16xi32>
      %rev3A_90 = arith.constant 15 : i32
      %rev3A_91 = vector.broadcast %rev3A_90 : i32 to vector<16xi32>
      %rev3A_92 = tpu.iota {dimensions = array<i32: 0>} : vector<16xi32>
      %rev3A_93 = arith.subi %rev3A_91, %rev3A_92 : vector<16xi32>
      %rev3A_94 = tpu.dynamic_gather %get3A_57[%rev3A_93] in [0] : vector<16xi32>, vector<16xi32> -> vector<16xi32>
      %rev3A_95 = arith.constant 15 : i32
      %rev3A_96 = vector.broadcast %rev3A_95 : i32 to vector<16xi32>
      %rev3A_97 = tpu.iota {dimensions = array<i32: 0>} : vector<16xi32>
      %rev3A_98 = arith.subi %rev3A_96, %rev3A_97 : vector<16xi32>
      %rev3A_99 = tpu.dynamic_gather %get3A_59[%rev3A_98] in [0] : vector<16xi32>, vector<16xi32> -> vector<16xi32>
      %rev3A_100 = arith.constant 15 : i32
      %rev3A_101 = vector.broadcast %rev3A_100 : i32 to vector<16xi32>
      %rev3A_102 = tpu.iota {dimensions = array<i32: 0>} : vector<16xi32>
      %rev3A_103 = arith.subi %rev3A_101, %rev3A_102 : vector<16xi32>
      %rev3A_104 = tpu.dynamic_gather %get3A_61[%rev3A_103] in [0] : vector<16xi32>, vector<16xi32> -> vector<16xi32>
      %rev3A_105 = arith.constant 15 : i32
      %rev3A_106 = vector.broadcast %rev3A_105 : i32 to vector<16xi32>
      %rev3A_107 = tpu.iota {dimensions = array<i32: 0>} : vector<16xi32>
      %rev3A_108 = arith.subi %rev3A_106, %rev3A_107 : vector<16xi32>
      %rev3A_109 = tpu.dynamic_gather %get3A_63[%rev3A_108] in [0] : vector<16xi32>, vector<16xi32> -> vector<16xi32>
      %rev3A_110 = arith.constant 15 : i32
      %rev3A_111 = vector.broadcast %rev3A_110 : i32 to vector<16xi32>
      %rev3A_112 = tpu.iota {dimensions = array<i32: 0>} : vector<16xi32>
      %rev3A_113 = arith.subi %rev3A_111, %rev3A_112 : vector<16xi32>
      %rev3A_114 = tpu.dynamic_gather %get3A_65[%rev3A_113] in [0] : vector<16xi32>, vector<16xi32> -> vector<16xi32>
      %rev3A_115 = arith.constant 15 : i32
      %rev3A_116 = vector.broadcast %rev3A_115 : i32 to vector<16xi32>
      %rev3A_117 = tpu.iota {dimensions = array<i32: 0>} : vector<16xi32>
      %rev3A_118 = arith.subi %rev3A_116, %rev3A_117 : vector<16xi32>
      %rev3A_119 = tpu.dynamic_gather %get3A_67[%rev3A_118] in [0] : vector<16xi32>, vector<16xi32> -> vector<16xi32>
      %rev3A_120 = arith.constant 15 : i32
      %rev3A_121 = vector.broadcast %rev3A_120 : i32 to vector<16xi32>
      %rev3A_122 = tpu.iota {dimensions = array<i32: 0>} : vector<16xi32>
      %rev3A_123 = arith.subi %rev3A_121, %rev3A_122 : vector<16xi32>
      %rev3A_124 = tpu.dynamic_gather %get3A_69[%rev3A_123] in [0] : vector<16xi32>, vector<16xi32> -> vector<16xi32>
      %rev3A_125 = arith.constant 15 : i32
      %rev3A_126 = vector.broadcast %rev3A_125 : i32 to vector<16xi32>
      %rev3A_127 = tpu.iota {dimensions = array<i32: 0>} : vector<16xi32>
      %rev3A_128 = arith.subi %rev3A_126, %rev3A_127 : vector<16xi32>
      %rev3A_129 = tpu.dynamic_gather %get3A_71[%rev3A_128] in [0] : vector<16xi32>, vector<16xi32> -> vector<16xi32>
      %rev3A_130 = arith.constant 15 : i32
      %rev3A_131 = vector.broadcast %rev3A_130 : i32 to vector<16xi32>
      %rev3A_132 = tpu.iota {dimensions = array<i32: 0>} : vector<16xi32>
      %rev3A_133 = arith.subi %rev3A_131, %rev3A_132 : vector<16xi32>
      %rev3A_134 = tpu.dynamic_gather %get3A_73[%rev3A_133] in [0] : vector<16xi32>, vector<16xi32> -> vector<16xi32>
      %rev3A_135 = arith.constant 15 : i32
      %rev3A_136 = vector.broadcast %rev3A_135 : i32 to vector<16xi32>
      %rev3A_137 = tpu.iota {dimensions = array<i32: 0>} : vector<16xi32>
      %rev3A_138 = arith.subi %rev3A_136, %rev3A_137 : vector<16xi32>
      %rev3A_139 = tpu.dynamic_gather %get3A_75[%rev3A_138] in [0] : vector<16xi32>, vector<16xi32> -> vector<16xi32>
      %rev3A_140 = arith.constant 15 : i32
      %rev3A_141 = vector.broadcast %rev3A_140 : i32 to vector<16xi32>
      %rev3A_142 = tpu.iota {dimensions = array<i32: 0>} : vector<16xi32>
      %rev3A_143 = arith.subi %rev3A_141, %rev3A_142 : vector<16xi32>
      %rev3A_144 = tpu.dynamic_gather %get3A_77[%rev3A_143] in [0] : vector<16xi32>, vector<16xi32> -> vector<16xi32>
      %rev3A_145 = arith.constant 15 : i32
      %rev3A_146 = vector.broadcast %rev3A_145 : i32 to vector<16xi32>
      %rev3A_147 = tpu.iota {dimensions = array<i32: 0>} : vector<16xi32>
      %rev3A_148 = arith.subi %rev3A_146, %rev3A_147 : vector<16xi32>
      %rev3A_149 = tpu.dynamic_gather %get3A_79[%rev3A_148] in [0] : vector<16xi32>, vector<16xi32> -> vector<16xi32>
      %rev3A_150 = arith.constant 15 : i32
      %rev3A_151 = vector.broadcast %rev3A_150 : i32 to vector<16xi32>
      %rev3A_152 = tpu.iota {dimensions = array<i32: 0>} : vector<16xi32>
      %rev3A_153 = arith.subi %rev3A_151, %rev3A_152 : vector<16xi32>
      %rev3A_154 = tpu.dynamic_gather %get3A_81[%rev3A_153] in [0] : vector<16xi32>, vector<16xi32> -> vector<16xi32>
      %rev3A_155 = arith.constant 15 : i32
      %rev3A_156 = vector.broadcast %rev3A_155 : i32 to vector<16xi32>
      %rev3A_157 = tpu.iota {dimensions = array<i32: 0>} : vector<16xi32>
      %rev3A_158 = arith.subi %rev3A_156, %rev3A_157 : vector<16xi32>
      %rev3A_159 = tpu.dynamic_gather %get3A_83[%rev3A_158] in [0] : vector<16xi32>, vector<16xi32> -> vector<16xi32>
      %rev3A_160 = arith.constant 15 : i32
      %rev3A_161 = vector.broadcast %rev3A_160 : i32 to vector<16xi32>
      %rev3A_162 = tpu.iota {dimensions = array<i32: 0>} : vector<16xi32>
      %rev3A_163 = arith.subi %rev3A_161, %rev3A_162 : vector<16xi32>
      %rev3A_164 = tpu.dynamic_gather %get3A_85[%rev3A_163] in [0] : vector<16xi32>, vector<16xi32> -> vector<16xi32>
      %broadcast_in_dim3A_165 = arith.constant true
      %broadcast_in_dim3A_166 = vector.broadcast %broadcast_in_dim3A_165 : i1 to vector<16xi1>
      %masked_cumsum3A = tpu.scan <sum>, %rev3A_89 masked %broadcast_in_dim3A_166 : vector<16xi32>, vector<16xi1> -> vector<16xi32>
      %broadcast_in_dim3A_167 = arith.constant true
      %broadcast_in_dim3A_168 = vector.broadcast %broadcast_in_dim3A_167 : i1 to vector<16xi1>
      %masked_cumsum3A_169 = tpu.scan <sum>, %rev3A_94 masked %broadcast_in_dim3A_168 : vector<16xi32>, vector<16xi1> -> vector<16xi32>
      %broadcast_in_dim3A_170 = arith.constant true
      %broadcast_in_dim3A_171 = vector.broadcast %broadcast_in_dim3A_170 : i1 to vector<16xi1>
      %masked_cumsum3A_172 = tpu.scan <sum>, %rev3A_99 masked %broadcast_in_dim3A_171 : vector<16xi32>, vector<16xi1> -> vector<16xi32>
      %broadcast_in_dim3A_173 = arith.constant true
      %broadcast_in_dim3A_174 = vector.broadcast %broadcast_in_dim3A_173 : i1 to vector<16xi1>
      %masked_cumsum3A_175 = tpu.scan <sum>, %rev3A_104 masked %broadcast_in_dim3A_174 : vector<16xi32>, vector<16xi1> -> vector<16xi32>
      %broadcast_in_dim3A_176 = arith.constant true
      %broadcast_in_dim3A_177 = vector.broadcast %broadcast_in_dim3A_176 : i1 to vector<16xi1>
      %masked_cumsum3A_178 = tpu.scan <sum>, %rev3A_109 masked %broadcast_in_dim3A_177 : vector<16xi32>, vector<16xi1> -> vector<16xi32>
      %broadcast_in_dim3A_179 = arith.constant true
      %broadcast_in_dim3A_180 = vector.broadcast %broadcast_in_dim3A_179 : i1 to vector<16xi1>
      %masked_cumsum3A_181 = tpu.scan <sum>, %rev3A_114 masked %broadcast_in_dim3A_180 : vector<16xi32>, vector<16xi1> -> vector<16xi32>
      %broadcast_in_dim3A_182 = arith.constant true
      %broadcast_in_dim3A_183 = vector.broadcast %broadcast_in_dim3A_182 : i1 to vector<16xi1>
      %masked_cumsum3A_184 = tpu.scan <sum>, %rev3A_119 masked %broadcast_in_dim3A_183 : vector<16xi32>, vector<16xi1> -> vector<16xi32>
      %broadcast_in_dim3A_185 = arith.constant true
      %broadcast_in_dim3A_186 = vector.broadcast %broadcast_in_dim3A_185 : i1 to vector<16xi1>
      %masked_cumsum3A_187 = tpu.scan <sum>, %rev3A_124 masked %broadcast_in_dim3A_186 : vector<16xi32>, vector<16xi1> -> vector<16xi32>
      %broadcast_in_dim3A_188 = arith.constant true
      %broadcast_in_dim3A_189 = vector.broadcast %broadcast_in_dim3A_188 : i1 to vector<16xi1>
      %masked_cumsum3A_190 = tpu.scan <sum>, %rev3A_129 masked %broadcast_in_dim3A_189 : vector<16xi32>, vector<16xi1> -> vector<16xi32>
      %broadcast_in_dim3A_191 = arith.constant true
      %broadcast_in_dim3A_192 = vector.broadcast %broadcast_in_dim3A_191 : i1 to vector<16xi1>
      %masked_cumsum3A_193 = tpu.scan <sum>, %rev3A_134 masked %broadcast_in_dim3A_192 : vector<16xi32>, vector<16xi1> -> vector<16xi32>
      %broadcast_in_dim3A_194 = arith.constant true
      %broadcast_in_dim3A_195 = vector.broadcast %broadcast_in_dim3A_194 : i1 to vector<16xi1>
      %masked_cumsum3A_196 = tpu.scan <sum>, %rev3A_139 masked %broadcast_in_dim3A_195 : vector<16xi32>, vector<16xi1> -> vector<16xi32>
      %broadcast_in_dim3A_197 = arith.constant true
      %broadcast_in_dim3A_198 = vector.broadcast %broadcast_in_dim3A_197 : i1 to vector<16xi1>
      %masked_cumsum3A_199 = tpu.scan <sum>, %rev3A_144 masked %broadcast_in_dim3A_198 : vector<16xi32>, vector<16xi1> -> vector<16xi32>
      %broadcast_in_dim3A_200 = arith.constant true
      %broadcast_in_dim3A_201 = vector.broadcast %broadcast_in_dim3A_200 : i1 to vector<16xi1>
      %masked_cumsum3A_202 = tpu.scan <sum>, %rev3A_149 masked %broadcast_in_dim3A_201 : vector<16xi32>, vector<16xi1> -> vector<16xi32>
      %broadcast_in_dim3A_203 = arith.constant true
      %broadcast_in_dim3A_204 = vector.broadcast %broadcast_in_dim3A_203 : i1 to vector<16xi1>
      %masked_cumsum3A_205 = tpu.scan <sum>, %rev3A_154 masked %broadcast_in_dim3A_204 : vector<16xi32>, vector<16xi1> -> vector<16xi32>
      %broadcast_in_dim3A_206 = arith.constant true
      %broadcast_in_dim3A_207 = vector.broadcast %broadcast_in_dim3A_206 : i1 to vector<16xi1>
      %masked_cumsum3A_208 = tpu.scan <sum>, %rev3A_159 masked %broadcast_in_dim3A_207 : vector<16xi32>, vector<16xi1> -> vector<16xi32>
      %broadcast_in_dim3A_209 = arith.constant true
      %broadcast_in_dim3A_210 = vector.broadcast %broadcast_in_dim3A_209 : i1 to vector<16xi1>
      %masked_cumsum3A_211 = tpu.scan <sum>, %rev3A_164 masked %broadcast_in_dim3A_210 : vector<16xi32>, vector<16xi1> -> vector<16xi32>
      %slice3A = vector.extract_strided_slice %masked_cumsum3A {offsets = [15], sizes = [1], strides = [1]} : vector<16xi32> to vector<1xi32>
      %squeeze3A = vector.extract %slice3A[0] : i32 from vector<1xi32>
      %slice3A_212 = vector.extract_strided_slice %masked_cumsum3A_169 {offsets = [15], sizes = [1], strides = [1]} : vector<16xi32> to vector<1xi32>
      %squeeze3A_213 = vector.extract %slice3A_212[0] : i32 from vector<1xi32>
      %slice3A_214 = vector.extract_strided_slice %masked_cumsum3A_172 {offsets = [15], sizes = [1], strides = [1]} : vector<16xi32> to vector<1xi32>
      %squeeze3A_215 = vector.extract %slice3A_214[0] : i32 from vector<1xi32>
      %slice3A_216 = vector.extract_strided_slice %masked_cumsum3A_175 {offsets = [15], sizes = [1], strides = [1]} : vector<16xi32> to vector<1xi32>
      %squeeze3A_217 = vector.extract %slice3A_216[0] : i32 from vector<1xi32>
      %slice3A_218 = vector.extract_strided_slice %masked_cumsum3A_178 {offsets = [15], sizes = [1], strides = [1]} : vector<16xi32> to vector<1xi32>
      %squeeze3A_219 = vector.extract %slice3A_218[0] : i32 from vector<1xi32>
      %slice3A_220 = vector.extract_strided_slice %masked_cumsum3A_181 {offsets = [15], sizes = [1], strides = [1]} : vector<16xi32> to vector<1xi32>
      %squeeze3A_221 = vector.extract %slice3A_220[0] : i32 from vector<1xi32>
      %slice3A_222 = vector.extract_strided_slice %masked_cumsum3A_184 {offsets = [15], sizes = [1], strides = [1]} : vector<16xi32> to vector<1xi32>
      %squeeze3A_223 = vector.extract %slice3A_222[0] : i32 from vector<1xi32>
      %slice3A_224 = vector.extract_strided_slice %masked_cumsum3A_187 {offsets = [15], sizes = [1], strides = [1]} : vector<16xi32> to vector<1xi32>
      %squeeze3A_225 = vector.extract %slice3A_224[0] : i32 from vector<1xi32>
      %slice3A_226 = vector.extract_strided_slice %masked_cumsum3A_190 {offsets = [15], sizes = [1], strides = [1]} : vector<16xi32> to vector<1xi32>
      %squeeze3A_227 = vector.extract %slice3A_226[0] : i32 from vector<1xi32>
      %slice3A_228 = vector.extract_strided_slice %masked_cumsum3A_193 {offsets = [15], sizes = [1], strides = [1]} : vector<16xi32> to vector<1xi32>
      %squeeze3A_229 = vector.extract %slice3A_228[0] : i32 from vector<1xi32>
      %slice3A_230 = vector.extract_strided_slice %masked_cumsum3A_196 {offsets = [15], sizes = [1], strides = [1]} : vector<16xi32> to vector<1xi32>
      %squeeze3A_231 = vector.extract %slice3A_230[0] : i32 from vector<1xi32>
      %slice3A_232 = vector.extract_strided_slice %masked_cumsum3A_199 {offsets = [15], sizes = [1], strides = [1]} : vector<16xi32> to vector<1xi32>
      %squeeze3A_233 = vector.extract %slice3A_232[0] : i32 from vector<1xi32>
      %slice3A_234 = vector.extract_strided_slice %masked_cumsum3A_202 {offsets = [15], sizes = [1], strides = [1]} : vector<16xi32> to vector<1xi32>
      %squeeze3A_235 = vector.extract %slice3A_234[0] : i32 from vector<1xi32>
      %slice3A_236 = vector.extract_strided_slice %masked_cumsum3A_205 {offsets = [15], sizes = [1], strides = [1]} : vector<16xi32> to vector<1xi32>
      %squeeze3A_237 = vector.extract %slice3A_236[0] : i32 from vector<1xi32>
      %slice3A_238 = vector.extract_strided_slice %masked_cumsum3A_208 {offsets = [15], sizes = [1], strides = [1]} : vector<16xi32> to vector<1xi32>
      %squeeze3A_239 = vector.extract %slice3A_238[0] : i32 from vector<1xi32>
      %slice3A_240 = vector.extract_strided_slice %masked_cumsum3A_211 {offsets = [15], sizes = [1], strides = [1]} : vector<16xi32> to vector<1xi32>
      %squeeze3A_241 = vector.extract %slice3A_240[0] : i32 from vector<1xi32>
      %add3A_242 = arith.constant 0 : i32
      %add3A_243 = arith.addi %add3A_242, %squeeze3A_241 : i32
      %add3A_244 = arith.addi %add3A_243, %squeeze3A_239 : i32
      %add3A_245 = arith.addi %add3A_244, %squeeze3A_237 : i32
      %add3A_246 = arith.addi %add3A_245, %squeeze3A_235 : i32
      %add3A_247 = arith.addi %add3A_246, %squeeze3A_233 : i32
      %add3A_248 = arith.addi %add3A_247, %squeeze3A_231 : i32
      %add3A_249 = arith.addi %add3A_248, %squeeze3A_229 : i32
      %add3A_250 = arith.addi %add3A_249, %squeeze3A_227 : i32
      %add3A_251 = arith.addi %add3A_250, %squeeze3A_225 : i32
      %add3A_252 = arith.addi %add3A_251, %squeeze3A_223 : i32
      %add3A_253 = arith.addi %add3A_252, %squeeze3A_221 : i32
      %add3A_254 = arith.addi %add3A_253, %squeeze3A_219 : i32
      %add3A_255 = arith.addi %add3A_254, %squeeze3A_217 : i32
      %add3A_256 = arith.addi %add3A_255, %squeeze3A_215 : i32
      %add3A_257 = arith.addi %add3A_256, %squeeze3A_213 : i32
      %add3A_258 = arith.addi %add3A_257, %squeeze3A : i32
      %broadcast_in_dim3A_259 = arith.constant 64 : i32
      %broadcast_in_dim3A_260 = vector.broadcast %broadcast_in_dim3A_259 : i32 to vector<16xi32>
      %broadcast_in_dim3A_261 = arith.constant 0 : i32
      %broadcast_in_dim3A_262 = vector.broadcast %broadcast_in_dim3A_261 : i32 to vector<16xi32>
      %add3A_263 = arith.addi %masked_cumsum3A_211, %broadcast_in_dim3A_262 : vector<16xi32>
      %ge3A = arith.cmpi sge, %add3A_263, %broadcast_in_dim3A_260 : vector<16xi32>
      %all_reduce_population_count3A = tpu.all_reduce %ge3A {dim = 0 : i64, kind = #tpu.reduction_kind<sum>} : vector<16xi1> -> vector<16xi32>
      %slice3A_264 = vector.extract_strided_slice %all_reduce_population_count3A {offsets = [0], sizes = [1], strides = [1]} : vector<16xi32> to vector<1xi32>
      %squeeze3A_265 = vector.extract %slice3A_264[0] : i32 from vector<1xi32>
      %gt3A = arith.constant 0 : i32
      %gt3A_266 = arith.cmpi sgt, %squeeze3A_265, %gt3A : i32
      %all_reduce_ffs3A = tpu.all_reduce %ge3A {dim = 0 : i64, kind = #tpu.reduction_kind<find_first_set>} : vector<16xi1> -> vector<16xi32>
      %broadcast_in_dim3A_267 = vector.shape_cast %all_reduce_ffs3A : vector<16xi32> to vector<16x1xi32>
      %gather3A = vector.shape_cast %broadcast_in_dim3A_267 : vector<16x1xi32> to vector<16xi32>
      %gather3A_268 = tpu.dynamic_gather %add3A_263[%gather3A] in [0] : vector<16xi32>, vector<16xi32> -> vector<16xi32>
      %slice3A_269 = vector.extract_strided_slice %gather3A_268 {offsets = [0], sizes = [1], strides = [1]} : vector<16xi32> to vector<1xi32>
      %squeeze3A_270 = vector.extract %slice3A_269[0] : i32 from vector<1xi32>
      %broadcast_in_dim3A_271 = vector.shape_cast %all_reduce_ffs3A : vector<16xi32> to vector<16x1xi32>
      %gather3A_272 = vector.shape_cast %broadcast_in_dim3A_271 : vector<16x1xi32> to vector<16xi32>
      %gather3A_273 = tpu.dynamic_gather %rev3A_164[%gather3A_272] in [0] : vector<16xi32>, vector<16xi32> -> vector<16xi32>
      %slice3A_274 = vector.extract_strided_slice %gather3A_273 {offsets = [0], sizes = [1], strides = [1]} : vector<16xi32> to vector<1xi32>
      %squeeze3A_275 = vector.extract %slice3A_274[0] : i32 from vector<1xi32>
      %not3A = arith.constant false
      %not3A_276 = arith.constant true
      %not3A_277 = arith.xori %not3A, %not3A_276 : i1
      %and3A = arith.andi %gt3A_266, %not3A_277 : i1
      %slice3A_278 = vector.extract_strided_slice %all_reduce_ffs3A {offsets = [0], sizes = [1], strides = [1]} : vector<16xi32> to vector<1xi32>
      %squeeze3A_279 = vector.extract %slice3A_278[0] : i32 from vector<1xi32>
      %sub3A = arith.constant 255 : i32
      %sub3A_280 = arith.subi %sub3A, %squeeze3A_279 : i32
      %jit3A = arith.constant 0 : i32
      %select_n3A = arith.select %and3A, %sub3A_280, %jit3A : i32
      %sub3A_281 = arith.subi %squeeze3A_270, %squeeze3A_275 : i32
      %jit3A_282 = arith.constant 0 : i32
      %select_n3A_283 = arith.select %and3A, %sub3A_281, %jit3A_282 : i32
      %or3A = arith.constant false
      %or3A_284 = arith.ori %or3A, %gt3A_266 : i1
      %broadcast_in_dim3A_285 = vector.broadcast %add3A_243 : i32 to vector<16xi32>
      %add3A_286 = arith.addi %masked_cumsum3A_208, %broadcast_in_dim3A_285 : vector<16xi32>
      %ge3A_287 = arith.cmpi sge, %add3A_286, %broadcast_in_dim3A_260 : vector<16xi32>
      %all_reduce_population_count3A_288 = tpu.all_reduce %ge3A_287 {dim = 0 : i64, kind = #tpu.reduction_kind<sum>} : vector<16xi1> -> vector<16xi32>
      %slice3A_289 = vector.extract_strided_slice %all_reduce_population_count3A_288 {offsets = [0], sizes = [1], strides = [1]} : vector<16xi32> to vector<1xi32>
      %squeeze3A_290 = vector.extract %slice3A_289[0] : i32 from vector<1xi32>
      %gt3A_291 = arith.constant 0 : i32
      %gt3A_292 = arith.cmpi sgt, %squeeze3A_290, %gt3A_291 : i32
      %all_reduce_ffs3A_293 = tpu.all_reduce %ge3A_287 {dim = 0 : i64, kind = #tpu.reduction_kind<find_first_set>} : vector<16xi1> -> vector<16xi32>
      %broadcast_in_dim3A_294 = vector.shape_cast %all_reduce_ffs3A_293 : vector<16xi32> to vector<16x1xi32>
      %gather3A_295 = vector.shape_cast %broadcast_in_dim3A_294 : vector<16x1xi32> to vector<16xi32>
      %gather3A_296 = tpu.dynamic_gather %add3A_286[%gather3A_295] in [0] : vector<16xi32>, vector<16xi32> -> vector<16xi32>
      %slice3A_297 = vector.extract_strided_slice %gather3A_296 {offsets = [0], sizes = [1], strides = [1]} : vector<16xi32> to vector<1xi32>
      %squeeze3A_298 = vector.extract %slice3A_297[0] : i32 from vector<1xi32>
      %broadcast_in_dim3A_299 = vector.shape_cast %all_reduce_ffs3A_293 : vector<16xi32> to vector<16x1xi32>
      %gather3A_300 = vector.shape_cast %broadcast_in_dim3A_299 : vector<16x1xi32> to vector<16xi32>
      %gather3A_301 = tpu.dynamic_gather %rev3A_159[%gather3A_300] in [0] : vector<16xi32>, vector<16xi32> -> vector<16xi32>
      %slice3A_302 = vector.extract_strided_slice %gather3A_301 {offsets = [0], sizes = [1], strides = [1]} : vector<16xi32> to vector<1xi32>
      %squeeze3A_303 = vector.extract %slice3A_302[0] : i32 from vector<1xi32>
      %not3A_304 = arith.constant true
      %not3A_305 = arith.xori %or3A_284, %not3A_304 : i1
      %and3A_306 = arith.andi %gt3A_292, %not3A_305 : i1
      %slice3A_307 = vector.extract_strided_slice %all_reduce_ffs3A_293 {offsets = [0], sizes = [1], strides = [1]} : vector<16xi32> to vector<1xi32>
      %squeeze3A_308 = vector.extract %slice3A_307[0] : i32 from vector<1xi32>
      %sub3A_309 = arith.constant 239 : i32
      %sub3A_310 = arith.subi %sub3A_309, %squeeze3A_308 : i32
      %select_n3A_311 = arith.select %and3A_306, %sub3A_310, %select_n3A : i32
      %sub3A_312 = arith.subi %squeeze3A_298, %squeeze3A_303 : i32
      %select_n3A_313 = arith.select %and3A_306, %sub3A_312, %select_n3A_283 : i32
      %or3A_314 = arith.ori %or3A_284, %gt3A_292 : i1
      %broadcast_in_dim3A_315 = vector.broadcast %add3A_244 : i32 to vector<16xi32>
      %add3A_316 = arith.addi %masked_cumsum3A_205, %broadcast_in_dim3A_315 : vector<16xi32>
      %ge3A_317 = arith.cmpi sge, %add3A_316, %broadcast_in_dim3A_260 : vector<16xi32>
      %all_reduce_population_count3A_318 = tpu.all_reduce %ge3A_317 {dim = 0 : i64, kind = #tpu.reduction_kind<sum>} : vector<16xi1> -> vector<16xi32>
      %slice3A_319 = vector.extract_strided_slice %all_reduce_population_count3A_318 {offsets = [0], sizes = [1], strides = [1]} : vector<16xi32> to vector<1xi32>
      %squeeze3A_320 = vector.extract %slice3A_319[0] : i32 from vector<1xi32>
      %gt3A_321 = arith.constant 0 : i32
      %gt3A_322 = arith.cmpi sgt, %squeeze3A_320, %gt3A_321 : i32
      %all_reduce_ffs3A_323 = tpu.all_reduce %ge3A_317 {dim = 0 : i64, kind = #tpu.reduction_kind<find_first_set>} : vector<16xi1> -> vector<16xi32>
      %broadcast_in_dim3A_324 = vector.shape_cast %all_reduce_ffs3A_323 : vector<16xi32> to vector<16x1xi32>
      %gather3A_325 = vector.shape_cast %broadcast_in_dim3A_324 : vector<16x1xi32> to vector<16xi32>
      %gather3A_326 = tpu.dynamic_gather %add3A_316[%gather3A_325] in [0] : vector<16xi32>, vector<16xi32> -> vector<16xi32>
      %slice3A_327 = vector.extract_strided_slice %gather3A_326 {offsets = [0], sizes = [1], strides = [1]} : vector<16xi32> to vector<1xi32>
      %squeeze3A_328 = vector.extract %slice3A_327[0] : i32 from vector<1xi32>
      %broadcast_in_dim3A_329 = vector.shape_cast %all_reduce_ffs3A_323 : vector<16xi32> to vector<16x1xi32>
      %gather3A_330 = vector.shape_cast %broadcast_in_dim3A_329 : vector<16x1xi32> to vector<16xi32>
      %gather3A_331 = tpu.dynamic_gather %rev3A_154[%gather3A_330] in [0] : vector<16xi32>, vector<16xi32> -> vector<16xi32>
      %slice3A_332 = vector.extract_strided_slice %gather3A_331 {offsets = [0], sizes = [1], strides = [1]} : vector<16xi32> to vector<1xi32>
      %squeeze3A_333 = vector.extract %slice3A_332[0] : i32 from vector<1xi32>
      %not3A_334 = arith.constant true
      %not3A_335 = arith.xori %or3A_314, %not3A_334 : i1
      %and3A_336 = arith.andi %gt3A_322, %not3A_335 : i1
      %slice3A_337 = vector.extract_strided_slice %all_reduce_ffs3A_323 {offsets = [0], sizes = [1], strides = [1]} : vector<16xi32> to vector<1xi32>
      %squeeze3A_338 = vector.extract %slice3A_337[0] : i32 from vector<1xi32>
      %sub3A_339 = arith.constant 223 : i32
      %sub3A_340 = arith.subi %sub3A_339, %squeeze3A_338 : i32
      %select_n3A_341 = arith.select %and3A_336, %sub3A_340, %select_n3A_311 : i32
      %sub3A_342 = arith.subi %squeeze3A_328, %squeeze3A_333 : i32
      %select_n3A_343 = arith.select %and3A_336, %sub3A_342, %select_n3A_313 : i32
      %or3A_344 = arith.ori %or3A_314, %gt3A_322 : i1
      %broadcast_in_dim3A_345 = vector.broadcast %add3A_245 : i32 to vector<16xi32>
      %add3A_346 = arith.addi %masked_cumsum3A_202, %broadcast_in_dim3A_345 : vector<16xi32>
      %ge3A_347 = arith.cmpi sge, %add3A_346, %broadcast_in_dim3A_260 : vector<16xi32>
      %all_reduce_population_count3A_348 = tpu.all_reduce %ge3A_347 {dim = 0 : i64, kind = #tpu.reduction_kind<sum>} : vector<16xi1> -> vector<16xi32>
      %slice3A_349 = vector.extract_strided_slice %all_reduce_population_count3A_348 {offsets = [0], sizes = [1], strides = [1]} : vector<16xi32> to vector<1xi32>
      %squeeze3A_350 = vector.extract %slice3A_349[0] : i32 from vector<1xi32>
      %gt3A_351 = arith.constant 0 : i32
      %gt3A_352 = arith.cmpi sgt, %squeeze3A_350, %gt3A_351 : i32
      %all_reduce_ffs3A_353 = tpu.all_reduce %ge3A_347 {dim = 0 : i64, kind = #tpu.reduction_kind<find_first_set>} : vector<16xi1> -> vector<16xi32>
      %broadcast_in_dim3A_354 = vector.shape_cast %all_reduce_ffs3A_353 : vector<16xi32> to vector<16x1xi32>
      %gather3A_355 = vector.shape_cast %broadcast_in_dim3A_354 : vector<16x1xi32> to vector<16xi32>
      %gather3A_356 = tpu.dynamic_gather %add3A_346[%gather3A_355] in [0] : vector<16xi32>, vector<16xi32> -> vector<16xi32>
      %slice3A_357 = vector.extract_strided_slice %gather3A_356 {offsets = [0], sizes = [1], strides = [1]} : vector<16xi32> to vector<1xi32>
      %squeeze3A_358 = vector.extract %slice3A_357[0] : i32 from vector<1xi32>
      %broadcast_in_dim3A_359 = vector.shape_cast %all_reduce_ffs3A_353 : vector<16xi32> to vector<16x1xi32>
      %gather3A_360 = vector.shape_cast %broadcast_in_dim3A_359 : vector<16x1xi32> to vector<16xi32>
      %gather3A_361 = tpu.dynamic_gather %rev3A_149[%gather3A_360] in [0] : vector<16xi32>, vector<16xi32> -> vector<16xi32>
      %slice3A_362 = vector.extract_strided_slice %gather3A_361 {offsets = [0], sizes = [1], strides = [1]} : vector<16xi32> to vector<1xi32>
      %squeeze3A_363 = vector.extract %slice3A_362[0] : i32 from vector<1xi32>
      %not3A_364 = arith.constant true
      %not3A_365 = arith.xori %or3A_344, %not3A_364 : i1
      %and3A_366 = arith.andi %gt3A_352, %not3A_365 : i1
      %slice3A_367 = vector.extract_strided_slice %all_reduce_ffs3A_353 {offsets = [0], sizes = [1], strides = [1]} : vector<16xi32> to vector<1xi32>
      %squeeze3A_368 = vector.extract %slice3A_367[0] : i32 from vector<1xi32>
      %sub3A_369 = arith.constant 207 : i32
      %sub3A_370 = arith.subi %sub3A_369, %squeeze3A_368 : i32
      %select_n3A_371 = arith.select %and3A_366, %sub3A_370, %select_n3A_341 : i32
      %sub3A_372 = arith.subi %squeeze3A_358, %squeeze3A_363 : i32
      %select_n3A_373 = arith.select %and3A_366, %sub3A_372, %select_n3A_343 : i32
      %or3A_374 = arith.ori %or3A_344, %gt3A_352 : i1
      %broadcast_in_dim3A_375 = vector.broadcast %add3A_246 : i32 to vector<16xi32>
      %add3A_376 = arith.addi %masked_cumsum3A_199, %broadcast_in_dim3A_375 : vector<16xi32>
      %ge3A_377 = arith.cmpi sge, %add3A_376, %broadcast_in_dim3A_260 : vector<16xi32>
      %all_reduce_population_count3A_378 = tpu.all_reduce %ge3A_377 {dim = 0 : i64, kind = #tpu.reduction_kind<sum>} : vector<16xi1> -> vector<16xi32>
      %slice3A_379 = vector.extract_strided_slice %all_reduce_population_count3A_378 {offsets = [0], sizes = [1], strides = [1]} : vector<16xi32> to vector<1xi32>
      %squeeze3A_380 = vector.extract %slice3A_379[0] : i32 from vector<1xi32>
      %gt3A_381 = arith.constant 0 : i32
      %gt3A_382 = arith.cmpi sgt, %squeeze3A_380, %gt3A_381 : i32
      %all_reduce_ffs3A_383 = tpu.all_reduce %ge3A_377 {dim = 0 : i64, kind = #tpu.reduction_kind<find_first_set>} : vector<16xi1> -> vector<16xi32>
      %broadcast_in_dim3A_384 = vector.shape_cast %all_reduce_ffs3A_383 : vector<16xi32> to vector<16x1xi32>
      %gather3A_385 = vector.shape_cast %broadcast_in_dim3A_384 : vector<16x1xi32> to vector<16xi32>
      %gather3A_386 = tpu.dynamic_gather %add3A_376[%gather3A_385] in [0] : vector<16xi32>, vector<16xi32> -> vector<16xi32>
      %slice3A_387 = vector.extract_strided_slice %gather3A_386 {offsets = [0], sizes = [1], strides = [1]} : vector<16xi32> to vector<1xi32>
      %squeeze3A_388 = vector.extract %slice3A_387[0] : i32 from vector<1xi32>
      %broadcast_in_dim3A_389 = vector.shape_cast %all_reduce_ffs3A_383 : vector<16xi32> to vector<16x1xi32>
      %gather3A_390 = vector.shape_cast %broadcast_in_dim3A_389 : vector<16x1xi32> to vector<16xi32>
      %gather3A_391 = tpu.dynamic_gather %rev3A_144[%gather3A_390] in [0] : vector<16xi32>, vector<16xi32> -> vector<16xi32>
      %slice3A_392 = vector.extract_strided_slice %gather3A_391 {offsets = [0], sizes = [1], strides = [1]} : vector<16xi32> to vector<1xi32>
      %squeeze3A_393 = vector.extract %slice3A_392[0] : i32 from vector<1xi32>
      %not3A_394 = arith.constant true
      %not3A_395 = arith.xori %or3A_374, %not3A_394 : i1
      %and3A_396 = arith.andi %gt3A_382, %not3A_395 : i1
      %slice3A_397 = vector.extract_strided_slice %all_reduce_ffs3A_383 {offsets = [0], sizes = [1], strides = [1]} : vector<16xi32> to vector<1xi32>
      %squeeze3A_398 = vector.extract %slice3A_397[0] : i32 from vector<1xi32>
      %sub3A_399 = arith.constant 191 : i32
      %sub3A_400 = arith.subi %sub3A_399, %squeeze3A_398 : i32
      %select_n3A_401 = arith.select %and3A_396, %sub3A_400, %select_n3A_371 : i32
      %sub3A_402 = arith.subi %squeeze3A_388, %squeeze3A_393 : i32
      %select_n3A_403 = arith.select %and3A_396, %sub3A_402, %select_n3A_373 : i32
      %or3A_404 = arith.ori %or3A_374, %gt3A_382 : i1
      %broadcast_in_dim3A_405 = vector.broadcast %add3A_247 : i32 to vector<16xi32>
      %add3A_406 = arith.addi %masked_cumsum3A_196, %broadcast_in_dim3A_405 : vector<16xi32>
      %ge3A_407 = arith.cmpi sge, %add3A_406, %broadcast_in_dim3A_260 : vector<16xi32>
      %all_reduce_population_count3A_408 = tpu.all_reduce %ge3A_407 {dim = 0 : i64, kind = #tpu.reduction_kind<sum>} : vector<16xi1> -> vector<16xi32>
      %slice3A_409 = vector.extract_strided_slice %all_reduce_population_count3A_408 {offsets = [0], sizes = [1], strides = [1]} : vector<16xi32> to vector<1xi32>
      %squeeze3A_410 = vector.extract %slice3A_409[0] : i32 from vector<1xi32>
      %gt3A_411 = arith.constant 0 : i32
      %gt3A_412 = arith.cmpi sgt, %squeeze3A_410, %gt3A_411 : i32
      %all_reduce_ffs3A_413 = tpu.all_reduce %ge3A_407 {dim = 0 : i64, kind = #tpu.reduction_kind<find_first_set>} : vector<16xi1> -> vector<16xi32>
      %broadcast_in_dim3A_414 = vector.shape_cast %all_reduce_ffs3A_413 : vector<16xi32> to vector<16x1xi32>
      %gather3A_415 = vector.shape_cast %broadcast_in_dim3A_414 : vector<16x1xi32> to vector<16xi32>
      %gather3A_416 = tpu.dynamic_gather %add3A_406[%gather3A_415] in [0] : vector<16xi32>, vector<16xi32> -> vector<16xi32>
      %slice3A_417 = vector.extract_strided_slice %gather3A_416 {offsets = [0], sizes = [1], strides = [1]} : vector<16xi32> to vector<1xi32>
      %squeeze3A_418 = vector.extract %slice3A_417[0] : i32 from vector<1xi32>
      %broadcast_in_dim3A_419 = vector.shape_cast %all_reduce_ffs3A_413 : vector<16xi32> to vector<16x1xi32>
      %gather3A_420 = vector.shape_cast %broadcast_in_dim3A_419 : vector<16x1xi32> to vector<16xi32>
      %gather3A_421 = tpu.dynamic_gather %rev3A_139[%gather3A_420] in [0] : vector<16xi32>, vector<16xi32> -> vector<16xi32>
      %slice3A_422 = vector.extract_strided_slice %gather3A_421 {offsets = [0], sizes = [1], strides = [1]} : vector<16xi32> to vector<1xi32>
      %squeeze3A_423 = vector.extract %slice3A_422[0] : i32 from vector<1xi32>
      %not3A_424 = arith.constant true
      %not3A_425 = arith.xori %or3A_404, %not3A_424 : i1
      %and3A_426 = arith.andi %gt3A_412, %not3A_425 : i1
      %slice3A_427 = vector.extract_strided_slice %all_reduce_ffs3A_413 {offsets = [0], sizes = [1], strides = [1]} : vector<16xi32> to vector<1xi32>
      %squeeze3A_428 = vector.extract %slice3A_427[0] : i32 from vector<1xi32>
      %sub3A_429 = arith.constant 175 : i32
      %sub3A_430 = arith.subi %sub3A_429, %squeeze3A_428 : i32
      %select_n3A_431 = arith.select %and3A_426, %sub3A_430, %select_n3A_401 : i32
      %sub3A_432 = arith.subi %squeeze3A_418, %squeeze3A_423 : i32
      %select_n3A_433 = arith.select %and3A_426, %sub3A_432, %select_n3A_403 : i32
      %or3A_434 = arith.ori %or3A_404, %gt3A_412 : i1
      %broadcast_in_dim3A_435 = vector.broadcast %add3A_248 : i32 to vector<16xi32>
      %add3A_436 = arith.addi %masked_cumsum3A_193, %broadcast_in_dim3A_435 : vector<16xi32>
      %ge3A_437 = arith.cmpi sge, %add3A_436, %broadcast_in_dim3A_260 : vector<16xi32>
      %all_reduce_population_count3A_438 = tpu.all_reduce %ge3A_437 {dim = 0 : i64, kind = #tpu.reduction_kind<sum>} : vector<16xi1> -> vector<16xi32>
      %slice3A_439 = vector.extract_strided_slice %all_reduce_population_count3A_438 {offsets = [0], sizes = [1], strides = [1]} : vector<16xi32> to vector<1xi32>
      %squeeze3A_440 = vector.extract %slice3A_439[0] : i32 from vector<1xi32>
      %gt3A_441 = arith.constant 0 : i32
      %gt3A_442 = arith.cmpi sgt, %squeeze3A_440, %gt3A_441 : i32
      %all_reduce_ffs3A_443 = tpu.all_reduce %ge3A_437 {dim = 0 : i64, kind = #tpu.reduction_kind<find_first_set>} : vector<16xi1> -> vector<16xi32>
      %broadcast_in_dim3A_444 = vector.shape_cast %all_reduce_ffs3A_443 : vector<16xi32> to vector<16x1xi32>
      %gather3A_445 = vector.shape_cast %broadcast_in_dim3A_444 : vector<16x1xi32> to vector<16xi32>
      %gather3A_446 = tpu.dynamic_gather %add3A_436[%gather3A_445] in [0] : vector<16xi32>, vector<16xi32> -> vector<16xi32>
      %slice3A_447 = vector.extract_strided_slice %gather3A_446 {offsets = [0], sizes = [1], strides = [1]} : vector<16xi32> to vector<1xi32>
      %squeeze3A_448 = vector.extract %slice3A_447[0] : i32 from vector<1xi32>
      %broadcast_in_dim3A_449 = vector.shape_cast %all_reduce_ffs3A_443 : vector<16xi32> to vector<16x1xi32>
      %gather3A_450 = vector.shape_cast %broadcast_in_dim3A_449 : vector<16x1xi32> to vector<16xi32>
      %gather3A_451 = tpu.dynamic_gather %rev3A_134[%gather3A_450] in [0] : vector<16xi32>, vector<16xi32> -> vector<16xi32>
      %slice3A_452 = vector.extract_strided_slice %gather3A_451 {offsets = [0], sizes = [1], strides = [1]} : vector<16xi32> to vector<1xi32>
      %squeeze3A_453 = vector.extract %slice3A_452[0] : i32 from vector<1xi32>
      %not3A_454 = arith.constant true
      %not3A_455 = arith.xori %or3A_434, %not3A_454 : i1
      %and3A_456 = arith.andi %gt3A_442, %not3A_455 : i1
      %slice3A_457 = vector.extract_strided_slice %all_reduce_ffs3A_443 {offsets = [0], sizes = [1], strides = [1]} : vector<16xi32> to vector<1xi32>
      %squeeze3A_458 = vector.extract %slice3A_457[0] : i32 from vector<1xi32>
      %sub3A_459 = arith.constant 159 : i32
      %sub3A_460 = arith.subi %sub3A_459, %squeeze3A_458 : i32
      %select_n3A_461 = arith.select %and3A_456, %sub3A_460, %select_n3A_431 : i32
      %sub3A_462 = arith.subi %squeeze3A_448, %squeeze3A_453 : i32
      %select_n3A_463 = arith.select %and3A_456, %sub3A_462, %select_n3A_433 : i32
      %or3A_464 = arith.ori %or3A_434, %gt3A_442 : i1
      %broadcast_in_dim3A_465 = vector.broadcast %add3A_249 : i32 to vector<16xi32>
      %add3A_466 = arith.addi %masked_cumsum3A_190, %broadcast_in_dim3A_465 : vector<16xi32>
      %ge3A_467 = arith.cmpi sge, %add3A_466, %broadcast_in_dim3A_260 : vector<16xi32>
      %all_reduce_population_count3A_468 = tpu.all_reduce %ge3A_467 {dim = 0 : i64, kind = #tpu.reduction_kind<sum>} : vector<16xi1> -> vector<16xi32>
      %slice3A_469 = vector.extract_strided_slice %all_reduce_population_count3A_468 {offsets = [0], sizes = [1], strides = [1]} : vector<16xi32> to vector<1xi32>
      %squeeze3A_470 = vector.extract %slice3A_469[0] : i32 from vector<1xi32>
      %gt3A_471 = arith.constant 0 : i32
      %gt3A_472 = arith.cmpi sgt, %squeeze3A_470, %gt3A_471 : i32
      %all_reduce_ffs3A_473 = tpu.all_reduce %ge3A_467 {dim = 0 : i64, kind = #tpu.reduction_kind<find_first_set>} : vector<16xi1> -> vector<16xi32>
      %broadcast_in_dim3A_474 = vector.shape_cast %all_reduce_ffs3A_473 : vector<16xi32> to vector<16x1xi32>
      %gather3A_475 = vector.shape_cast %broadcast_in_dim3A_474 : vector<16x1xi32> to vector<16xi32>
      %gather3A_476 = tpu.dynamic_gather %add3A_466[%gather3A_475] in [0] : vector<16xi32>, vector<16xi32> -> vector<16xi32>
      %slice3A_477 = vector.extract_strided_slice %gather3A_476 {offsets = [0], sizes = [1], strides = [1]} : vector<16xi32> to vector<1xi32>
      %squeeze3A_478 = vector.extract %slice3A_477[0] : i32 from vector<1xi32>
      %broadcast_in_dim3A_479 = vector.shape_cast %all_reduce_ffs3A_473 : vector<16xi32> to vector<16x1xi32>
      %gather3A_480 = vector.shape_cast %broadcast_in_dim3A_479 : vector<16x1xi32> to vector<16xi32>
      %gather3A_481 = tpu.dynamic_gather %rev3A_129[%gather3A_480] in [0] : vector<16xi32>, vector<16xi32> -> vector<16xi32>
      %slice3A_482 = vector.extract_strided_slice %gather3A_481 {offsets = [0], sizes = [1], strides = [1]} : vector<16xi32> to vector<1xi32>
      %squeeze3A_483 = vector.extract %slice3A_482[0] : i32 from vector<1xi32>
      %not3A_484 = arith.constant true
      %not3A_485 = arith.xori %or3A_464, %not3A_484 : i1
      %and3A_486 = arith.andi %gt3A_472, %not3A_485 : i1
      %slice3A_487 = vector.extract_strided_slice %all_reduce_ffs3A_473 {offsets = [0], sizes = [1], strides = [1]} : vector<16xi32> to vector<1xi32>
      %squeeze3A_488 = vector.extract %slice3A_487[0] : i32 from vector<1xi32>
      %sub3A_489 = arith.constant 143 : i32
      %sub3A_490 = arith.subi %sub3A_489, %squeeze3A_488 : i32
      %select_n3A_491 = arith.select %and3A_486, %sub3A_490, %select_n3A_461 : i32
      %sub3A_492 = arith.subi %squeeze3A_478, %squeeze3A_483 : i32
      %select_n3A_493 = arith.select %and3A_486, %sub3A_492, %select_n3A_463 : i32
      %or3A_494 = arith.ori %or3A_464, %gt3A_472 : i1
      %broadcast_in_dim3A_495 = vector.broadcast %add3A_250 : i32 to vector<16xi32>
      %add3A_496 = arith.addi %masked_cumsum3A_187, %broadcast_in_dim3A_495 : vector<16xi32>
      %ge3A_497 = arith.cmpi sge, %add3A_496, %broadcast_in_dim3A_260 : vector<16xi32>
      %all_reduce_population_count3A_498 = tpu.all_reduce %ge3A_497 {dim = 0 : i64, kind = #tpu.reduction_kind<sum>} : vector<16xi1> -> vector<16xi32>
      %slice3A_499 = vector.extract_strided_slice %all_reduce_population_count3A_498 {offsets = [0], sizes = [1], strides = [1]} : vector<16xi32> to vector<1xi32>
      %squeeze3A_500 = vector.extract %slice3A_499[0] : i32 from vector<1xi32>
      %gt3A_501 = arith.constant 0 : i32
      %gt3A_502 = arith.cmpi sgt, %squeeze3A_500, %gt3A_501 : i32
      %all_reduce_ffs3A_503 = tpu.all_reduce %ge3A_497 {dim = 0 : i64, kind = #tpu.reduction_kind<find_first_set>} : vector<16xi1> -> vector<16xi32>
      %broadcast_in_dim3A_504 = vector.shape_cast %all_reduce_ffs3A_503 : vector<16xi32> to vector<16x1xi32>
      %gather3A_505 = vector.shape_cast %broadcast_in_dim3A_504 : vector<16x1xi32> to vector<16xi32>
      %gather3A_506 = tpu.dynamic_gather %add3A_496[%gather3A_505] in [0] : vector<16xi32>, vector<16xi32> -> vector<16xi32>
      %slice3A_507 = vector.extract_strided_slice %gather3A_506 {offsets = [0], sizes = [1], strides = [1]} : vector<16xi32> to vector<1xi32>
      %squeeze3A_508 = vector.extract %slice3A_507[0] : i32 from vector<1xi32>
      %broadcast_in_dim3A_509 = vector.shape_cast %all_reduce_ffs3A_503 : vector<16xi32> to vector<16x1xi32>
      %gather3A_510 = vector.shape_cast %broadcast_in_dim3A_509 : vector<16x1xi32> to vector<16xi32>
      %gather3A_511 = tpu.dynamic_gather %rev3A_124[%gather3A_510] in [0] : vector<16xi32>, vector<16xi32> -> vector<16xi32>
      %slice3A_512 = vector.extract_strided_slice %gather3A_511 {offsets = [0], sizes = [1], strides = [1]} : vector<16xi32> to vector<1xi32>
      %squeeze3A_513 = vector.extract %slice3A_512[0] : i32 from vector<1xi32>
      %not3A_514 = arith.constant true
      %not3A_515 = arith.xori %or3A_494, %not3A_514 : i1
      %and3A_516 = arith.andi %gt3A_502, %not3A_515 : i1
      %slice3A_517 = vector.extract_strided_slice %all_reduce_ffs3A_503 {offsets = [0], sizes = [1], strides = [1]} : vector<16xi32> to vector<1xi32>
      %squeeze3A_518 = vector.extract %slice3A_517[0] : i32 from vector<1xi32>
      %sub3A_519 = arith.constant 127 : i32
      %sub3A_520 = arith.subi %sub3A_519, %squeeze3A_518 : i32
      %select_n3A_521 = arith.select %and3A_516, %sub3A_520, %select_n3A_491 : i32
      %sub3A_522 = arith.subi %squeeze3A_508, %squeeze3A_513 : i32
      %select_n3A_523 = arith.select %and3A_516, %sub3A_522, %select_n3A_493 : i32
      %or3A_524 = arith.ori %or3A_494, %gt3A_502 : i1
      %broadcast_in_dim3A_525 = vector.broadcast %add3A_251 : i32 to vector<16xi32>
      %add3A_526 = arith.addi %masked_cumsum3A_184, %broadcast_in_dim3A_525 : vector<16xi32>
      %ge3A_527 = arith.cmpi sge, %add3A_526, %broadcast_in_dim3A_260 : vector<16xi32>
      %all_reduce_population_count3A_528 = tpu.all_reduce %ge3A_527 {dim = 0 : i64, kind = #tpu.reduction_kind<sum>} : vector<16xi1> -> vector<16xi32>
      %slice3A_529 = vector.extract_strided_slice %all_reduce_population_count3A_528 {offsets = [0], sizes = [1], strides = [1]} : vector<16xi32> to vector<1xi32>
      %squeeze3A_530 = vector.extract %slice3A_529[0] : i32 from vector<1xi32>
      %gt3A_531 = arith.constant 0 : i32
      %gt3A_532 = arith.cmpi sgt, %squeeze3A_530, %gt3A_531 : i32
      %all_reduce_ffs3A_533 = tpu.all_reduce %ge3A_527 {dim = 0 : i64, kind = #tpu.reduction_kind<find_first_set>} : vector<16xi1> -> vector<16xi32>
      %broadcast_in_dim3A_534 = vector.shape_cast %all_reduce_ffs3A_533 : vector<16xi32> to vector<16x1xi32>
      %gather3A_535 = vector.shape_cast %broadcast_in_dim3A_534 : vector<16x1xi32> to vector<16xi32>
      %gather3A_536 = tpu.dynamic_gather %add3A_526[%gather3A_535] in [0] : vector<16xi32>, vector<16xi32> -> vector<16xi32>
      %slice3A_537 = vector.extract_strided_slice %gather3A_536 {offsets = [0], sizes = [1], strides = [1]} : vector<16xi32> to vector<1xi32>
      %squeeze3A_538 = vector.extract %slice3A_537[0] : i32 from vector<1xi32>
      %broadcast_in_dim3A_539 = vector.shape_cast %all_reduce_ffs3A_533 : vector<16xi32> to vector<16x1xi32>
      %gather3A_540 = vector.shape_cast %broadcast_in_dim3A_539 : vector<16x1xi32> to vector<16xi32>
      %gather3A_541 = tpu.dynamic_gather %rev3A_119[%gather3A_540] in [0] : vector<16xi32>, vector<16xi32> -> vector<16xi32>
      %slice3A_542 = vector.extract_strided_slice %gather3A_541 {offsets = [0], sizes = [1], strides = [1]} : vector<16xi32> to vector<1xi32>
      %squeeze3A_543 = vector.extract %slice3A_542[0] : i32 from vector<1xi32>
      %not3A_544 = arith.constant true
      %not3A_545 = arith.xori %or3A_524, %not3A_544 : i1
      %and3A_546 = arith.andi %gt3A_532, %not3A_545 : i1
      %slice3A_547 = vector.extract_strided_slice %all_reduce_ffs3A_533 {offsets = [0], sizes = [1], strides = [1]} : vector<16xi32> to vector<1xi32>
      %squeeze3A_548 = vector.extract %slice3A_547[0] : i32 from vector<1xi32>
      %sub3A_549 = arith.constant 111 : i32
      %sub3A_550 = arith.subi %sub3A_549, %squeeze3A_548 : i32
      %select_n3A_551 = arith.select %and3A_546, %sub3A_550, %select_n3A_521 : i32
      %sub3A_552 = arith.subi %squeeze3A_538, %squeeze3A_543 : i32
      %select_n3A_553 = arith.select %and3A_546, %sub3A_552, %select_n3A_523 : i32
      %or3A_554 = arith.ori %or3A_524, %gt3A_532 : i1
      %broadcast_in_dim3A_555 = vector.broadcast %add3A_252 : i32 to vector<16xi32>
      %add3A_556 = arith.addi %masked_cumsum3A_181, %broadcast_in_dim3A_555 : vector<16xi32>
      %ge3A_557 = arith.cmpi sge, %add3A_556, %broadcast_in_dim3A_260 : vector<16xi32>
      %all_reduce_population_count3A_558 = tpu.all_reduce %ge3A_557 {dim = 0 : i64, kind = #tpu.reduction_kind<sum>} : vector<16xi1> -> vector<16xi32>
      %slice3A_559 = vector.extract_strided_slice %all_reduce_population_count3A_558 {offsets = [0], sizes = [1], strides = [1]} : vector<16xi32> to vector<1xi32>
      %squeeze3A_560 = vector.extract %slice3A_559[0] : i32 from vector<1xi32>
      %gt3A_561 = arith.constant 0 : i32
      %gt3A_562 = arith.cmpi sgt, %squeeze3A_560, %gt3A_561 : i32
      %all_reduce_ffs3A_563 = tpu.all_reduce %ge3A_557 {dim = 0 : i64, kind = #tpu.reduction_kind<find_first_set>} : vector<16xi1> -> vector<16xi32>
      %broadcast_in_dim3A_564 = vector.shape_cast %all_reduce_ffs3A_563 : vector<16xi32> to vector<16x1xi32>
      %gather3A_565 = vector.shape_cast %broadcast_in_dim3A_564 : vector<16x1xi32> to vector<16xi32>
      %gather3A_566 = tpu.dynamic_gather %add3A_556[%gather3A_565] in [0] : vector<16xi32>, vector<16xi32> -> vector<16xi32>
      %slice3A_567 = vector.extract_strided_slice %gather3A_566 {offsets = [0], sizes = [1], strides = [1]} : vector<16xi32> to vector<1xi32>
      %squeeze3A_568 = vector.extract %slice3A_567[0] : i32 from vector<1xi32>
      %broadcast_in_dim3A_569 = vector.shape_cast %all_reduce_ffs3A_563 : vector<16xi32> to vector<16x1xi32>
      %gather3A_570 = vector.shape_cast %broadcast_in_dim3A_569 : vector<16x1xi32> to vector<16xi32>
      %gather3A_571 = tpu.dynamic_gather %rev3A_114[%gather3A_570] in [0] : vector<16xi32>, vector<16xi32> -> vector<16xi32>
      %slice3A_572 = vector.extract_strided_slice %gather3A_571 {offsets = [0], sizes = [1], strides = [1]} : vector<16xi32> to vector<1xi32>
      %squeeze3A_573 = vector.extract %slice3A_572[0] : i32 from vector<1xi32>
      %not3A_574 = arith.constant true
      %not3A_575 = arith.xori %or3A_554, %not3A_574 : i1
      %and3A_576 = arith.andi %gt3A_562, %not3A_575 : i1
      %slice3A_577 = vector.extract_strided_slice %all_reduce_ffs3A_563 {offsets = [0], sizes = [1], strides = [1]} : vector<16xi32> to vector<1xi32>
      %squeeze3A_578 = vector.extract %slice3A_577[0] : i32 from vector<1xi32>
      %sub3A_579 = arith.constant 95 : i32
      %sub3A_580 = arith.subi %sub3A_579, %squeeze3A_578 : i32
      %select_n3A_581 = arith.select %and3A_576, %sub3A_580, %select_n3A_551 : i32
      %sub3A_582 = arith.subi %squeeze3A_568, %squeeze3A_573 : i32
      %select_n3A_583 = arith.select %and3A_576, %sub3A_582, %select_n3A_553 : i32
      %or3A_584 = arith.ori %or3A_554, %gt3A_562 : i1
      %broadcast_in_dim3A_585 = vector.broadcast %add3A_253 : i32 to vector<16xi32>
      %add3A_586 = arith.addi %masked_cumsum3A_178, %broadcast_in_dim3A_585 : vector<16xi32>
      %ge3A_587 = arith.cmpi sge, %add3A_586, %broadcast_in_dim3A_260 : vector<16xi32>
      %all_reduce_population_count3A_588 = tpu.all_reduce %ge3A_587 {dim = 0 : i64, kind = #tpu.reduction_kind<sum>} : vector<16xi1> -> vector<16xi32>
      %slice3A_589 = vector.extract_strided_slice %all_reduce_population_count3A_588 {offsets = [0], sizes = [1], strides = [1]} : vector<16xi32> to vector<1xi32>
      %squeeze3A_590 = vector.extract %slice3A_589[0] : i32 from vector<1xi32>
      %gt3A_591 = arith.constant 0 : i32
      %gt3A_592 = arith.cmpi sgt, %squeeze3A_590, %gt3A_591 : i32
      %all_reduce_ffs3A_593 = tpu.all_reduce %ge3A_587 {dim = 0 : i64, kind = #tpu.reduction_kind<find_first_set>} : vector<16xi1> -> vector<16xi32>
      %broadcast_in_dim3A_594 = vector.shape_cast %all_reduce_ffs3A_593 : vector<16xi32> to vector<16x1xi32>
      %gather3A_595 = vector.shape_cast %broadcast_in_dim3A_594 : vector<16x1xi32> to vector<16xi32>
      %gather3A_596 = tpu.dynamic_gather %add3A_586[%gather3A_595] in [0] : vector<16xi32>, vector<16xi32> -> vector<16xi32>
      %slice3A_597 = vector.extract_strided_slice %gather3A_596 {offsets = [0], sizes = [1], strides = [1]} : vector<16xi32> to vector<1xi32>
      %squeeze3A_598 = vector.extract %slice3A_597[0] : i32 from vector<1xi32>
      %broadcast_in_dim3A_599 = vector.shape_cast %all_reduce_ffs3A_593 : vector<16xi32> to vector<16x1xi32>
      %gather3A_600 = vector.shape_cast %broadcast_in_dim3A_599 : vector<16x1xi32> to vector<16xi32>
      %gather3A_601 = tpu.dynamic_gather %rev3A_109[%gather3A_600] in [0] : vector<16xi32>, vector<16xi32> -> vector<16xi32>
      %slice3A_602 = vector.extract_strided_slice %gather3A_601 {offsets = [0], sizes = [1], strides = [1]} : vector<16xi32> to vector<1xi32>
      %squeeze3A_603 = vector.extract %slice3A_602[0] : i32 from vector<1xi32>
      %not3A_604 = arith.constant true
      %not3A_605 = arith.xori %or3A_584, %not3A_604 : i1
      %and3A_606 = arith.andi %gt3A_592, %not3A_605 : i1
      %slice3A_607 = vector.extract_strided_slice %all_reduce_ffs3A_593 {offsets = [0], sizes = [1], strides = [1]} : vector<16xi32> to vector<1xi32>
      %squeeze3A_608 = vector.extract %slice3A_607[0] : i32 from vector<1xi32>
      %sub3A_609 = arith.constant 79 : i32
      %sub3A_610 = arith.subi %sub3A_609, %squeeze3A_608 : i32
      %select_n3A_611 = arith.select %and3A_606, %sub3A_610, %select_n3A_581 : i32
      %sub3A_612 = arith.subi %squeeze3A_598, %squeeze3A_603 : i32
      %select_n3A_613 = arith.select %and3A_606, %sub3A_612, %select_n3A_583 : i32
      %or3A_614 = arith.ori %or3A_584, %gt3A_592 : i1
      %broadcast_in_dim3A_615 = vector.broadcast %add3A_254 : i32 to vector<16xi32>
      %add3A_616 = arith.addi %masked_cumsum3A_175, %broadcast_in_dim3A_615 : vector<16xi32>
      %ge3A_617 = arith.cmpi sge, %add3A_616, %broadcast_in_dim3A_260 : vector<16xi32>
      %all_reduce_population_count3A_618 = tpu.all_reduce %ge3A_617 {dim = 0 : i64, kind = #tpu.reduction_kind<sum>} : vector<16xi1> -> vector<16xi32>
      %slice3A_619 = vector.extract_strided_slice %all_reduce_population_count3A_618 {offsets = [0], sizes = [1], strides = [1]} : vector<16xi32> to vector<1xi32>
      %squeeze3A_620 = vector.extract %slice3A_619[0] : i32 from vector<1xi32>
      %gt3A_621 = arith.constant 0 : i32
      %gt3A_622 = arith.cmpi sgt, %squeeze3A_620, %gt3A_621 : i32
      %all_reduce_ffs3A_623 = tpu.all_reduce %ge3A_617 {dim = 0 : i64, kind = #tpu.reduction_kind<find_first_set>} : vector<16xi1> -> vector<16xi32>
      %broadcast_in_dim3A_624 = vector.shape_cast %all_reduce_ffs3A_623 : vector<16xi32> to vector<16x1xi32>
      %gather3A_625 = vector.shape_cast %broadcast_in_dim3A_624 : vector<16x1xi32> to vector<16xi32>
      %gather3A_626 = tpu.dynamic_gather %add3A_616[%gather3A_625] in [0] : vector<16xi32>, vector<16xi32> -> vector<16xi32>
      %slice3A_627 = vector.extract_strided_slice %gather3A_626 {offsets = [0], sizes = [1], strides = [1]} : vector<16xi32> to vector<1xi32>
      %squeeze3A_628 = vector.extract %slice3A_627[0] : i32 from vector<1xi32>
      %broadcast_in_dim3A_629 = vector.shape_cast %all_reduce_ffs3A_623 : vector<16xi32> to vector<16x1xi32>
      %gather3A_630 = vector.shape_cast %broadcast_in_dim3A_629 : vector<16x1xi32> to vector<16xi32>
      %gather3A_631 = tpu.dynamic_gather %rev3A_104[%gather3A_630] in [0] : vector<16xi32>, vector<16xi32> -> vector<16xi32>
      %slice3A_632 = vector.extract_strided_slice %gather3A_631 {offsets = [0], sizes = [1], strides = [1]} : vector<16xi32> to vector<1xi32>
      %squeeze3A_633 = vector.extract %slice3A_632[0] : i32 from vector<1xi32>
      %not3A_634 = arith.constant true
      %not3A_635 = arith.xori %or3A_614, %not3A_634 : i1
      %and3A_636 = arith.andi %gt3A_622, %not3A_635 : i1
      %slice3A_637 = vector.extract_strided_slice %all_reduce_ffs3A_623 {offsets = [0], sizes = [1], strides = [1]} : vector<16xi32> to vector<1xi32>
      %squeeze3A_638 = vector.extract %slice3A_637[0] : i32 from vector<1xi32>
      %sub3A_639 = arith.constant 63 : i32
      %sub3A_640 = arith.subi %sub3A_639, %squeeze3A_638 : i32
      %select_n3A_641 = arith.select %and3A_636, %sub3A_640, %select_n3A_611 : i32
      %sub3A_642 = arith.subi %squeeze3A_628, %squeeze3A_633 : i32
      %select_n3A_643 = arith.select %and3A_636, %sub3A_642, %select_n3A_613 : i32
      %or3A_644 = arith.ori %or3A_614, %gt3A_622 : i1
      %broadcast_in_dim3A_645 = vector.broadcast %add3A_255 : i32 to vector<16xi32>
      %add3A_646 = arith.addi %masked_cumsum3A_172, %broadcast_in_dim3A_645 : vector<16xi32>
      %ge3A_647 = arith.cmpi sge, %add3A_646, %broadcast_in_dim3A_260 : vector<16xi32>
      %all_reduce_population_count3A_648 = tpu.all_reduce %ge3A_647 {dim = 0 : i64, kind = #tpu.reduction_kind<sum>} : vector<16xi1> -> vector<16xi32>
      %slice3A_649 = vector.extract_strided_slice %all_reduce_population_count3A_648 {offsets = [0], sizes = [1], strides = [1]} : vector<16xi32> to vector<1xi32>
      %squeeze3A_650 = vector.extract %slice3A_649[0] : i32 from vector<1xi32>
      %gt3A_651 = arith.constant 0 : i32
      %gt3A_652 = arith.cmpi sgt, %squeeze3A_650, %gt3A_651 : i32
      %all_reduce_ffs3A_653 = tpu.all_reduce %ge3A_647 {dim = 0 : i64, kind = #tpu.reduction_kind<find_first_set>} : vector<16xi1> -> vector<16xi32>
      %broadcast_in_dim3A_654 = vector.shape_cast %all_reduce_ffs3A_653 : vector<16xi32> to vector<16x1xi32>
      %gather3A_655 = vector.shape_cast %broadcast_in_dim3A_654 : vector<16x1xi32> to vector<16xi32>
      %gather3A_656 = tpu.dynamic_gather %add3A_646[%gather3A_655] in [0] : vector<16xi32>, vector<16xi32> -> vector<16xi32>
      %slice3A_657 = vector.extract_strided_slice %gather3A_656 {offsets = [0], sizes = [1], strides = [1]} : vector<16xi32> to vector<1xi32>
      %squeeze3A_658 = vector.extract %slice3A_657[0] : i32 from vector<1xi32>
      %broadcast_in_dim3A_659 = vector.shape_cast %all_reduce_ffs3A_653 : vector<16xi32> to vector<16x1xi32>
      %gather3A_660 = vector.shape_cast %broadcast_in_dim3A_659 : vector<16x1xi32> to vector<16xi32>
      %gather3A_661 = tpu.dynamic_gather %rev3A_99[%gather3A_660] in [0] : vector<16xi32>, vector<16xi32> -> vector<16xi32>
      %slice3A_662 = vector.extract_strided_slice %gather3A_661 {offsets = [0], sizes = [1], strides = [1]} : vector<16xi32> to vector<1xi32>
      %squeeze3A_663 = vector.extract %slice3A_662[0] : i32 from vector<1xi32>
      %not3A_664 = arith.constant true
      %not3A_665 = arith.xori %or3A_644, %not3A_664 : i1
      %and3A_666 = arith.andi %gt3A_652, %not3A_665 : i1
      %slice3A_667 = vector.extract_strided_slice %all_reduce_ffs3A_653 {offsets = [0], sizes = [1], strides = [1]} : vector<16xi32> to vector<1xi32>
      %squeeze3A_668 = vector.extract %slice3A_667[0] : i32 from vector<1xi32>
      %sub3A_669 = arith.constant 47 : i32
      %sub3A_670 = arith.subi %sub3A_669, %squeeze3A_668 : i32
      %select_n3A_671 = arith.select %and3A_666, %sub3A_670, %select_n3A_641 : i32
      %sub3A_672 = arith.subi %squeeze3A_658, %squeeze3A_663 : i32
      %select_n3A_673 = arith.select %and3A_666, %sub3A_672, %select_n3A_643 : i32
      %or3A_674 = arith.ori %or3A_644, %gt3A_652 : i1
      %broadcast_in_dim3A_675 = vector.broadcast %add3A_256 : i32 to vector<16xi32>
      %add3A_676 = arith.addi %masked_cumsum3A_169, %broadcast_in_dim3A_675 : vector<16xi32>
      %ge3A_677 = arith.cmpi sge, %add3A_676, %broadcast_in_dim3A_260 : vector<16xi32>
      %all_reduce_population_count3A_678 = tpu.all_reduce %ge3A_677 {dim = 0 : i64, kind = #tpu.reduction_kind<sum>} : vector<16xi1> -> vector<16xi32>
      %slice3A_679 = vector.extract_strided_slice %all_reduce_population_count3A_678 {offsets = [0], sizes = [1], strides = [1]} : vector<16xi32> to vector<1xi32>
      %squeeze3A_680 = vector.extract %slice3A_679[0] : i32 from vector<1xi32>
      %gt3A_681 = arith.constant 0 : i32
      %gt3A_682 = arith.cmpi sgt, %squeeze3A_680, %gt3A_681 : i32
      %all_reduce_ffs3A_683 = tpu.all_reduce %ge3A_677 {dim = 0 : i64, kind = #tpu.reduction_kind<find_first_set>} : vector<16xi1> -> vector<16xi32>
      %broadcast_in_dim3A_684 = vector.shape_cast %all_reduce_ffs3A_683 : vector<16xi32> to vector<16x1xi32>
      %gather3A_685 = vector.shape_cast %broadcast_in_dim3A_684 : vector<16x1xi32> to vector<16xi32>
      %gather3A_686 = tpu.dynamic_gather %add3A_676[%gather3A_685] in [0] : vector<16xi32>, vector<16xi32> -> vector<16xi32>
      %slice3A_687 = vector.extract_strided_slice %gather3A_686 {offsets = [0], sizes = [1], strides = [1]} : vector<16xi32> to vector<1xi32>
      %squeeze3A_688 = vector.extract %slice3A_687[0] : i32 from vector<1xi32>
      %broadcast_in_dim3A_689 = vector.shape_cast %all_reduce_ffs3A_683 : vector<16xi32> to vector<16x1xi32>
      %gather3A_690 = vector.shape_cast %broadcast_in_dim3A_689 : vector<16x1xi32> to vector<16xi32>
      %gather3A_691 = tpu.dynamic_gather %rev3A_94[%gather3A_690] in [0] : vector<16xi32>, vector<16xi32> -> vector<16xi32>
      %slice3A_692 = vector.extract_strided_slice %gather3A_691 {offsets = [0], sizes = [1], strides = [1]} : vector<16xi32> to vector<1xi32>
      %squeeze3A_693 = vector.extract %slice3A_692[0] : i32 from vector<1xi32>
      %not3A_694 = arith.constant true
      %not3A_695 = arith.xori %or3A_674, %not3A_694 : i1
      %and3A_696 = arith.andi %gt3A_682, %not3A_695 : i1
      %slice3A_697 = vector.extract_strided_slice %all_reduce_ffs3A_683 {offsets = [0], sizes = [1], strides = [1]} : vector<16xi32> to vector<1xi32>
      %squeeze3A_698 = vector.extract %slice3A_697[0] : i32 from vector<1xi32>
      %sub3A_699 = arith.constant 31 : i32
      %sub3A_700 = arith.subi %sub3A_699, %squeeze3A_698 : i32
      %select_n3A_701 = arith.select %and3A_696, %sub3A_700, %select_n3A_671 : i32
      %sub3A_702 = arith.subi %squeeze3A_688, %squeeze3A_693 : i32
      %select_n3A_703 = arith.select %and3A_696, %sub3A_702, %select_n3A_673 : i32
      %or3A_704 = arith.ori %or3A_674, %gt3A_682 : i1
      %broadcast_in_dim3A_705 = vector.broadcast %add3A_257 : i32 to vector<16xi32>
      %add3A_706 = arith.addi %masked_cumsum3A, %broadcast_in_dim3A_705 : vector<16xi32>
      %ge3A_707 = arith.cmpi sge, %add3A_706, %broadcast_in_dim3A_260 : vector<16xi32>
      %ne3A = arith.constant 15 : i32
      %ne3A_708 = vector.broadcast %ne3A : i32 to vector<16xi32>
      %ne3A_709 = arith.cmpi ne, %iota3A, %ne3A_708 : vector<16xi32>
      %and3A_710 = arith.andi %ge3A_707, %ne3A_709 : vector<16xi1>
      %all_reduce_population_count3A_711 = tpu.all_reduce %and3A_710 {dim = 0 : i64, kind = #tpu.reduction_kind<sum>} : vector<16xi1> -> vector<16xi32>
      %slice3A_712 = vector.extract_strided_slice %all_reduce_population_count3A_711 {offsets = [0], sizes = [1], strides = [1]} : vector<16xi32> to vector<1xi32>
      %squeeze3A_713 = vector.extract %slice3A_712[0] : i32 from vector<1xi32>
      %gt3A_714 = arith.constant 0 : i32
      %gt3A_715 = arith.cmpi sgt, %squeeze3A_713, %gt3A_714 : i32
      %all_reduce_ffs3A_716 = tpu.all_reduce %and3A_710 {dim = 0 : i64, kind = #tpu.reduction_kind<find_first_set>} : vector<16xi1> -> vector<16xi32>
      %broadcast_in_dim3A_717 = vector.shape_cast %all_reduce_ffs3A_716 : vector<16xi32> to vector<16x1xi32>
      %gather3A_718 = vector.shape_cast %broadcast_in_dim3A_717 : vector<16x1xi32> to vector<16xi32>
      %gather3A_719 = tpu.dynamic_gather %add3A_706[%gather3A_718] in [0] : vector<16xi32>, vector<16xi32> -> vector<16xi32>
      %slice3A_720 = vector.extract_strided_slice %gather3A_719 {offsets = [0], sizes = [1], strides = [1]} : vector<16xi32> to vector<1xi32>
      %squeeze3A_721 = vector.extract %slice3A_720[0] : i32 from vector<1xi32>
      %broadcast_in_dim3A_722 = vector.shape_cast %all_reduce_ffs3A_716 : vector<16xi32> to vector<16x1xi32>
      %gather3A_723 = vector.shape_cast %broadcast_in_dim3A_722 : vector<16x1xi32> to vector<16xi32>
      %gather3A_724 = tpu.dynamic_gather %rev3A_89[%gather3A_723] in [0] : vector<16xi32>, vector<16xi32> -> vector<16xi32>
      %slice3A_725 = vector.extract_strided_slice %gather3A_724 {offsets = [0], sizes = [1], strides = [1]} : vector<16xi32> to vector<1xi32>
      %squeeze3A_726 = vector.extract %slice3A_725[0] : i32 from vector<1xi32>
      %not3A_727 = arith.constant true
      %not3A_728 = arith.xori %or3A_704, %not3A_727 : i1
      %and3A_729 = arith.andi %gt3A_715, %not3A_728 : i1
      %slice3A_730 = vector.extract_strided_slice %all_reduce_ffs3A_716 {offsets = [0], sizes = [1], strides = [1]} : vector<16xi32> to vector<1xi32>
      %squeeze3A_731 = vector.extract %slice3A_730[0] : i32 from vector<1xi32>
      %sub3A_732 = arith.constant 15 : i32
      %sub3A_733 = arith.subi %sub3A_732, %squeeze3A_731 : i32
      %select_n3A_734 = arith.select %and3A_729, %sub3A_733, %select_n3A_701 : i32
      %sub3A_735 = arith.subi %squeeze3A_721, %squeeze3A_726 : i32
      %select_n3A_736 = arith.select %and3A_729, %sub3A_735, %select_n3A_703 : i32
      %or3A_737 = arith.ori %or3A_704, %gt3A_715 : i1
      %sub3A_738 = arith.constant 64 : i32
      %sub3A_739 = arith.subi %sub3A_738, %select_n3A_736 : i32
      %jit3A_740 = arith.constant -1 : i32
      %select_n3A_741 = arith.select %or3A_737, %select_n3A_734, %jit3A_740 : i32
      %swap3A_742 = arith.constant 0 : index
      %swap3A_743 = tpu.vector_load %arg5[%swap3A_742] {strides = array<i32>} : memref<256xi32, #tpu.memory_space<vmem>>, vector<16xi32>,
      tpu.vector_store %arg5[%swap3A_742], %broadcast_in_dim3A_3 {strides = array<i32>} : memref<256xi32, #tpu.memory_space<vmem>>, vector<16xi32>,
      %swap3A_744 = arith.constant 16 : index
      %swap3A_745 = tpu.vector_load %arg5[%swap3A_744] {strides = array<i32>} : memref<256xi32, #tpu.memory_space<vmem>>, vector<16xi32>,
      tpu.vector_store %arg5[%swap3A_744], %broadcast_in_dim3A_3 {strides = array<i32>} : memref<256xi32, #tpu.memory_space<vmem>>, vector<16xi32>,
      %swap3A_746 = arith.constant 32 : index
      %swap3A_747 = tpu.vector_load %arg5[%swap3A_746] {strides = array<i32>} : memref<256xi32, #tpu.memory_space<vmem>>, vector<16xi32>,
      tpu.vector_store %arg5[%swap3A_746], %broadcast_in_dim3A_3 {strides = array<i32>} : memref<256xi32, #tpu.memory_space<vmem>>, vector<16xi32>,
      %swap3A_748 = arith.constant 48 : index
      %swap3A_749 = tpu.vector_load %arg5[%swap3A_748] {strides = array<i32>} : memref<256xi32, #tpu.memory_space<vmem>>, vector<16xi32>,
      tpu.vector_store %arg5[%swap3A_748], %broadcast_in_dim3A_3 {strides = array<i32>} : memref<256xi32, #tpu.memory_space<vmem>>, vector<16xi32>,
      %swap3A_750 = arith.constant 64 : index
      %swap3A_751 = tpu.vector_load %arg5[%swap3A_750] {strides = array<i32>} : memref<256xi32, #tpu.memory_space<vmem>>, vector<16xi32>,
      tpu.vector_store %arg5[%swap3A_750], %broadcast_in_dim3A_3 {strides = array<i32>} : memref<256xi32, #tpu.memory_space<vmem>>, vector<16xi32>,
      %swap3A_752 = arith.constant 80 : index
      %swap3A_753 = tpu.vector_load %arg5[%swap3A_752] {strides = array<i32>} : memref<256xi32, #tpu.memory_space<vmem>>, vector<16xi32>,
      tpu.vector_store %arg5[%swap3A_752], %broadcast_in_dim3A_3 {strides = array<i32>} : memref<256xi32, #tpu.memory_space<vmem>>, vector<16xi32>,
      %swap3A_754 = arith.constant 96 : index
      %swap3A_755 = tpu.vector_load %arg5[%swap3A_754] {strides = array<i32>} : memref<256xi32, #tpu.memory_space<vmem>>, vector<16xi32>,
      tpu.vector_store %arg5[%swap3A_754], %broadcast_in_dim3A_3 {strides = array<i32>} : memref<256xi32, #tpu.memory_space<vmem>>, vector<16xi32>,
      %swap3A_756 = arith.constant 112 : index
      %swap3A_757 = tpu.vector_load %arg5[%swap3A_756] {strides = array<i32>} : memref<256xi32, #tpu.memory_space<vmem>>, vector<16xi32>,
      tpu.vector_store %arg5[%swap3A_756], %broadcast_in_dim3A_3 {strides = array<i32>} : memref<256xi32, #tpu.memory_space<vmem>>, vector<16xi32>,
      %swap3A_758 = arith.constant 128 : index
      %swap3A_759 = tpu.vector_load %arg5[%swap3A_758] {strides = array<i32>} : memref<256xi32, #tpu.memory_space<vmem>>, vector<16xi32>,
      tpu.vector_store %arg5[%swap3A_758], %broadcast_in_dim3A_3 {strides = array<i32>} : memref<256xi32, #tpu.memory_space<vmem>>, vector<16xi32>,
      %swap3A_760 = arith.constant 144 : index
      %swap3A_761 = tpu.vector_load %arg5[%swap3A_760] {strides = array<i32>} : memref<256xi32, #tpu.memory_space<vmem>>, vector<16xi32>,
      tpu.vector_store %arg5[%swap3A_760], %broadcast_in_dim3A_3 {strides = array<i32>} : memref<256xi32, #tpu.memory_space<vmem>>, vector<16xi32>,
      %swap3A_762 = arith.constant 160 : index
      %swap3A_763 = tpu.vector_load %arg5[%swap3A_762] {strides = array<i32>} : memref<256xi32, #tpu.memory_space<vmem>>, vector<16xi32>,
      tpu.vector_store %arg5[%swap3A_762], %broadcast_in_dim3A_3 {strides = array<i32>} : memref<256xi32, #tpu.memory_space<vmem>>, vector<16xi32>,
      %swap3A_764 = arith.constant 176 : index
      %swap3A_765 = tpu.vector_load %arg5[%swap3A_764] {strides = array<i32>} : memref<256xi32, #tpu.memory_space<vmem>>, vector<16xi32>,
      tpu.vector_store %arg5[%swap3A_764], %broadcast_in_dim3A_3 {strides = array<i32>} : memref<256xi32, #tpu.memory_space<vmem>>, vector<16xi32>,
      %swap3A_766 = arith.constant 192 : index
      %swap3A_767 = tpu.vector_load %arg5[%swap3A_766] {strides = array<i32>} : memref<256xi32, #tpu.memory_space<vmem>>, vector<16xi32>,
      tpu.vector_store %arg5[%swap3A_766], %broadcast_in_dim3A_3 {strides = array<i32>} : memref<256xi32, #tpu.memory_space<vmem>>, vector<16xi32>,
      %swap3A_768 = arith.constant 208 : index
      %swap3A_769 = tpu.vector_load %arg5[%swap3A_768] {strides = array<i32>} : memref<256xi32, #tpu.memory_space<vmem>>, vector<16xi32>,
      tpu.vector_store %arg5[%swap3A_768], %broadcast_in_dim3A_3 {strides = array<i32>} : memref<256xi32, #tpu.memory_space<vmem>>, vector<16xi32>,
      %swap3A_770 = arith.constant 224 : index
      %swap3A_771 = tpu.vector_load %arg5[%swap3A_770] {strides = array<i32>} : memref<256xi32, #tpu.memory_space<vmem>>, vector<16xi32>,
      tpu.vector_store %arg5[%swap3A_770], %broadcast_in_dim3A_3 {strides = array<i32>} : memref<256xi32, #tpu.memory_space<vmem>>, vector<16xi32>,
      %swap3A_772 = arith.constant 240 : index
      %swap3A_773 = tpu.vector_load %arg5[%swap3A_772] {strides = array<i32>} : memref<256xi32, #tpu.memory_space<vmem>>, vector<16xi32>,
      tpu.vector_store %arg5[%swap3A_772], %broadcast_in_dim3A_3 {strides = array<i32>} : memref<256xi32, #tpu.memory_space<vmem>>, vector<16xi32>,
      %broadcast_in_dim3A_774 = vector.broadcast %select_n3A_741 : i32 to vector<16xi32>
      %scan3A_775 = arith.constant 0 : i32
      %scan3A_776 = arith.constant 0 : i32
      %scan3A_777 = arith.constant 1024 : i32
      %scan3A_778 = arith.addi %scan3A_776, %scan3A_777 : i32
      %scan3A_779 = arith.constant 8 : i32
      %scan3A_780 = scf.for %scan3A_2987 = %scan3A_776 to %scan3A_778 step %scan3A_779 iter_args(%scan3A_2988 = %scan3A_775) -> (i32)  : i32 {
        %mul3A_2989 = arith.constant 16 : i32
        %mul3A_2990 = arith.muli %scan3A_2987, %mul3A_2989 : i32
        %get3A_2991 = arith.index_cast %mul3A_2990 : i32 to index
        %get3A_2992 = tpu.vector_load %arg4[%get3A_2991] {strides = array<i32>} : memref<16384xf32, #tpu.memory_space<vmem>>, vector<16xf32>,
        %max3A = arith.constant 0.000000e+00 : f32
        %max3A_2993 = vector.broadcast %max3A : f32 to vector<16xf32>
        %max3A_2994 = arith.maximumf %get3A_2992, %max3A_2993 : vector<16xf32>
        %bitcast3A_2995 = vector.bitcast %max3A_2994 : vector<16xf32> to vector<16xi32>
        %shift_right_logical3A_2996 = arith.constant 23 : i32
        %shift_right_logical3A_2997 = vector.broadcast %shift_right_logical3A_2996 : i32 to vector<16xi32>
        %shift_right_logical3A_2998 = arith.shrui %bitcast3A_2995, %shift_right_logical3A_2997 : vector<16xi32>
        %eq3A = arith.cmpi eq, %shift_right_logical3A_2998, %broadcast_in_dim3A_774 : vector<16xi32>
        %shift_right_logical3A_2999 = arith.constant 15 : i32
        %shift_right_logical3A_3000 = vector.broadcast %shift_right_logical3A_2999 : i32 to vector<16xi32>
        %shift_right_logical3A_3001 = arith.shrui %bitcast3A_2995, %shift_right_logical3A_3000 : vector<16xi32>
        %and3A_3002 = arith.constant 255 : i32
        %and3A_3003 = vector.broadcast %and3A_3002 : i32 to vector<16xi32>
        %and3A_3004 = arith.andi %shift_right_logical3A_3001, %and3A_3003 : vector<16xi32>
        tpu.vector_store_idx %arg5[%and3A_3004], %broadcast_in_dim3A_1 masked %eq3A {add = true} : memref<256xi32, #tpu.memory_space<vmem>>[vector<16xi32>], vector<16xi32>, vector<16xi1>
        %swap3A_3005 = arith.index_cast %scan3A_2988 : i32 to index
        %swap3A_3006 = tpu.vector_load %arg6[%swap3A_3005] masked %eq3A {strides = array<i32>} : memref<16400xi32, #tpu.memory_space<vmem>>, vector<16xi32>, vector<16xi1>
        tpu.vector_store %arg6[%swap3A_3005], %bitcast3A_2995 masked %eq3A {strides = array<i32>} : memref<16400xi32, #tpu.memory_space<vmem>>, vector<16xi32>, vector<16xi1>
        %all_reduce_population_count3A_3007 = tpu.all_reduce %eq3A {dim = 0 : i64, kind = #tpu.reduction_kind<sum>} : vector<16xi1> -> vector<16xi32>
        %slice3A_3008 = vector.extract_strided_slice %all_reduce_population_count3A_3007 {offsets = [0], sizes = [1], strides = [1]} : vector<16xi32> to vector<1xi32>
        %squeeze3A_3009 = vector.extract %slice3A_3008[0] : i32 from vector<1xi32>
        %add3A_3010 = arith.addi %scan3A_2988, %squeeze3A_3009 : i32
        %scan3A_3011 = arith.constant 1 : i32
        %scan3A_3012 = arith.addi %scan3A_2987, %scan3A_3011 : i32
        %mul3A_3013 = arith.constant 16 : i32
        %mul3A_3014 = arith.muli %scan3A_3012, %mul3A_3013 : i32
        %get3A_3015 = arith.index_cast %mul3A_3014 : i32 to index
        %get3A_3016 = tpu.vector_load %arg4[%get3A_3015] {strides = array<i32>} : memref<16384xf32, #tpu.memory_space<vmem>>, vector<16xf32>,
        %max3A_3017 = arith.constant 0.000000e+00 : f32
        %max3A_3018 = vector.broadcast %max3A_3017 : f32 to vector<16xf32>
        %max3A_3019 = arith.maximumf %get3A_3016, %max3A_3018 : vector<16xf32>
        %bitcast3A_3020 = vector.bitcast %max3A_3019 : vector<16xf32> to vector<16xi32>
        %shift_right_logical3A_3021 = arith.constant 23 : i32
        %shift_right_logical3A_3022 = vector.broadcast %shift_right_logical3A_3021 : i32 to vector<16xi32>
        %shift_right_logical3A_3023 = arith.shrui %bitcast3A_3020, %shift_right_logical3A_3022 : vector<16xi32>
        %eq3A_3024 = arith.cmpi eq, %shift_right_logical3A_3023, %broadcast_in_dim3A_774 : vector<16xi32>
        %shift_right_logical3A_3025 = arith.constant 15 : i32
        %shift_right_logical3A_3026 = vector.broadcast %shift_right_logical3A_3025 : i32 to vector<16xi32>
        %shift_right_logical3A_3027 = arith.shrui %bitcast3A_3020, %shift_right_logical3A_3026 : vector<16xi32>
        %and3A_3028 = arith.constant 255 : i32
        %and3A_3029 = vector.broadcast %and3A_3028 : i32 to vector<16xi32>
        %and3A_3030 = arith.andi %shift_right_logical3A_3027, %and3A_3029 : vector<16xi32>
        tpu.vector_store_idx %arg5[%and3A_3030], %broadcast_in_dim3A_1 masked %eq3A_3024 {add = true} : memref<256xi32, #tpu.memory_space<vmem>>[vector<16xi32>], vector<16xi32>, vector<16xi1>
        %swap3A_3031 = arith.index_cast %add3A_3010 : i32 to index
        %swap3A_3032 = tpu.vector_load %arg6[%swap3A_3031] masked %eq3A_3024 {strides = array<i32>} : memref<16400xi32, #tpu.memory_space<vmem>>, vector<16xi32>, vector<16xi1>
        tpu.vector_store %arg6[%swap3A_3031], %bitcast3A_3020 masked %eq3A_3024 {strides = array<i32>} : memref<16400xi32, #tpu.memory_space<vmem>>, vector<16xi32>, vector<16xi1>
        %all_reduce_population_count3A_3033 = tpu.all_reduce %eq3A_3024 {dim = 0 : i64, kind = #tpu.reduction_kind<sum>} : vector<16xi1> -> vector<16xi32>
        %slice3A_3034 = vector.extract_strided_slice %all_reduce_population_count3A_3033 {offsets = [0], sizes = [1], strides = [1]} : vector<16xi32> to vector<1xi32>
        %squeeze3A_3035 = vector.extract %slice3A_3034[0] : i32 from vector<1xi32>
        %add3A_3036 = arith.addi %add3A_3010, %squeeze3A_3035 : i32
        %scan3A_3037 = arith.constant 2 : i32
        %scan3A_3038 = arith.addi %scan3A_2987, %scan3A_3037 : i32
        %mul3A_3039 = arith.constant 16 : i32
        %mul3A_3040 = arith.muli %scan3A_3038, %mul3A_3039 : i32
        %get3A_3041 = arith.index_cast %mul3A_3040 : i32 to index
        %get3A_3042 = tpu.vector_load %arg4[%get3A_3041] {strides = array<i32>} : memref<16384xf32, #tpu.memory_space<vmem>>, vector<16xf32>,
        %max3A_3043 = arith.constant 0.000000e+00 : f32
        %max3A_3044 = vector.broadcast %max3A_3043 : f32 to vector<16xf32>
        %max3A_3045 = arith.maximumf %get3A_3042, %max3A_3044 : vector<16xf32>
        %bitcast3A_3046 = vector.bitcast %max3A_3045 : vector<16xf32> to vector<16xi32>
        %shift_right_logical3A_3047 = arith.constant 23 : i32
        %shift_right_logical3A_3048 = vector.broadcast %shift_right_logical3A_3047 : i32 to vector<16xi32>
        %shift_right_logical3A_3049 = arith.shrui %bitcast3A_3046, %shift_right_logical3A_3048 : vector<16xi32>
        %eq3A_3050 = arith.cmpi eq, %shift_right_logical3A_3049, %broadcast_in_dim3A_774 : vector<16xi32>
        %shift_right_logical3A_3051 = arith.constant 15 : i32
        %shift_right_logical3A_3052 = vector.broadcast %shift_right_logical3A_3051 : i32 to vector<16xi32>
        %shift_right_logical3A_3053 = arith.shrui %bitcast3A_3046, %shift_right_logical3A_3052 : vector<16xi32>
        %and3A_3054 = arith.constant 255 : i32
        %and3A_3055 = vector.broadcast %and3A_3054 : i32 to vector<16xi32>
        %and3A_3056 = arith.andi %shift_right_logical3A_3053, %and3A_3055 : vector<16xi32>
        tpu.vector_store_idx %arg5[%and3A_3056], %broadcast_in_dim3A_1 masked %eq3A_3050 {add = true} : memref<256xi32, #tpu.memory_space<vmem>>[vector<16xi32>], vector<16xi32>, vector<16xi1>
        %swap3A_3057 = arith.index_cast %add3A_3036 : i32 to index
        %swap3A_3058 = tpu.vector_load %arg6[%swap3A_3057] masked %eq3A_3050 {strides = array<i32>} : memref<16400xi32, #tpu.memory_space<vmem>>, vector<16xi32>, vector<16xi1>
        tpu.vector_store %arg6[%swap3A_3057], %bitcast3A_3046 masked %eq3A_3050 {strides = array<i32>} : memref<16400xi32, #tpu.memory_space<vmem>>, vector<16xi32>, vector<16xi1>
        %all_reduce_population_count3A_3059 = tpu.all_reduce %eq3A_3050 {dim = 0 : i64, kind = #tpu.reduction_kind<sum>} : vector<16xi1> -> vector<16xi32>
        %slice3A_3060 = vector.extract_strided_slice %all_reduce_population_count3A_3059 {offsets = [0], sizes = [1], strides = [1]} : vector<16xi32> to vector<1xi32>
        %squeeze3A_3061 = vector.extract %slice3A_3060[0] : i32 from vector<1xi32>
        %add3A_3062 = arith.addi %add3A_3036, %squeeze3A_3061 : i32
        %scan3A_3063 = arith.constant 3 : i32
        %scan3A_3064 = arith.addi %scan3A_2987, %scan3A_3063 : i32
        %mul3A_3065 = arith.constant 16 : i32
        %mul3A_3066 = arith.muli %scan3A_3064, %mul3A_3065 : i32
        %get3A_3067 = arith.index_cast %mul3A_3066 : i32 to index
        %get3A_3068 = tpu.vector_load %arg4[%get3A_3067] {strides = array<i32>} : memref<16384xf32, #tpu.memory_space<vmem>>, vector<16xf32>,
        %max3A_3069 = arith.constant 0.000000e+00 : f32
        %max3A_3070 = vector.broadcast %max3A_3069 : f32 to vector<16xf32>
        %max3A_3071 = arith.maximumf %get3A_3068, %max3A_3070 : vector<16xf32>
        %bitcast3A_3072 = vector.bitcast %max3A_3071 : vector<16xf32> to vector<16xi32>
        %shift_right_logical3A_3073 = arith.constant 23 : i32
        %shift_right_logical3A_3074 = vector.broadcast %shift_right_logical3A_3073 : i32 to vector<16xi32>
        %shift_right_logical3A_3075 = arith.shrui %bitcast3A_3072, %shift_right_logical3A_3074 : vector<16xi32>
        %eq3A_3076 = arith.cmpi eq, %shift_right_logical3A_3075, %broadcast_in_dim3A_774 : vector<16xi32>
        %shift_right_logical3A_3077 = arith.constant 15 : i32
        %shift_right_logical3A_3078 = vector.broadcast %shift_right_logical3A_3077 : i32 to vector<16xi32>
        %shift_right_logical3A_3079 = arith.shrui %bitcast3A_3072, %shift_right_logical3A_3078 : vector<16xi32>
        %and3A_3080 = arith.constant 255 : i32
        %and3A_3081 = vector.broadcast %and3A_3080 : i32 to vector<16xi32>
        %and3A_3082 = arith.andi %shift_right_logical3A_3079, %and3A_3081 : vector<16xi32>
        tpu.vector_store_idx %arg5[%and3A_3082], %broadcast_in_dim3A_1 masked %eq3A_3076 {add = true} : memref<256xi32, #tpu.memory_space<vmem>>[vector<16xi32>], vector<16xi32>, vector<16xi1>
        %swap3A_3083 = arith.index_cast %add3A_3062 : i32 to index
        %swap3A_3084 = tpu.vector_load %arg6[%swap3A_3083] masked %eq3A_3076 {strides = array<i32>} : memref<16400xi32, #tpu.memory_space<vmem>>, vector<16xi32>, vector<16xi1>
        tpu.vector_store %arg6[%swap3A_3083], %bitcast3A_3072 masked %eq3A_3076 {strides = array<i32>} : memref<16400xi32, #tpu.memory_space<vmem>>, vector<16xi32>, vector<16xi1>
        %all_reduce_population_count3A_3085 = tpu.all_reduce %eq3A_3076 {dim = 0 : i64, kind = #tpu.reduction_kind<sum>} : vector<16xi1> -> vector<16xi32>
        %slice3A_3086 = vector.extract_strided_slice %all_reduce_population_count3A_3085 {offsets = [0], sizes = [1], strides = [1]} : vector<16xi32> to vector<1xi32>
        %squeeze3A_3087 = vector.extract %slice3A_3086[0] : i32 from vector<1xi32>
        %add3A_3088 = arith.addi %add3A_3062, %squeeze3A_3087 : i32
        %scan3A_3089 = arith.constant 4 : i32
        %scan3A_3090 = arith.addi %scan3A_2987, %scan3A_3089 : i32
        %mul3A_3091 = arith.constant 16 : i32
        %mul3A_3092 = arith.muli %scan3A_3090, %mul3A_3091 : i32
        %get3A_3093 = arith.index_cast %mul3A_3092 : i32 to index
        %get3A_3094 = tpu.vector_load %arg4[%get3A_3093] {strides = array<i32>} : memref<16384xf32, #tpu.memory_space<vmem>>, vector<16xf32>,
        %max3A_3095 = arith.constant 0.000000e+00 : f32
        %max3A_3096 = vector.broadcast %max3A_3095 : f32 to vector<16xf32>
        %max3A_3097 = arith.maximumf %get3A_3094, %max3A_3096 : vector<16xf32>
        %bitcast3A_3098 = vector.bitcast %max3A_3097 : vector<16xf32> to vector<16xi32>
        %shift_right_logical3A_3099 = arith.constant 23 : i32
        %shift_right_logical3A_3100 = vector.broadcast %shift_right_logical3A_3099 : i32 to vector<16xi32>
        %shift_right_logical3A_3101 = arith.shrui %bitcast3A_3098, %shift_right_logical3A_3100 : vector<16xi32>
        %eq3A_3102 = arith.cmpi eq, %shift_right_logical3A_3101, %broadcast_in_dim3A_774 : vector<16xi32>
        %shift_right_logical3A_3103 = arith.constant 15 : i32
        %shift_right_logical3A_3104 = vector.broadcast %shift_right_logical3A_3103 : i32 to vector<16xi32>
        %shift_right_logical3A_3105 = arith.shrui %bitcast3A_3098, %shift_right_logical3A_3104 : vector<16xi32>
        %and3A_3106 = arith.constant 255 : i32
        %and3A_3107 = vector.broadcast %and3A_3106 : i32 to vector<16xi32>
        %and3A_3108 = arith.andi %shift_right_logical3A_3105, %and3A_3107 : vector<16xi32>
        tpu.vector_store_idx %arg5[%and3A_3108], %broadcast_in_dim3A_1 masked %eq3A_3102 {add = true} : memref<256xi32, #tpu.memory_space<vmem>>[vector<16xi32>], vector<16xi32>, vector<16xi1>
        %swap3A_3109 = arith.index_cast %add3A_3088 : i32 to index
        %swap3A_3110 = tpu.vector_load %arg6[%swap3A_3109] masked %eq3A_3102 {strides = array<i32>} : memref<16400xi32, #tpu.memory_space<vmem>>, vector<16xi32>, vector<16xi1>
        tpu.vector_store %arg6[%swap3A_3109], %bitcast3A_3098 masked %eq3A_3102 {strides = array<i32>} : memref<16400xi32, #tpu.memory_space<vmem>>, vector<16xi32>, vector<16xi1>
        %all_reduce_population_count3A_3111 = tpu.all_reduce %eq3A_3102 {dim = 0 : i64, kind = #tpu.reduction_kind<sum>} : vector<16xi1> -> vector<16xi32>
        %slice3A_3112 = vector.extract_strided_slice %all_reduce_population_count3A_3111 {offsets = [0], sizes = [1], strides = [1]} : vector<16xi32> to vector<1xi32>
        %squeeze3A_3113 = vector.extract %slice3A_3112[0] : i32 from vector<1xi32>
        %add3A_3114 = arith.addi %add3A_3088, %squeeze3A_3113 : i32
        %scan3A_3115 = arith.constant 5 : i32
        %scan3A_3116 = arith.addi %scan3A_2987, %scan3A_3115 : i32
        %mul3A_3117 = arith.constant 16 : i32
        %mul3A_3118 = arith.muli %scan3A_3116, %mul3A_3117 : i32
        %get3A_3119 = arith.index_cast %mul3A_3118 : i32 to index
        %get3A_3120 = tpu.vector_load %arg4[%get3A_3119] {strides = array<i32>} : memref<16384xf32, #tpu.memory_space<vmem>>, vector<16xf32>,
        %max3A_3121 = arith.constant 0.000000e+00 : f32
        %max3A_3122 = vector.broadcast %max3A_3121 : f32 to vector<16xf32>
        %max3A_3123 = arith.maximumf %get3A_3120, %max3A_3122 : vector<16xf32>
        %bitcast3A_3124 = vector.bitcast %max3A_3123 : vector<16xf32> to vector<16xi32>
        %shift_right_logical3A_3125 = arith.constant 23 : i32
        %shift_right_logical3A_3126 = vector.broadcast %shift_right_logical3A_3125 : i32 to vector<16xi32>
        %shift_right_logical3A_3127 = arith.shrui %bitcast3A_3124, %shift_right_logical3A_3126 : vector<16xi32>
        %eq3A_3128 = arith.cmpi eq, %shift_right_logical3A_3127, %broadcast_in_dim3A_774 : vector<16xi32>
        %shift_right_logical3A_3129 = arith.constant 15 : i32
        %shift_right_logical3A_3130 = vector.broadcast %shift_right_logical3A_3129 : i32 to vector<16xi32>
        %shift_right_logical3A_3131 = arith.shrui %bitcast3A_3124, %shift_right_logical3A_3130 : vector<16xi32>
        %and3A_3132 = arith.constant 255 : i32
        %and3A_3133 = vector.broadcast %and3A_3132 : i32 to vector<16xi32>
        %and3A_3134 = arith.andi %shift_right_logical3A_3131, %and3A_3133 : vector<16xi32>
        tpu.vector_store_idx %arg5[%and3A_3134], %broadcast_in_dim3A_1 masked %eq3A_3128 {add = true} : memref<256xi32, #tpu.memory_space<vmem>>[vector<16xi32>], vector<16xi32>, vector<16xi1>
        %swap3A_3135 = arith.index_cast %add3A_3114 : i32 to index
        %swap3A_3136 = tpu.vector_load %arg6[%swap3A_3135] masked %eq3A_3128 {strides = array<i32>} : memref<16400xi32, #tpu.memory_space<vmem>>, vector<16xi32>, vector<16xi1>
        tpu.vector_store %arg6[%swap3A_3135], %bitcast3A_3124 masked %eq3A_3128 {strides = array<i32>} : memref<16400xi32, #tpu.memory_space<vmem>>, vector<16xi32>, vector<16xi1>
        %all_reduce_population_count3A_3137 = tpu.all_reduce %eq3A_3128 {dim = 0 : i64, kind = #tpu.reduction_kind<sum>} : vector<16xi1> -> vector<16xi32>
        %slice3A_3138 = vector.extract_strided_slice %all_reduce_population_count3A_3137 {offsets = [0], sizes = [1], strides = [1]} : vector<16xi32> to vector<1xi32>
        %squeeze3A_3139 = vector.extract %slice3A_3138[0] : i32 from vector<1xi32>
        %add3A_3140 = arith.addi %add3A_3114, %squeeze3A_3139 : i32
        %scan3A_3141 = arith.constant 6 : i32
        %scan3A_3142 = arith.addi %scan3A_2987, %scan3A_3141 : i32
        %mul3A_3143 = arith.constant 16 : i32
        %mul3A_3144 = arith.muli %scan3A_3142, %mul3A_3143 : i32
        %get3A_3145 = arith.index_cast %mul3A_3144 : i32 to index
        %get3A_3146 = tpu.vector_load %arg4[%get3A_3145] {strides = array<i32>} : memref<16384xf32, #tpu.memory_space<vmem>>, vector<16xf32>,
        %max3A_3147 = arith.constant 0.000000e+00 : f32
        %max3A_3148 = vector.broadcast %max3A_3147 : f32 to vector<16xf32>
        %max3A_3149 = arith.maximumf %get3A_3146, %max3A_3148 : vector<16xf32>
        %bitcast3A_3150 = vector.bitcast %max3A_3149 : vector<16xf32> to vector<16xi32>
        %shift_right_logical3A_3151 = arith.constant 23 : i32
        %shift_right_logical3A_3152 = vector.broadcast %shift_right_logical3A_3151 : i32 to vector<16xi32>
        %shift_right_logical3A_3153 = arith.shrui %bitcast3A_3150, %shift_right_logical3A_3152 : vector<16xi32>
        %eq3A_3154 = arith.cmpi eq, %shift_right_logical3A_3153, %broadcast_in_dim3A_774 : vector<16xi32>
        %shift_right_logical3A_3155 = arith.constant 15 : i32
        %shift_right_logical3A_3156 = vector.broadcast %shift_right_logical3A_3155 : i32 to vector<16xi32>
        %shift_right_logical3A_3157 = arith.shrui %bitcast3A_3150, %shift_right_logical3A_3156 : vector<16xi32>
        %and3A_3158 = arith.constant 255 : i32
        %and3A_3159 = vector.broadcast %and3A_3158 : i32 to vector<16xi32>
        %and3A_3160 = arith.andi %shift_right_logical3A_3157, %and3A_3159 : vector<16xi32>
        tpu.vector_store_idx %arg5[%and3A_3160], %broadcast_in_dim3A_1 masked %eq3A_3154 {add = true} : memref<256xi32, #tpu.memory_space<vmem>>[vector<16xi32>], vector<16xi32>, vector<16xi1>
        %swap3A_3161 = arith.index_cast %add3A_3140 : i32 to index
        %swap3A_3162 = tpu.vector_load %arg6[%swap3A_3161] masked %eq3A_3154 {strides = array<i32>} : memref<16400xi32, #tpu.memory_space<vmem>>, vector<16xi32>, vector<16xi1>
        tpu.vector_store %arg6[%swap3A_3161], %bitcast3A_3150 masked %eq3A_3154 {strides = array<i32>} : memref<16400xi32, #tpu.memory_space<vmem>>, vector<16xi32>, vector<16xi1>
        %all_reduce_population_count3A_3163 = tpu.all_reduce %eq3A_3154 {dim = 0 : i64, kind = #tpu.reduction_kind<sum>} : vector<16xi1> -> vector<16xi32>
        %slice3A_3164 = vector.extract_strided_slice %all_reduce_population_count3A_3163 {offsets = [0], sizes = [1], strides = [1]} : vector<16xi32> to vector<1xi32>
        %squeeze3A_3165 = vector.extract %slice3A_3164[0] : i32 from vector<1xi32>
        %add3A_3166 = arith.addi %add3A_3140, %squeeze3A_3165 : i32
        %scan3A_3167 = arith.constant 7 : i32
        %scan3A_3168 = arith.addi %scan3A_2987, %scan3A_3167 : i32
        %mul3A_3169 = arith.constant 16 : i32
        %mul3A_3170 = arith.muli %scan3A_3168, %mul3A_3169 : i32
        %get3A_3171 = arith.index_cast %mul3A_3170 : i32 to index
        %get3A_3172 = tpu.vector_load %arg4[%get3A_3171] {strides = array<i32>} : memref<16384xf32, #tpu.memory_space<vmem>>, vector<16xf32>,
        %max3A_3173 = arith.constant 0.000000e+00 : f32
        %max3A_3174 = vector.broadcast %max3A_3173 : f32 to vector<16xf32>
        %max3A_3175 = arith.maximumf %get3A_3172, %max3A_3174 : vector<16xf32>
        %bitcast3A_3176 = vector.bitcast %max3A_3175 : vector<16xf32> to vector<16xi32>
        %shift_right_logical3A_3177 = arith.constant 23 : i32
        %shift_right_logical3A_3178 = vector.broadcast %shift_right_logical3A_3177 : i32 to vector<16xi32>
        %shift_right_logical3A_3179 = arith.shrui %bitcast3A_3176, %shift_right_logical3A_3178 : vector<16xi32>
        %eq3A_3180 = arith.cmpi eq, %shift_right_logical3A_3179, %broadcast_in_dim3A_774 : vector<16xi32>
        %shift_right_logical3A_3181 = arith.constant 15 : i32
        %shift_right_logical3A_3182 = vector.broadcast %shift_right_logical3A_3181 : i32 to vector<16xi32>
        %shift_right_logical3A_3183 = arith.shrui %bitcast3A_3176, %shift_right_logical3A_3182 : vector<16xi32>
        %and3A_3184 = arith.constant 255 : i32
        %and3A_3185 = vector.broadcast %and3A_3184 : i32 to vector<16xi32>
        %and3A_3186 = arith.andi %shift_right_logical3A_3183, %and3A_3185 : vector<16xi32>
        tpu.vector_store_idx %arg5[%and3A_3186], %broadcast_in_dim3A_1 masked %eq3A_3180 {add = true} : memref<256xi32, #tpu.memory_space<vmem>>[vector<16xi32>], vector<16xi32>, vector<16xi1>
        %swap3A_3187 = arith.index_cast %add3A_3166 : i32 to index
        %swap3A_3188 = tpu.vector_load %arg6[%swap3A_3187] masked %eq3A_3180 {strides = array<i32>} : memref<16400xi32, #tpu.memory_space<vmem>>, vector<16xi32>, vector<16xi1>
        tpu.vector_store %arg6[%swap3A_3187], %bitcast3A_3176 masked %eq3A_3180 {strides = array<i32>} : memref<16400xi32, #tpu.memory_space<vmem>>, vector<16xi32>, vector<16xi1>
        %all_reduce_population_count3A_3189 = tpu.all_reduce %eq3A_3180 {dim = 0 : i64, kind = #tpu.reduction_kind<sum>} : vector<16xi1> -> vector<16xi32>
        %slice3A_3190 = vector.extract_strided_slice %all_reduce_population_count3A_3189 {offsets = [0], sizes = [1], strides = [1]} : vector<16xi32> to vector<1xi32>
        %squeeze3A_3191 = vector.extract %slice3A_3190[0] : i32 from vector<1xi32>
        %add3A_3192 = arith.addi %add3A_3166, %squeeze3A_3191 : i32
        scf.yield %add3A_3192 : i32
      }
      %scan3A_781 = arith.constant 1024 : i32
      %get3A_782 = arith.constant 0 : index
      %get3A_783 = tpu.vector_load %arg5[%get3A_782] {strides = array<i32>} : memref<256xi32, #tpu.memory_space<vmem>>, vector<16xi32>,
      %get3A_784 = arith.constant 16 : index
      %get3A_785 = tpu.vector_load %arg5[%get3A_784] {strides = array<i32>} : memref<256xi32, #tpu.memory_space<vmem>>, vector<16xi32>,
      %get3A_786 = arith.constant 32 : index
      %get3A_787 = tpu.vector_load %arg5[%get3A_786] {strides = array<i32>} : memref<256xi32, #tpu.memory_space<vmem>>, vector<16xi32>,
      %get3A_788 = arith.constant 48 : index
      %get3A_789 = tpu.vector_load %arg5[%get3A_788] {strides = array<i32>} : memref<256xi32, #tpu.memory_space<vmem>>, vector<16xi32>,
      %get3A_790 = arith.constant 64 : index
      %get3A_791 = tpu.vector_load %arg5[%get3A_790] {strides = array<i32>} : memref<256xi32, #tpu.memory_space<vmem>>, vector<16xi32>,
      %get3A_792 = arith.constant 80 : index
      %get3A_793 = tpu.vector_load %arg5[%get3A_792] {strides = array<i32>} : memref<256xi32, #tpu.memory_space<vmem>>, vector<16xi32>,
      %get3A_794 = arith.constant 96 : index
      %get3A_795 = tpu.vector_load %arg5[%get3A_794] {strides = array<i32>} : memref<256xi32, #tpu.memory_space<vmem>>, vector<16xi32>,
      %get3A_796 = arith.constant 112 : index
      %get3A_797 = tpu.vector_load %arg5[%get3A_796] {strides = array<i32>} : memref<256xi32, #tpu.memory_space<vmem>>, vector<16xi32>,
      %get3A_798 = arith.constant 128 : index
      %get3A_799 = tpu.vector_load %arg5[%get3A_798] {strides = array<i32>} : memref<256xi32, #tpu.memory_space<vmem>>, vector<16xi32>,
      %get3A_800 = arith.constant 144 : index
      %get3A_801 = tpu.vector_load %arg5[%get3A_800] {strides = array<i32>} : memref<256xi32, #tpu.memory_space<vmem>>, vector<16xi32>,
      %get3A_802 = arith.constant 160 : index
      %get3A_803 = tpu.vector_load %arg5[%get3A_802] {strides = array<i32>} : memref<256xi32, #tpu.memory_space<vmem>>, vector<16xi32>,
      %get3A_804 = arith.constant 176 : index
      %get3A_805 = tpu.vector_load %arg5[%get3A_804] {strides = array<i32>} : memref<256xi32, #tpu.memory_space<vmem>>, vector<16xi32>,
      %get3A_806 = arith.constant 192 : index
      %get3A_807 = tpu.vector_load %arg5[%get3A_806] {strides = array<i32>} : memref<256xi32, #tpu.memory_space<vmem>>, vector<16xi32>,
      %get3A_808 = arith.constant 208 : index
      %get3A_809 = tpu.vector_load %arg5[%get3A_808] {strides = array<i32>} : memref<256xi32, #tpu.memory_space<vmem>>, vector<16xi32>,
      %get3A_810 = arith.constant 224 : index
      %get3A_811 = tpu.vector_load %arg5[%get3A_810] {strides = array<i32>} : memref<256xi32, #tpu.memory_space<vmem>>, vector<16xi32>,
      %get3A_812 = arith.constant 240 : index
      %get3A_813 = tpu.vector_load %arg5[%get3A_812] {strides = array<i32>} : memref<256xi32, #tpu.memory_space<vmem>>, vector<16xi32>,
      %rev3A_814 = arith.constant 15 : i32
      %rev3A_815 = vector.broadcast %rev3A_814 : i32 to vector<16xi32>
      %rev3A_816 = tpu.iota {dimensions = array<i32: 0>} : vector<16xi32>
      %rev3A_817 = arith.subi %rev3A_815, %rev3A_816 : vector<16xi32>
      %rev3A_818 = tpu.dynamic_gather %get3A_783[%rev3A_817] in [0] : vector<16xi32>, vector<16xi32> -> vector<16xi32>
      %rev3A_819 = arith.constant 15 : i32
      %rev3A_820 = vector.broadcast %rev3A_819 : i32 to vector<16xi32>
      %rev3A_821 = tpu.iota {dimensions = array<i32: 0>} : vector<16xi32>
      %rev3A_822 = arith.subi %rev3A_820, %rev3A_821 : vector<16xi32>
      %rev3A_823 = tpu.dynamic_gather %get3A_785[%rev3A_822] in [0] : vector<16xi32>, vector<16xi32> -> vector<16xi32>
      %rev3A_824 = arith.constant 15 : i32
      %rev3A_825 = vector.broadcast %rev3A_824 : i32 to vector<16xi32>
      %rev3A_826 = tpu.iota {dimensions = array<i32: 0>} : vector<16xi32>
      %rev3A_827 = arith.subi %rev3A_825, %rev3A_826 : vector<16xi32>
      %rev3A_828 = tpu.dynamic_gather %get3A_787[%rev3A_827] in [0] : vector<16xi32>, vector<16xi32> -> vector<16xi32>
      %rev3A_829 = arith.constant 15 : i32
      %rev3A_830 = vector.broadcast %rev3A_829 : i32 to vector<16xi32>
      %rev3A_831 = tpu.iota {dimensions = array<i32: 0>} : vector<16xi32>
      %rev3A_832 = arith.subi %rev3A_830, %rev3A_831 : vector<16xi32>
      %rev3A_833 = tpu.dynamic_gather %get3A_789[%rev3A_832] in [0] : vector<16xi32>, vector<16xi32> -> vector<16xi32>
      %rev3A_834 = arith.constant 15 : i32
      %rev3A_835 = vector.broadcast %rev3A_834 : i32 to vector<16xi32>
      %rev3A_836 = tpu.iota {dimensions = array<i32: 0>} : vector<16xi32>
      %rev3A_837 = arith.subi %rev3A_835, %rev3A_836 : vector<16xi32>
      %rev3A_838 = tpu.dynamic_gather %get3A_791[%rev3A_837] in [0] : vector<16xi32>, vector<16xi32> -> vector<16xi32>
      %rev3A_839 = arith.constant 15 : i32
      %rev3A_840 = vector.broadcast %rev3A_839 : i32 to vector<16xi32>
      %rev3A_841 = tpu.iota {dimensions = array<i32: 0>} : vector<16xi32>
      %rev3A_842 = arith.subi %rev3A_840, %rev3A_841 : vector<16xi32>
      %rev3A_843 = tpu.dynamic_gather %get3A_793[%rev3A_842] in [0] : vector<16xi32>, vector<16xi32> -> vector<16xi32>
      %rev3A_844 = arith.constant 15 : i32
      %rev3A_845 = vector.broadcast %rev3A_844 : i32 to vector<16xi32>
      %rev3A_846 = tpu.iota {dimensions = array<i32: 0>} : vector<16xi32>
      %rev3A_847 = arith.subi %rev3A_845, %rev3A_846 : vector<16xi32>
      %rev3A_848 = tpu.dynamic_gather %get3A_795[%rev3A_847] in [0] : vector<16xi32>, vector<16xi32> -> vector<16xi32>
      %rev3A_849 = arith.constant 15 : i32
      %rev3A_850 = vector.broadcast %rev3A_849 : i32 to vector<16xi32>
      %rev3A_851 = tpu.iota {dimensions = array<i32: 0>} : vector<16xi32>
      %rev3A_852 = arith.subi %rev3A_850, %rev3A_851 : vector<16xi32>
      %rev3A_853 = tpu.dynamic_gather %get3A_797[%rev3A_852] in [0] : vector<16xi32>, vector<16xi32> -> vector<16xi32>
      %rev3A_854 = arith.constant 15 : i32
      %rev3A_855 = vector.broadcast %rev3A_854 : i32 to vector<16xi32>
      %rev3A_856 = tpu.iota {dimensions = array<i32: 0>} : vector<16xi32>
      %rev3A_857 = arith.subi %rev3A_855, %rev3A_856 : vector<16xi32>
      %rev3A_858 = tpu.dynamic_gather %get3A_799[%rev3A_857] in [0] : vector<16xi32>, vector<16xi32> -> vector<16xi32>
      %rev3A_859 = arith.constant 15 : i32
      %rev3A_860 = vector.broadcast %rev3A_859 : i32 to vector<16xi32>
      %rev3A_861 = tpu.iota {dimensions = array<i32: 0>} : vector<16xi32>
      %rev3A_862 = arith.subi %rev3A_860, %rev3A_861 : vector<16xi32>
      %rev3A_863 = tpu.dynamic_gather %get3A_801[%rev3A_862] in [0] : vector<16xi32>, vector<16xi32> -> vector<16xi32>
      %rev3A_864 = arith.constant 15 : i32
      %rev3A_865 = vector.broadcast %rev3A_864 : i32 to vector<16xi32>
      %rev3A_866 = tpu.iota {dimensions = array<i32: 0>} : vector<16xi32>
      %rev3A_867 = arith.subi %rev3A_865, %rev3A_866 : vector<16xi32>
      %rev3A_868 = tpu.dynamic_gather %get3A_803[%rev3A_867] in [0] : vector<16xi32>, vector<16xi32> -> vector<16xi32>
      %rev3A_869 = arith.constant 15 : i32
      %rev3A_870 = vector.broadcast %rev3A_869 : i32 to vector<16xi32>
      %rev3A_871 = tpu.iota {dimensions = array<i32: 0>} : vector<16xi32>
      %rev3A_872 = arith.subi %rev3A_870, %rev3A_871 : vector<16xi32>
      %rev3A_873 = tpu.dynamic_gather %get3A_805[%rev3A_872] in [0] : vector<16xi32>, vector<16xi32> -> vector<16xi32>
      %rev3A_874 = arith.constant 15 : i32
      %rev3A_875 = vector.broadcast %rev3A_874 : i32 to vector<16xi32>
      %rev3A_876 = tpu.iota {dimensions = array<i32: 0>} : vector<16xi32>
      %rev3A_877 = arith.subi %rev3A_875, %rev3A_876 : vector<16xi32>
      %rev3A_878 = tpu.dynamic_gather %get3A_807[%rev3A_877] in [0] : vector<16xi32>, vector<16xi32> -> vector<16xi32>
      %rev3A_879 = arith.constant 15 : i32
      %rev3A_880 = vector.broadcast %rev3A_879 : i32 to vector<16xi32>
      %rev3A_881 = tpu.iota {dimensions = array<i32: 0>} : vector<16xi32>
      %rev3A_882 = arith.subi %rev3A_880, %rev3A_881 : vector<16xi32>
      %rev3A_883 = tpu.dynamic_gather %get3A_809[%rev3A_882] in [0] : vector<16xi32>, vector<16xi32> -> vector<16xi32>
      %rev3A_884 = arith.constant 15 : i32
      %rev3A_885 = vector.broadcast %rev3A_884 : i32 to vector<16xi32>
      %rev3A_886 = tpu.iota {dimensions = array<i32: 0>} : vector<16xi32>
      %rev3A_887 = arith.subi %rev3A_885, %rev3A_886 : vector<16xi32>
      %rev3A_888 = tpu.dynamic_gather %get3A_811[%rev3A_887] in [0] : vector<16xi32>, vector<16xi32> -> vector<16xi32>
      %rev3A_889 = arith.constant 15 : i32
      %rev3A_890 = vector.broadcast %rev3A_889 : i32 to vector<16xi32>
      %rev3A_891 = tpu.iota {dimensions = array<i32: 0>} : vector<16xi32>
      %rev3A_892 = arith.subi %rev3A_890, %rev3A_891 : vector<16xi32>
      %rev3A_893 = tpu.dynamic_gather %get3A_813[%rev3A_892] in [0] : vector<16xi32>, vector<16xi32> -> vector<16xi32>
      %broadcast_in_dim3A_894 = arith.constant true
      %broadcast_in_dim3A_895 = vector.broadcast %broadcast_in_dim3A_894 : i1 to vector<16xi1>
      %masked_cumsum3A_896 = tpu.scan <sum>, %rev3A_818 masked %broadcast_in_dim3A_895 : vector<16xi32>, vector<16xi1> -> vector<16xi32>
      %broadcast_in_dim3A_897 = arith.constant true
      %broadcast_in_dim3A_898 = vector.broadcast %broadcast_in_dim3A_897 : i1 to vector<16xi1>
      %masked_cumsum3A_899 = tpu.scan <sum>, %rev3A_823 masked %broadcast_in_dim3A_898 : vector<16xi32>, vector<16xi1> -> vector<16xi32>
      %broadcast_in_dim3A_900 = arith.constant true
      %broadcast_in_dim3A_901 = vector.broadcast %broadcast_in_dim3A_900 : i1 to vector<16xi1>
      %masked_cumsum3A_902 = tpu.scan <sum>, %rev3A_828 masked %broadcast_in_dim3A_901 : vector<16xi32>, vector<16xi1> -> vector<16xi32>
      %broadcast_in_dim3A_903 = arith.constant true
      %broadcast_in_dim3A_904 = vector.broadcast %broadcast_in_dim3A_903 : i1 to vector<16xi1>
      %masked_cumsum3A_905 = tpu.scan <sum>, %rev3A_833 masked %broadcast_in_dim3A_904 : vector<16xi32>, vector<16xi1> -> vector<16xi32>
      %broadcast_in_dim3A_906 = arith.constant true
      %broadcast_in_dim3A_907 = vector.broadcast %broadcast_in_dim3A_906 : i1 to vector<16xi1>
      %masked_cumsum3A_908 = tpu.scan <sum>, %rev3A_838 masked %broadcast_in_dim3A_907 : vector<16xi32>, vector<16xi1> -> vector<16xi32>
      %broadcast_in_dim3A_909 = arith.constant true
      %broadcast_in_dim3A_910 = vector.broadcast %broadcast_in_dim3A_909 : i1 to vector<16xi1>
      %masked_cumsum3A_911 = tpu.scan <sum>, %rev3A_843 masked %broadcast_in_dim3A_910 : vector<16xi32>, vector<16xi1> -> vector<16xi32>
      %broadcast_in_dim3A_912 = arith.constant true
      %broadcast_in_dim3A_913 = vector.broadcast %broadcast_in_dim3A_912 : i1 to vector<16xi1>
      %masked_cumsum3A_914 = tpu.scan <sum>, %rev3A_848 masked %broadcast_in_dim3A_913 : vector<16xi32>, vector<16xi1> -> vector<16xi32>
      %broadcast_in_dim3A_915 = arith.constant true
      %broadcast_in_dim3A_916 = vector.broadcast %broadcast_in_dim3A_915 : i1 to vector<16xi1>
      %masked_cumsum3A_917 = tpu.scan <sum>, %rev3A_853 masked %broadcast_in_dim3A_916 : vector<16xi32>, vector<16xi1> -> vector<16xi32>
      %broadcast_in_dim3A_918 = arith.constant true
      %broadcast_in_dim3A_919 = vector.broadcast %broadcast_in_dim3A_918 : i1 to vector<16xi1>
      %masked_cumsum3A_920 = tpu.scan <sum>, %rev3A_858 masked %broadcast_in_dim3A_919 : vector<16xi32>, vector<16xi1> -> vector<16xi32>
      %broadcast_in_dim3A_921 = arith.constant true
      %broadcast_in_dim3A_922 = vector.broadcast %broadcast_in_dim3A_921 : i1 to vector<16xi1>
      %masked_cumsum3A_923 = tpu.scan <sum>, %rev3A_863 masked %broadcast_in_dim3A_922 : vector<16xi32>, vector<16xi1> -> vector<16xi32>
      %broadcast_in_dim3A_924 = arith.constant true
      %broadcast_in_dim3A_925 = vector.broadcast %broadcast_in_dim3A_924 : i1 to vector<16xi1>
      %masked_cumsum3A_926 = tpu.scan <sum>, %rev3A_868 masked %broadcast_in_dim3A_925 : vector<16xi32>, vector<16xi1> -> vector<16xi32>
      %broadcast_in_dim3A_927 = arith.constant true
      %broadcast_in_dim3A_928 = vector.broadcast %broadcast_in_dim3A_927 : i1 to vector<16xi1>
      %masked_cumsum3A_929 = tpu.scan <sum>, %rev3A_873 masked %broadcast_in_dim3A_928 : vector<16xi32>, vector<16xi1> -> vector<16xi32>
      %broadcast_in_dim3A_930 = arith.constant true
      %broadcast_in_dim3A_931 = vector.broadcast %broadcast_in_dim3A_930 : i1 to vector<16xi1>
      %masked_cumsum3A_932 = tpu.scan <sum>, %rev3A_878 masked %broadcast_in_dim3A_931 : vector<16xi32>, vector<16xi1> -> vector<16xi32>
      %broadcast_in_dim3A_933 = arith.constant true
      %broadcast_in_dim3A_934 = vector.broadcast %broadcast_in_dim3A_933 : i1 to vector<16xi1>
      %masked_cumsum3A_935 = tpu.scan <sum>, %rev3A_883 masked %broadcast_in_dim3A_934 : vector<16xi32>, vector<16xi1> -> vector<16xi32>
      %broadcast_in_dim3A_936 = arith.constant true
      %broadcast_in_dim3A_937 = vector.broadcast %broadcast_in_dim3A_936 : i1 to vector<16xi1>
      %masked_cumsum3A_938 = tpu.scan <sum>, %rev3A_888 masked %broadcast_in_dim3A_937 : vector<16xi32>, vector<16xi1> -> vector<16xi32>
      %broadcast_in_dim3A_939 = arith.constant true
      %broadcast_in_dim3A_940 = vector.broadcast %broadcast_in_dim3A_939 : i1 to vector<16xi1>
      %masked_cumsum3A_941 = tpu.scan <sum>, %rev3A_893 masked %broadcast_in_dim3A_940 : vector<16xi32>, vector<16xi1> -> vector<16xi32>
      %slice3A_942 = vector.extract_strided_slice %masked_cumsum3A_896 {offsets = [15], sizes = [1], strides = [1]} : vector<16xi32> to vector<1xi32>
      %squeeze3A_943 = vector.extract %slice3A_942[0] : i32 from vector<1xi32>
      %slice3A_944 = vector.extract_strided_slice %masked_cumsum3A_899 {offsets = [15], sizes = [1], strides = [1]} : vector<16xi32> to vector<1xi32>
      %squeeze3A_945 = vector.extract %slice3A_944[0] : i32 from vector<1xi32>
      %slice3A_946 = vector.extract_strided_slice %masked_cumsum3A_902 {offsets = [15], sizes = [1], strides = [1]} : vector<16xi32> to vector<1xi32>
      %squeeze3A_947 = vector.extract %slice3A_946[0] : i32 from vector<1xi32>
      %slice3A_948 = vector.extract_strided_slice %masked_cumsum3A_905 {offsets = [15], sizes = [1], strides = [1]} : vector<16xi32> to vector<1xi32>
      %squeeze3A_949 = vector.extract %slice3A_948[0] : i32 from vector<1xi32>
      %slice3A_950 = vector.extract_strided_slice %masked_cumsum3A_908 {offsets = [15], sizes = [1], strides = [1]} : vector<16xi32> to vector<1xi32>
      %squeeze3A_951 = vector.extract %slice3A_950[0] : i32 from vector<1xi32>
      %slice3A_952 = vector.extract_strided_slice %masked_cumsum3A_911 {offsets = [15], sizes = [1], strides = [1]} : vector<16xi32> to vector<1xi32>
      %squeeze3A_953 = vector.extract %slice3A_952[0] : i32 from vector<1xi32>
      %slice3A_954 = vector.extract_strided_slice %masked_cumsum3A_914 {offsets = [15], sizes = [1], strides = [1]} : vector<16xi32> to vector<1xi32>
      %squeeze3A_955 = vector.extract %slice3A_954[0] : i32 from vector<1xi32>
      %slice3A_956 = vector.extract_strided_slice %masked_cumsum3A_917 {offsets = [15], sizes = [1], strides = [1]} : vector<16xi32> to vector<1xi32>
      %squeeze3A_957 = vector.extract %slice3A_956[0] : i32 from vector<1xi32>
      %slice3A_958 = vector.extract_strided_slice %masked_cumsum3A_920 {offsets = [15], sizes = [1], strides = [1]} : vector<16xi32> to vector<1xi32>
      %squeeze3A_959 = vector.extract %slice3A_958[0] : i32 from vector<1xi32>
      %slice3A_960 = vector.extract_strided_slice %masked_cumsum3A_923 {offsets = [15], sizes = [1], strides = [1]} : vector<16xi32> to vector<1xi32>
      %squeeze3A_961 = vector.extract %slice3A_960[0] : i32 from vector<1xi32>
      %slice3A_962 = vector.extract_strided_slice %masked_cumsum3A_926 {offsets = [15], sizes = [1], strides = [1]} : vector<16xi32> to vector<1xi32>
      %squeeze3A_963 = vector.extract %slice3A_962[0] : i32 from vector<1xi32>
      %slice3A_964 = vector.extract_strided_slice %masked_cumsum3A_929 {offsets = [15], sizes = [1], strides = [1]} : vector<16xi32> to vector<1xi32>
      %squeeze3A_965 = vector.extract %slice3A_964[0] : i32 from vector<1xi32>
      %slice3A_966 = vector.extract_strided_slice %masked_cumsum3A_932 {offsets = [15], sizes = [1], strides = [1]} : vector<16xi32> to vector<1xi32>
      %squeeze3A_967 = vector.extract %slice3A_966[0] : i32 from vector<1xi32>
      %slice3A_968 = vector.extract_strided_slice %masked_cumsum3A_935 {offsets = [15], sizes = [1], strides = [1]} : vector<16xi32> to vector<1xi32>
      %squeeze3A_969 = vector.extract %slice3A_968[0] : i32 from vector<1xi32>
      %slice3A_970 = vector.extract_strided_slice %masked_cumsum3A_938 {offsets = [15], sizes = [1], strides = [1]} : vector<16xi32> to vector<1xi32>
      %squeeze3A_971 = vector.extract %slice3A_970[0] : i32 from vector<1xi32>
      %slice3A_972 = vector.extract_strided_slice %masked_cumsum3A_941 {offsets = [15], sizes = [1], strides = [1]} : vector<16xi32> to vector<1xi32>
      %squeeze3A_973 = vector.extract %slice3A_972[0] : i32 from vector<1xi32>
      %add3A_974 = arith.constant 0 : i32
      %add3A_975 = arith.addi %add3A_974, %squeeze3A_973 : i32
      %add3A_976 = arith.addi %add3A_975, %squeeze3A_971 : i32
      %add3A_977 = arith.addi %add3A_976, %squeeze3A_969 : i32
      %add3A_978 = arith.addi %add3A_977, %squeeze3A_967 : i32
      %add3A_979 = arith.addi %add3A_978, %squeeze3A_965 : i32
      %add3A_980 = arith.addi %add3A_979, %squeeze3A_963 : i32
      %add3A_981 = arith.addi %add3A_980, %squeeze3A_961 : i32
      %add3A_982 = arith.addi %add3A_981, %squeeze3A_959 : i32
      %add3A_983 = arith.addi %add3A_982, %squeeze3A_957 : i32
      %add3A_984 = arith.addi %add3A_983, %squeeze3A_955 : i32
      %add3A_985 = arith.addi %add3A_984, %squeeze3A_953 : i32
      %add3A_986 = arith.addi %add3A_985, %squeeze3A_951 : i32
      %add3A_987 = arith.addi %add3A_986, %squeeze3A_949 : i32
      %add3A_988 = arith.addi %add3A_987, %squeeze3A_947 : i32
      %add3A_989 = arith.addi %add3A_988, %squeeze3A_945 : i32
      %add3A_990 = arith.addi %add3A_989, %squeeze3A_943 : i32
      %broadcast_in_dim3A_991 = vector.broadcast %sub3A_739 : i32 to vector<16xi32>
      %broadcast_in_dim3A_992 = arith.constant 0 : i32
      %broadcast_in_dim3A_993 = vector.broadcast %broadcast_in_dim3A_992 : i32 to vector<16xi32>
      %add3A_994 = arith.addi %masked_cumsum3A_941, %broadcast_in_dim3A_993 : vector<16xi32>
      %ge3A_995 = arith.cmpi sge, %add3A_994, %broadcast_in_dim3A_991 : vector<16xi32>
      %all_reduce_population_count3A_996 = tpu.all_reduce %ge3A_995 {dim = 0 : i64, kind = #tpu.reduction_kind<sum>} : vector<16xi1> -> vector<16xi32>
      %slice3A_997 = vector.extract_strided_slice %all_reduce_population_count3A_996 {offsets = [0], sizes = [1], strides = [1]} : vector<16xi32> to vector<1xi32>
      %squeeze3A_998 = vector.extract %slice3A_997[0] : i32 from vector<1xi32>
      %gt3A_999 = arith.constant 0 : i32
      %gt3A_1000 = arith.cmpi sgt, %squeeze3A_998, %gt3A_999 : i32
      %all_reduce_ffs3A_1001 = tpu.all_reduce %ge3A_995 {dim = 0 : i64, kind = #tpu.reduction_kind<find_first_set>} : vector<16xi1> -> vector<16xi32>
      %broadcast_in_dim3A_1002 = vector.shape_cast %all_reduce_ffs3A_1001 : vector<16xi32> to vector<16x1xi32>
      %gather3A_1003 = vector.shape_cast %broadcast_in_dim3A_1002 : vector<16x1xi32> to vector<16xi32>
      %gather3A_1004 = tpu.dynamic_gather %add3A_994[%gather3A_1003] in [0] : vector<16xi32>, vector<16xi32> -> vector<16xi32>
      %slice3A_1005 = vector.extract_strided_slice %gather3A_1004 {offsets = [0], sizes = [1], strides = [1]} : vector<16xi32> to vector<1xi32>
      %squeeze3A_1006 = vector.extract %slice3A_1005[0] : i32 from vector<1xi32>
      %broadcast_in_dim3A_1007 = vector.shape_cast %all_reduce_ffs3A_1001 : vector<16xi32> to vector<16x1xi32>
      %gather3A_1008 = vector.shape_cast %broadcast_in_dim3A_1007 : vector<16x1xi32> to vector<16xi32>
      %gather3A_1009 = tpu.dynamic_gather %rev3A_893[%gather3A_1008] in [0] : vector<16xi32>, vector<16xi32> -> vector<16xi32>
      %slice3A_1010 = vector.extract_strided_slice %gather3A_1009 {offsets = [0], sizes = [1], strides = [1]} : vector<16xi32> to vector<1xi32>
      %squeeze3A_1011 = vector.extract %slice3A_1010[0] : i32 from vector<1xi32>
      %not3A_1012 = arith.constant false
      %not3A_1013 = arith.constant true
      %not3A_1014 = arith.xori %not3A_1012, %not3A_1013 : i1
      %and3A_1015 = arith.andi %gt3A_1000, %not3A_1014 : i1
      %slice3A_1016 = vector.extract_strided_slice %all_reduce_ffs3A_1001 {offsets = [0], sizes = [1], strides = [1]} : vector<16xi32> to vector<1xi32>
      %squeeze3A_1017 = vector.extract %slice3A_1016[0] : i32 from vector<1xi32>
      %sub3A_1018 = arith.constant 255 : i32
      %sub3A_1019 = arith.subi %sub3A_1018, %squeeze3A_1017 : i32
      %jit3A_1020 = arith.constant 0 : i32
      %select_n3A_1021 = arith.select %and3A_1015, %sub3A_1019, %jit3A_1020 : i32
      %sub3A_1022 = arith.subi %squeeze3A_1006, %squeeze3A_1011 : i32
      %jit3A_1023 = arith.constant 0 : i32
      %select_n3A_1024 = arith.select %and3A_1015, %sub3A_1022, %jit3A_1023 : i32
      %or3A_1025 = arith.constant false
      %or3A_1026 = arith.ori %or3A_1025, %gt3A_1000 : i1
      %broadcast_in_dim3A_1027 = vector.broadcast %add3A_975 : i32 to vector<16xi32>
      %add3A_1028 = arith.addi %masked_cumsum3A_938, %broadcast_in_dim3A_1027 : vector<16xi32>
      %ge3A_1029 = arith.cmpi sge, %add3A_1028, %broadcast_in_dim3A_991 : vector<16xi32>
      %all_reduce_population_count3A_1030 = tpu.all_reduce %ge3A_1029 {dim = 0 : i64, kind = #tpu.reduction_kind<sum>} : vector<16xi1> -> vector<16xi32>
      %slice3A_1031 = vector.extract_strided_slice %all_reduce_population_count3A_1030 {offsets = [0], sizes = [1], strides = [1]} : vector<16xi32> to vector<1xi32>
      %squeeze3A_1032 = vector.extract %slice3A_1031[0] : i32 from vector<1xi32>
      %gt3A_1033 = arith.constant 0 : i32
      %gt3A_1034 = arith.cmpi sgt, %squeeze3A_1032, %gt3A_1033 : i32
      %all_reduce_ffs3A_1035 = tpu.all_reduce %ge3A_1029 {dim = 0 : i64, kind = #tpu.reduction_kind<find_first_set>} : vector<16xi1> -> vector<16xi32>
      %broadcast_in_dim3A_1036 = vector.shape_cast %all_reduce_ffs3A_1035 : vector<16xi32> to vector<16x1xi32>
      %gather3A_1037 = vector.shape_cast %broadcast_in_dim3A_1036 : vector<16x1xi32> to vector<16xi32>
      %gather3A_1038 = tpu.dynamic_gather %add3A_1028[%gather3A_1037] in [0] : vector<16xi32>, vector<16xi32> -> vector<16xi32>
      %slice3A_1039 = vector.extract_strided_slice %gather3A_1038 {offsets = [0], sizes = [1], strides = [1]} : vector<16xi32> to vector<1xi32>
      %squeeze3A_1040 = vector.extract %slice3A_1039[0] : i32 from vector<1xi32>
      %broadcast_in_dim3A_1041 = vector.shape_cast %all_reduce_ffs3A_1035 : vector<16xi32> to vector<16x1xi32>
      %gather3A_1042 = vector.shape_cast %broadcast_in_dim3A_1041 : vector<16x1xi32> to vector<16xi32>
      %gather3A_1043 = tpu.dynamic_gather %rev3A_888[%gather3A_1042] in [0] : vector<16xi32>, vector<16xi32> -> vector<16xi32>
      %slice3A_1044 = vector.extract_strided_slice %gather3A_1043 {offsets = [0], sizes = [1], strides = [1]} : vector<16xi32> to vector<1xi32>
      %squeeze3A_1045 = vector.extract %slice3A_1044[0] : i32 from vector<1xi32>
      %not3A_1046 = arith.constant true
      %not3A_1047 = arith.xori %or3A_1026, %not3A_1046 : i1
      %and3A_1048 = arith.andi %gt3A_1034, %not3A_1047 : i1
      %slice3A_1049 = vector.extract_strided_slice %all_reduce_ffs3A_1035 {offsets = [0], sizes = [1], strides = [1]} : vector<16xi32> to vector<1xi32>
      %squeeze3A_1050 = vector.extract %slice3A_1049[0] : i32 from vector<1xi32>
      %sub3A_1051 = arith.constant 239 : i32
      %sub3A_1052 = arith.subi %sub3A_1051, %squeeze3A_1050 : i32
      %select_n3A_1053 = arith.select %and3A_1048, %sub3A_1052, %select_n3A_1021 : i32
      %sub3A_1054 = arith.subi %squeeze3A_1040, %squeeze3A_1045 : i32
      %select_n3A_1055 = arith.select %and3A_1048, %sub3A_1054, %select_n3A_1024 : i32
      %or3A_1056 = arith.ori %or3A_1026, %gt3A_1034 : i1
      %broadcast_in_dim3A_1057 = vector.broadcast %add3A_976 : i32 to vector<16xi32>
      %add3A_1058 = arith.addi %masked_cumsum3A_935, %broadcast_in_dim3A_1057 : vector<16xi32>
      %ge3A_1059 = arith.cmpi sge, %add3A_1058, %broadcast_in_dim3A_991 : vector<16xi32>
      %all_reduce_population_count3A_1060 = tpu.all_reduce %ge3A_1059 {dim = 0 : i64, kind = #tpu.reduction_kind<sum>} : vector<16xi1> -> vector<16xi32>
      %slice3A_1061 = vector.extract_strided_slice %all_reduce_population_count3A_1060 {offsets = [0], sizes = [1], strides = [1]} : vector<16xi32> to vector<1xi32>
      %squeeze3A_1062 = vector.extract %slice3A_1061[0] : i32 from vector<1xi32>
      %gt3A_1063 = arith.constant 0 : i32
      %gt3A_1064 = arith.cmpi sgt, %squeeze3A_1062, %gt3A_1063 : i32
      %all_reduce_ffs3A_1065 = tpu.all_reduce %ge3A_1059 {dim = 0 : i64, kind = #tpu.reduction_kind<find_first_set>} : vector<16xi1> -> vector<16xi32>
      %broadcast_in_dim3A_1066 = vector.shape_cast %all_reduce_ffs3A_1065 : vector<16xi32> to vector<16x1xi32>
      %gather3A_1067 = vector.shape_cast %broadcast_in_dim3A_1066 : vector<16x1xi32> to vector<16xi32>
      %gather3A_1068 = tpu.dynamic_gather %add3A_1058[%gather3A_1067] in [0] : vector<16xi32>, vector<16xi32> -> vector<16xi32>
      %slice3A_1069 = vector.extract_strided_slice %gather3A_1068 {offsets = [0], sizes = [1], strides = [1]} : vector<16xi32> to vector<1xi32>
      %squeeze3A_1070 = vector.extract %slice3A_1069[0] : i32 from vector<1xi32>
      %broadcast_in_dim3A_1071 = vector.shape_cast %all_reduce_ffs3A_1065 : vector<16xi32> to vector<16x1xi32>
      %gather3A_1072 = vector.shape_cast %broadcast_in_dim3A_1071 : vector<16x1xi32> to vector<16xi32>
      %gather3A_1073 = tpu.dynamic_gather %rev3A_883[%gather3A_1072] in [0] : vector<16xi32>, vector<16xi32> -> vector<16xi32>
      %slice3A_1074 = vector.extract_strided_slice %gather3A_1073 {offsets = [0], sizes = [1], strides = [1]} : vector<16xi32> to vector<1xi32>
      %squeeze3A_1075 = vector.extract %slice3A_1074[0] : i32 from vector<1xi32>
      %not3A_1076 = arith.constant true
      %not3A_1077 = arith.xori %or3A_1056, %not3A_1076 : i1
      %and3A_1078 = arith.andi %gt3A_1064, %not3A_1077 : i1
      %slice3A_1079 = vector.extract_strided_slice %all_reduce_ffs3A_1065 {offsets = [0], sizes = [1], strides = [1]} : vector<16xi32> to vector<1xi32>
      %squeeze3A_1080 = vector.extract %slice3A_1079[0] : i32 from vector<1xi32>
      %sub3A_1081 = arith.constant 223 : i32
      %sub3A_1082 = arith.subi %sub3A_1081, %squeeze3A_1080 : i32
      %select_n3A_1083 = arith.select %and3A_1078, %sub3A_1082, %select_n3A_1053 : i32
      %sub3A_1084 = arith.subi %squeeze3A_1070, %squeeze3A_1075 : i32
      %select_n3A_1085 = arith.select %and3A_1078, %sub3A_1084, %select_n3A_1055 : i32
      %or3A_1086 = arith.ori %or3A_1056, %gt3A_1064 : i1
      %broadcast_in_dim3A_1087 = vector.broadcast %add3A_977 : i32 to vector<16xi32>
      %add3A_1088 = arith.addi %masked_cumsum3A_932, %broadcast_in_dim3A_1087 : vector<16xi32>
      %ge3A_1089 = arith.cmpi sge, %add3A_1088, %broadcast_in_dim3A_991 : vector<16xi32>
      %all_reduce_population_count3A_1090 = tpu.all_reduce %ge3A_1089 {dim = 0 : i64, kind = #tpu.reduction_kind<sum>} : vector<16xi1> -> vector<16xi32>
      %slice3A_1091 = vector.extract_strided_slice %all_reduce_population_count3A_1090 {offsets = [0], sizes = [1], strides = [1]} : vector<16xi32> to vector<1xi32>
      %squeeze3A_1092 = vector.extract %slice3A_1091[0] : i32 from vector<1xi32>
      %gt3A_1093 = arith.constant 0 : i32
      %gt3A_1094 = arith.cmpi sgt, %squeeze3A_1092, %gt3A_1093 : i32
      %all_reduce_ffs3A_1095 = tpu.all_reduce %ge3A_1089 {dim = 0 : i64, kind = #tpu.reduction_kind<find_first_set>} : vector<16xi1> -> vector<16xi32>
      %broadcast_in_dim3A_1096 = vector.shape_cast %all_reduce_ffs3A_1095 : vector<16xi32> to vector<16x1xi32>
      %gather3A_1097 = vector.shape_cast %broadcast_in_dim3A_1096 : vector<16x1xi32> to vector<16xi32>
      %gather3A_1098 = tpu.dynamic_gather %add3A_1088[%gather3A_1097] in [0] : vector<16xi32>, vector<16xi32> -> vector<16xi32>
      %slice3A_1099 = vector.extract_strided_slice %gather3A_1098 {offsets = [0], sizes = [1], strides = [1]} : vector<16xi32> to vector<1xi32>
      %squeeze3A_1100 = vector.extract %slice3A_1099[0] : i32 from vector<1xi32>
      %broadcast_in_dim3A_1101 = vector.shape_cast %all_reduce_ffs3A_1095 : vector<16xi32> to vector<16x1xi32>
      %gather3A_1102 = vector.shape_cast %broadcast_in_dim3A_1101 : vector<16x1xi32> to vector<16xi32>
      %gather3A_1103 = tpu.dynamic_gather %rev3A_878[%gather3A_1102] in [0] : vector<16xi32>, vector<16xi32> -> vector<16xi32>
      %slice3A_1104 = vector.extract_strided_slice %gather3A_1103 {offsets = [0], sizes = [1], strides = [1]} : vector<16xi32> to vector<1xi32>
      %squeeze3A_1105 = vector.extract %slice3A_1104[0] : i32 from vector<1xi32>
      %not3A_1106 = arith.constant true
      %not3A_1107 = arith.xori %or3A_1086, %not3A_1106 : i1
      %and3A_1108 = arith.andi %gt3A_1094, %not3A_1107 : i1
      %slice3A_1109 = vector.extract_strided_slice %all_reduce_ffs3A_1095 {offsets = [0], sizes = [1], strides = [1]} : vector<16xi32> to vector<1xi32>
      %squeeze3A_1110 = vector.extract %slice3A_1109[0] : i32 from vector<1xi32>
      %sub3A_1111 = arith.constant 207 : i32
      %sub3A_1112 = arith.subi %sub3A_1111, %squeeze3A_1110 : i32
      %select_n3A_1113 = arith.select %and3A_1108, %sub3A_1112, %select_n3A_1083 : i32
      %sub3A_1114 = arith.subi %squeeze3A_1100, %squeeze3A_1105 : i32
      %select_n3A_1115 = arith.select %and3A_1108, %sub3A_1114, %select_n3A_1085 : i32
      %or3A_1116 = arith.ori %or3A_1086, %gt3A_1094 : i1
      %broadcast_in_dim3A_1117 = vector.broadcast %add3A_978 : i32 to vector<16xi32>
      %add3A_1118 = arith.addi %masked_cumsum3A_929, %broadcast_in_dim3A_1117 : vector<16xi32>
      %ge3A_1119 = arith.cmpi sge, %add3A_1118, %broadcast_in_dim3A_991 : vector<16xi32>
      %all_reduce_population_count3A_1120 = tpu.all_reduce %ge3A_1119 {dim = 0 : i64, kind = #tpu.reduction_kind<sum>} : vector<16xi1> -> vector<16xi32>
      %slice3A_1121 = vector.extract_strided_slice %all_reduce_population_count3A_1120 {offsets = [0], sizes = [1], strides = [1]} : vector<16xi32> to vector<1xi32>
      %squeeze3A_1122 = vector.extract %slice3A_1121[0] : i32 from vector<1xi32>
      %gt3A_1123 = arith.constant 0 : i32
      %gt3A_1124 = arith.cmpi sgt, %squeeze3A_1122, %gt3A_1123 : i32
      %all_reduce_ffs3A_1125 = tpu.all_reduce %ge3A_1119 {dim = 0 : i64, kind = #tpu.reduction_kind<find_first_set>} : vector<16xi1> -> vector<16xi32>
      %broadcast_in_dim3A_1126 = vector.shape_cast %all_reduce_ffs3A_1125 : vector<16xi32> to vector<16x1xi32>
      %gather3A_1127 = vector.shape_cast %broadcast_in_dim3A_1126 : vector<16x1xi32> to vector<16xi32>
      %gather3A_1128 = tpu.dynamic_gather %add3A_1118[%gather3A_1127] in [0] : vector<16xi32>, vector<16xi32> -> vector<16xi32>
      %slice3A_1129 = vector.extract_strided_slice %gather3A_1128 {offsets = [0], sizes = [1], strides = [1]} : vector<16xi32> to vector<1xi32>
      %squeeze3A_1130 = vector.extract %slice3A_1129[0] : i32 from vector<1xi32>
      %broadcast_in_dim3A_1131 = vector.shape_cast %all_reduce_ffs3A_1125 : vector<16xi32> to vector<16x1xi32>
      %gather3A_1132 = vector.shape_cast %broadcast_in_dim3A_1131 : vector<16x1xi32> to vector<16xi32>
      %gather3A_1133 = tpu.dynamic_gather %rev3A_873[%gather3A_1132] in [0] : vector<16xi32>, vector<16xi32> -> vector<16xi32>
      %slice3A_1134 = vector.extract_strided_slice %gather3A_1133 {offsets = [0], sizes = [1], strides = [1]} : vector<16xi32> to vector<1xi32>
      %squeeze3A_1135 = vector.extract %slice3A_1134[0] : i32 from vector<1xi32>
      %not3A_1136 = arith.constant true
      %not3A_1137 = arith.xori %or3A_1116, %not3A_1136 : i1
      %and3A_1138 = arith.andi %gt3A_1124, %not3A_1137 : i1
      %slice3A_1139 = vector.extract_strided_slice %all_reduce_ffs3A_1125 {offsets = [0], sizes = [1], strides = [1]} : vector<16xi32> to vector<1xi32>
      %squeeze3A_1140 = vector.extract %slice3A_1139[0] : i32 from vector<1xi32>
      %sub3A_1141 = arith.constant 191 : i32
      %sub3A_1142 = arith.subi %sub3A_1141, %squeeze3A_1140 : i32
      %select_n3A_1143 = arith.select %and3A_1138, %sub3A_1142, %select_n3A_1113 : i32
      %sub3A_1144 = arith.subi %squeeze3A_1130, %squeeze3A_1135 : i32
      %select_n3A_1145 = arith.select %and3A_1138, %sub3A_1144, %select_n3A_1115 : i32
      %or3A_1146 = arith.ori %or3A_1116, %gt3A_1124 : i1
      %broadcast_in_dim3A_1147 = vector.broadcast %add3A_979 : i32 to vector<16xi32>
      %add3A_1148 = arith.addi %masked_cumsum3A_926, %broadcast_in_dim3A_1147 : vector<16xi32>
      %ge3A_1149 = arith.cmpi sge, %add3A_1148, %broadcast_in_dim3A_991 : vector<16xi32>
      %all_reduce_population_count3A_1150 = tpu.all_reduce %ge3A_1149 {dim = 0 : i64, kind = #tpu.reduction_kind<sum>} : vector<16xi1> -> vector<16xi32>
      %slice3A_1151 = vector.extract_strided_slice %all_reduce_population_count3A_1150 {offsets = [0], sizes = [1], strides = [1]} : vector<16xi32> to vector<1xi32>
      %squeeze3A_1152 = vector.extract %slice3A_1151[0] : i32 from vector<1xi32>
      %gt3A_1153 = arith.constant 0 : i32
      %gt3A_1154 = arith.cmpi sgt, %squeeze3A_1152, %gt3A_1153 : i32
      %all_reduce_ffs3A_1155 = tpu.all_reduce %ge3A_1149 {dim = 0 : i64, kind = #tpu.reduction_kind<find_first_set>} : vector<16xi1> -> vector<16xi32>
      %broadcast_in_dim3A_1156 = vector.shape_cast %all_reduce_ffs3A_1155 : vector<16xi32> to vector<16x1xi32>
      %gather3A_1157 = vector.shape_cast %broadcast_in_dim3A_1156 : vector<16x1xi32> to vector<16xi32>
      %gather3A_1158 = tpu.dynamic_gather %add3A_1148[%gather3A_1157] in [0] : vector<16xi32>, vector<16xi32> -> vector<16xi32>
      %slice3A_1159 = vector.extract_strided_slice %gather3A_1158 {offsets = [0], sizes = [1], strides = [1]} : vector<16xi32> to vector<1xi32>
      %squeeze3A_1160 = vector.extract %slice3A_1159[0] : i32 from vector<1xi32>
      %broadcast_in_dim3A_1161 = vector.shape_cast %all_reduce_ffs3A_1155 : vector<16xi32> to vector<16x1xi32>
      %gather3A_1162 = vector.shape_cast %broadcast_in_dim3A_1161 : vector<16x1xi32> to vector<16xi32>
      %gather3A_1163 = tpu.dynamic_gather %rev3A_868[%gather3A_1162] in [0] : vector<16xi32>, vector<16xi32> -> vector<16xi32>
      %slice3A_1164 = vector.extract_strided_slice %gather3A_1163 {offsets = [0], sizes = [1], strides = [1]} : vector<16xi32> to vector<1xi32>
      %squeeze3A_1165 = vector.extract %slice3A_1164[0] : i32 from vector<1xi32>
      %not3A_1166 = arith.constant true
      %not3A_1167 = arith.xori %or3A_1146, %not3A_1166 : i1
      %and3A_1168 = arith.andi %gt3A_1154, %not3A_1167 : i1
      %slice3A_1169 = vector.extract_strided_slice %all_reduce_ffs3A_1155 {offsets = [0], sizes = [1], strides = [1]} : vector<16xi32> to vector<1xi32>
      %squeeze3A_1170 = vector.extract %slice3A_1169[0] : i32 from vector<1xi32>
      %sub3A_1171 = arith.constant 175 : i32
      %sub3A_1172 = arith.subi %sub3A_1171, %squeeze3A_1170 : i32
      %select_n3A_1173 = arith.select %and3A_1168, %sub3A_1172, %select_n3A_1143 : i32
      %sub3A_1174 = arith.subi %squeeze3A_1160, %squeeze3A_1165 : i32
      %select_n3A_1175 = arith.select %and3A_1168, %sub3A_1174, %select_n3A_1145 : i32
      %or3A_1176 = arith.ori %or3A_1146, %gt3A_1154 : i1
      %broadcast_in_dim3A_1177 = vector.broadcast %add3A_980 : i32 to vector<16xi32>
      %add3A_1178 = arith.addi %masked_cumsum3A_923, %broadcast_in_dim3A_1177 : vector<16xi32>
      %ge3A_1179 = arith.cmpi sge, %add3A_1178, %broadcast_in_dim3A_991 : vector<16xi32>
      %all_reduce_population_count3A_1180 = tpu.all_reduce %ge3A_1179 {dim = 0 : i64, kind = #tpu.reduction_kind<sum>} : vector<16xi1> -> vector<16xi32>
      %slice3A_1181 = vector.extract_strided_slice %all_reduce_population_count3A_1180 {offsets = [0], sizes = [1], strides = [1]} : vector<16xi32> to vector<1xi32>
      %squeeze3A_1182 = vector.extract %slice3A_1181[0] : i32 from vector<1xi32>
      %gt3A_1183 = arith.constant 0 : i32
      %gt3A_1184 = arith.cmpi sgt, %squeeze3A_1182, %gt3A_1183 : i32
      %all_reduce_ffs3A_1185 = tpu.all_reduce %ge3A_1179 {dim = 0 : i64, kind = #tpu.reduction_kind<find_first_set>} : vector<16xi1> -> vector<16xi32>
      %broadcast_in_dim3A_1186 = vector.shape_cast %all_reduce_ffs3A_1185 : vector<16xi32> to vector<16x1xi32>
      %gather3A_1187 = vector.shape_cast %broadcast_in_dim3A_1186 : vector<16x1xi32> to vector<16xi32>
      %gather3A_1188 = tpu.dynamic_gather %add3A_1178[%gather3A_1187] in [0] : vector<16xi32>, vector<16xi32> -> vector<16xi32>
      %slice3A_1189 = vector.extract_strided_slice %gather3A_1188 {offsets = [0], sizes = [1], strides = [1]} : vector<16xi32> to vector<1xi32>
      %squeeze3A_1190 = vector.extract %slice3A_1189[0] : i32 from vector<1xi32>
      %broadcast_in_dim3A_1191 = vector.shape_cast %all_reduce_ffs3A_1185 : vector<16xi32> to vector<16x1xi32>
      %gather3A_1192 = vector.shape_cast %broadcast_in_dim3A_1191 : vector<16x1xi32> to vector<16xi32>
      %gather3A_1193 = tpu.dynamic_gather %rev3A_863[%gather3A_1192] in [0] : vector<16xi32>, vector<16xi32> -> vector<16xi32>
      %slice3A_1194 = vector.extract_strided_slice %gather3A_1193 {offsets = [0], sizes = [1], strides = [1]} : vector<16xi32> to vector<1xi32>
      %squeeze3A_1195 = vector.extract %slice3A_1194[0] : i32 from vector<1xi32>
      %not3A_1196 = arith.constant true
      %not3A_1197 = arith.xori %or3A_1176, %not3A_1196 : i1
      %and3A_1198 = arith.andi %gt3A_1184, %not3A_1197 : i1
      %slice3A_1199 = vector.extract_strided_slice %all_reduce_ffs3A_1185 {offsets = [0], sizes = [1], strides = [1]} : vector<16xi32> to vector<1xi32>
      %squeeze3A_1200 = vector.extract %slice3A_1199[0] : i32 from vector<1xi32>
      %sub3A_1201 = arith.constant 159 : i32
      %sub3A_1202 = arith.subi %sub3A_1201, %squeeze3A_1200 : i32
      %select_n3A_1203 = arith.select %and3A_1198, %sub3A_1202, %select_n3A_1173 : i32
      %sub3A_1204 = arith.subi %squeeze3A_1190, %squeeze3A_1195 : i32
      %select_n3A_1205 = arith.select %and3A_1198, %sub3A_1204, %select_n3A_1175 : i32
      %or3A_1206 = arith.ori %or3A_1176, %gt3A_1184 : i1
      %broadcast_in_dim3A_1207 = vector.broadcast %add3A_981 : i32 to vector<16xi32>
      %add3A_1208 = arith.addi %masked_cumsum3A_920, %broadcast_in_dim3A_1207 : vector<16xi32>
      %ge3A_1209 = arith.cmpi sge, %add3A_1208, %broadcast_in_dim3A_991 : vector<16xi32>
      %all_reduce_population_count3A_1210 = tpu.all_reduce %ge3A_1209 {dim = 0 : i64, kind = #tpu.reduction_kind<sum>} : vector<16xi1> -> vector<16xi32>
      %slice3A_1211 = vector.extract_strided_slice %all_reduce_population_count3A_1210 {offsets = [0], sizes = [1], strides = [1]} : vector<16xi32> to vector<1xi32>
      %squeeze3A_1212 = vector.extract %slice3A_1211[0] : i32 from vector<1xi32>
      %gt3A_1213 = arith.constant 0 : i32
      %gt3A_1214 = arith.cmpi sgt, %squeeze3A_1212, %gt3A_1213 : i32
      %all_reduce_ffs3A_1215 = tpu.all_reduce %ge3A_1209 {dim = 0 : i64, kind = #tpu.reduction_kind<find_first_set>} : vector<16xi1> -> vector<16xi32>
      %broadcast_in_dim3A_1216 = vector.shape_cast %all_reduce_ffs3A_1215 : vector<16xi32> to vector<16x1xi32>
      %gather3A_1217 = vector.shape_cast %broadcast_in_dim3A_1216 : vector<16x1xi32> to vector<16xi32>
      %gather3A_1218 = tpu.dynamic_gather %add3A_1208[%gather3A_1217] in [0] : vector<16xi32>, vector<16xi32> -> vector<16xi32>
      %slice3A_1219 = vector.extract_strided_slice %gather3A_1218 {offsets = [0], sizes = [1], strides = [1]} : vector<16xi32> to vector<1xi32>
      %squeeze3A_1220 = vector.extract %slice3A_1219[0] : i32 from vector<1xi32>
      %broadcast_in_dim3A_1221 = vector.shape_cast %all_reduce_ffs3A_1215 : vector<16xi32> to vector<16x1xi32>
      %gather3A_1222 = vector.shape_cast %broadcast_in_dim3A_1221 : vector<16x1xi32> to vector<16xi32>
      %gather3A_1223 = tpu.dynamic_gather %rev3A_858[%gather3A_1222] in [0] : vector<16xi32>, vector<16xi32> -> vector<16xi32>
      %slice3A_1224 = vector.extract_strided_slice %gather3A_1223 {offsets = [0], sizes = [1], strides = [1]} : vector<16xi32> to vector<1xi32>
      %squeeze3A_1225 = vector.extract %slice3A_1224[0] : i32 from vector<1xi32>
      %not3A_1226 = arith.constant true
      %not3A_1227 = arith.xori %or3A_1206, %not3A_1226 : i1
      %and3A_1228 = arith.andi %gt3A_1214, %not3A_1227 : i1
      %slice3A_1229 = vector.extract_strided_slice %all_reduce_ffs3A_1215 {offsets = [0], sizes = [1], strides = [1]} : vector<16xi32> to vector<1xi32>
      %squeeze3A_1230 = vector.extract %slice3A_1229[0] : i32 from vector<1xi32>
      %sub3A_1231 = arith.constant 143 : i32
      %sub3A_1232 = arith.subi %sub3A_1231, %squeeze3A_1230 : i32
      %select_n3A_1233 = arith.select %and3A_1228, %sub3A_1232, %select_n3A_1203 : i32
      %sub3A_1234 = arith.subi %squeeze3A_1220, %squeeze3A_1225 : i32
      %select_n3A_1235 = arith.select %and3A_1228, %sub3A_1234, %select_n3A_1205 : i32
      %or3A_1236 = arith.ori %or3A_1206, %gt3A_1214 : i1
      %broadcast_in_dim3A_1237 = vector.broadcast %add3A_982 : i32 to vector<16xi32>
      %add3A_1238 = arith.addi %masked_cumsum3A_917, %broadcast_in_dim3A_1237 : vector<16xi32>
      %ge3A_1239 = arith.cmpi sge, %add3A_1238, %broadcast_in_dim3A_991 : vector<16xi32>
      %all_reduce_population_count3A_1240 = tpu.all_reduce %ge3A_1239 {dim = 0 : i64, kind = #tpu.reduction_kind<sum>} : vector<16xi1> -> vector<16xi32>
      %slice3A_1241 = vector.extract_strided_slice %all_reduce_population_count3A_1240 {offsets = [0], sizes = [1], strides = [1]} : vector<16xi32> to vector<1xi32>
      %squeeze3A_1242 = vector.extract %slice3A_1241[0] : i32 from vector<1xi32>
      %gt3A_1243 = arith.constant 0 : i32
      %gt3A_1244 = arith.cmpi sgt, %squeeze3A_1242, %gt3A_1243 : i32
      %all_reduce_ffs3A_1245 = tpu.all_reduce %ge3A_1239 {dim = 0 : i64, kind = #tpu.reduction_kind<find_first_set>} : vector<16xi1> -> vector<16xi32>
      %broadcast_in_dim3A_1246 = vector.shape_cast %all_reduce_ffs3A_1245 : vector<16xi32> to vector<16x1xi32>
      %gather3A_1247 = vector.shape_cast %broadcast_in_dim3A_1246 : vector<16x1xi32> to vector<16xi32>
      %gather3A_1248 = tpu.dynamic_gather %add3A_1238[%gather3A_1247] in [0] : vector<16xi32>, vector<16xi32> -> vector<16xi32>
      %slice3A_1249 = vector.extract_strided_slice %gather3A_1248 {offsets = [0], sizes = [1], strides = [1]} : vector<16xi32> to vector<1xi32>
      %squeeze3A_1250 = vector.extract %slice3A_1249[0] : i32 from vector<1xi32>
      %broadcast_in_dim3A_1251 = vector.shape_cast %all_reduce_ffs3A_1245 : vector<16xi32> to vector<16x1xi32>
      %gather3A_1252 = vector.shape_cast %broadcast_in_dim3A_1251 : vector<16x1xi32> to vector<16xi32>
      %gather3A_1253 = tpu.dynamic_gather %rev3A_853[%gather3A_1252] in [0] : vector<16xi32>, vector<16xi32> -> vector<16xi32>
      %slice3A_1254 = vector.extract_strided_slice %gather3A_1253 {offsets = [0], sizes = [1], strides = [1]} : vector<16xi32> to vector<1xi32>
      %squeeze3A_1255 = vector.extract %slice3A_1254[0] : i32 from vector<1xi32>
      %not3A_1256 = arith.constant true
      %not3A_1257 = arith.xori %or3A_1236, %not3A_1256 : i1
      %and3A_1258 = arith.andi %gt3A_1244, %not3A_1257 : i1
      %slice3A_1259 = vector.extract_strided_slice %all_reduce_ffs3A_1245 {offsets = [0], sizes = [1], strides = [1]} : vector<16xi32> to vector<1xi32>
      %squeeze3A_1260 = vector.extract %slice3A_1259[0] : i32 from vector<1xi32>
      %sub3A_1261 = arith.constant 127 : i32
      %sub3A_1262 = arith.subi %sub3A_1261, %squeeze3A_1260 : i32
      %select_n3A_1263 = arith.select %and3A_1258, %sub3A_1262, %select_n3A_1233 : i32
      %sub3A_1264 = arith.subi %squeeze3A_1250, %squeeze3A_1255 : i32
      %select_n3A_1265 = arith.select %and3A_1258, %sub3A_1264, %select_n3A_1235 : i32
      %or3A_1266 = arith.ori %or3A_1236, %gt3A_1244 : i1
      %broadcast_in_dim3A_1267 = vector.broadcast %add3A_983 : i32 to vector<16xi32>
      %add3A_1268 = arith.addi %masked_cumsum3A_914, %broadcast_in_dim3A_1267 : vector<16xi32>
      %ge3A_1269 = arith.cmpi sge, %add3A_1268, %broadcast_in_dim3A_991 : vector<16xi32>
      %all_reduce_population_count3A_1270 = tpu.all_reduce %ge3A_1269 {dim = 0 : i64, kind = #tpu.reduction_kind<sum>} : vector<16xi1> -> vector<16xi32>
      %slice3A_1271 = vector.extract_strided_slice %all_reduce_population_count3A_1270 {offsets = [0], sizes = [1], strides = [1]} : vector<16xi32> to vector<1xi32>
      %squeeze3A_1272 = vector.extract %slice3A_1271[0] : i32 from vector<1xi32>
      %gt3A_1273 = arith.constant 0 : i32
      %gt3A_1274 = arith.cmpi sgt, %squeeze3A_1272, %gt3A_1273 : i32
      %all_reduce_ffs3A_1275 = tpu.all_reduce %ge3A_1269 {dim = 0 : i64, kind = #tpu.reduction_kind<find_first_set>} : vector<16xi1> -> vector<16xi32>
      %broadcast_in_dim3A_1276 = vector.shape_cast %all_reduce_ffs3A_1275 : vector<16xi32> to vector<16x1xi32>
      %gather3A_1277 = vector.shape_cast %broadcast_in_dim3A_1276 : vector<16x1xi32> to vector<16xi32>
      %gather3A_1278 = tpu.dynamic_gather %add3A_1268[%gather3A_1277] in [0] : vector<16xi32>, vector<16xi32> -> vector<16xi32>
      %slice3A_1279 = vector.extract_strided_slice %gather3A_1278 {offsets = [0], sizes = [1], strides = [1]} : vector<16xi32> to vector<1xi32>
      %squeeze3A_1280 = vector.extract %slice3A_1279[0] : i32 from vector<1xi32>
      %broadcast_in_dim3A_1281 = vector.shape_cast %all_reduce_ffs3A_1275 : vector<16xi32> to vector<16x1xi32>
      %gather3A_1282 = vector.shape_cast %broadcast_in_dim3A_1281 : vector<16x1xi32> to vector<16xi32>
      %gather3A_1283 = tpu.dynamic_gather %rev3A_848[%gather3A_1282] in [0] : vector<16xi32>, vector<16xi32> -> vector<16xi32>
      %slice3A_1284 = vector.extract_strided_slice %gather3A_1283 {offsets = [0], sizes = [1], strides = [1]} : vector<16xi32> to vector<1xi32>
      %squeeze3A_1285 = vector.extract %slice3A_1284[0] : i32 from vector<1xi32>
      %not3A_1286 = arith.constant true
      %not3A_1287 = arith.xori %or3A_1266, %not3A_1286 : i1
      %and3A_1288 = arith.andi %gt3A_1274, %not3A_1287 : i1
      %slice3A_1289 = vector.extract_strided_slice %all_reduce_ffs3A_1275 {offsets = [0], sizes = [1], strides = [1]} : vector<16xi32> to vector<1xi32>
      %squeeze3A_1290 = vector.extract %slice3A_1289[0] : i32 from vector<1xi32>
      %sub3A_1291 = arith.constant 111 : i32
      %sub3A_1292 = arith.subi %sub3A_1291, %squeeze3A_1290 : i32
      %select_n3A_1293 = arith.select %and3A_1288, %sub3A_1292, %select_n3A_1263 : i32
      %sub3A_1294 = arith.subi %squeeze3A_1280, %squeeze3A_1285 : i32
      %select_n3A_1295 = arith.select %and3A_1288, %sub3A_1294, %select_n3A_1265 : i32
      %or3A_1296 = arith.ori %or3A_1266, %gt3A_1274 : i1
      %broadcast_in_dim3A_1297 = vector.broadcast %add3A_984 : i32 to vector<16xi32>
      %add3A_1298 = arith.addi %masked_cumsum3A_911, %broadcast_in_dim3A_1297 : vector<16xi32>
      %ge3A_1299 = arith.cmpi sge, %add3A_1298, %broadcast_in_dim3A_991 : vector<16xi32>
      %all_reduce_population_count3A_1300 = tpu.all_reduce %ge3A_1299 {dim = 0 : i64, kind = #tpu.reduction_kind<sum>} : vector<16xi1> -> vector<16xi32>
      %slice3A_1301 = vector.extract_strided_slice %all_reduce_population_count3A_1300 {offsets = [0], sizes = [1], strides = [1]} : vector<16xi32> to vector<1xi32>
      %squeeze3A_1302 = vector.extract %slice3A_1301[0] : i32 from vector<1xi32>
      %gt3A_1303 = arith.constant 0 : i32
      %gt3A_1304 = arith.cmpi sgt, %squeeze3A_1302, %gt3A_1303 : i32
      %all_reduce_ffs3A_1305 = tpu.all_reduce %ge3A_1299 {dim = 0 : i64, kind = #tpu.reduction_kind<find_first_set>} : vector<16xi1> -> vector<16xi32>
      %broadcast_in_dim3A_1306 = vector.shape_cast %all_reduce_ffs3A_1305 : vector<16xi32> to vector<16x1xi32>
      %gather3A_1307 = vector.shape_cast %broadcast_in_dim3A_1306 : vector<16x1xi32> to vector<16xi32>
      %gather3A_1308 = tpu.dynamic_gather %add3A_1298[%gather3A_1307] in [0] : vector<16xi32>, vector<16xi32> -> vector<16xi32>
      %slice3A_1309 = vector.extract_strided_slice %gather3A_1308 {offsets = [0], sizes = [1], strides = [1]} : vector<16xi32> to vector<1xi32>
      %squeeze3A_1310 = vector.extract %slice3A_1309[0] : i32 from vector<1xi32>
      %broadcast_in_dim3A_1311 = vector.shape_cast %all_reduce_ffs3A_1305 : vector<16xi32> to vector<16x1xi32>
      %gather3A_1312 = vector.shape_cast %broadcast_in_dim3A_1311 : vector<16x1xi32> to vector<16xi32>
      %gather3A_1313 = tpu.dynamic_gather %rev3A_843[%gather3A_1312] in [0] : vector<16xi32>, vector<16xi32> -> vector<16xi32>
      %slice3A_1314 = vector.extract_strided_slice %gather3A_1313 {offsets = [0], sizes = [1], strides = [1]} : vector<16xi32> to vector<1xi32>
      %squeeze3A_1315 = vector.extract %slice3A_1314[0] : i32 from vector<1xi32>
      %not3A_1316 = arith.constant true
      %not3A_1317 = arith.xori %or3A_1296, %not3A_1316 : i1
      %and3A_1318 = arith.andi %gt3A_1304, %not3A_1317 : i1
      %slice3A_1319 = vector.extract_strided_slice %all_reduce_ffs3A_1305 {offsets = [0], sizes = [1], strides = [1]} : vector<16xi32> to vector<1xi32>
      %squeeze3A_1320 = vector.extract %slice3A_1319[0] : i32 from vector<1xi32>
      %sub3A_1321 = arith.constant 95 : i32
      %sub3A_1322 = arith.subi %sub3A_1321, %squeeze3A_1320 : i32
      %select_n3A_1323 = arith.select %and3A_1318, %sub3A_1322, %select_n3A_1293 : i32
      %sub3A_1324 = arith.subi %squeeze3A_1310, %squeeze3A_1315 : i32
      %select_n3A_1325 = arith.select %and3A_1318, %sub3A_1324, %select_n3A_1295 : i32
      %or3A_1326 = arith.ori %or3A_1296, %gt3A_1304 : i1
      %broadcast_in_dim3A_1327 = vector.broadcast %add3A_985 : i32 to vector<16xi32>
      %add3A_1328 = arith.addi %masked_cumsum3A_908, %broadcast_in_dim3A_1327 : vector<16xi32>
      %ge3A_1329 = arith.cmpi sge, %add3A_1328, %broadcast_in_dim3A_991 : vector<16xi32>
      %all_reduce_population_count3A_1330 = tpu.all_reduce %ge3A_1329 {dim = 0 : i64, kind = #tpu.reduction_kind<sum>} : vector<16xi1> -> vector<16xi32>
      %slice3A_1331 = vector.extract_strided_slice %all_reduce_population_count3A_1330 {offsets = [0], sizes = [1], strides = [1]} : vector<16xi32> to vector<1xi32>
      %squeeze3A_1332 = vector.extract %slice3A_1331[0] : i32 from vector<1xi32>
      %gt3A_1333 = arith.constant 0 : i32
      %gt3A_1334 = arith.cmpi sgt, %squeeze3A_1332, %gt3A_1333 : i32
      %all_reduce_ffs3A_1335 = tpu.all_reduce %ge3A_1329 {dim = 0 : i64, kind = #tpu.reduction_kind<find_first_set>} : vector<16xi1> -> vector<16xi32>
      %broadcast_in_dim3A_1336 = vector.shape_cast %all_reduce_ffs3A_1335 : vector<16xi32> to vector<16x1xi32>
      %gather3A_1337 = vector.shape_cast %broadcast_in_dim3A_1336 : vector<16x1xi32> to vector<16xi32>
      %gather3A_1338 = tpu.dynamic_gather %add3A_1328[%gather3A_1337] in [0] : vector<16xi32>, vector<16xi32> -> vector<16xi32>
      %slice3A_1339 = vector.extract_strided_slice %gather3A_1338 {offsets = [0], sizes = [1], strides = [1]} : vector<16xi32> to vector<1xi32>
      %squeeze3A_1340 = vector.extract %slice3A_1339[0] : i32 from vector<1xi32>
      %broadcast_in_dim3A_1341 = vector.shape_cast %all_reduce_ffs3A_1335 : vector<16xi32> to vector<16x1xi32>
      %gather3A_1342 = vector.shape_cast %broadcast_in_dim3A_1341 : vector<16x1xi32> to vector<16xi32>
      %gather3A_1343 = tpu.dynamic_gather %rev3A_838[%gather3A_1342] in [0] : vector<16xi32>, vector<16xi32> -> vector<16xi32>
      %slice3A_1344 = vector.extract_strided_slice %gather3A_1343 {offsets = [0], sizes = [1], strides = [1]} : vector<16xi32> to vector<1xi32>
      %squeeze3A_1345 = vector.extract %slice3A_1344[0] : i32 from vector<1xi32>
      %not3A_1346 = arith.constant true
      %not3A_1347 = arith.xori %or3A_1326, %not3A_1346 : i1
      %and3A_1348 = arith.andi %gt3A_1334, %not3A_1347 : i1
      %slice3A_1349 = vector.extract_strided_slice %all_reduce_ffs3A_1335 {offsets = [0], sizes = [1], strides = [1]} : vector<16xi32> to vector<1xi32>
      %squeeze3A_1350 = vector.extract %slice3A_1349[0] : i32 from vector<1xi32>
      %sub3A_1351 = arith.constant 79 : i32
      %sub3A_1352 = arith.subi %sub3A_1351, %squeeze3A_1350 : i32
      %select_n3A_1353 = arith.select %and3A_1348, %sub3A_1352, %select_n3A_1323 : i32
      %sub3A_1354 = arith.subi %squeeze3A_1340, %squeeze3A_1345 : i32
      %select_n3A_1355 = arith.select %and3A_1348, %sub3A_1354, %select_n3A_1325 : i32
      %or3A_1356 = arith.ori %or3A_1326, %gt3A_1334 : i1
      %broadcast_in_dim3A_1357 = vector.broadcast %add3A_986 : i32 to vector<16xi32>
      %add3A_1358 = arith.addi %masked_cumsum3A_905, %broadcast_in_dim3A_1357 : vector<16xi32>
      %ge3A_1359 = arith.cmpi sge, %add3A_1358, %broadcast_in_dim3A_991 : vector<16xi32>
      %all_reduce_population_count3A_1360 = tpu.all_reduce %ge3A_1359 {dim = 0 : i64, kind = #tpu.reduction_kind<sum>} : vector<16xi1> -> vector<16xi32>
      %slice3A_1361 = vector.extract_strided_slice %all_reduce_population_count3A_1360 {offsets = [0], sizes = [1], strides = [1]} : vector<16xi32> to vector<1xi32>
      %squeeze3A_1362 = vector.extract %slice3A_1361[0] : i32 from vector<1xi32>
      %gt3A_1363 = arith.constant 0 : i32
      %gt3A_1364 = arith.cmpi sgt, %squeeze3A_1362, %gt3A_1363 : i32
      %all_reduce_ffs3A_1365 = tpu.all_reduce %ge3A_1359 {dim = 0 : i64, kind = #tpu.reduction_kind<find_first_set>} : vector<16xi1> -> vector<16xi32>
      %broadcast_in_dim3A_1366 = vector.shape_cast %all_reduce_ffs3A_1365 : vector<16xi32> to vector<16x1xi32>
      %gather3A_1367 = vector.shape_cast %broadcast_in_dim3A_1366 : vector<16x1xi32> to vector<16xi32>
      %gather3A_1368 = tpu.dynamic_gather %add3A_1358[%gather3A_1367] in [0] : vector<16xi32>, vector<16xi32> -> vector<16xi32>
      %slice3A_1369 = vector.extract_strided_slice %gather3A_1368 {offsets = [0], sizes = [1], strides = [1]} : vector<16xi32> to vector<1xi32>
      %squeeze3A_1370 = vector.extract %slice3A_1369[0] : i32 from vector<1xi32>
      %broadcast_in_dim3A_1371 = vector.shape_cast %all_reduce_ffs3A_1365 : vector<16xi32> to vector<16x1xi32>
      %gather3A_1372 = vector.shape_cast %broadcast_in_dim3A_1371 : vector<16x1xi32> to vector<16xi32>
      %gather3A_1373 = tpu.dynamic_gather %rev3A_833[%gather3A_1372] in [0] : vector<16xi32>, vector<16xi32> -> vector<16xi32>
      %slice3A_1374 = vector.extract_strided_slice %gather3A_1373 {offsets = [0], sizes = [1], strides = [1]} : vector<16xi32> to vector<1xi32>
      %squeeze3A_1375 = vector.extract %slice3A_1374[0] : i32 from vector<1xi32>
      %not3A_1376 = arith.constant true
      %not3A_1377 = arith.xori %or3A_1356, %not3A_1376 : i1
      %and3A_1378 = arith.andi %gt3A_1364, %not3A_1377 : i1
      %slice3A_1379 = vector.extract_strided_slice %all_reduce_ffs3A_1365 {offsets = [0], sizes = [1], strides = [1]} : vector<16xi32> to vector<1xi32>
      %squeeze3A_1380 = vector.extract %slice3A_1379[0] : i32 from vector<1xi32>
      %sub3A_1381 = arith.constant 63 : i32
      %sub3A_1382 = arith.subi %sub3A_1381, %squeeze3A_1380 : i32
      %select_n3A_1383 = arith.select %and3A_1378, %sub3A_1382, %select_n3A_1353 : i32
      %sub3A_1384 = arith.subi %squeeze3A_1370, %squeeze3A_1375 : i32
      %select_n3A_1385 = arith.select %and3A_1378, %sub3A_1384, %select_n3A_1355 : i32
      %or3A_1386 = arith.ori %or3A_1356, %gt3A_1364 : i1
      %broadcast_in_dim3A_1387 = vector.broadcast %add3A_987 : i32 to vector<16xi32>
      %add3A_1388 = arith.addi %masked_cumsum3A_902, %broadcast_in_dim3A_1387 : vector<16xi32>
      %ge3A_1389 = arith.cmpi sge, %add3A_1388, %broadcast_in_dim3A_991 : vector<16xi32>
      %all_reduce_population_count3A_1390 = tpu.all_reduce %ge3A_1389 {dim = 0 : i64, kind = #tpu.reduction_kind<sum>} : vector<16xi1> -> vector<16xi32>
      %slice3A_1391 = vector.extract_strided_slice %all_reduce_population_count3A_1390 {offsets = [0], sizes = [1], strides = [1]} : vector<16xi32> to vector<1xi32>
      %squeeze3A_1392 = vector.extract %slice3A_1391[0] : i32 from vector<1xi32>
      %gt3A_1393 = arith.constant 0 : i32
      %gt3A_1394 = arith.cmpi sgt, %squeeze3A_1392, %gt3A_1393 : i32
      %all_reduce_ffs3A_1395 = tpu.all_reduce %ge3A_1389 {dim = 0 : i64, kind = #tpu.reduction_kind<find_first_set>} : vector<16xi1> -> vector<16xi32>
      %broadcast_in_dim3A_1396 = vector.shape_cast %all_reduce_ffs3A_1395 : vector<16xi32> to vector<16x1xi32>
      %gather3A_1397 = vector.shape_cast %broadcast_in_dim3A_1396 : vector<16x1xi32> to vector<16xi32>
      %gather3A_1398 = tpu.dynamic_gather %add3A_1388[%gather3A_1397] in [0] : vector<16xi32>, vector<16xi32> -> vector<16xi32>
      %slice3A_1399 = vector.extract_strided_slice %gather3A_1398 {offsets = [0], sizes = [1], strides = [1]} : vector<16xi32> to vector<1xi32>
      %squeeze3A_1400 = vector.extract %slice3A_1399[0] : i32 from vector<1xi32>
      %broadcast_in_dim3A_1401 = vector.shape_cast %all_reduce_ffs3A_1395 : vector<16xi32> to vector<16x1xi32>
      %gather3A_1402 = vector.shape_cast %broadcast_in_dim3A_1401 : vector<16x1xi32> to vector<16xi32>
      %gather3A_1403 = tpu.dynamic_gather %rev3A_828[%gather3A_1402] in [0] : vector<16xi32>, vector<16xi32> -> vector<16xi32>
      %slice3A_1404 = vector.extract_strided_slice %gather3A_1403 {offsets = [0], sizes = [1], strides = [1]} : vector<16xi32> to vector<1xi32>
      %squeeze3A_1405 = vector.extract %slice3A_1404[0] : i32 from vector<1xi32>
      %not3A_1406 = arith.constant true
      %not3A_1407 = arith.xori %or3A_1386, %not3A_1406 : i1
      %and3A_1408 = arith.andi %gt3A_1394, %not3A_1407 : i1
      %slice3A_1409 = vector.extract_strided_slice %all_reduce_ffs3A_1395 {offsets = [0], sizes = [1], strides = [1]} : vector<16xi32> to vector<1xi32>
      %squeeze3A_1410 = vector.extract %slice3A_1409[0] : i32 from vector<1xi32>
      %sub3A_1411 = arith.constant 47 : i32
      %sub3A_1412 = arith.subi %sub3A_1411, %squeeze3A_1410 : i32
      %select_n3A_1413 = arith.select %and3A_1408, %sub3A_1412, %select_n3A_1383 : i32
      %sub3A_1414 = arith.subi %squeeze3A_1400, %squeeze3A_1405 : i32
      %select_n3A_1415 = arith.select %and3A_1408, %sub3A_1414, %select_n3A_1385 : i32
      %or3A_1416 = arith.ori %or3A_1386, %gt3A_1394 : i1
      %broadcast_in_dim3A_1417 = vector.broadcast %add3A_988 : i32 to vector<16xi32>
      %add3A_1418 = arith.addi %masked_cumsum3A_899, %broadcast_in_dim3A_1417 : vector<16xi32>
      %ge3A_1419 = arith.cmpi sge, %add3A_1418, %broadcast_in_dim3A_991 : vector<16xi32>
      %all_reduce_population_count3A_1420 = tpu.all_reduce %ge3A_1419 {dim = 0 : i64, kind = #tpu.reduction_kind<sum>} : vector<16xi1> -> vector<16xi32>
      %slice3A_1421 = vector.extract_strided_slice %all_reduce_population_count3A_1420 {offsets = [0], sizes = [1], strides = [1]} : vector<16xi32> to vector<1xi32>
      %squeeze3A_1422 = vector.extract %slice3A_1421[0] : i32 from vector<1xi32>
      %gt3A_1423 = arith.constant 0 : i32
      %gt3A_1424 = arith.cmpi sgt, %squeeze3A_1422, %gt3A_1423 : i32
      %all_reduce_ffs3A_1425 = tpu.all_reduce %ge3A_1419 {dim = 0 : i64, kind = #tpu.reduction_kind<find_first_set>} : vector<16xi1> -> vector<16xi32>
      %broadcast_in_dim3A_1426 = vector.shape_cast %all_reduce_ffs3A_1425 : vector<16xi32> to vector<16x1xi32>
      %gather3A_1427 = vector.shape_cast %broadcast_in_dim3A_1426 : vector<16x1xi32> to vector<16xi32>
      %gather3A_1428 = tpu.dynamic_gather %add3A_1418[%gather3A_1427] in [0] : vector<16xi32>, vector<16xi32> -> vector<16xi32>
      %slice3A_1429 = vector.extract_strided_slice %gather3A_1428 {offsets = [0], sizes = [1], strides = [1]} : vector<16xi32> to vector<1xi32>
      %squeeze3A_1430 = vector.extract %slice3A_1429[0] : i32 from vector<1xi32>
      %broadcast_in_dim3A_1431 = vector.shape_cast %all_reduce_ffs3A_1425 : vector<16xi32> to vector<16x1xi32>
      %gather3A_1432 = vector.shape_cast %broadcast_in_dim3A_1431 : vector<16x1xi32> to vector<16xi32>
      %gather3A_1433 = tpu.dynamic_gather %rev3A_823[%gather3A_1432] in [0] : vector<16xi32>, vector<16xi32> -> vector<16xi32>
      %slice3A_1434 = vector.extract_strided_slice %gather3A_1433 {offsets = [0], sizes = [1], strides = [1]} : vector<16xi32> to vector<1xi32>
      %squeeze3A_1435 = vector.extract %slice3A_1434[0] : i32 from vector<1xi32>
      %not3A_1436 = arith.constant true
      %not3A_1437 = arith.xori %or3A_1416, %not3A_1436 : i1
      %and3A_1438 = arith.andi %gt3A_1424, %not3A_1437 : i1
      %slice3A_1439 = vector.extract_strided_slice %all_reduce_ffs3A_1425 {offsets = [0], sizes = [1], strides = [1]} : vector<16xi32> to vector<1xi32>
      %squeeze3A_1440 = vector.extract %slice3A_1439[0] : i32 from vector<1xi32>
      %sub3A_1441 = arith.constant 31 : i32
      %sub3A_1442 = arith.subi %sub3A_1441, %squeeze3A_1440 : i32
      %select_n3A_1443 = arith.select %and3A_1438, %sub3A_1442, %select_n3A_1413 : i32
      %sub3A_1444 = arith.subi %squeeze3A_1430, %squeeze3A_1435 : i32
      %select_n3A_1445 = arith.select %and3A_1438, %sub3A_1444, %select_n3A_1415 : i32
      %or3A_1446 = arith.ori %or3A_1416, %gt3A_1424 : i1
      %broadcast_in_dim3A_1447 = vector.broadcast %add3A_989 : i32 to vector<16xi32>
      %add3A_1448 = arith.addi %masked_cumsum3A_896, %broadcast_in_dim3A_1447 : vector<16xi32>
      %ge3A_1449 = arith.cmpi sge, %add3A_1448, %broadcast_in_dim3A_991 : vector<16xi32>
      %all_reduce_population_count3A_1450 = tpu.all_reduce %ge3A_1449 {dim = 0 : i64, kind = #tpu.reduction_kind<sum>} : vector<16xi1> -> vector<16xi32>
      %slice3A_1451 = vector.extract_strided_slice %all_reduce_population_count3A_1450 {offsets = [0], sizes = [1], strides = [1]} : vector<16xi32> to vector<1xi32>
      %squeeze3A_1452 = vector.extract %slice3A_1451[0] : i32 from vector<1xi32>
      %gt3A_1453 = arith.constant 0 : i32
      %gt3A_1454 = arith.cmpi sgt, %squeeze3A_1452, %gt3A_1453 : i32
      %all_reduce_ffs3A_1455 = tpu.all_reduce %ge3A_1449 {dim = 0 : i64, kind = #tpu.reduction_kind<find_first_set>} : vector<16xi1> -> vector<16xi32>
      %broadcast_in_dim3A_1456 = vector.shape_cast %all_reduce_ffs3A_1455 : vector<16xi32> to vector<16x1xi32>
      %gather3A_1457 = vector.shape_cast %broadcast_in_dim3A_1456 : vector<16x1xi32> to vector<16xi32>
      %gather3A_1458 = tpu.dynamic_gather %add3A_1448[%gather3A_1457] in [0] : vector<16xi32>, vector<16xi32> -> vector<16xi32>
      %slice3A_1459 = vector.extract_strided_slice %gather3A_1458 {offsets = [0], sizes = [1], strides = [1]} : vector<16xi32> to vector<1xi32>
      %squeeze3A_1460 = vector.extract %slice3A_1459[0] : i32 from vector<1xi32>
      %broadcast_in_dim3A_1461 = vector.shape_cast %all_reduce_ffs3A_1455 : vector<16xi32> to vector<16x1xi32>
      %gather3A_1462 = vector.shape_cast %broadcast_in_dim3A_1461 : vector<16x1xi32> to vector<16xi32>
      %gather3A_1463 = tpu.dynamic_gather %rev3A_818[%gather3A_1462] in [0] : vector<16xi32>, vector<16xi32> -> vector<16xi32>
      %slice3A_1464 = vector.extract_strided_slice %gather3A_1463 {offsets = [0], sizes = [1], strides = [1]} : vector<16xi32> to vector<1xi32>
      %squeeze3A_1465 = vector.extract %slice3A_1464[0] : i32 from vector<1xi32>
      %not3A_1466 = arith.constant true
      %not3A_1467 = arith.xori %or3A_1446, %not3A_1466 : i1
      %and3A_1468 = arith.andi %gt3A_1454, %not3A_1467 : i1
      %slice3A_1469 = vector.extract_strided_slice %all_reduce_ffs3A_1455 {offsets = [0], sizes = [1], strides = [1]} : vector<16xi32> to vector<1xi32>
      %squeeze3A_1470 = vector.extract %slice3A_1469[0] : i32 from vector<1xi32>
      %sub3A_1471 = arith.constant 15 : i32
      %sub3A_1472 = arith.subi %sub3A_1471, %squeeze3A_1470 : i32
      %select_n3A_1473 = arith.select %and3A_1468, %sub3A_1472, %select_n3A_1443 : i32
      %sub3A_1474 = arith.subi %squeeze3A_1460, %squeeze3A_1465 : i32
      %select_n3A_1475 = arith.select %and3A_1468, %sub3A_1474, %select_n3A_1445 : i32
      %or3A_1476 = arith.ori %or3A_1446, %gt3A_1454 : i1
      %sub3A_1477 = arith.subi %sub3A_739, %select_n3A_1475 : i32
      %swap3A_1478 = arith.constant 0 : index
      %swap3A_1479 = tpu.vector_load %arg5[%swap3A_1478] {strides = array<i32>} : memref<256xi32, #tpu.memory_space<vmem>>, vector<16xi32>,
      tpu.vector_store %arg5[%swap3A_1478], %broadcast_in_dim3A_3 {strides = array<i32>} : memref<256xi32, #tpu.memory_space<vmem>>, vector<16xi32>,
      %swap3A_1480 = arith.constant 16 : index
      %swap3A_1481 = tpu.vector_load %arg5[%swap3A_1480] {strides = array<i32>} : memref<256xi32, #tpu.memory_space<vmem>>, vector<16xi32>,
      tpu.vector_store %arg5[%swap3A_1480], %broadcast_in_dim3A_3 {strides = array<i32>} : memref<256xi32, #tpu.memory_space<vmem>>, vector<16xi32>,
      %swap3A_1482 = arith.constant 32 : index
      %swap3A_1483 = tpu.vector_load %arg5[%swap3A_1482] {strides = array<i32>} : memref<256xi32, #tpu.memory_space<vmem>>, vector<16xi32>,
      tpu.vector_store %arg5[%swap3A_1482], %broadcast_in_dim3A_3 {strides = array<i32>} : memref<256xi32, #tpu.memory_space<vmem>>, vector<16xi32>,
      %swap3A_1484 = arith.constant 48 : index
      %swap3A_1485 = tpu.vector_load %arg5[%swap3A_1484] {strides = array<i32>} : memref<256xi32, #tpu.memory_space<vmem>>, vector<16xi32>,
      tpu.vector_store %arg5[%swap3A_1484], %broadcast_in_dim3A_3 {strides = array<i32>} : memref<256xi32, #tpu.memory_space<vmem>>, vector<16xi32>,
      %swap3A_1486 = arith.constant 64 : index
      %swap3A_1487 = tpu.vector_load %arg5[%swap3A_1486] {strides = array<i32>} : memref<256xi32, #tpu.memory_space<vmem>>, vector<16xi32>,
      tpu.vector_store %arg5[%swap3A_1486], %broadcast_in_dim3A_3 {strides = array<i32>} : memref<256xi32, #tpu.memory_space<vmem>>, vector<16xi32>,
      %swap3A_1488 = arith.constant 80 : index
      %swap3A_1489 = tpu.vector_load %arg5[%swap3A_1488] {strides = array<i32>} : memref<256xi32, #tpu.memory_space<vmem>>, vector<16xi32>,
      tpu.vector_store %arg5[%swap3A_1488], %broadcast_in_dim3A_3 {strides = array<i32>} : memref<256xi32, #tpu.memory_space<vmem>>, vector<16xi32>,
      %swap3A_1490 = arith.constant 96 : index
      %swap3A_1491 = tpu.vector_load %arg5[%swap3A_1490] {strides = array<i32>} : memref<256xi32, #tpu.memory_space<vmem>>, vector<16xi32>,
      tpu.vector_store %arg5[%swap3A_1490], %broadcast_in_dim3A_3 {strides = array<i32>} : memref<256xi32, #tpu.memory_space<vmem>>, vector<16xi32>,
      %swap3A_1492 = arith.constant 112 : index
      %swap3A_1493 = tpu.vector_load %arg5[%swap3A_1492] {strides = array<i32>} : memref<256xi32, #tpu.memory_space<vmem>>, vector<16xi32>,
      tpu.vector_store %arg5[%swap3A_1492], %broadcast_in_dim3A_3 {strides = array<i32>} : memref<256xi32, #tpu.memory_space<vmem>>, vector<16xi32>,
      %swap3A_1494 = arith.constant 128 : index
      %swap3A_1495 = tpu.vector_load %arg5[%swap3A_1494] {strides = array<i32>} : memref<256xi32, #tpu.memory_space<vmem>>, vector<16xi32>,
      tpu.vector_store %arg5[%swap3A_1494], %broadcast_in_dim3A_3 {strides = array<i32>} : memref<256xi32, #tpu.memory_space<vmem>>, vector<16xi32>,
      %swap3A_1496 = arith.constant 144 : index
      %swap3A_1497 = tpu.vector_load %arg5[%swap3A_1496] {strides = array<i32>} : memref<256xi32, #tpu.memory_space<vmem>>, vector<16xi32>,
      tpu.vector_store %arg5[%swap3A_1496], %broadcast_in_dim3A_3 {strides = array<i32>} : memref<256xi32, #tpu.memory_space<vmem>>, vector<16xi32>,
      %swap3A_1498 = arith.constant 160 : index
      %swap3A_1499 = tpu.vector_load %arg5[%swap3A_1498] {strides = array<i32>} : memref<256xi32, #tpu.memory_space<vmem>>, vector<16xi32>,
      tpu.vector_store %arg5[%swap3A_1498], %broadcast_in_dim3A_3 {strides = array<i32>} : memref<256xi32, #tpu.memory_space<vmem>>, vector<16xi32>,
      %swap3A_1500 = arith.constant 176 : index
      %swap3A_1501 = tpu.vector_load %arg5[%swap3A_1500] {strides = array<i32>} : memref<256xi32, #tpu.memory_space<vmem>>, vector<16xi32>,
      tpu.vector_store %arg5[%swap3A_1500], %broadcast_in_dim3A_3 {strides = array<i32>} : memref<256xi32, #tpu.memory_space<vmem>>, vector<16xi32>,
      %swap3A_1502 = arith.constant 192 : index
      %swap3A_1503 = tpu.vector_load %arg5[%swap3A_1502] {strides = array<i32>} : memref<256xi32, #tpu.memory_space<vmem>>, vector<16xi32>,
      tpu.vector_store %arg5[%swap3A_1502], %broadcast_in_dim3A_3 {strides = array<i32>} : memref<256xi32, #tpu.memory_space<vmem>>, vector<16xi32>,
      %swap3A_1504 = arith.constant 208 : index
      %swap3A_1505 = tpu.vector_load %arg5[%swap3A_1504] {strides = array<i32>} : memref<256xi32, #tpu.memory_space<vmem>>, vector<16xi32>,
      tpu.vector_store %arg5[%swap3A_1504], %broadcast_in_dim3A_3 {strides = array<i32>} : memref<256xi32, #tpu.memory_space<vmem>>, vector<16xi32>,
      %swap3A_1506 = arith.constant 224 : index
      %swap3A_1507 = tpu.vector_load %arg5[%swap3A_1506] {strides = array<i32>} : memref<256xi32, #tpu.memory_space<vmem>>, vector<16xi32>,
      tpu.vector_store %arg5[%swap3A_1506], %broadcast_in_dim3A_3 {strides = array<i32>} : memref<256xi32, #tpu.memory_space<vmem>>, vector<16xi32>,
      %swap3A_1508 = arith.constant 240 : index
      %swap3A_1509 = tpu.vector_load %arg5[%swap3A_1508] {strides = array<i32>} : memref<256xi32, #tpu.memory_space<vmem>>, vector<16xi32>,
      tpu.vector_store %arg5[%swap3A_1508], %broadcast_in_dim3A_3 {strides = array<i32>} : memref<256xi32, #tpu.memory_space<vmem>>, vector<16xi32>,
      %broadcast_in_dim3A_1510 = vector.broadcast %select_n3A_1473 : i32 to vector<16xi32>
      %broadcast_in_dim3A_1511 = vector.broadcast %scan3A_780 : i32 to vector<16xi32>
      %add3A_1512 = arith.constant 15 : i32
      %add3A_1513 = arith.addi %scan3A_780, %add3A_1512 : i32
      %shift_right_logical3A = arith.constant 4 : i32
      %shift_right_logical3A_1514 = arith.shrui %add3A_1513, %shift_right_logical3A : i32
      %while3A = arith.constant 0 : i32
      %while3A_1515 = arith.constant 0 : i32
      %while3A_1516 = arith.subi %shift_right_logical3A_1514, %while3A : i32
      %while3A_1517 = arith.addi %while3A, %while3A_1516 : i32
      %while3A_1518 = arith.constant 1 : i32
      %while3A_1519 = arith.divsi %while3A_1516, %while3A_1518 : i32
      %while3A_1520 = arith.muli %while3A_1519, %while3A_1518 : i32
      %while3A_1521 = arith.addi %while3A, %while3A_1520 : i32
      %while3A_1522 = arith.constant 1 : i32
      %while3A_1523 = scf.for %while3A_2987 = %while3A to %while3A_1521 step %while3A_1522 iter_args(%while3A_2988 = %while3A_1515) -> (i32)  : i32 {
        %mul3A_2989 = arith.constant 16 : i32
        %mul3A_2990 = arith.muli %while3A_2987, %mul3A_2989 : i32
        %get3A_2991 = arith.index_cast %mul3A_2990 : i32 to index
        %get3A_2992 = tpu.vector_load %arg6[%get3A_2991] {strides = array<i32>} : memref<16400xi32, #tpu.memory_space<vmem>>, vector<16xi32>,
        %mul3A_2993 = arith.constant 16 : i32
        %mul3A_2994 = arith.muli %while3A_2987, %mul3A_2993 : i32
        %add3A_2995 = vector.broadcast %mul3A_2994 : i32 to vector<16xi32>
        %add3A_2996 = arith.addi %add3A_2995, %iota3A : vector<16xi32>
        %lt3A = arith.cmpi slt, %add3A_2996, %broadcast_in_dim3A_1511 : vector<16xi32>
        %shift_right_logical3A_2997 = arith.constant 15 : i32
        %shift_right_logical3A_2998 = vector.broadcast %shift_right_logical3A_2997 : i32 to vector<16xi32>
        %shift_right_logical3A_2999 = arith.shrui %get3A_2992, %shift_right_logical3A_2998 : vector<16xi32>
        %and3A_3000 = arith.constant 255 : i32
        %and3A_3001 = vector.broadcast %and3A_3000 : i32 to vector<16xi32>
        %and3A_3002 = arith.andi %shift_right_logical3A_2999, %and3A_3001 : vector<16xi32>
        %eq3A = arith.cmpi eq, %and3A_3002, %broadcast_in_dim3A_1510 : vector<16xi32>
        %and3A_3003 = arith.andi %lt3A, %eq3A : vector<16xi1>
        %shift_right_logical3A_3004 = arith.constant 7 : i32
        %shift_right_logical3A_3005 = vector.broadcast %shift_right_logical3A_3004 : i32 to vector<16xi32>
        %shift_right_logical3A_3006 = arith.shrui %get3A_2992, %shift_right_logical3A_3005 : vector<16xi32>
        %and3A_3007 = arith.constant 255 : i32
        %and3A_3008 = vector.broadcast %and3A_3007 : i32 to vector<16xi32>
        %and3A_3009 = arith.andi %shift_right_logical3A_3006, %and3A_3008 : vector<16xi32>
        tpu.vector_store_idx %arg5[%and3A_3009], %broadcast_in_dim3A_1 masked %and3A_3003 {add = true} : memref<256xi32, #tpu.memory_space<vmem>>[vector<16xi32>], vector<16xi32>, vector<16xi1>
        %swap3A_3010 = arith.index_cast %while3A_2988 : i32 to index
        %swap3A_3011 = tpu.vector_load %arg7[%swap3A_3010] masked %and3A_3003 {strides = array<i32>} : memref<16400xi32, #tpu.memory_space<vmem>>, vector<16xi32>, vector<16xi1>
        tpu.vector_store %arg7[%swap3A_3010], %get3A_2992 masked %and3A_3003 {strides = array<i32>} : memref<16400xi32, #tpu.memory_space<vmem>>, vector<16xi32>, vector<16xi1>
        %all_reduce_population_count3A_3012 = tpu.all_reduce %and3A_3003 {dim = 0 : i64, kind = #tpu.reduction_kind<sum>} : vector<16xi1> -> vector<16xi32>
        %slice3A_3013 = vector.extract_strided_slice %all_reduce_population_count3A_3012 {offsets = [0], sizes = [1], strides = [1]} : vector<16xi32> to vector<1xi32>
        %squeeze3A_3014 = vector.extract %slice3A_3013[0] : i32 from vector<1xi32>
        %add3A_3015 = arith.addi %while3A_2988, %squeeze3A_3014 : i32
        scf.yield %add3A_3015 : i32
      }
      %while3A_1524 = arith.constant 1 : i32
      %while3A_1525 = scf.for %while3A_2987 = %while3A_1521 to %while3A_1517 step %while3A_1524 iter_args(%while3A_2988 = %while3A_1523) -> (i32)  : i32 {
        %mul3A_2989 = arith.constant 16 : i32
        %mul3A_2990 = arith.muli %while3A_2987, %mul3A_2989 : i32
        %get3A_2991 = arith.index_cast %mul3A_2990 : i32 to index
        %get3A_2992 = tpu.vector_load %arg6[%get3A_2991] {strides = array<i32>} : memref<16400xi32, #tpu.memory_space<vmem>>, vector<16xi32>,
        %mul3A_2993 = arith.constant 16 : i32
        %mul3A_2994 = arith.muli %while3A_2987, %mul3A_2993 : i32
        %add3A_2995 = vector.broadcast %mul3A_2994 : i32 to vector<16xi32>
        %add3A_2996 = arith.addi %add3A_2995, %iota3A : vector<16xi32>
        %lt3A = arith.cmpi slt, %add3A_2996, %broadcast_in_dim3A_1511 : vector<16xi32>
        %shift_right_logical3A_2997 = arith.constant 15 : i32
        %shift_right_logical3A_2998 = vector.broadcast %shift_right_logical3A_2997 : i32 to vector<16xi32>
        %shift_right_logical3A_2999 = arith.shrui %get3A_2992, %shift_right_logical3A_2998 : vector<16xi32>
        %and3A_3000 = arith.constant 255 : i32
        %and3A_3001 = vector.broadcast %and3A_3000 : i32 to vector<16xi32>
        %and3A_3002 = arith.andi %shift_right_logical3A_2999, %and3A_3001 : vector<16xi32>
        %eq3A = arith.cmpi eq, %and3A_3002, %broadcast_in_dim3A_1510 : vector<16xi32>
        %and3A_3003 = arith.andi %lt3A, %eq3A : vector<16xi1>
        %shift_right_logical3A_3004 = arith.constant 7 : i32
        %shift_right_logical3A_3005 = vector.broadcast %shift_right_logical3A_3004 : i32 to vector<16xi32>
        %shift_right_logical3A_3006 = arith.shrui %get3A_2992, %shift_right_logical3A_3005 : vector<16xi32>
        %and3A_3007 = arith.constant 255 : i32
        %and3A_3008 = vector.broadcast %and3A_3007 : i32 to vector<16xi32>
        %and3A_3009 = arith.andi %shift_right_logical3A_3006, %and3A_3008 : vector<16xi32>
        tpu.vector_store_idx %arg5[%and3A_3009], %broadcast_in_dim3A_1 masked %and3A_3003 {add = true} : memref<256xi32, #tpu.memory_space<vmem>>[vector<16xi32>], vector<16xi32>, vector<16xi1>
        %swap3A_3010 = arith.index_cast %while3A_2988 : i32 to index
        %swap3A_3011 = tpu.vector_load %arg7[%swap3A_3010] masked %and3A_3003 {strides = array<i32>} : memref<16400xi32, #tpu.memory_space<vmem>>, vector<16xi32>, vector<16xi1>
        tpu.vector_store %arg7[%swap3A_3010], %get3A_2992 masked %and3A_3003 {strides = array<i32>} : memref<16400xi32, #tpu.memory_space<vmem>>, vector<16xi32>, vector<16xi1>
        %all_reduce_population_count3A_3012 = tpu.all_reduce %and3A_3003 {dim = 0 : i64, kind = #tpu.reduction_kind<sum>} : vector<16xi1> -> vector<16xi32>
        %slice3A_3013 = vector.extract_strided_slice %all_reduce_population_count3A_3012 {offsets = [0], sizes = [1], strides = [1]} : vector<16xi32> to vector<1xi32>
        %squeeze3A_3014 = vector.extract %slice3A_3013[0] : i32 from vector<1xi32>
        %add3A_3015 = arith.addi %while3A_2988, %squeeze3A_3014 : i32
        scf.yield %add3A_3015 : i32
      }
      %get3A_1526 = arith.constant 0 : index
      %get3A_1527 = tpu.vector_load %arg5[%get3A_1526] {strides = array<i32>} : memref<256xi32, #tpu.memory_space<vmem>>, vector<16xi32>,
      %get3A_1528 = arith.constant 16 : index
      %get3A_1529 = tpu.vector_load %arg5[%get3A_1528] {strides = array<i32>} : memref<256xi32, #tpu.memory_space<vmem>>, vector<16xi32>,
      %get3A_1530 = arith.constant 32 : index
      %get3A_1531 = tpu.vector_load %arg5[%get3A_1530] {strides = array<i32>} : memref<256xi32, #tpu.memory_space<vmem>>, vector<16xi32>,
      %get3A_1532 = arith.constant 48 : index
      %get3A_1533 = tpu.vector_load %arg5[%get3A_1532] {strides = array<i32>} : memref<256xi32, #tpu.memory_space<vmem>>, vector<16xi32>,
      %get3A_1534 = arith.constant 64 : index
      %get3A_1535 = tpu.vector_load %arg5[%get3A_1534] {strides = array<i32>} : memref<256xi32, #tpu.memory_space<vmem>>, vector<16xi32>,
      %get3A_1536 = arith.constant 80 : index
      %get3A_1537 = tpu.vector_load %arg5[%get3A_1536] {strides = array<i32>} : memref<256xi32, #tpu.memory_space<vmem>>, vector<16xi32>,
      %get3A_1538 = arith.constant 96 : index
      %get3A_1539 = tpu.vector_load %arg5[%get3A_1538] {strides = array<i32>} : memref<256xi32, #tpu.memory_space<vmem>>, vector<16xi32>,
      %get3A_1540 = arith.constant 112 : index
      %get3A_1541 = tpu.vector_load %arg5[%get3A_1540] {strides = array<i32>} : memref<256xi32, #tpu.memory_space<vmem>>, vector<16xi32>,
      %get3A_1542 = arith.constant 128 : index
      %get3A_1543 = tpu.vector_load %arg5[%get3A_1542] {strides = array<i32>} : memref<256xi32, #tpu.memory_space<vmem>>, vector<16xi32>,
      %get3A_1544 = arith.constant 144 : index
      %get3A_1545 = tpu.vector_load %arg5[%get3A_1544] {strides = array<i32>} : memref<256xi32, #tpu.memory_space<vmem>>, vector<16xi32>,
      %get3A_1546 = arith.constant 160 : index
      %get3A_1547 = tpu.vector_load %arg5[%get3A_1546] {strides = array<i32>} : memref<256xi32, #tpu.memory_space<vmem>>, vector<16xi32>,
      %get3A_1548 = arith.constant 176 : index
      %get3A_1549 = tpu.vector_load %arg5[%get3A_1548] {strides = array<i32>} : memref<256xi32, #tpu.memory_space<vmem>>, vector<16xi32>,
      %get3A_1550 = arith.constant 192 : index
      %get3A_1551 = tpu.vector_load %arg5[%get3A_1550] {strides = array<i32>} : memref<256xi32, #tpu.memory_space<vmem>>, vector<16xi32>,
      %get3A_1552 = arith.constant 208 : index
      %get3A_1553 = tpu.vector_load %arg5[%get3A_1552] {strides = array<i32>} : memref<256xi32, #tpu.memory_space<vmem>>, vector<16xi32>,
      %get3A_1554 = arith.constant 224 : index
      %get3A_1555 = tpu.vector_load %arg5[%get3A_1554] {strides = array<i32>} : memref<256xi32, #tpu.memory_space<vmem>>, vector<16xi32>,
      %get3A_1556 = arith.constant 240 : index
      %get3A_1557 = tpu.vector_load %arg5[%get3A_1556] {strides = array<i32>} : memref<256xi32, #tpu.memory_space<vmem>>, vector<16xi32>,
      %rev3A_1558 = arith.constant 15 : i32
      %rev3A_1559 = vector.broadcast %rev3A_1558 : i32 to vector<16xi32>
      %rev3A_1560 = tpu.iota {dimensions = array<i32: 0>} : vector<16xi32>
      %rev3A_1561 = arith.subi %rev3A_1559, %rev3A_1560 : vector<16xi32>
      %rev3A_1562 = tpu.dynamic_gather %get3A_1527[%rev3A_1561] in [0] : vector<16xi32>, vector<16xi32> -> vector<16xi32>
      %rev3A_1563 = arith.constant 15 : i32
      %rev3A_1564 = vector.broadcast %rev3A_1563 : i32 to vector<16xi32>
      %rev3A_1565 = tpu.iota {dimensions = array<i32: 0>} : vector<16xi32>
      %rev3A_1566 = arith.subi %rev3A_1564, %rev3A_1565 : vector<16xi32>
      %rev3A_1567 = tpu.dynamic_gather %get3A_1529[%rev3A_1566] in [0] : vector<16xi32>, vector<16xi32> -> vector<16xi32>
      %rev3A_1568 = arith.constant 15 : i32
      %rev3A_1569 = vector.broadcast %rev3A_1568 : i32 to vector<16xi32>
      %rev3A_1570 = tpu.iota {dimensions = array<i32: 0>} : vector<16xi32>
      %rev3A_1571 = arith.subi %rev3A_1569, %rev3A_1570 : vector<16xi32>
      %rev3A_1572 = tpu.dynamic_gather %get3A_1531[%rev3A_1571] in [0] : vector<16xi32>, vector<16xi32> -> vector<16xi32>
      %rev3A_1573 = arith.constant 15 : i32
      %rev3A_1574 = vector.broadcast %rev3A_1573 : i32 to vector<16xi32>
      %rev3A_1575 = tpu.iota {dimensions = array<i32: 0>} : vector<16xi32>
      %rev3A_1576 = arith.subi %rev3A_1574, %rev3A_1575 : vector<16xi32>
      %rev3A_1577 = tpu.dynamic_gather %get3A_1533[%rev3A_1576] in [0] : vector<16xi32>, vector<16xi32> -> vector<16xi32>
      %rev3A_1578 = arith.constant 15 : i32
      %rev3A_1579 = vector.broadcast %rev3A_1578 : i32 to vector<16xi32>
      %rev3A_1580 = tpu.iota {dimensions = array<i32: 0>} : vector<16xi32>
      %rev3A_1581 = arith.subi %rev3A_1579, %rev3A_1580 : vector<16xi32>
      %rev3A_1582 = tpu.dynamic_gather %get3A_1535[%rev3A_1581] in [0] : vector<16xi32>, vector<16xi32> -> vector<16xi32>
      %rev3A_1583 = arith.constant 15 : i32
      %rev3A_1584 = vector.broadcast %rev3A_1583 : i32 to vector<16xi32>
      %rev3A_1585 = tpu.iota {dimensions = array<i32: 0>} : vector<16xi32>
      %rev3A_1586 = arith.subi %rev3A_1584, %rev3A_1585 : vector<16xi32>
      %rev3A_1587 = tpu.dynamic_gather %get3A_1537[%rev3A_1586] in [0] : vector<16xi32>, vector<16xi32> -> vector<16xi32>
      %rev3A_1588 = arith.constant 15 : i32
      %rev3A_1589 = vector.broadcast %rev3A_1588 : i32 to vector<16xi32>
      %rev3A_1590 = tpu.iota {dimensions = array<i32: 0>} : vector<16xi32>
      %rev3A_1591 = arith.subi %rev3A_1589, %rev3A_1590 : vector<16xi32>
      %rev3A_1592 = tpu.dynamic_gather %get3A_1539[%rev3A_1591] in [0] : vector<16xi32>, vector<16xi32> -> vector<16xi32>
      %rev3A_1593 = arith.constant 15 : i32
      %rev3A_1594 = vector.broadcast %rev3A_1593 : i32 to vector<16xi32>
      %rev3A_1595 = tpu.iota {dimensions = array<i32: 0>} : vector<16xi32>
      %rev3A_1596 = arith.subi %rev3A_1594, %rev3A_1595 : vector<16xi32>
      %rev3A_1597 = tpu.dynamic_gather %get3A_1541[%rev3A_1596] in [0] : vector<16xi32>, vector<16xi32> -> vector<16xi32>
      %rev3A_1598 = arith.constant 15 : i32
      %rev3A_1599 = vector.broadcast %rev3A_1598 : i32 to vector<16xi32>
      %rev3A_1600 = tpu.iota {dimensions = array<i32: 0>} : vector<16xi32>
      %rev3A_1601 = arith.subi %rev3A_1599, %rev3A_1600 : vector<16xi32>
      %rev3A_1602 = tpu.dynamic_gather %get3A_1543[%rev3A_1601] in [0] : vector<16xi32>, vector<16xi32> -> vector<16xi32>
      %rev3A_1603 = arith.constant 15 : i32
      %rev3A_1604 = vector.broadcast %rev3A_1603 : i32 to vector<16xi32>
      %rev3A_1605 = tpu.iota {dimensions = array<i32: 0>} : vector<16xi32>
      %rev3A_1606 = arith.subi %rev3A_1604, %rev3A_1605 : vector<16xi32>
      %rev3A_1607 = tpu.dynamic_gather %get3A_1545[%rev3A_1606] in [0] : vector<16xi32>, vector<16xi32> -> vector<16xi32>
      %rev3A_1608 = arith.constant 15 : i32
      %rev3A_1609 = vector.broadcast %rev3A_1608 : i32 to vector<16xi32>
      %rev3A_1610 = tpu.iota {dimensions = array<i32: 0>} : vector<16xi32>
      %rev3A_1611 = arith.subi %rev3A_1609, %rev3A_1610 : vector<16xi32>
      %rev3A_1612 = tpu.dynamic_gather %get3A_1547[%rev3A_1611] in [0] : vector<16xi32>, vector<16xi32> -> vector<16xi32>
      %rev3A_1613 = arith.constant 15 : i32
      %rev3A_1614 = vector.broadcast %rev3A_1613 : i32 to vector<16xi32>
      %rev3A_1615 = tpu.iota {dimensions = array<i32: 0>} : vector<16xi32>
      %rev3A_1616 = arith.subi %rev3A_1614, %rev3A_1615 : vector<16xi32>
      %rev3A_1617 = tpu.dynamic_gather %get3A_1549[%rev3A_1616] in [0] : vector<16xi32>, vector<16xi32> -> vector<16xi32>
      %rev3A_1618 = arith.constant 15 : i32
      %rev3A_1619 = vector.broadcast %rev3A_1618 : i32 to vector<16xi32>
      %rev3A_1620 = tpu.iota {dimensions = array<i32: 0>} : vector<16xi32>
      %rev3A_1621 = arith.subi %rev3A_1619, %rev3A_1620 : vector<16xi32>
      %rev3A_1622 = tpu.dynamic_gather %get3A_1551[%rev3A_1621] in [0] : vector<16xi32>, vector<16xi32> -> vector<16xi32>
      %rev3A_1623 = arith.constant 15 : i32
      %rev3A_1624 = vector.broadcast %rev3A_1623 : i32 to vector<16xi32>
      %rev3A_1625 = tpu.iota {dimensions = array<i32: 0>} : vector<16xi32>
      %rev3A_1626 = arith.subi %rev3A_1624, %rev3A_1625 : vector<16xi32>
      %rev3A_1627 = tpu.dynamic_gather %get3A_1553[%rev3A_1626] in [0] : vector<16xi32>, vector<16xi32> -> vector<16xi32>
      %rev3A_1628 = arith.constant 15 : i32
      %rev3A_1629 = vector.broadcast %rev3A_1628 : i32 to vector<16xi32>
      %rev3A_1630 = tpu.iota {dimensions = array<i32: 0>} : vector<16xi32>
      %rev3A_1631 = arith.subi %rev3A_1629, %rev3A_1630 : vector<16xi32>
      %rev3A_1632 = tpu.dynamic_gather %get3A_1555[%rev3A_1631] in [0] : vector<16xi32>, vector<16xi32> -> vector<16xi32>
      %rev3A_1633 = arith.constant 15 : i32
      %rev3A_1634 = vector.broadcast %rev3A_1633 : i32 to vector<16xi32>
      %rev3A_1635 = tpu.iota {dimensions = array<i32: 0>} : vector<16xi32>
      %rev3A_1636 = arith.subi %rev3A_1634, %rev3A_1635 : vector<16xi32>
      %rev3A_1637 = tpu.dynamic_gather %get3A_1557[%rev3A_1636] in [0] : vector<16xi32>, vector<16xi32> -> vector<16xi32>
      %broadcast_in_dim3A_1638 = arith.constant true
      %broadcast_in_dim3A_1639 = vector.broadcast %broadcast_in_dim3A_1638 : i1 to vector<16xi1>
      %masked_cumsum3A_1640 = tpu.scan <sum>, %rev3A_1562 masked %broadcast_in_dim3A_1639 : vector<16xi32>, vector<16xi1> -> vector<16xi32>
      %broadcast_in_dim3A_1641 = arith.constant true
      %broadcast_in_dim3A_1642 = vector.broadcast %broadcast_in_dim3A_1641 : i1 to vector<16xi1>
      %masked_cumsum3A_1643 = tpu.scan <sum>, %rev3A_1567 masked %broadcast_in_dim3A_1642 : vector<16xi32>, vector<16xi1> -> vector<16xi32>
      %broadcast_in_dim3A_1644 = arith.constant true
      %broadcast_in_dim3A_1645 = vector.broadcast %broadcast_in_dim3A_1644 : i1 to vector<16xi1>
      %masked_cumsum3A_1646 = tpu.scan <sum>, %rev3A_1572 masked %broadcast_in_dim3A_1645 : vector<16xi32>, vector<16xi1> -> vector<16xi32>
      %broadcast_in_dim3A_1647 = arith.constant true
      %broadcast_in_dim3A_1648 = vector.broadcast %broadcast_in_dim3A_1647 : i1 to vector<16xi1>
      %masked_cumsum3A_1649 = tpu.scan <sum>, %rev3A_1577 masked %broadcast_in_dim3A_1648 : vector<16xi32>, vector<16xi1> -> vector<16xi32>
      %broadcast_in_dim3A_1650 = arith.constant true
      %broadcast_in_dim3A_1651 = vector.broadcast %broadcast_in_dim3A_1650 : i1 to vector<16xi1>
      %masked_cumsum3A_1652 = tpu.scan <sum>, %rev3A_1582 masked %broadcast_in_dim3A_1651 : vector<16xi32>, vector<16xi1> -> vector<16xi32>
      %broadcast_in_dim3A_1653 = arith.constant true
      %broadcast_in_dim3A_1654 = vector.broadcast %broadcast_in_dim3A_1653 : i1 to vector<16xi1>
      %masked_cumsum3A_1655 = tpu.scan <sum>, %rev3A_1587 masked %broadcast_in_dim3A_1654 : vector<16xi32>, vector<16xi1> -> vector<16xi32>
      %broadcast_in_dim3A_1656 = arith.constant true
      %broadcast_in_dim3A_1657 = vector.broadcast %broadcast_in_dim3A_1656 : i1 to vector<16xi1>
      %masked_cumsum3A_1658 = tpu.scan <sum>, %rev3A_1592 masked %broadcast_in_dim3A_1657 : vector<16xi32>, vector<16xi1> -> vector<16xi32>
      %broadcast_in_dim3A_1659 = arith.constant true
      %broadcast_in_dim3A_1660 = vector.broadcast %broadcast_in_dim3A_1659 : i1 to vector<16xi1>
      %masked_cumsum3A_1661 = tpu.scan <sum>, %rev3A_1597 masked %broadcast_in_dim3A_1660 : vector<16xi32>, vector<16xi1> -> vector<16xi32>
      %broadcast_in_dim3A_1662 = arith.constant true
      %broadcast_in_dim3A_1663 = vector.broadcast %broadcast_in_dim3A_1662 : i1 to vector<16xi1>
      %masked_cumsum3A_1664 = tpu.scan <sum>, %rev3A_1602 masked %broadcast_in_dim3A_1663 : vector<16xi32>, vector<16xi1> -> vector<16xi32>
      %broadcast_in_dim3A_1665 = arith.constant true
      %broadcast_in_dim3A_1666 = vector.broadcast %broadcast_in_dim3A_1665 : i1 to vector<16xi1>
      %masked_cumsum3A_1667 = tpu.scan <sum>, %rev3A_1607 masked %broadcast_in_dim3A_1666 : vector<16xi32>, vector<16xi1> -> vector<16xi32>
      %broadcast_in_dim3A_1668 = arith.constant true
      %broadcast_in_dim3A_1669 = vector.broadcast %broadcast_in_dim3A_1668 : i1 to vector<16xi1>
      %masked_cumsum3A_1670 = tpu.scan <sum>, %rev3A_1612 masked %broadcast_in_dim3A_1669 : vector<16xi32>, vector<16xi1> -> vector<16xi32>
      %broadcast_in_dim3A_1671 = arith.constant true
      %broadcast_in_dim3A_1672 = vector.broadcast %broadcast_in_dim3A_1671 : i1 to vector<16xi1>
      %masked_cumsum3A_1673 = tpu.scan <sum>, %rev3A_1617 masked %broadcast_in_dim3A_1672 : vector<16xi32>, vector<16xi1> -> vector<16xi32>
      %broadcast_in_dim3A_1674 = arith.constant true
      %broadcast_in_dim3A_1675 = vector.broadcast %broadcast_in_dim3A_1674 : i1 to vector<16xi1>
      %masked_cumsum3A_1676 = tpu.scan <sum>, %rev3A_1622 masked %broadcast_in_dim3A_1675 : vector<16xi32>, vector<16xi1> -> vector<16xi32>
      %broadcast_in_dim3A_1677 = arith.constant true
      %broadcast_in_dim3A_1678 = vector.broadcast %broadcast_in_dim3A_1677 : i1 to vector<16xi1>
      %masked_cumsum3A_1679 = tpu.scan <sum>, %rev3A_1627 masked %broadcast_in_dim3A_1678 : vector<16xi32>, vector<16xi1> -> vector<16xi32>
      %broadcast_in_dim3A_1680 = arith.constant true
      %broadcast_in_dim3A_1681 = vector.broadcast %broadcast_in_dim3A_1680 : i1 to vector<16xi1>
      %masked_cumsum3A_1682 = tpu.scan <sum>, %rev3A_1632 masked %broadcast_in_dim3A_1681 : vector<16xi32>, vector<16xi1> -> vector<16xi32>
      %broadcast_in_dim3A_1683 = arith.constant true
      %broadcast_in_dim3A_1684 = vector.broadcast %broadcast_in_dim3A_1683 : i1 to vector<16xi1>
      %masked_cumsum3A_1685 = tpu.scan <sum>, %rev3A_1637 masked %broadcast_in_dim3A_1684 : vector<16xi32>, vector<16xi1> -> vector<16xi32>
      %slice3A_1686 = vector.extract_strided_slice %masked_cumsum3A_1640 {offsets = [15], sizes = [1], strides = [1]} : vector<16xi32> to vector<1xi32>
      %squeeze3A_1687 = vector.extract %slice3A_1686[0] : i32 from vector<1xi32>
      %slice3A_1688 = vector.extract_strided_slice %masked_cumsum3A_1643 {offsets = [15], sizes = [1], strides = [1]} : vector<16xi32> to vector<1xi32>
      %squeeze3A_1689 = vector.extract %slice3A_1688[0] : i32 from vector<1xi32>
      %slice3A_1690 = vector.extract_strided_slice %masked_cumsum3A_1646 {offsets = [15], sizes = [1], strides = [1]} : vector<16xi32> to vector<1xi32>
      %squeeze3A_1691 = vector.extract %slice3A_1690[0] : i32 from vector<1xi32>
      %slice3A_1692 = vector.extract_strided_slice %masked_cumsum3A_1649 {offsets = [15], sizes = [1], strides = [1]} : vector<16xi32> to vector<1xi32>
      %squeeze3A_1693 = vector.extract %slice3A_1692[0] : i32 from vector<1xi32>
      %slice3A_1694 = vector.extract_strided_slice %masked_cumsum3A_1652 {offsets = [15], sizes = [1], strides = [1]} : vector<16xi32> to vector<1xi32>
      %squeeze3A_1695 = vector.extract %slice3A_1694[0] : i32 from vector<1xi32>
      %slice3A_1696 = vector.extract_strided_slice %masked_cumsum3A_1655 {offsets = [15], sizes = [1], strides = [1]} : vector<16xi32> to vector<1xi32>
      %squeeze3A_1697 = vector.extract %slice3A_1696[0] : i32 from vector<1xi32>
      %slice3A_1698 = vector.extract_strided_slice %masked_cumsum3A_1658 {offsets = [15], sizes = [1], strides = [1]} : vector<16xi32> to vector<1xi32>
      %squeeze3A_1699 = vector.extract %slice3A_1698[0] : i32 from vector<1xi32>
      %slice3A_1700 = vector.extract_strided_slice %masked_cumsum3A_1661 {offsets = [15], sizes = [1], strides = [1]} : vector<16xi32> to vector<1xi32>
      %squeeze3A_1701 = vector.extract %slice3A_1700[0] : i32 from vector<1xi32>
      %slice3A_1702 = vector.extract_strided_slice %masked_cumsum3A_1664 {offsets = [15], sizes = [1], strides = [1]} : vector<16xi32> to vector<1xi32>
      %squeeze3A_1703 = vector.extract %slice3A_1702[0] : i32 from vector<1xi32>
      %slice3A_1704 = vector.extract_strided_slice %masked_cumsum3A_1667 {offsets = [15], sizes = [1], strides = [1]} : vector<16xi32> to vector<1xi32>
      %squeeze3A_1705 = vector.extract %slice3A_1704[0] : i32 from vector<1xi32>
      %slice3A_1706 = vector.extract_strided_slice %masked_cumsum3A_1670 {offsets = [15], sizes = [1], strides = [1]} : vector<16xi32> to vector<1xi32>
      %squeeze3A_1707 = vector.extract %slice3A_1706[0] : i32 from vector<1xi32>
      %slice3A_1708 = vector.extract_strided_slice %masked_cumsum3A_1673 {offsets = [15], sizes = [1], strides = [1]} : vector<16xi32> to vector<1xi32>
      %squeeze3A_1709 = vector.extract %slice3A_1708[0] : i32 from vector<1xi32>
      %slice3A_1710 = vector.extract_strided_slice %masked_cumsum3A_1676 {offsets = [15], sizes = [1], strides = [1]} : vector<16xi32> to vector<1xi32>
      %squeeze3A_1711 = vector.extract %slice3A_1710[0] : i32 from vector<1xi32>
      %slice3A_1712 = vector.extract_strided_slice %masked_cumsum3A_1679 {offsets = [15], sizes = [1], strides = [1]} : vector<16xi32> to vector<1xi32>
      %squeeze3A_1713 = vector.extract %slice3A_1712[0] : i32 from vector<1xi32>
      %slice3A_1714 = vector.extract_strided_slice %masked_cumsum3A_1682 {offsets = [15], sizes = [1], strides = [1]} : vector<16xi32> to vector<1xi32>
      %squeeze3A_1715 = vector.extract %slice3A_1714[0] : i32 from vector<1xi32>
      %slice3A_1716 = vector.extract_strided_slice %masked_cumsum3A_1685 {offsets = [15], sizes = [1], strides = [1]} : vector<16xi32> to vector<1xi32>
      %squeeze3A_1717 = vector.extract %slice3A_1716[0] : i32 from vector<1xi32>
      %add3A_1718 = arith.constant 0 : i32
      %add3A_1719 = arith.addi %add3A_1718, %squeeze3A_1717 : i32
      %add3A_1720 = arith.addi %add3A_1719, %squeeze3A_1715 : i32
      %add3A_1721 = arith.addi %add3A_1720, %squeeze3A_1713 : i32
      %add3A_1722 = arith.addi %add3A_1721, %squeeze3A_1711 : i32
      %add3A_1723 = arith.addi %add3A_1722, %squeeze3A_1709 : i32
      %add3A_1724 = arith.addi %add3A_1723, %squeeze3A_1707 : i32
      %add3A_1725 = arith.addi %add3A_1724, %squeeze3A_1705 : i32
      %add3A_1726 = arith.addi %add3A_1725, %squeeze3A_1703 : i32
      %add3A_1727 = arith.addi %add3A_1726, %squeeze3A_1701 : i32
      %add3A_1728 = arith.addi %add3A_1727, %squeeze3A_1699 : i32
      %add3A_1729 = arith.addi %add3A_1728, %squeeze3A_1697 : i32
      %add3A_1730 = arith.addi %add3A_1729, %squeeze3A_1695 : i32
      %add3A_1731 = arith.addi %add3A_1730, %squeeze3A_1693 : i32
      %add3A_1732 = arith.addi %add3A_1731, %squeeze3A_1691 : i32
      %add3A_1733 = arith.addi %add3A_1732, %squeeze3A_1689 : i32
      %add3A_1734 = arith.addi %add3A_1733, %squeeze3A_1687 : i32
      %broadcast_in_dim3A_1735 = vector.broadcast %sub3A_1477 : i32 to vector<16xi32>
      %broadcast_in_dim3A_1736 = arith.constant 0 : i32
      %broadcast_in_dim3A_1737 = vector.broadcast %broadcast_in_dim3A_1736 : i32 to vector<16xi32>
      %add3A_1738 = arith.addi %masked_cumsum3A_1685, %broadcast_in_dim3A_1737 : vector<16xi32>
      %ge3A_1739 = arith.cmpi sge, %add3A_1738, %broadcast_in_dim3A_1735 : vector<16xi32>
      %all_reduce_population_count3A_1740 = tpu.all_reduce %ge3A_1739 {dim = 0 : i64, kind = #tpu.reduction_kind<sum>} : vector<16xi1> -> vector<16xi32>
      %slice3A_1741 = vector.extract_strided_slice %all_reduce_population_count3A_1740 {offsets = [0], sizes = [1], strides = [1]} : vector<16xi32> to vector<1xi32>
      %squeeze3A_1742 = vector.extract %slice3A_1741[0] : i32 from vector<1xi32>
      %gt3A_1743 = arith.constant 0 : i32
      %gt3A_1744 = arith.cmpi sgt, %squeeze3A_1742, %gt3A_1743 : i32
      %all_reduce_ffs3A_1745 = tpu.all_reduce %ge3A_1739 {dim = 0 : i64, kind = #tpu.reduction_kind<find_first_set>} : vector<16xi1> -> vector<16xi32>
      %broadcast_in_dim3A_1746 = vector.shape_cast %all_reduce_ffs3A_1745 : vector<16xi32> to vector<16x1xi32>
      %gather3A_1747 = vector.shape_cast %broadcast_in_dim3A_1746 : vector<16x1xi32> to vector<16xi32>
      %gather3A_1748 = tpu.dynamic_gather %add3A_1738[%gather3A_1747] in [0] : vector<16xi32>, vector<16xi32> -> vector<16xi32>
      %slice3A_1749 = vector.extract_strided_slice %gather3A_1748 {offsets = [0], sizes = [1], strides = [1]} : vector<16xi32> to vector<1xi32>
      %squeeze3A_1750 = vector.extract %slice3A_1749[0] : i32 from vector<1xi32>
      %broadcast_in_dim3A_1751 = vector.shape_cast %all_reduce_ffs3A_1745 : vector<16xi32> to vector<16x1xi32>
      %gather3A_1752 = vector.shape_cast %broadcast_in_dim3A_1751 : vector<16x1xi32> to vector<16xi32>
      %gather3A_1753 = tpu.dynamic_gather %rev3A_1637[%gather3A_1752] in [0] : vector<16xi32>, vector<16xi32> -> vector<16xi32>
      %slice3A_1754 = vector.extract_strided_slice %gather3A_1753 {offsets = [0], sizes = [1], strides = [1]} : vector<16xi32> to vector<1xi32>
      %squeeze3A_1755 = vector.extract %slice3A_1754[0] : i32 from vector<1xi32>
      %not3A_1756 = arith.constant false
      %not3A_1757 = arith.constant true
      %not3A_1758 = arith.xori %not3A_1756, %not3A_1757 : i1
      %and3A_1759 = arith.andi %gt3A_1744, %not3A_1758 : i1
      %slice3A_1760 = vector.extract_strided_slice %all_reduce_ffs3A_1745 {offsets = [0], sizes = [1], strides = [1]} : vector<16xi32> to vector<1xi32>
      %squeeze3A_1761 = vector.extract %slice3A_1760[0] : i32 from vector<1xi32>
      %sub3A_1762 = arith.constant 255 : i32
      %sub3A_1763 = arith.subi %sub3A_1762, %squeeze3A_1761 : i32
      %jit3A_1764 = arith.constant 0 : i32
      %select_n3A_1765 = arith.select %and3A_1759, %sub3A_1763, %jit3A_1764 : i32
      %sub3A_1766 = arith.subi %squeeze3A_1750, %squeeze3A_1755 : i32
      %jit3A_1767 = arith.constant 0 : i32
      %select_n3A_1768 = arith.select %and3A_1759, %sub3A_1766, %jit3A_1767 : i32
      %or3A_1769 = arith.constant false
      %or3A_1770 = arith.ori %or3A_1769, %gt3A_1744 : i1
      %broadcast_in_dim3A_1771 = vector.broadcast %add3A_1719 : i32 to vector<16xi32>
      %add3A_1772 = arith.addi %masked_cumsum3A_1682, %broadcast_in_dim3A_1771 : vector<16xi32>
      %ge3A_1773 = arith.cmpi sge, %add3A_1772, %broadcast_in_dim3A_1735 : vector<16xi32>
      %all_reduce_population_count3A_1774 = tpu.all_reduce %ge3A_1773 {dim = 0 : i64, kind = #tpu.reduction_kind<sum>} : vector<16xi1> -> vector<16xi32>
      %slice3A_1775 = vector.extract_strided_slice %all_reduce_population_count3A_1774 {offsets = [0], sizes = [1], strides = [1]} : vector<16xi32> to vector<1xi32>
      %squeeze3A_1776 = vector.extract %slice3A_1775[0] : i32 from vector<1xi32>
      %gt3A_1777 = arith.constant 0 : i32
      %gt3A_1778 = arith.cmpi sgt, %squeeze3A_1776, %gt3A_1777 : i32
      %all_reduce_ffs3A_1779 = tpu.all_reduce %ge3A_1773 {dim = 0 : i64, kind = #tpu.reduction_kind<find_first_set>} : vector<16xi1> -> vector<16xi32>
      %broadcast_in_dim3A_1780 = vector.shape_cast %all_reduce_ffs3A_1779 : vector<16xi32> to vector<16x1xi32>
      %gather3A_1781 = vector.shape_cast %broadcast_in_dim3A_1780 : vector<16x1xi32> to vector<16xi32>
      %gather3A_1782 = tpu.dynamic_gather %add3A_1772[%gather3A_1781] in [0] : vector<16xi32>, vector<16xi32> -> vector<16xi32>
      %slice3A_1783 = vector.extract_strided_slice %gather3A_1782 {offsets = [0], sizes = [1], strides = [1]} : vector<16xi32> to vector<1xi32>
      %squeeze3A_1784 = vector.extract %slice3A_1783[0] : i32 from vector<1xi32>
      %broadcast_in_dim3A_1785 = vector.shape_cast %all_reduce_ffs3A_1779 : vector<16xi32> to vector<16x1xi32>
      %gather3A_1786 = vector.shape_cast %broadcast_in_dim3A_1785 : vector<16x1xi32> to vector<16xi32>
      %gather3A_1787 = tpu.dynamic_gather %rev3A_1632[%gather3A_1786] in [0] : vector<16xi32>, vector<16xi32> -> vector<16xi32>
      %slice3A_1788 = vector.extract_strided_slice %gather3A_1787 {offsets = [0], sizes = [1], strides = [1]} : vector<16xi32> to vector<1xi32>
      %squeeze3A_1789 = vector.extract %slice3A_1788[0] : i32 from vector<1xi32>
      %not3A_1790 = arith.constant true
      %not3A_1791 = arith.xori %or3A_1770, %not3A_1790 : i1
      %and3A_1792 = arith.andi %gt3A_1778, %not3A_1791 : i1
      %slice3A_1793 = vector.extract_strided_slice %all_reduce_ffs3A_1779 {offsets = [0], sizes = [1], strides = [1]} : vector<16xi32> to vector<1xi32>
      %squeeze3A_1794 = vector.extract %slice3A_1793[0] : i32 from vector<1xi32>
      %sub3A_1795 = arith.constant 239 : i32
      %sub3A_1796 = arith.subi %sub3A_1795, %squeeze3A_1794 : i32
      %select_n3A_1797 = arith.select %and3A_1792, %sub3A_1796, %select_n3A_1765 : i32
      %sub3A_1798 = arith.subi %squeeze3A_1784, %squeeze3A_1789 : i32
      %select_n3A_1799 = arith.select %and3A_1792, %sub3A_1798, %select_n3A_1768 : i32
      %or3A_1800 = arith.ori %or3A_1770, %gt3A_1778 : i1
      %broadcast_in_dim3A_1801 = vector.broadcast %add3A_1720 : i32 to vector<16xi32>
      %add3A_1802 = arith.addi %masked_cumsum3A_1679, %broadcast_in_dim3A_1801 : vector<16xi32>
      %ge3A_1803 = arith.cmpi sge, %add3A_1802, %broadcast_in_dim3A_1735 : vector<16xi32>
      %all_reduce_population_count3A_1804 = tpu.all_reduce %ge3A_1803 {dim = 0 : i64, kind = #tpu.reduction_kind<sum>} : vector<16xi1> -> vector<16xi32>
      %slice3A_1805 = vector.extract_strided_slice %all_reduce_population_count3A_1804 {offsets = [0], sizes = [1], strides = [1]} : vector<16xi32> to vector<1xi32>
      %squeeze3A_1806 = vector.extract %slice3A_1805[0] : i32 from vector<1xi32>
      %gt3A_1807 = arith.constant 0 : i32
      %gt3A_1808 = arith.cmpi sgt, %squeeze3A_1806, %gt3A_1807 : i32
      %all_reduce_ffs3A_1809 = tpu.all_reduce %ge3A_1803 {dim = 0 : i64, kind = #tpu.reduction_kind<find_first_set>} : vector<16xi1> -> vector<16xi32>
      %broadcast_in_dim3A_1810 = vector.shape_cast %all_reduce_ffs3A_1809 : vector<16xi32> to vector<16x1xi32>
      %gather3A_1811 = vector.shape_cast %broadcast_in_dim3A_1810 : vector<16x1xi32> to vector<16xi32>
      %gather3A_1812 = tpu.dynamic_gather %add3A_1802[%gather3A_1811] in [0] : vector<16xi32>, vector<16xi32> -> vector<16xi32>
      %slice3A_1813 = vector.extract_strided_slice %gather3A_1812 {offsets = [0], sizes = [1], strides = [1]} : vector<16xi32> to vector<1xi32>
      %squeeze3A_1814 = vector.extract %slice3A_1813[0] : i32 from vector<1xi32>
      %broadcast_in_dim3A_1815 = vector.shape_cast %all_reduce_ffs3A_1809 : vector<16xi32> to vector<16x1xi32>
      %gather3A_1816 = vector.shape_cast %broadcast_in_dim3A_1815 : vector<16x1xi32> to vector<16xi32>
      %gather3A_1817 = tpu.dynamic_gather %rev3A_1627[%gather3A_1816] in [0] : vector<16xi32>, vector<16xi32> -> vector<16xi32>
      %slice3A_1818 = vector.extract_strided_slice %gather3A_1817 {offsets = [0], sizes = [1], strides = [1]} : vector<16xi32> to vector<1xi32>
      %squeeze3A_1819 = vector.extract %slice3A_1818[0] : i32 from vector<1xi32>
      %not3A_1820 = arith.constant true
      %not3A_1821 = arith.xori %or3A_1800, %not3A_1820 : i1
      %and3A_1822 = arith.andi %gt3A_1808, %not3A_1821 : i1
      %slice3A_1823 = vector.extract_strided_slice %all_reduce_ffs3A_1809 {offsets = [0], sizes = [1], strides = [1]} : vector<16xi32> to vector<1xi32>
      %squeeze3A_1824 = vector.extract %slice3A_1823[0] : i32 from vector<1xi32>
      %sub3A_1825 = arith.constant 223 : i32
      %sub3A_1826 = arith.subi %sub3A_1825, %squeeze3A_1824 : i32
      %select_n3A_1827 = arith.select %and3A_1822, %sub3A_1826, %select_n3A_1797 : i32
      %sub3A_1828 = arith.subi %squeeze3A_1814, %squeeze3A_1819 : i32
      %select_n3A_1829 = arith.select %and3A_1822, %sub3A_1828, %select_n3A_1799 : i32
      %or3A_1830 = arith.ori %or3A_1800, %gt3A_1808 : i1
      %broadcast_in_dim3A_1831 = vector.broadcast %add3A_1721 : i32 to vector<16xi32>
      %add3A_1832 = arith.addi %masked_cumsum3A_1676, %broadcast_in_dim3A_1831 : vector<16xi32>
      %ge3A_1833 = arith.cmpi sge, %add3A_1832, %broadcast_in_dim3A_1735 : vector<16xi32>
      %all_reduce_population_count3A_1834 = tpu.all_reduce %ge3A_1833 {dim = 0 : i64, kind = #tpu.reduction_kind<sum>} : vector<16xi1> -> vector<16xi32>
      %slice3A_1835 = vector.extract_strided_slice %all_reduce_population_count3A_1834 {offsets = [0], sizes = [1], strides = [1]} : vector<16xi32> to vector<1xi32>
      %squeeze3A_1836 = vector.extract %slice3A_1835[0] : i32 from vector<1xi32>
      %gt3A_1837 = arith.constant 0 : i32
      %gt3A_1838 = arith.cmpi sgt, %squeeze3A_1836, %gt3A_1837 : i32
      %all_reduce_ffs3A_1839 = tpu.all_reduce %ge3A_1833 {dim = 0 : i64, kind = #tpu.reduction_kind<find_first_set>} : vector<16xi1> -> vector<16xi32>
      %broadcast_in_dim3A_1840 = vector.shape_cast %all_reduce_ffs3A_1839 : vector<16xi32> to vector<16x1xi32>
      %gather3A_1841 = vector.shape_cast %broadcast_in_dim3A_1840 : vector<16x1xi32> to vector<16xi32>
      %gather3A_1842 = tpu.dynamic_gather %add3A_1832[%gather3A_1841] in [0] : vector<16xi32>, vector<16xi32> -> vector<16xi32>
      %slice3A_1843 = vector.extract_strided_slice %gather3A_1842 {offsets = [0], sizes = [1], strides = [1]} : vector<16xi32> to vector<1xi32>
      %squeeze3A_1844 = vector.extract %slice3A_1843[0] : i32 from vector<1xi32>
      %broadcast_in_dim3A_1845 = vector.shape_cast %all_reduce_ffs3A_1839 : vector<16xi32> to vector<16x1xi32>
      %gather3A_1846 = vector.shape_cast %broadcast_in_dim3A_1845 : vector<16x1xi32> to vector<16xi32>
      %gather3A_1847 = tpu.dynamic_gather %rev3A_1622[%gather3A_1846] in [0] : vector<16xi32>, vector<16xi32> -> vector<16xi32>
      %slice3A_1848 = vector.extract_strided_slice %gather3A_1847 {offsets = [0], sizes = [1], strides = [1]} : vector<16xi32> to vector<1xi32>
      %squeeze3A_1849 = vector.extract %slice3A_1848[0] : i32 from vector<1xi32>
      %not3A_1850 = arith.constant true
      %not3A_1851 = arith.xori %or3A_1830, %not3A_1850 : i1
      %and3A_1852 = arith.andi %gt3A_1838, %not3A_1851 : i1
      %slice3A_1853 = vector.extract_strided_slice %all_reduce_ffs3A_1839 {offsets = [0], sizes = [1], strides = [1]} : vector<16xi32> to vector<1xi32>
      %squeeze3A_1854 = vector.extract %slice3A_1853[0] : i32 from vector<1xi32>
      %sub3A_1855 = arith.constant 207 : i32
      %sub3A_1856 = arith.subi %sub3A_1855, %squeeze3A_1854 : i32
      %select_n3A_1857 = arith.select %and3A_1852, %sub3A_1856, %select_n3A_1827 : i32
      %sub3A_1858 = arith.subi %squeeze3A_1844, %squeeze3A_1849 : i32
      %select_n3A_1859 = arith.select %and3A_1852, %sub3A_1858, %select_n3A_1829 : i32
      %or3A_1860 = arith.ori %or3A_1830, %gt3A_1838 : i1
      %broadcast_in_dim3A_1861 = vector.broadcast %add3A_1722 : i32 to vector<16xi32>
      %add3A_1862 = arith.addi %masked_cumsum3A_1673, %broadcast_in_dim3A_1861 : vector<16xi32>
      %ge3A_1863 = arith.cmpi sge, %add3A_1862, %broadcast_in_dim3A_1735 : vector<16xi32>
      %all_reduce_population_count3A_1864 = tpu.all_reduce %ge3A_1863 {dim = 0 : i64, kind = #tpu.reduction_kind<sum>} : vector<16xi1> -> vector<16xi32>
      %slice3A_1865 = vector.extract_strided_slice %all_reduce_population_count3A_1864 {offsets = [0], sizes = [1], strides = [1]} : vector<16xi32> to vector<1xi32>
      %squeeze3A_1866 = vector.extract %slice3A_1865[0] : i32 from vector<1xi32>
      %gt3A_1867 = arith.constant 0 : i32
      %gt3A_1868 = arith.cmpi sgt, %squeeze3A_1866, %gt3A_1867 : i32
      %all_reduce_ffs3A_1869 = tpu.all_reduce %ge3A_1863 {dim = 0 : i64, kind = #tpu.reduction_kind<find_first_set>} : vector<16xi1> -> vector<16xi32>
      %broadcast_in_dim3A_1870 = vector.shape_cast %all_reduce_ffs3A_1869 : vector<16xi32> to vector<16x1xi32>
      %gather3A_1871 = vector.shape_cast %broadcast_in_dim3A_1870 : vector<16x1xi32> to vector<16xi32>
      %gather3A_1872 = tpu.dynamic_gather %add3A_1862[%gather3A_1871] in [0] : vector<16xi32>, vector<16xi32> -> vector<16xi32>
      %slice3A_1873 = vector.extract_strided_slice %gather3A_1872 {offsets = [0], sizes = [1], strides = [1]} : vector<16xi32> to vector<1xi32>
      %squeeze3A_1874 = vector.extract %slice3A_1873[0] : i32 from vector<1xi32>
      %broadcast_in_dim3A_1875 = vector.shape_cast %all_reduce_ffs3A_1869 : vector<16xi32> to vector<16x1xi32>
      %gather3A_1876 = vector.shape_cast %broadcast_in_dim3A_1875 : vector<16x1xi32> to vector<16xi32>
      %gather3A_1877 = tpu.dynamic_gather %rev3A_1617[%gather3A_1876] in [0] : vector<16xi32>, vector<16xi32> -> vector<16xi32>
      %slice3A_1878 = vector.extract_strided_slice %gather3A_1877 {offsets = [0], sizes = [1], strides = [1]} : vector<16xi32> to vector<1xi32>
      %squeeze3A_1879 = vector.extract %slice3A_1878[0] : i32 from vector<1xi32>
      %not3A_1880 = arith.constant true
      %not3A_1881 = arith.xori %or3A_1860, %not3A_1880 : i1
      %and3A_1882 = arith.andi %gt3A_1868, %not3A_1881 : i1
      %slice3A_1883 = vector.extract_strided_slice %all_reduce_ffs3A_1869 {offsets = [0], sizes = [1], strides = [1]} : vector<16xi32> to vector<1xi32>
      %squeeze3A_1884 = vector.extract %slice3A_1883[0] : i32 from vector<1xi32>
      %sub3A_1885 = arith.constant 191 : i32
      %sub3A_1886 = arith.subi %sub3A_1885, %squeeze3A_1884 : i32
      %select_n3A_1887 = arith.select %and3A_1882, %sub3A_1886, %select_n3A_1857 : i32
      %sub3A_1888 = arith.subi %squeeze3A_1874, %squeeze3A_1879 : i32
      %select_n3A_1889 = arith.select %and3A_1882, %sub3A_1888, %select_n3A_1859 : i32
      %or3A_1890 = arith.ori %or3A_1860, %gt3A_1868 : i1
      %broadcast_in_dim3A_1891 = vector.broadcast %add3A_1723 : i32 to vector<16xi32>
      %add3A_1892 = arith.addi %masked_cumsum3A_1670, %broadcast_in_dim3A_1891 : vector<16xi32>
      %ge3A_1893 = arith.cmpi sge, %add3A_1892, %broadcast_in_dim3A_1735 : vector<16xi32>
      %all_reduce_population_count3A_1894 = tpu.all_reduce %ge3A_1893 {dim = 0 : i64, kind = #tpu.reduction_kind<sum>} : vector<16xi1> -> vector<16xi32>
      %slice3A_1895 = vector.extract_strided_slice %all_reduce_population_count3A_1894 {offsets = [0], sizes = [1], strides = [1]} : vector<16xi32> to vector<1xi32>
      %squeeze3A_1896 = vector.extract %slice3A_1895[0] : i32 from vector<1xi32>
      %gt3A_1897 = arith.constant 0 : i32
      %gt3A_1898 = arith.cmpi sgt, %squeeze3A_1896, %gt3A_1897 : i32
      %all_reduce_ffs3A_1899 = tpu.all_reduce %ge3A_1893 {dim = 0 : i64, kind = #tpu.reduction_kind<find_first_set>} : vector<16xi1> -> vector<16xi32>
      %broadcast_in_dim3A_1900 = vector.shape_cast %all_reduce_ffs3A_1899 : vector<16xi32> to vector<16x1xi32>
      %gather3A_1901 = vector.shape_cast %broadcast_in_dim3A_1900 : vector<16x1xi32> to vector<16xi32>
      %gather3A_1902 = tpu.dynamic_gather %add3A_1892[%gather3A_1901] in [0] : vector<16xi32>, vector<16xi32> -> vector<16xi32>
      %slice3A_1903 = vector.extract_strided_slice %gather3A_1902 {offsets = [0], sizes = [1], strides = [1]} : vector<16xi32> to vector<1xi32>
      %squeeze3A_1904 = vector.extract %slice3A_1903[0] : i32 from vector<1xi32>
      %broadcast_in_dim3A_1905 = vector.shape_cast %all_reduce_ffs3A_1899 : vector<16xi32> to vector<16x1xi32>
      %gather3A_1906 = vector.shape_cast %broadcast_in_dim3A_1905 : vector<16x1xi32> to vector<16xi32>
      %gather3A_1907 = tpu.dynamic_gather %rev3A_1612[%gather3A_1906] in [0] : vector<16xi32>, vector<16xi32> -> vector<16xi32>
      %slice3A_1908 = vector.extract_strided_slice %gather3A_1907 {offsets = [0], sizes = [1], strides = [1]} : vector<16xi32> to vector<1xi32>
      %squeeze3A_1909 = vector.extract %slice3A_1908[0] : i32 from vector<1xi32>
      %not3A_1910 = arith.constant true
      %not3A_1911 = arith.xori %or3A_1890, %not3A_1910 : i1
      %and3A_1912 = arith.andi %gt3A_1898, %not3A_1911 : i1
      %slice3A_1913 = vector.extract_strided_slice %all_reduce_ffs3A_1899 {offsets = [0], sizes = [1], strides = [1]} : vector<16xi32> to vector<1xi32>
      %squeeze3A_1914 = vector.extract %slice3A_1913[0] : i32 from vector<1xi32>
      %sub3A_1915 = arith.constant 175 : i32
      %sub3A_1916 = arith.subi %sub3A_1915, %squeeze3A_1914 : i32
      %select_n3A_1917 = arith.select %and3A_1912, %sub3A_1916, %select_n3A_1887 : i32
      %sub3A_1918 = arith.subi %squeeze3A_1904, %squeeze3A_1909 : i32
      %select_n3A_1919 = arith.select %and3A_1912, %sub3A_1918, %select_n3A_1889 : i32
      %or3A_1920 = arith.ori %or3A_1890, %gt3A_1898 : i1
      %broadcast_in_dim3A_1921 = vector.broadcast %add3A_1724 : i32 to vector<16xi32>
      %add3A_1922 = arith.addi %masked_cumsum3A_1667, %broadcast_in_dim3A_1921 : vector<16xi32>
      %ge3A_1923 = arith.cmpi sge, %add3A_1922, %broadcast_in_dim3A_1735 : vector<16xi32>
      %all_reduce_population_count3A_1924 = tpu.all_reduce %ge3A_1923 {dim = 0 : i64, kind = #tpu.reduction_kind<sum>} : vector<16xi1> -> vector<16xi32>
      %slice3A_1925 = vector.extract_strided_slice %all_reduce_population_count3A_1924 {offsets = [0], sizes = [1], strides = [1]} : vector<16xi32> to vector<1xi32>
      %squeeze3A_1926 = vector.extract %slice3A_1925[0] : i32 from vector<1xi32>
      %gt3A_1927 = arith.constant 0 : i32
      %gt3A_1928 = arith.cmpi sgt, %squeeze3A_1926, %gt3A_1927 : i32
      %all_reduce_ffs3A_1929 = tpu.all_reduce %ge3A_1923 {dim = 0 : i64, kind = #tpu.reduction_kind<find_first_set>} : vector<16xi1> -> vector<16xi32>
      %broadcast_in_dim3A_1930 = vector.shape_cast %all_reduce_ffs3A_1929 : vector<16xi32> to vector<16x1xi32>
      %gather3A_1931 = vector.shape_cast %broadcast_in_dim3A_1930 : vector<16x1xi32> to vector<16xi32>
      %gather3A_1932 = tpu.dynamic_gather %add3A_1922[%gather3A_1931] in [0] : vector<16xi32>, vector<16xi32> -> vector<16xi32>
      %slice3A_1933 = vector.extract_strided_slice %gather3A_1932 {offsets = [0], sizes = [1], strides = [1]} : vector<16xi32> to vector<1xi32>
      %squeeze3A_1934 = vector.extract %slice3A_1933[0] : i32 from vector<1xi32>
      %broadcast_in_dim3A_1935 = vector.shape_cast %all_reduce_ffs3A_1929 : vector<16xi32> to vector<16x1xi32>
      %gather3A_1936 = vector.shape_cast %broadcast_in_dim3A_1935 : vector<16x1xi32> to vector<16xi32>
      %gather3A_1937 = tpu.dynamic_gather %rev3A_1607[%gather3A_1936] in [0] : vector<16xi32>, vector<16xi32> -> vector<16xi32>
      %slice3A_1938 = vector.extract_strided_slice %gather3A_1937 {offsets = [0], sizes = [1], strides = [1]} : vector<16xi32> to vector<1xi32>
      %squeeze3A_1939 = vector.extract %slice3A_1938[0] : i32 from vector<1xi32>
      %not3A_1940 = arith.constant true
      %not3A_1941 = arith.xori %or3A_1920, %not3A_1940 : i1
      %and3A_1942 = arith.andi %gt3A_1928, %not3A_1941 : i1
      %slice3A_1943 = vector.extract_strided_slice %all_reduce_ffs3A_1929 {offsets = [0], sizes = [1], strides = [1]} : vector<16xi32> to vector<1xi32>
      %squeeze3A_1944 = vector.extract %slice3A_1943[0] : i32 from vector<1xi32>
      %sub3A_1945 = arith.constant 159 : i32
      %sub3A_1946 = arith.subi %sub3A_1945, %squeeze3A_1944 : i32
      %select_n3A_1947 = arith.select %and3A_1942, %sub3A_1946, %select_n3A_1917 : i32
      %sub3A_1948 = arith.subi %squeeze3A_1934, %squeeze3A_1939 : i32
      %select_n3A_1949 = arith.select %and3A_1942, %sub3A_1948, %select_n3A_1919 : i32
      %or3A_1950 = arith.ori %or3A_1920, %gt3A_1928 : i1
      %broadcast_in_dim3A_1951 = vector.broadcast %add3A_1725 : i32 to vector<16xi32>
      %add3A_1952 = arith.addi %masked_cumsum3A_1664, %broadcast_in_dim3A_1951 : vector<16xi32>
      %ge3A_1953 = arith.cmpi sge, %add3A_1952, %broadcast_in_dim3A_1735 : vector<16xi32>
      %all_reduce_population_count3A_1954 = tpu.all_reduce %ge3A_1953 {dim = 0 : i64, kind = #tpu.reduction_kind<sum>} : vector<16xi1> -> vector<16xi32>
      %slice3A_1955 = vector.extract_strided_slice %all_reduce_population_count3A_1954 {offsets = [0], sizes = [1], strides = [1]} : vector<16xi32> to vector<1xi32>
      %squeeze3A_1956 = vector.extract %slice3A_1955[0] : i32 from vector<1xi32>
      %gt3A_1957 = arith.constant 0 : i32
      %gt3A_1958 = arith.cmpi sgt, %squeeze3A_1956, %gt3A_1957 : i32
      %all_reduce_ffs3A_1959 = tpu.all_reduce %ge3A_1953 {dim = 0 : i64, kind = #tpu.reduction_kind<find_first_set>} : vector<16xi1> -> vector<16xi32>
      %broadcast_in_dim3A_1960 = vector.shape_cast %all_reduce_ffs3A_1959 : vector<16xi32> to vector<16x1xi32>
      %gather3A_1961 = vector.shape_cast %broadcast_in_dim3A_1960 : vector<16x1xi32> to vector<16xi32>
      %gather3A_1962 = tpu.dynamic_gather %add3A_1952[%gather3A_1961] in [0] : vector<16xi32>, vector<16xi32> -> vector<16xi32>
      %slice3A_1963 = vector.extract_strided_slice %gather3A_1962 {offsets = [0], sizes = [1], strides = [1]} : vector<16xi32> to vector<1xi32>
      %squeeze3A_1964 = vector.extract %slice3A_1963[0] : i32 from vector<1xi32>
      %broadcast_in_dim3A_1965 = vector.shape_cast %all_reduce_ffs3A_1959 : vector<16xi32> to vector<16x1xi32>
      %gather3A_1966 = vector.shape_cast %broadcast_in_dim3A_1965 : vector<16x1xi32> to vector<16xi32>
      %gather3A_1967 = tpu.dynamic_gather %rev3A_1602[%gather3A_1966] in [0] : vector<16xi32>, vector<16xi32> -> vector<16xi32>
      %slice3A_1968 = vector.extract_strided_slice %gather3A_1967 {offsets = [0], sizes = [1], strides = [1]} : vector<16xi32> to vector<1xi32>
      %squeeze3A_1969 = vector.extract %slice3A_1968[0] : i32 from vector<1xi32>
      %not3A_1970 = arith.constant true
      %not3A_1971 = arith.xori %or3A_1950, %not3A_1970 : i1
      %and3A_1972 = arith.andi %gt3A_1958, %not3A_1971 : i1
      %slice3A_1973 = vector.extract_strided_slice %all_reduce_ffs3A_1959 {offsets = [0], sizes = [1], strides = [1]} : vector<16xi32> to vector<1xi32>
      %squeeze3A_1974 = vector.extract %slice3A_1973[0] : i32 from vector<1xi32>
      %sub3A_1975 = arith.constant 143 : i32
      %sub3A_1976 = arith.subi %sub3A_1975, %squeeze3A_1974 : i32
      %select_n3A_1977 = arith.select %and3A_1972, %sub3A_1976, %select_n3A_1947 : i32
      %sub3A_1978 = arith.subi %squeeze3A_1964, %squeeze3A_1969 : i32
      %select_n3A_1979 = arith.select %and3A_1972, %sub3A_1978, %select_n3A_1949 : i32
      %or3A_1980 = arith.ori %or3A_1950, %gt3A_1958 : i1
      %broadcast_in_dim3A_1981 = vector.broadcast %add3A_1726 : i32 to vector<16xi32>
      %add3A_1982 = arith.addi %masked_cumsum3A_1661, %broadcast_in_dim3A_1981 : vector<16xi32>
      %ge3A_1983 = arith.cmpi sge, %add3A_1982, %broadcast_in_dim3A_1735 : vector<16xi32>
      %all_reduce_population_count3A_1984 = tpu.all_reduce %ge3A_1983 {dim = 0 : i64, kind = #tpu.reduction_kind<sum>} : vector<16xi1> -> vector<16xi32>
      %slice3A_1985 = vector.extract_strided_slice %all_reduce_population_count3A_1984 {offsets = [0], sizes = [1], strides = [1]} : vector<16xi32> to vector<1xi32>
      %squeeze3A_1986 = vector.extract %slice3A_1985[0] : i32 from vector<1xi32>
      %gt3A_1987 = arith.constant 0 : i32
      %gt3A_1988 = arith.cmpi sgt, %squeeze3A_1986, %gt3A_1987 : i32
      %all_reduce_ffs3A_1989 = tpu.all_reduce %ge3A_1983 {dim = 0 : i64, kind = #tpu.reduction_kind<find_first_set>} : vector<16xi1> -> vector<16xi32>
      %broadcast_in_dim3A_1990 = vector.shape_cast %all_reduce_ffs3A_1989 : vector<16xi32> to vector<16x1xi32>
      %gather3A_1991 = vector.shape_cast %broadcast_in_dim3A_1990 : vector<16x1xi32> to vector<16xi32>
      %gather3A_1992 = tpu.dynamic_gather %add3A_1982[%gather3A_1991] in [0] : vector<16xi32>, vector<16xi32> -> vector<16xi32>
      %slice3A_1993 = vector.extract_strided_slice %gather3A_1992 {offsets = [0], sizes = [1], strides = [1]} : vector<16xi32> to vector<1xi32>
      %squeeze3A_1994 = vector.extract %slice3A_1993[0] : i32 from vector<1xi32>
      %broadcast_in_dim3A_1995 = vector.shape_cast %all_reduce_ffs3A_1989 : vector<16xi32> to vector<16x1xi32>
      %gather3A_1996 = vector.shape_cast %broadcast_in_dim3A_1995 : vector<16x1xi32> to vector<16xi32>
      %gather3A_1997 = tpu.dynamic_gather %rev3A_1597[%gather3A_1996] in [0] : vector<16xi32>, vector<16xi32> -> vector<16xi32>
      %slice3A_1998 = vector.extract_strided_slice %gather3A_1997 {offsets = [0], sizes = [1], strides = [1]} : vector<16xi32> to vector<1xi32>
      %squeeze3A_1999 = vector.extract %slice3A_1998[0] : i32 from vector<1xi32>
      %not3A_2000 = arith.constant true
      %not3A_2001 = arith.xori %or3A_1980, %not3A_2000 : i1
      %and3A_2002 = arith.andi %gt3A_1988, %not3A_2001 : i1
      %slice3A_2003 = vector.extract_strided_slice %all_reduce_ffs3A_1989 {offsets = [0], sizes = [1], strides = [1]} : vector<16xi32> to vector<1xi32>
      %squeeze3A_2004 = vector.extract %slice3A_2003[0] : i32 from vector<1xi32>
      %sub3A_2005 = arith.constant 127 : i32
      %sub3A_2006 = arith.subi %sub3A_2005, %squeeze3A_2004 : i32
      %select_n3A_2007 = arith.select %and3A_2002, %sub3A_2006, %select_n3A_1977 : i32
      %sub3A_2008 = arith.subi %squeeze3A_1994, %squeeze3A_1999 : i32
      %select_n3A_2009 = arith.select %and3A_2002, %sub3A_2008, %select_n3A_1979 : i32
      %or3A_2010 = arith.ori %or3A_1980, %gt3A_1988 : i1
      %broadcast_in_dim3A_2011 = vector.broadcast %add3A_1727 : i32 to vector<16xi32>
      %add3A_2012 = arith.addi %masked_cumsum3A_1658, %broadcast_in_dim3A_2011 : vector<16xi32>
      %ge3A_2013 = arith.cmpi sge, %add3A_2012, %broadcast_in_dim3A_1735 : vector<16xi32>
      %all_reduce_population_count3A_2014 = tpu.all_reduce %ge3A_2013 {dim = 0 : i64, kind = #tpu.reduction_kind<sum>} : vector<16xi1> -> vector<16xi32>
      %slice3A_2015 = vector.extract_strided_slice %all_reduce_population_count3A_2014 {offsets = [0], sizes = [1], strides = [1]} : vector<16xi32> to vector<1xi32>
      %squeeze3A_2016 = vector.extract %slice3A_2015[0] : i32 from vector<1xi32>
      %gt3A_2017 = arith.constant 0 : i32
      %gt3A_2018 = arith.cmpi sgt, %squeeze3A_2016, %gt3A_2017 : i32
      %all_reduce_ffs3A_2019 = tpu.all_reduce %ge3A_2013 {dim = 0 : i64, kind = #tpu.reduction_kind<find_first_set>} : vector<16xi1> -> vector<16xi32>
      %broadcast_in_dim3A_2020 = vector.shape_cast %all_reduce_ffs3A_2019 : vector<16xi32> to vector<16x1xi32>
      %gather3A_2021 = vector.shape_cast %broadcast_in_dim3A_2020 : vector<16x1xi32> to vector<16xi32>
      %gather3A_2022 = tpu.dynamic_gather %add3A_2012[%gather3A_2021] in [0] : vector<16xi32>, vector<16xi32> -> vector<16xi32>
      %slice3A_2023 = vector.extract_strided_slice %gather3A_2022 {offsets = [0], sizes = [1], strides = [1]} : vector<16xi32> to vector<1xi32>
      %squeeze3A_2024 = vector.extract %slice3A_2023[0] : i32 from vector<1xi32>
      %broadcast_in_dim3A_2025 = vector.shape_cast %all_reduce_ffs3A_2019 : vector<16xi32> to vector<16x1xi32>
      %gather3A_2026 = vector.shape_cast %broadcast_in_dim3A_2025 : vector<16x1xi32> to vector<16xi32>
      %gather3A_2027 = tpu.dynamic_gather %rev3A_1592[%gather3A_2026] in [0] : vector<16xi32>, vector<16xi32> -> vector<16xi32>
      %slice3A_2028 = vector.extract_strided_slice %gather3A_2027 {offsets = [0], sizes = [1], strides = [1]} : vector<16xi32> to vector<1xi32>
      %squeeze3A_2029 = vector.extract %slice3A_2028[0] : i32 from vector<1xi32>
      %not3A_2030 = arith.constant true
      %not3A_2031 = arith.xori %or3A_2010, %not3A_2030 : i1
      %and3A_2032 = arith.andi %gt3A_2018, %not3A_2031 : i1
      %slice3A_2033 = vector.extract_strided_slice %all_reduce_ffs3A_2019 {offsets = [0], sizes = [1], strides = [1]} : vector<16xi32> to vector<1xi32>
      %squeeze3A_2034 = vector.extract %slice3A_2033[0] : i32 from vector<1xi32>
      %sub3A_2035 = arith.constant 111 : i32
      %sub3A_2036 = arith.subi %sub3A_2035, %squeeze3A_2034 : i32
      %select_n3A_2037 = arith.select %and3A_2032, %sub3A_2036, %select_n3A_2007 : i32
      %sub3A_2038 = arith.subi %squeeze3A_2024, %squeeze3A_2029 : i32
      %select_n3A_2039 = arith.select %and3A_2032, %sub3A_2038, %select_n3A_2009 : i32
      %or3A_2040 = arith.ori %or3A_2010, %gt3A_2018 : i1
      %broadcast_in_dim3A_2041 = vector.broadcast %add3A_1728 : i32 to vector<16xi32>
      %add3A_2042 = arith.addi %masked_cumsum3A_1655, %broadcast_in_dim3A_2041 : vector<16xi32>
      %ge3A_2043 = arith.cmpi sge, %add3A_2042, %broadcast_in_dim3A_1735 : vector<16xi32>
      %all_reduce_population_count3A_2044 = tpu.all_reduce %ge3A_2043 {dim = 0 : i64, kind = #tpu.reduction_kind<sum>} : vector<16xi1> -> vector<16xi32>
      %slice3A_2045 = vector.extract_strided_slice %all_reduce_population_count3A_2044 {offsets = [0], sizes = [1], strides = [1]} : vector<16xi32> to vector<1xi32>
      %squeeze3A_2046 = vector.extract %slice3A_2045[0] : i32 from vector<1xi32>
      %gt3A_2047 = arith.constant 0 : i32
      %gt3A_2048 = arith.cmpi sgt, %squeeze3A_2046, %gt3A_2047 : i32
      %all_reduce_ffs3A_2049 = tpu.all_reduce %ge3A_2043 {dim = 0 : i64, kind = #tpu.reduction_kind<find_first_set>} : vector<16xi1> -> vector<16xi32>
      %broadcast_in_dim3A_2050 = vector.shape_cast %all_reduce_ffs3A_2049 : vector<16xi32> to vector<16x1xi32>
      %gather3A_2051 = vector.shape_cast %broadcast_in_dim3A_2050 : vector<16x1xi32> to vector<16xi32>
      %gather3A_2052 = tpu.dynamic_gather %add3A_2042[%gather3A_2051] in [0] : vector<16xi32>, vector<16xi32> -> vector<16xi32>
      %slice3A_2053 = vector.extract_strided_slice %gather3A_2052 {offsets = [0], sizes = [1], strides = [1]} : vector<16xi32> to vector<1xi32>
      %squeeze3A_2054 = vector.extract %slice3A_2053[0] : i32 from vector<1xi32>
      %broadcast_in_dim3A_2055 = vector.shape_cast %all_reduce_ffs3A_2049 : vector<16xi32> to vector<16x1xi32>
      %gather3A_2056 = vector.shape_cast %broadcast_in_dim3A_2055 : vector<16x1xi32> to vector<16xi32>
      %gather3A_2057 = tpu.dynamic_gather %rev3A_1587[%gather3A_2056] in [0] : vector<16xi32>, vector<16xi32> -> vector<16xi32>
      %slice3A_2058 = vector.extract_strided_slice %gather3A_2057 {offsets = [0], sizes = [1], strides = [1]} : vector<16xi32> to vector<1xi32>
      %squeeze3A_2059 = vector.extract %slice3A_2058[0] : i32 from vector<1xi32>
      %not3A_2060 = arith.constant true
      %not3A_2061 = arith.xori %or3A_2040, %not3A_2060 : i1
      %and3A_2062 = arith.andi %gt3A_2048, %not3A_2061 : i1
      %slice3A_2063 = vector.extract_strided_slice %all_reduce_ffs3A_2049 {offsets = [0], sizes = [1], strides = [1]} : vector<16xi32> to vector<1xi32>
      %squeeze3A_2064 = vector.extract %slice3A_2063[0] : i32 from vector<1xi32>
      %sub3A_2065 = arith.constant 95 : i32
      %sub3A_2066 = arith.subi %sub3A_2065, %squeeze3A_2064 : i32
      %select_n3A_2067 = arith.select %and3A_2062, %sub3A_2066, %select_n3A_2037 : i32
      %sub3A_2068 = arith.subi %squeeze3A_2054, %squeeze3A_2059 : i32
      %select_n3A_2069 = arith.select %and3A_2062, %sub3A_2068, %select_n3A_2039 : i32
      %or3A_2070 = arith.ori %or3A_2040, %gt3A_2048 : i1
      %broadcast_in_dim3A_2071 = vector.broadcast %add3A_1729 : i32 to vector<16xi32>
      %add3A_2072 = arith.addi %masked_cumsum3A_1652, %broadcast_in_dim3A_2071 : vector<16xi32>
      %ge3A_2073 = arith.cmpi sge, %add3A_2072, %broadcast_in_dim3A_1735 : vector<16xi32>
      %all_reduce_population_count3A_2074 = tpu.all_reduce %ge3A_2073 {dim = 0 : i64, kind = #tpu.reduction_kind<sum>} : vector<16xi1> -> vector<16xi32>
      %slice3A_2075 = vector.extract_strided_slice %all_reduce_population_count3A_2074 {offsets = [0], sizes = [1], strides = [1]} : vector<16xi32> to vector<1xi32>
      %squeeze3A_2076 = vector.extract %slice3A_2075[0] : i32 from vector<1xi32>
      %gt3A_2077 = arith.constant 0 : i32
      %gt3A_2078 = arith.cmpi sgt, %squeeze3A_2076, %gt3A_2077 : i32
      %all_reduce_ffs3A_2079 = tpu.all_reduce %ge3A_2073 {dim = 0 : i64, kind = #tpu.reduction_kind<find_first_set>} : vector<16xi1> -> vector<16xi32>
      %broadcast_in_dim3A_2080 = vector.shape_cast %all_reduce_ffs3A_2079 : vector<16xi32> to vector<16x1xi32>
      %gather3A_2081 = vector.shape_cast %broadcast_in_dim3A_2080 : vector<16x1xi32> to vector<16xi32>
      %gather3A_2082 = tpu.dynamic_gather %add3A_2072[%gather3A_2081] in [0] : vector<16xi32>, vector<16xi32> -> vector<16xi32>
      %slice3A_2083 = vector.extract_strided_slice %gather3A_2082 {offsets = [0], sizes = [1], strides = [1]} : vector<16xi32> to vector<1xi32>
      %squeeze3A_2084 = vector.extract %slice3A_2083[0] : i32 from vector<1xi32>
      %broadcast_in_dim3A_2085 = vector.shape_cast %all_reduce_ffs3A_2079 : vector<16xi32> to vector<16x1xi32>
      %gather3A_2086 = vector.shape_cast %broadcast_in_dim3A_2085 : vector<16x1xi32> to vector<16xi32>
      %gather3A_2087 = tpu.dynamic_gather %rev3A_1582[%gather3A_2086] in [0] : vector<16xi32>, vector<16xi32> -> vector<16xi32>
      %slice3A_2088 = vector.extract_strided_slice %gather3A_2087 {offsets = [0], sizes = [1], strides = [1]} : vector<16xi32> to vector<1xi32>
      %squeeze3A_2089 = vector.extract %slice3A_2088[0] : i32 from vector<1xi32>
      %not3A_2090 = arith.constant true
      %not3A_2091 = arith.xori %or3A_2070, %not3A_2090 : i1
      %and3A_2092 = arith.andi %gt3A_2078, %not3A_2091 : i1
      %slice3A_2093 = vector.extract_strided_slice %all_reduce_ffs3A_2079 {offsets = [0], sizes = [1], strides = [1]} : vector<16xi32> to vector<1xi32>
      %squeeze3A_2094 = vector.extract %slice3A_2093[0] : i32 from vector<1xi32>
      %sub3A_2095 = arith.constant 79 : i32
      %sub3A_2096 = arith.subi %sub3A_2095, %squeeze3A_2094 : i32
      %select_n3A_2097 = arith.select %and3A_2092, %sub3A_2096, %select_n3A_2067 : i32
      %sub3A_2098 = arith.subi %squeeze3A_2084, %squeeze3A_2089 : i32
      %select_n3A_2099 = arith.select %and3A_2092, %sub3A_2098, %select_n3A_2069 : i32
      %or3A_2100 = arith.ori %or3A_2070, %gt3A_2078 : i1
      %broadcast_in_dim3A_2101 = vector.broadcast %add3A_1730 : i32 to vector<16xi32>
      %add3A_2102 = arith.addi %masked_cumsum3A_1649, %broadcast_in_dim3A_2101 : vector<16xi32>
      %ge3A_2103 = arith.cmpi sge, %add3A_2102, %broadcast_in_dim3A_1735 : vector<16xi32>
      %all_reduce_population_count3A_2104 = tpu.all_reduce %ge3A_2103 {dim = 0 : i64, kind = #tpu.reduction_kind<sum>} : vector<16xi1> -> vector<16xi32>
      %slice3A_2105 = vector.extract_strided_slice %all_reduce_population_count3A_2104 {offsets = [0], sizes = [1], strides = [1]} : vector<16xi32> to vector<1xi32>
      %squeeze3A_2106 = vector.extract %slice3A_2105[0] : i32 from vector<1xi32>
      %gt3A_2107 = arith.constant 0 : i32
      %gt3A_2108 = arith.cmpi sgt, %squeeze3A_2106, %gt3A_2107 : i32
      %all_reduce_ffs3A_2109 = tpu.all_reduce %ge3A_2103 {dim = 0 : i64, kind = #tpu.reduction_kind<find_first_set>} : vector<16xi1> -> vector<16xi32>
      %broadcast_in_dim3A_2110 = vector.shape_cast %all_reduce_ffs3A_2109 : vector<16xi32> to vector<16x1xi32>
      %gather3A_2111 = vector.shape_cast %broadcast_in_dim3A_2110 : vector<16x1xi32> to vector<16xi32>
      %gather3A_2112 = tpu.dynamic_gather %add3A_2102[%gather3A_2111] in [0] : vector<16xi32>, vector<16xi32> -> vector<16xi32>
      %slice3A_2113 = vector.extract_strided_slice %gather3A_2112 {offsets = [0], sizes = [1], strides = [1]} : vector<16xi32> to vector<1xi32>
      %squeeze3A_2114 = vector.extract %slice3A_2113[0] : i32 from vector<1xi32>
      %broadcast_in_dim3A_2115 = vector.shape_cast %all_reduce_ffs3A_2109 : vector<16xi32> to vector<16x1xi32>
      %gather3A_2116 = vector.shape_cast %broadcast_in_dim3A_2115 : vector<16x1xi32> to vector<16xi32>
      %gather3A_2117 = tpu.dynamic_gather %rev3A_1577[%gather3A_2116] in [0] : vector<16xi32>, vector<16xi32> -> vector<16xi32>
      %slice3A_2118 = vector.extract_strided_slice %gather3A_2117 {offsets = [0], sizes = [1], strides = [1]} : vector<16xi32> to vector<1xi32>
      %squeeze3A_2119 = vector.extract %slice3A_2118[0] : i32 from vector<1xi32>
      %not3A_2120 = arith.constant true
      %not3A_2121 = arith.xori %or3A_2100, %not3A_2120 : i1
      %and3A_2122 = arith.andi %gt3A_2108, %not3A_2121 : i1
      %slice3A_2123 = vector.extract_strided_slice %all_reduce_ffs3A_2109 {offsets = [0], sizes = [1], strides = [1]} : vector<16xi32> to vector<1xi32>
      %squeeze3A_2124 = vector.extract %slice3A_2123[0] : i32 from vector<1xi32>
      %sub3A_2125 = arith.constant 63 : i32
      %sub3A_2126 = arith.subi %sub3A_2125, %squeeze3A_2124 : i32
      %select_n3A_2127 = arith.select %and3A_2122, %sub3A_2126, %select_n3A_2097 : i32
      %sub3A_2128 = arith.subi %squeeze3A_2114, %squeeze3A_2119 : i32
      %select_n3A_2129 = arith.select %and3A_2122, %sub3A_2128, %select_n3A_2099 : i32
      %or3A_2130 = arith.ori %or3A_2100, %gt3A_2108 : i1
      %broadcast_in_dim3A_2131 = vector.broadcast %add3A_1731 : i32 to vector<16xi32>
      %add3A_2132 = arith.addi %masked_cumsum3A_1646, %broadcast_in_dim3A_2131 : vector<16xi32>
      %ge3A_2133 = arith.cmpi sge, %add3A_2132, %broadcast_in_dim3A_1735 : vector<16xi32>
      %all_reduce_population_count3A_2134 = tpu.all_reduce %ge3A_2133 {dim = 0 : i64, kind = #tpu.reduction_kind<sum>} : vector<16xi1> -> vector<16xi32>
      %slice3A_2135 = vector.extract_strided_slice %all_reduce_population_count3A_2134 {offsets = [0], sizes = [1], strides = [1]} : vector<16xi32> to vector<1xi32>
      %squeeze3A_2136 = vector.extract %slice3A_2135[0] : i32 from vector<1xi32>
      %gt3A_2137 = arith.constant 0 : i32
      %gt3A_2138 = arith.cmpi sgt, %squeeze3A_2136, %gt3A_2137 : i32
      %all_reduce_ffs3A_2139 = tpu.all_reduce %ge3A_2133 {dim = 0 : i64, kind = #tpu.reduction_kind<find_first_set>} : vector<16xi1> -> vector<16xi32>
      %broadcast_in_dim3A_2140 = vector.shape_cast %all_reduce_ffs3A_2139 : vector<16xi32> to vector<16x1xi32>
      %gather3A_2141 = vector.shape_cast %broadcast_in_dim3A_2140 : vector<16x1xi32> to vector<16xi32>
      %gather3A_2142 = tpu.dynamic_gather %add3A_2132[%gather3A_2141] in [0] : vector<16xi32>, vector<16xi32> -> vector<16xi32>
      %slice3A_2143 = vector.extract_strided_slice %gather3A_2142 {offsets = [0], sizes = [1], strides = [1]} : vector<16xi32> to vector<1xi32>
      %squeeze3A_2144 = vector.extract %slice3A_2143[0] : i32 from vector<1xi32>
      %broadcast_in_dim3A_2145 = vector.shape_cast %all_reduce_ffs3A_2139 : vector<16xi32> to vector<16x1xi32>
      %gather3A_2146 = vector.shape_cast %broadcast_in_dim3A_2145 : vector<16x1xi32> to vector<16xi32>
      %gather3A_2147 = tpu.dynamic_gather %rev3A_1572[%gather3A_2146] in [0] : vector<16xi32>, vector<16xi32> -> vector<16xi32>
      %slice3A_2148 = vector.extract_strided_slice %gather3A_2147 {offsets = [0], sizes = [1], strides = [1]} : vector<16xi32> to vector<1xi32>
      %squeeze3A_2149 = vector.extract %slice3A_2148[0] : i32 from vector<1xi32>
      %not3A_2150 = arith.constant true
      %not3A_2151 = arith.xori %or3A_2130, %not3A_2150 : i1
      %and3A_2152 = arith.andi %gt3A_2138, %not3A_2151 : i1
      %slice3A_2153 = vector.extract_strided_slice %all_reduce_ffs3A_2139 {offsets = [0], sizes = [1], strides = [1]} : vector<16xi32> to vector<1xi32>
      %squeeze3A_2154 = vector.extract %slice3A_2153[0] : i32 from vector<1xi32>
      %sub3A_2155 = arith.constant 47 : i32
      %sub3A_2156 = arith.subi %sub3A_2155, %squeeze3A_2154 : i32
      %select_n3A_2157 = arith.select %and3A_2152, %sub3A_2156, %select_n3A_2127 : i32
      %sub3A_2158 = arith.subi %squeeze3A_2144, %squeeze3A_2149 : i32
      %select_n3A_2159 = arith.select %and3A_2152, %sub3A_2158, %select_n3A_2129 : i32
      %or3A_2160 = arith.ori %or3A_2130, %gt3A_2138 : i1
      %broadcast_in_dim3A_2161 = vector.broadcast %add3A_1732 : i32 to vector<16xi32>
      %add3A_2162 = arith.addi %masked_cumsum3A_1643, %broadcast_in_dim3A_2161 : vector<16xi32>
      %ge3A_2163 = arith.cmpi sge, %add3A_2162, %broadcast_in_dim3A_1735 : vector<16xi32>
      %all_reduce_population_count3A_2164 = tpu.all_reduce %ge3A_2163 {dim = 0 : i64, kind = #tpu.reduction_kind<sum>} : vector<16xi1> -> vector<16xi32>
      %slice3A_2165 = vector.extract_strided_slice %all_reduce_population_count3A_2164 {offsets = [0], sizes = [1], strides = [1]} : vector<16xi32> to vector<1xi32>
      %squeeze3A_2166 = vector.extract %slice3A_2165[0] : i32 from vector<1xi32>
      %gt3A_2167 = arith.constant 0 : i32
      %gt3A_2168 = arith.cmpi sgt, %squeeze3A_2166, %gt3A_2167 : i32
      %all_reduce_ffs3A_2169 = tpu.all_reduce %ge3A_2163 {dim = 0 : i64, kind = #tpu.reduction_kind<find_first_set>} : vector<16xi1> -> vector<16xi32>
      %broadcast_in_dim3A_2170 = vector.shape_cast %all_reduce_ffs3A_2169 : vector<16xi32> to vector<16x1xi32>
      %gather3A_2171 = vector.shape_cast %broadcast_in_dim3A_2170 : vector<16x1xi32> to vector<16xi32>
      %gather3A_2172 = tpu.dynamic_gather %add3A_2162[%gather3A_2171] in [0] : vector<16xi32>, vector<16xi32> -> vector<16xi32>
      %slice3A_2173 = vector.extract_strided_slice %gather3A_2172 {offsets = [0], sizes = [1], strides = [1]} : vector<16xi32> to vector<1xi32>
      %squeeze3A_2174 = vector.extract %slice3A_2173[0] : i32 from vector<1xi32>
      %broadcast_in_dim3A_2175 = vector.shape_cast %all_reduce_ffs3A_2169 : vector<16xi32> to vector<16x1xi32>
      %gather3A_2176 = vector.shape_cast %broadcast_in_dim3A_2175 : vector<16x1xi32> to vector<16xi32>
      %gather3A_2177 = tpu.dynamic_gather %rev3A_1567[%gather3A_2176] in [0] : vector<16xi32>, vector<16xi32> -> vector<16xi32>
      %slice3A_2178 = vector.extract_strided_slice %gather3A_2177 {offsets = [0], sizes = [1], strides = [1]} : vector<16xi32> to vector<1xi32>
      %squeeze3A_2179 = vector.extract %slice3A_2178[0] : i32 from vector<1xi32>
      %not3A_2180 = arith.constant true
      %not3A_2181 = arith.xori %or3A_2160, %not3A_2180 : i1
      %and3A_2182 = arith.andi %gt3A_2168, %not3A_2181 : i1
      %slice3A_2183 = vector.extract_strided_slice %all_reduce_ffs3A_2169 {offsets = [0], sizes = [1], strides = [1]} : vector<16xi32> to vector<1xi32>
      %squeeze3A_2184 = vector.extract %slice3A_2183[0] : i32 from vector<1xi32>
      %sub3A_2185 = arith.constant 31 : i32
      %sub3A_2186 = arith.subi %sub3A_2185, %squeeze3A_2184 : i32
      %select_n3A_2187 = arith.select %and3A_2182, %sub3A_2186, %select_n3A_2157 : i32
      %sub3A_2188 = arith.subi %squeeze3A_2174, %squeeze3A_2179 : i32
      %select_n3A_2189 = arith.select %and3A_2182, %sub3A_2188, %select_n3A_2159 : i32
      %or3A_2190 = arith.ori %or3A_2160, %gt3A_2168 : i1
      %broadcast_in_dim3A_2191 = vector.broadcast %add3A_1733 : i32 to vector<16xi32>
      %add3A_2192 = arith.addi %masked_cumsum3A_1640, %broadcast_in_dim3A_2191 : vector<16xi32>
      %ge3A_2193 = arith.cmpi sge, %add3A_2192, %broadcast_in_dim3A_1735 : vector<16xi32>
      %all_reduce_population_count3A_2194 = tpu.all_reduce %ge3A_2193 {dim = 0 : i64, kind = #tpu.reduction_kind<sum>} : vector<16xi1> -> vector<16xi32>
      %slice3A_2195 = vector.extract_strided_slice %all_reduce_population_count3A_2194 {offsets = [0], sizes = [1], strides = [1]} : vector<16xi32> to vector<1xi32>
      %squeeze3A_2196 = vector.extract %slice3A_2195[0] : i32 from vector<1xi32>
      %gt3A_2197 = arith.constant 0 : i32
      %gt3A_2198 = arith.cmpi sgt, %squeeze3A_2196, %gt3A_2197 : i32
      %all_reduce_ffs3A_2199 = tpu.all_reduce %ge3A_2193 {dim = 0 : i64, kind = #tpu.reduction_kind<find_first_set>} : vector<16xi1> -> vector<16xi32>
      %broadcast_in_dim3A_2200 = vector.shape_cast %all_reduce_ffs3A_2199 : vector<16xi32> to vector<16x1xi32>
      %gather3A_2201 = vector.shape_cast %broadcast_in_dim3A_2200 : vector<16x1xi32> to vector<16xi32>
      %gather3A_2202 = tpu.dynamic_gather %add3A_2192[%gather3A_2201] in [0] : vector<16xi32>, vector<16xi32> -> vector<16xi32>
      %slice3A_2203 = vector.extract_strided_slice %gather3A_2202 {offsets = [0], sizes = [1], strides = [1]} : vector<16xi32> to vector<1xi32>
      %squeeze3A_2204 = vector.extract %slice3A_2203[0] : i32 from vector<1xi32>
      %broadcast_in_dim3A_2205 = vector.shape_cast %all_reduce_ffs3A_2199 : vector<16xi32> to vector<16x1xi32>
      %gather3A_2206 = vector.shape_cast %broadcast_in_dim3A_2205 : vector<16x1xi32> to vector<16xi32>
      %gather3A_2207 = tpu.dynamic_gather %rev3A_1562[%gather3A_2206] in [0] : vector<16xi32>, vector<16xi32> -> vector<16xi32>
      %slice3A_2208 = vector.extract_strided_slice %gather3A_2207 {offsets = [0], sizes = [1], strides = [1]} : vector<16xi32> to vector<1xi32>
      %squeeze3A_2209 = vector.extract %slice3A_2208[0] : i32 from vector<1xi32>
      %not3A_2210 = arith.constant true
      %not3A_2211 = arith.xori %or3A_2190, %not3A_2210 : i1
      %and3A_2212 = arith.andi %gt3A_2198, %not3A_2211 : i1
      %slice3A_2213 = vector.extract_strided_slice %all_reduce_ffs3A_2199 {offsets = [0], sizes = [1], strides = [1]} : vector<16xi32> to vector<1xi32>
      %squeeze3A_2214 = vector.extract %slice3A_2213[0] : i32 from vector<1xi32>
      %sub3A_2215 = arith.constant 15 : i32
      %sub3A_2216 = arith.subi %sub3A_2215, %squeeze3A_2214 : i32
      %select_n3A_2217 = arith.select %and3A_2212, %sub3A_2216, %select_n3A_2187 : i32
      %sub3A_2218 = arith.subi %squeeze3A_2204, %squeeze3A_2209 : i32
      %select_n3A_2219 = arith.select %and3A_2212, %sub3A_2218, %select_n3A_2189 : i32
      %or3A_2220 = arith.ori %or3A_2190, %gt3A_2198 : i1
      %sub3A_2221 = arith.subi %sub3A_1477, %select_n3A_2219 : i32
      %swap3A_2222 = arith.constant 0 : index
      %swap3A_2223 = tpu.vector_load %arg5[%swap3A_2222] {strides = array<i32>} : memref<256xi32, #tpu.memory_space<vmem>>, vector<16xi32>,
      tpu.vector_store %arg5[%swap3A_2222], %broadcast_in_dim3A_3 {strides = array<i32>} : memref<256xi32, #tpu.memory_space<vmem>>, vector<16xi32>,
      %swap3A_2224 = arith.constant 16 : index
      %swap3A_2225 = tpu.vector_load %arg5[%swap3A_2224] {strides = array<i32>} : memref<256xi32, #tpu.memory_space<vmem>>, vector<16xi32>,
      tpu.vector_store %arg5[%swap3A_2224], %broadcast_in_dim3A_3 {strides = array<i32>} : memref<256xi32, #tpu.memory_space<vmem>>, vector<16xi32>,
      %swap3A_2226 = arith.constant 32 : index
      %swap3A_2227 = tpu.vector_load %arg5[%swap3A_2226] {strides = array<i32>} : memref<256xi32, #tpu.memory_space<vmem>>, vector<16xi32>,
      tpu.vector_store %arg5[%swap3A_2226], %broadcast_in_dim3A_3 {strides = array<i32>} : memref<256xi32, #tpu.memory_space<vmem>>, vector<16xi32>,
      %swap3A_2228 = arith.constant 48 : index
      %swap3A_2229 = tpu.vector_load %arg5[%swap3A_2228] {strides = array<i32>} : memref<256xi32, #tpu.memory_space<vmem>>, vector<16xi32>,
      tpu.vector_store %arg5[%swap3A_2228], %broadcast_in_dim3A_3 {strides = array<i32>} : memref<256xi32, #tpu.memory_space<vmem>>, vector<16xi32>,
      %swap3A_2230 = arith.constant 64 : index
      %swap3A_2231 = tpu.vector_load %arg5[%swap3A_2230] {strides = array<i32>} : memref<256xi32, #tpu.memory_space<vmem>>, vector<16xi32>,
      tpu.vector_store %arg5[%swap3A_2230], %broadcast_in_dim3A_3 {strides = array<i32>} : memref<256xi32, #tpu.memory_space<vmem>>, vector<16xi32>,
      %swap3A_2232 = arith.constant 80 : index
      %swap3A_2233 = tpu.vector_load %arg5[%swap3A_2232] {strides = array<i32>} : memref<256xi32, #tpu.memory_space<vmem>>, vector<16xi32>,
      tpu.vector_store %arg5[%swap3A_2232], %broadcast_in_dim3A_3 {strides = array<i32>} : memref<256xi32, #tpu.memory_space<vmem>>, vector<16xi32>,
      %swap3A_2234 = arith.constant 96 : index
      %swap3A_2235 = tpu.vector_load %arg5[%swap3A_2234] {strides = array<i32>} : memref<256xi32, #tpu.memory_space<vmem>>, vector<16xi32>,
      tpu.vector_store %arg5[%swap3A_2234], %broadcast_in_dim3A_3 {strides = array<i32>} : memref<256xi32, #tpu.memory_space<vmem>>, vector<16xi32>,
      %swap3A_2236 = arith.constant 112 : index
      %swap3A_2237 = tpu.vector_load %arg5[%swap3A_2236] {strides = array<i32>} : memref<256xi32, #tpu.memory_space<vmem>>, vector<16xi32>,
      tpu.vector_store %arg5[%swap3A_2236], %broadcast_in_dim3A_3 {strides = array<i32>} : memref<256xi32, #tpu.memory_space<vmem>>, vector<16xi32>,
      %swap3A_2238 = arith.constant 128 : index
      %swap3A_2239 = tpu.vector_load %arg5[%swap3A_2238] {strides = array<i32>} : memref<256xi32, #tpu.memory_space<vmem>>, vector<16xi32>,
      tpu.vector_store %arg5[%swap3A_2238], %broadcast_in_dim3A_3 {strides = array<i32>} : memref<256xi32, #tpu.memory_space<vmem>>, vector<16xi32>,
      %swap3A_2240 = arith.constant 144 : index
      %swap3A_2241 = tpu.vector_load %arg5[%swap3A_2240] {strides = array<i32>} : memref<256xi32, #tpu.memory_space<vmem>>, vector<16xi32>,
      tpu.vector_store %arg5[%swap3A_2240], %broadcast_in_dim3A_3 {strides = array<i32>} : memref<256xi32, #tpu.memory_space<vmem>>, vector<16xi32>,
      %swap3A_2242 = arith.constant 160 : index
      %swap3A_2243 = tpu.vector_load %arg5[%swap3A_2242] {strides = array<i32>} : memref<256xi32, #tpu.memory_space<vmem>>, vector<16xi32>,
      tpu.vector_store %arg5[%swap3A_2242], %broadcast_in_dim3A_3 {strides = array<i32>} : memref<256xi32, #tpu.memory_space<vmem>>, vector<16xi32>,
      %swap3A_2244 = arith.constant 176 : index
      %swap3A_2245 = tpu.vector_load %arg5[%swap3A_2244] {strides = array<i32>} : memref<256xi32, #tpu.memory_space<vmem>>, vector<16xi32>,
      tpu.vector_store %arg5[%swap3A_2244], %broadcast_in_dim3A_3 {strides = array<i32>} : memref<256xi32, #tpu.memory_space<vmem>>, vector<16xi32>,
      %swap3A_2246 = arith.constant 192 : index
      %swap3A_2247 = tpu.vector_load %arg5[%swap3A_2246] {strides = array<i32>} : memref<256xi32, #tpu.memory_space<vmem>>, vector<16xi32>,
      tpu.vector_store %arg5[%swap3A_2246], %broadcast_in_dim3A_3 {strides = array<i32>} : memref<256xi32, #tpu.memory_space<vmem>>, vector<16xi32>,
      %swap3A_2248 = arith.constant 208 : index
      %swap3A_2249 = tpu.vector_load %arg5[%swap3A_2248] {strides = array<i32>} : memref<256xi32, #tpu.memory_space<vmem>>, vector<16xi32>,
      tpu.vector_store %arg5[%swap3A_2248], %broadcast_in_dim3A_3 {strides = array<i32>} : memref<256xi32, #tpu.memory_space<vmem>>, vector<16xi32>,
      %swap3A_2250 = arith.constant 224 : index
      %swap3A_2251 = tpu.vector_load %arg5[%swap3A_2250] {strides = array<i32>} : memref<256xi32, #tpu.memory_space<vmem>>, vector<16xi32>,
      tpu.vector_store %arg5[%swap3A_2250], %broadcast_in_dim3A_3 {strides = array<i32>} : memref<256xi32, #tpu.memory_space<vmem>>, vector<16xi32>,
      %swap3A_2252 = arith.constant 240 : index
      %swap3A_2253 = tpu.vector_load %arg5[%swap3A_2252] {strides = array<i32>} : memref<256xi32, #tpu.memory_space<vmem>>, vector<16xi32>,
      tpu.vector_store %arg5[%swap3A_2252], %broadcast_in_dim3A_3 {strides = array<i32>} : memref<256xi32, #tpu.memory_space<vmem>>, vector<16xi32>,
      %broadcast_in_dim3A_2254 = vector.broadcast %select_n3A_2217 : i32 to vector<16xi32>
      %broadcast_in_dim3A_2255 = vector.broadcast %while3A_1525 : i32 to vector<16xi32>
      %add3A_2256 = arith.constant 15 : i32
      %add3A_2257 = arith.addi %while3A_1525, %add3A_2256 : i32
      %shift_right_logical3A_2258 = arith.constant 4 : i32
      %shift_right_logical3A_2259 = arith.shrui %add3A_2257, %shift_right_logical3A_2258 : i32
      %while3A_2260 = arith.constant 0 : i32
      %while3A_2261 = arith.constant 0 : i32
      %while3A_2262 = arith.subi %shift_right_logical3A_2259, %while3A_2260 : i32
      %while3A_2263 = arith.addi %while3A_2260, %while3A_2262 : i32
      %while3A_2264 = arith.constant 1 : i32
      %while3A_2265 = arith.divsi %while3A_2262, %while3A_2264 : i32
      %while3A_2266 = arith.muli %while3A_2265, %while3A_2264 : i32
      %while3A_2267 = arith.addi %while3A_2260, %while3A_2266 : i32
      %while3A_2268 = arith.constant 1 : i32
      %while3A_2269 = scf.for %while3A_2987 = %while3A_2260 to %while3A_2267 step %while3A_2268 iter_args(%while3A_2988 = %while3A_2261) -> (i32)  : i32 {
        %mul3A_2989 = arith.constant 16 : i32
        %mul3A_2990 = arith.muli %while3A_2987, %mul3A_2989 : i32
        %get3A_2991 = arith.index_cast %mul3A_2990 : i32 to index
        %get3A_2992 = tpu.vector_load %arg7[%get3A_2991] {strides = array<i32>} : memref<16400xi32, #tpu.memory_space<vmem>>, vector<16xi32>,
        %mul3A_2993 = arith.constant 16 : i32
        %mul3A_2994 = arith.muli %while3A_2987, %mul3A_2993 : i32
        %add3A_2995 = vector.broadcast %mul3A_2994 : i32 to vector<16xi32>
        %add3A_2996 = arith.addi %add3A_2995, %iota3A : vector<16xi32>
        %lt3A = arith.cmpi slt, %add3A_2996, %broadcast_in_dim3A_2255 : vector<16xi32>
        %shift_right_logical3A_2997 = arith.constant 7 : i32
        %shift_right_logical3A_2998 = vector.broadcast %shift_right_logical3A_2997 : i32 to vector<16xi32>
        %shift_right_logical3A_2999 = arith.shrui %get3A_2992, %shift_right_logical3A_2998 : vector<16xi32>
        %and3A_3000 = arith.constant 255 : i32
        %and3A_3001 = vector.broadcast %and3A_3000 : i32 to vector<16xi32>
        %and3A_3002 = arith.andi %shift_right_logical3A_2999, %and3A_3001 : vector<16xi32>
        %eq3A = arith.cmpi eq, %and3A_3002, %broadcast_in_dim3A_2254 : vector<16xi32>
        %and3A_3003 = arith.andi %lt3A, %eq3A : vector<16xi1>
        %and3A_3004 = arith.constant 127 : i32
        %and3A_3005 = vector.broadcast %and3A_3004 : i32 to vector<16xi32>
        %and3A_3006 = arith.andi %get3A_2992, %and3A_3005 : vector<16xi32>
        tpu.vector_store_idx %arg5[%and3A_3006], %broadcast_in_dim3A_1 masked %and3A_3003 {add = true} : memref<256xi32, #tpu.memory_space<vmem>>[vector<16xi32>], vector<16xi32>, vector<16xi1>
        %while3A_3007 = arith.constant 0 : i32
        scf.yield %while3A_3007 : i32
      }
      %while3A_2270 = arith.constant 1 : i32
      %while3A_2271 = scf.for %while3A_2987 = %while3A_2267 to %while3A_2263 step %while3A_2270 iter_args(%while3A_2988 = %while3A_2269) -> (i32)  : i32 {
        %mul3A_2989 = arith.constant 16 : i32
        %mul3A_2990 = arith.muli %while3A_2987, %mul3A_2989 : i32
        %get3A_2991 = arith.index_cast %mul3A_2990 : i32 to index
        %get3A_2992 = tpu.vector_load %arg7[%get3A_2991] {strides = array<i32>} : memref<16400xi32, #tpu.memory_space<vmem>>, vector<16xi32>,
        %mul3A_2993 = arith.constant 16 : i32
        %mul3A_2994 = arith.muli %while3A_2987, %mul3A_2993 : i32
        %add3A_2995 = vector.broadcast %mul3A_2994 : i32 to vector<16xi32>
        %add3A_2996 = arith.addi %add3A_2995, %iota3A : vector<16xi32>
        %lt3A = arith.cmpi slt, %add3A_2996, %broadcast_in_dim3A_2255 : vector<16xi32>
        %shift_right_logical3A_2997 = arith.constant 7 : i32
        %shift_right_logical3A_2998 = vector.broadcast %shift_right_logical3A_2997 : i32 to vector<16xi32>
        %shift_right_logical3A_2999 = arith.shrui %get3A_2992, %shift_right_logical3A_2998 : vector<16xi32>
        %and3A_3000 = arith.constant 255 : i32
        %and3A_3001 = vector.broadcast %and3A_3000 : i32 to vector<16xi32>
        %and3A_3002 = arith.andi %shift_right_logical3A_2999, %and3A_3001 : vector<16xi32>
        %eq3A = arith.cmpi eq, %and3A_3002, %broadcast_in_dim3A_2254 : vector<16xi32>
        %and3A_3003 = arith.andi %lt3A, %eq3A : vector<16xi1>
        %and3A_3004 = arith.constant 127 : i32
        %and3A_3005 = vector.broadcast %and3A_3004 : i32 to vector<16xi32>
        %and3A_3006 = arith.andi %get3A_2992, %and3A_3005 : vector<16xi32>
        tpu.vector_store_idx %arg5[%and3A_3006], %broadcast_in_dim3A_1 masked %and3A_3003 {add = true} : memref<256xi32, #tpu.memory_space<vmem>>[vector<16xi32>], vector<16xi32>, vector<16xi1>
        %while3A_3007 = arith.constant 0 : i32
        scf.yield %while3A_3007 : i32
      }
      %get3A_2272 = arith.constant 0 : index
      %get3A_2273 = tpu.vector_load %arg5[%get3A_2272] {strides = array<i32>} : memref<256xi32, #tpu.memory_space<vmem>>, vector<16xi32>,
      %get3A_2274 = arith.constant 16 : index
      %get3A_2275 = tpu.vector_load %arg5[%get3A_2274] {strides = array<i32>} : memref<256xi32, #tpu.memory_space<vmem>>, vector<16xi32>,
      %get3A_2276 = arith.constant 32 : index
      %get3A_2277 = tpu.vector_load %arg5[%get3A_2276] {strides = array<i32>} : memref<256xi32, #tpu.memory_space<vmem>>, vector<16xi32>,
      %get3A_2278 = arith.constant 48 : index
      %get3A_2279 = tpu.vector_load %arg5[%get3A_2278] {strides = array<i32>} : memref<256xi32, #tpu.memory_space<vmem>>, vector<16xi32>,
      %get3A_2280 = arith.constant 64 : index
      %get3A_2281 = tpu.vector_load %arg5[%get3A_2280] {strides = array<i32>} : memref<256xi32, #tpu.memory_space<vmem>>, vector<16xi32>,
      %get3A_2282 = arith.constant 80 : index
      %get3A_2283 = tpu.vector_load %arg5[%get3A_2282] {strides = array<i32>} : memref<256xi32, #tpu.memory_space<vmem>>, vector<16xi32>,
      %get3A_2284 = arith.constant 96 : index
      %get3A_2285 = tpu.vector_load %arg5[%get3A_2284] {strides = array<i32>} : memref<256xi32, #tpu.memory_space<vmem>>, vector<16xi32>,
      %get3A_2286 = arith.constant 112 : index
      %get3A_2287 = tpu.vector_load %arg5[%get3A_2286] {strides = array<i32>} : memref<256xi32, #tpu.memory_space<vmem>>, vector<16xi32>,
      %get3A_2288 = arith.constant 128 : index
      %get3A_2289 = tpu.vector_load %arg5[%get3A_2288] {strides = array<i32>} : memref<256xi32, #tpu.memory_space<vmem>>, vector<16xi32>,
      %get3A_2290 = arith.constant 144 : index
      %get3A_2291 = tpu.vector_load %arg5[%get3A_2290] {strides = array<i32>} : memref<256xi32, #tpu.memory_space<vmem>>, vector<16xi32>,
      %get3A_2292 = arith.constant 160 : index
      %get3A_2293 = tpu.vector_load %arg5[%get3A_2292] {strides = array<i32>} : memref<256xi32, #tpu.memory_space<vmem>>, vector<16xi32>,
      %get3A_2294 = arith.constant 176 : index
      %get3A_2295 = tpu.vector_load %arg5[%get3A_2294] {strides = array<i32>} : memref<256xi32, #tpu.memory_space<vmem>>, vector<16xi32>,
      %get3A_2296 = arith.constant 192 : index
      %get3A_2297 = tpu.vector_load %arg5[%get3A_2296] {strides = array<i32>} : memref<256xi32, #tpu.memory_space<vmem>>, vector<16xi32>,
      %get3A_2298 = arith.constant 208 : index
      %get3A_2299 = tpu.vector_load %arg5[%get3A_2298] {strides = array<i32>} : memref<256xi32, #tpu.memory_space<vmem>>, vector<16xi32>,
      %get3A_2300 = arith.constant 224 : index
      %get3A_2301 = tpu.vector_load %arg5[%get3A_2300] {strides = array<i32>} : memref<256xi32, #tpu.memory_space<vmem>>, vector<16xi32>,
      %get3A_2302 = arith.constant 240 : index
      %get3A_2303 = tpu.vector_load %arg5[%get3A_2302] {strides = array<i32>} : memref<256xi32, #tpu.memory_space<vmem>>, vector<16xi32>,
      %rev3A_2304 = arith.constant 15 : i32
      %rev3A_2305 = vector.broadcast %rev3A_2304 : i32 to vector<16xi32>
      %rev3A_2306 = tpu.iota {dimensions = array<i32: 0>} : vector<16xi32>
      %rev3A_2307 = arith.subi %rev3A_2305, %rev3A_2306 : vector<16xi32>
      %rev3A_2308 = tpu.dynamic_gather %get3A_2273[%rev3A_2307] in [0] : vector<16xi32>, vector<16xi32> -> vector<16xi32>
      %rev3A_2309 = arith.constant 15 : i32
      %rev3A_2310 = vector.broadcast %rev3A_2309 : i32 to vector<16xi32>
      %rev3A_2311 = tpu.iota {dimensions = array<i32: 0>} : vector<16xi32>
      %rev3A_2312 = arith.subi %rev3A_2310, %rev3A_2311 : vector<16xi32>
      %rev3A_2313 = tpu.dynamic_gather %get3A_2275[%rev3A_2312] in [0] : vector<16xi32>, vector<16xi32> -> vector<16xi32>
      %rev3A_2314 = arith.constant 15 : i32
      %rev3A_2315 = vector.broadcast %rev3A_2314 : i32 to vector<16xi32>
      %rev3A_2316 = tpu.iota {dimensions = array<i32: 0>} : vector<16xi32>
      %rev3A_2317 = arith.subi %rev3A_2315, %rev3A_2316 : vector<16xi32>
      %rev3A_2318 = tpu.dynamic_gather %get3A_2277[%rev3A_2317] in [0] : vector<16xi32>, vector<16xi32> -> vector<16xi32>
      %rev3A_2319 = arith.constant 15 : i32
      %rev3A_2320 = vector.broadcast %rev3A_2319 : i32 to vector<16xi32>
      %rev3A_2321 = tpu.iota {dimensions = array<i32: 0>} : vector<16xi32>
      %rev3A_2322 = arith.subi %rev3A_2320, %rev3A_2321 : vector<16xi32>
      %rev3A_2323 = tpu.dynamic_gather %get3A_2279[%rev3A_2322] in [0] : vector<16xi32>, vector<16xi32> -> vector<16xi32>
      %rev3A_2324 = arith.constant 15 : i32
      %rev3A_2325 = vector.broadcast %rev3A_2324 : i32 to vector<16xi32>
      %rev3A_2326 = tpu.iota {dimensions = array<i32: 0>} : vector<16xi32>
      %rev3A_2327 = arith.subi %rev3A_2325, %rev3A_2326 : vector<16xi32>
      %rev3A_2328 = tpu.dynamic_gather %get3A_2281[%rev3A_2327] in [0] : vector<16xi32>, vector<16xi32> -> vector<16xi32>
      %rev3A_2329 = arith.constant 15 : i32
      %rev3A_2330 = vector.broadcast %rev3A_2329 : i32 to vector<16xi32>
      %rev3A_2331 = tpu.iota {dimensions = array<i32: 0>} : vector<16xi32>
      %rev3A_2332 = arith.subi %rev3A_2330, %rev3A_2331 : vector<16xi32>
      %rev3A_2333 = tpu.dynamic_gather %get3A_2283[%rev3A_2332] in [0] : vector<16xi32>, vector<16xi32> -> vector<16xi32>
      %rev3A_2334 = arith.constant 15 : i32
      %rev3A_2335 = vector.broadcast %rev3A_2334 : i32 to vector<16xi32>
      %rev3A_2336 = tpu.iota {dimensions = array<i32: 0>} : vector<16xi32>
      %rev3A_2337 = arith.subi %rev3A_2335, %rev3A_2336 : vector<16xi32>
      %rev3A_2338 = tpu.dynamic_gather %get3A_2285[%rev3A_2337] in [0] : vector<16xi32>, vector<16xi32> -> vector<16xi32>
      %rev3A_2339 = arith.constant 15 : i32
      %rev3A_2340 = vector.broadcast %rev3A_2339 : i32 to vector<16xi32>
      %rev3A_2341 = tpu.iota {dimensions = array<i32: 0>} : vector<16xi32>
      %rev3A_2342 = arith.subi %rev3A_2340, %rev3A_2341 : vector<16xi32>
      %rev3A_2343 = tpu.dynamic_gather %get3A_2287[%rev3A_2342] in [0] : vector<16xi32>, vector<16xi32> -> vector<16xi32>
      %rev3A_2344 = arith.constant 15 : i32
      %rev3A_2345 = vector.broadcast %rev3A_2344 : i32 to vector<16xi32>
      %rev3A_2346 = tpu.iota {dimensions = array<i32: 0>} : vector<16xi32>
      %rev3A_2347 = arith.subi %rev3A_2345, %rev3A_2346 : vector<16xi32>
      %rev3A_2348 = tpu.dynamic_gather %get3A_2289[%rev3A_2347] in [0] : vector<16xi32>, vector<16xi32> -> vector<16xi32>
      %rev3A_2349 = arith.constant 15 : i32
      %rev3A_2350 = vector.broadcast %rev3A_2349 : i32 to vector<16xi32>
      %rev3A_2351 = tpu.iota {dimensions = array<i32: 0>} : vector<16xi32>
      %rev3A_2352 = arith.subi %rev3A_2350, %rev3A_2351 : vector<16xi32>
      %rev3A_2353 = tpu.dynamic_gather %get3A_2291[%rev3A_2352] in [0] : vector<16xi32>, vector<16xi32> -> vector<16xi32>
      %rev3A_2354 = arith.constant 15 : i32
      %rev3A_2355 = vector.broadcast %rev3A_2354 : i32 to vector<16xi32>
      %rev3A_2356 = tpu.iota {dimensions = array<i32: 0>} : vector<16xi32>
      %rev3A_2357 = arith.subi %rev3A_2355, %rev3A_2356 : vector<16xi32>
      %rev3A_2358 = tpu.dynamic_gather %get3A_2293[%rev3A_2357] in [0] : vector<16xi32>, vector<16xi32> -> vector<16xi32>
      %rev3A_2359 = arith.constant 15 : i32
      %rev3A_2360 = vector.broadcast %rev3A_2359 : i32 to vector<16xi32>
      %rev3A_2361 = tpu.iota {dimensions = array<i32: 0>} : vector<16xi32>
      %rev3A_2362 = arith.subi %rev3A_2360, %rev3A_2361 : vector<16xi32>
      %rev3A_2363 = tpu.dynamic_gather %get3A_2295[%rev3A_2362] in [0] : vector<16xi32>, vector<16xi32> -> vector<16xi32>
      %rev3A_2364 = arith.constant 15 : i32
      %rev3A_2365 = vector.broadcast %rev3A_2364 : i32 to vector<16xi32>
      %rev3A_2366 = tpu.iota {dimensions = array<i32: 0>} : vector<16xi32>
      %rev3A_2367 = arith.subi %rev3A_2365, %rev3A_2366 : vector<16xi32>
      %rev3A_2368 = tpu.dynamic_gather %get3A_2297[%rev3A_2367] in [0] : vector<16xi32>, vector<16xi32> -> vector<16xi32>
      %rev3A_2369 = arith.constant 15 : i32
      %rev3A_2370 = vector.broadcast %rev3A_2369 : i32 to vector<16xi32>
      %rev3A_2371 = tpu.iota {dimensions = array<i32: 0>} : vector<16xi32>
      %rev3A_2372 = arith.subi %rev3A_2370, %rev3A_2371 : vector<16xi32>
      %rev3A_2373 = tpu.dynamic_gather %get3A_2299[%rev3A_2372] in [0] : vector<16xi32>, vector<16xi32> -> vector<16xi32>
      %rev3A_2374 = arith.constant 15 : i32
      %rev3A_2375 = vector.broadcast %rev3A_2374 : i32 to vector<16xi32>
      %rev3A_2376 = tpu.iota {dimensions = array<i32: 0>} : vector<16xi32>
      %rev3A_2377 = arith.subi %rev3A_2375, %rev3A_2376 : vector<16xi32>
      %rev3A_2378 = tpu.dynamic_gather %get3A_2301[%rev3A_2377] in [0] : vector<16xi32>, vector<16xi32> -> vector<16xi32>
      %rev3A_2379 = arith.constant 15 : i32
      %rev3A_2380 = vector.broadcast %rev3A_2379 : i32 to vector<16xi32>
      %rev3A_2381 = tpu.iota {dimensions = array<i32: 0>} : vector<16xi32>
      %rev3A_2382 = arith.subi %rev3A_2380, %rev3A_2381 : vector<16xi32>
      %rev3A_2383 = tpu.dynamic_gather %get3A_2303[%rev3A_2382] in [0] : vector<16xi32>, vector<16xi32> -> vector<16xi32>
      %broadcast_in_dim3A_2384 = arith.constant true
      %broadcast_in_dim3A_2385 = vector.broadcast %broadcast_in_dim3A_2384 : i1 to vector<16xi1>
      %masked_cumsum3A_2386 = tpu.scan <sum>, %rev3A_2308 masked %broadcast_in_dim3A_2385 : vector<16xi32>, vector<16xi1> -> vector<16xi32>
      %broadcast_in_dim3A_2387 = arith.constant true
      %broadcast_in_dim3A_2388 = vector.broadcast %broadcast_in_dim3A_2387 : i1 to vector<16xi1>
      %masked_cumsum3A_2389 = tpu.scan <sum>, %rev3A_2313 masked %broadcast_in_dim3A_2388 : vector<16xi32>, vector<16xi1> -> vector<16xi32>
      %broadcast_in_dim3A_2390 = arith.constant true
      %broadcast_in_dim3A_2391 = vector.broadcast %broadcast_in_dim3A_2390 : i1 to vector<16xi1>
      %masked_cumsum3A_2392 = tpu.scan <sum>, %rev3A_2318 masked %broadcast_in_dim3A_2391 : vector<16xi32>, vector<16xi1> -> vector<16xi32>
      %broadcast_in_dim3A_2393 = arith.constant true
      %broadcast_in_dim3A_2394 = vector.broadcast %broadcast_in_dim3A_2393 : i1 to vector<16xi1>
      %masked_cumsum3A_2395 = tpu.scan <sum>, %rev3A_2323 masked %broadcast_in_dim3A_2394 : vector<16xi32>, vector<16xi1> -> vector<16xi32>
      %broadcast_in_dim3A_2396 = arith.constant true
      %broadcast_in_dim3A_2397 = vector.broadcast %broadcast_in_dim3A_2396 : i1 to vector<16xi1>
      %masked_cumsum3A_2398 = tpu.scan <sum>, %rev3A_2328 masked %broadcast_in_dim3A_2397 : vector<16xi32>, vector<16xi1> -> vector<16xi32>
      %broadcast_in_dim3A_2399 = arith.constant true
      %broadcast_in_dim3A_2400 = vector.broadcast %broadcast_in_dim3A_2399 : i1 to vector<16xi1>
      %masked_cumsum3A_2401 = tpu.scan <sum>, %rev3A_2333 masked %broadcast_in_dim3A_2400 : vector<16xi32>, vector<16xi1> -> vector<16xi32>
      %broadcast_in_dim3A_2402 = arith.constant true
      %broadcast_in_dim3A_2403 = vector.broadcast %broadcast_in_dim3A_2402 : i1 to vector<16xi1>
      %masked_cumsum3A_2404 = tpu.scan <sum>, %rev3A_2338 masked %broadcast_in_dim3A_2403 : vector<16xi32>, vector<16xi1> -> vector<16xi32>
      %broadcast_in_dim3A_2405 = arith.constant true
      %broadcast_in_dim3A_2406 = vector.broadcast %broadcast_in_dim3A_2405 : i1 to vector<16xi1>
      %masked_cumsum3A_2407 = tpu.scan <sum>, %rev3A_2343 masked %broadcast_in_dim3A_2406 : vector<16xi32>, vector<16xi1> -> vector<16xi32>
      %broadcast_in_dim3A_2408 = arith.constant true
      %broadcast_in_dim3A_2409 = vector.broadcast %broadcast_in_dim3A_2408 : i1 to vector<16xi1>
      %masked_cumsum3A_2410 = tpu.scan <sum>, %rev3A_2348 masked %broadcast_in_dim3A_2409 : vector<16xi32>, vector<16xi1> -> vector<16xi32>
      %broadcast_in_dim3A_2411 = arith.constant true
      %broadcast_in_dim3A_2412 = vector.broadcast %broadcast_in_dim3A_2411 : i1 to vector<16xi1>
      %masked_cumsum3A_2413 = tpu.scan <sum>, %rev3A_2353 masked %broadcast_in_dim3A_2412 : vector<16xi32>, vector<16xi1> -> vector<16xi32>
      %broadcast_in_dim3A_2414 = arith.constant true
      %broadcast_in_dim3A_2415 = vector.broadcast %broadcast_in_dim3A_2414 : i1 to vector<16xi1>
      %masked_cumsum3A_2416 = tpu.scan <sum>, %rev3A_2358 masked %broadcast_in_dim3A_2415 : vector<16xi32>, vector<16xi1> -> vector<16xi32>
      %broadcast_in_dim3A_2417 = arith.constant true
      %broadcast_in_dim3A_2418 = vector.broadcast %broadcast_in_dim3A_2417 : i1 to vector<16xi1>
      %masked_cumsum3A_2419 = tpu.scan <sum>, %rev3A_2363 masked %broadcast_in_dim3A_2418 : vector<16xi32>, vector<16xi1> -> vector<16xi32>
      %broadcast_in_dim3A_2420 = arith.constant true
      %broadcast_in_dim3A_2421 = vector.broadcast %broadcast_in_dim3A_2420 : i1 to vector<16xi1>
      %masked_cumsum3A_2422 = tpu.scan <sum>, %rev3A_2368 masked %broadcast_in_dim3A_2421 : vector<16xi32>, vector<16xi1> -> vector<16xi32>
      %broadcast_in_dim3A_2423 = arith.constant true
      %broadcast_in_dim3A_2424 = vector.broadcast %broadcast_in_dim3A_2423 : i1 to vector<16xi1>
      %masked_cumsum3A_2425 = tpu.scan <sum>, %rev3A_2373 masked %broadcast_in_dim3A_2424 : vector<16xi32>, vector<16xi1> -> vector<16xi32>
      %broadcast_in_dim3A_2426 = arith.constant true
      %broadcast_in_dim3A_2427 = vector.broadcast %broadcast_in_dim3A_2426 : i1 to vector<16xi1>
      %masked_cumsum3A_2428 = tpu.scan <sum>, %rev3A_2378 masked %broadcast_in_dim3A_2427 : vector<16xi32>, vector<16xi1> -> vector<16xi32>
      %broadcast_in_dim3A_2429 = arith.constant true
      %broadcast_in_dim3A_2430 = vector.broadcast %broadcast_in_dim3A_2429 : i1 to vector<16xi1>
      %masked_cumsum3A_2431 = tpu.scan <sum>, %rev3A_2383 masked %broadcast_in_dim3A_2430 : vector<16xi32>, vector<16xi1> -> vector<16xi32>
      %slice3A_2432 = vector.extract_strided_slice %masked_cumsum3A_2386 {offsets = [15], sizes = [1], strides = [1]} : vector<16xi32> to vector<1xi32>
      %squeeze3A_2433 = vector.extract %slice3A_2432[0] : i32 from vector<1xi32>
      %slice3A_2434 = vector.extract_strided_slice %masked_cumsum3A_2389 {offsets = [15], sizes = [1], strides = [1]} : vector<16xi32> to vector<1xi32>
      %squeeze3A_2435 = vector.extract %slice3A_2434[0] : i32 from vector<1xi32>
      %slice3A_2436 = vector.extract_strided_slice %masked_cumsum3A_2392 {offsets = [15], sizes = [1], strides = [1]} : vector<16xi32> to vector<1xi32>
      %squeeze3A_2437 = vector.extract %slice3A_2436[0] : i32 from vector<1xi32>
      %slice3A_2438 = vector.extract_strided_slice %masked_cumsum3A_2395 {offsets = [15], sizes = [1], strides = [1]} : vector<16xi32> to vector<1xi32>
      %squeeze3A_2439 = vector.extract %slice3A_2438[0] : i32 from vector<1xi32>
      %slice3A_2440 = vector.extract_strided_slice %masked_cumsum3A_2398 {offsets = [15], sizes = [1], strides = [1]} : vector<16xi32> to vector<1xi32>
      %squeeze3A_2441 = vector.extract %slice3A_2440[0] : i32 from vector<1xi32>
      %slice3A_2442 = vector.extract_strided_slice %masked_cumsum3A_2401 {offsets = [15], sizes = [1], strides = [1]} : vector<16xi32> to vector<1xi32>
      %squeeze3A_2443 = vector.extract %slice3A_2442[0] : i32 from vector<1xi32>
      %slice3A_2444 = vector.extract_strided_slice %masked_cumsum3A_2404 {offsets = [15], sizes = [1], strides = [1]} : vector<16xi32> to vector<1xi32>
      %squeeze3A_2445 = vector.extract %slice3A_2444[0] : i32 from vector<1xi32>
      %slice3A_2446 = vector.extract_strided_slice %masked_cumsum3A_2407 {offsets = [15], sizes = [1], strides = [1]} : vector<16xi32> to vector<1xi32>
      %squeeze3A_2447 = vector.extract %slice3A_2446[0] : i32 from vector<1xi32>
      %slice3A_2448 = vector.extract_strided_slice %masked_cumsum3A_2410 {offsets = [15], sizes = [1], strides = [1]} : vector<16xi32> to vector<1xi32>
      %squeeze3A_2449 = vector.extract %slice3A_2448[0] : i32 from vector<1xi32>
      %slice3A_2450 = vector.extract_strided_slice %masked_cumsum3A_2413 {offsets = [15], sizes = [1], strides = [1]} : vector<16xi32> to vector<1xi32>
      %squeeze3A_2451 = vector.extract %slice3A_2450[0] : i32 from vector<1xi32>
      %slice3A_2452 = vector.extract_strided_slice %masked_cumsum3A_2416 {offsets = [15], sizes = [1], strides = [1]} : vector<16xi32> to vector<1xi32>
      %squeeze3A_2453 = vector.extract %slice3A_2452[0] : i32 from vector<1xi32>
      %slice3A_2454 = vector.extract_strided_slice %masked_cumsum3A_2419 {offsets = [15], sizes = [1], strides = [1]} : vector<16xi32> to vector<1xi32>
      %squeeze3A_2455 = vector.extract %slice3A_2454[0] : i32 from vector<1xi32>
      %slice3A_2456 = vector.extract_strided_slice %masked_cumsum3A_2422 {offsets = [15], sizes = [1], strides = [1]} : vector<16xi32> to vector<1xi32>
      %squeeze3A_2457 = vector.extract %slice3A_2456[0] : i32 from vector<1xi32>
      %slice3A_2458 = vector.extract_strided_slice %masked_cumsum3A_2425 {offsets = [15], sizes = [1], strides = [1]} : vector<16xi32> to vector<1xi32>
      %squeeze3A_2459 = vector.extract %slice3A_2458[0] : i32 from vector<1xi32>
      %slice3A_2460 = vector.extract_strided_slice %masked_cumsum3A_2428 {offsets = [15], sizes = [1], strides = [1]} : vector<16xi32> to vector<1xi32>
      %squeeze3A_2461 = vector.extract %slice3A_2460[0] : i32 from vector<1xi32>
      %slice3A_2462 = vector.extract_strided_slice %masked_cumsum3A_2431 {offsets = [15], sizes = [1], strides = [1]} : vector<16xi32> to vector<1xi32>
      %squeeze3A_2463 = vector.extract %slice3A_2462[0] : i32 from vector<1xi32>
      %add3A_2464 = arith.constant 0 : i32
      %add3A_2465 = arith.addi %add3A_2464, %squeeze3A_2463 : i32
      %add3A_2466 = arith.addi %add3A_2465, %squeeze3A_2461 : i32
      %add3A_2467 = arith.addi %add3A_2466, %squeeze3A_2459 : i32
      %add3A_2468 = arith.addi %add3A_2467, %squeeze3A_2457 : i32
      %add3A_2469 = arith.addi %add3A_2468, %squeeze3A_2455 : i32
      %add3A_2470 = arith.addi %add3A_2469, %squeeze3A_2453 : i32
      %add3A_2471 = arith.addi %add3A_2470, %squeeze3A_2451 : i32
      %add3A_2472 = arith.addi %add3A_2471, %squeeze3A_2449 : i32
      %add3A_2473 = arith.addi %add3A_2472, %squeeze3A_2447 : i32
      %add3A_2474 = arith.addi %add3A_2473, %squeeze3A_2445 : i32
      %add3A_2475 = arith.addi %add3A_2474, %squeeze3A_2443 : i32
      %add3A_2476 = arith.addi %add3A_2475, %squeeze3A_2441 : i32
      %add3A_2477 = arith.addi %add3A_2476, %squeeze3A_2439 : i32
      %add3A_2478 = arith.addi %add3A_2477, %squeeze3A_2437 : i32
      %add3A_2479 = arith.addi %add3A_2478, %squeeze3A_2435 : i32
      %add3A_2480 = arith.addi %add3A_2479, %squeeze3A_2433 : i32
      %broadcast_in_dim3A_2481 = vector.broadcast %sub3A_2221 : i32 to vector<16xi32>
      %broadcast_in_dim3A_2482 = arith.constant 0 : i32
      %broadcast_in_dim3A_2483 = vector.broadcast %broadcast_in_dim3A_2482 : i32 to vector<16xi32>
      %add3A_2484 = arith.addi %masked_cumsum3A_2431, %broadcast_in_dim3A_2483 : vector<16xi32>
      %ge3A_2485 = arith.cmpi sge, %add3A_2484, %broadcast_in_dim3A_2481 : vector<16xi32>
      %all_reduce_population_count3A_2486 = tpu.all_reduce %ge3A_2485 {dim = 0 : i64, kind = #tpu.reduction_kind<sum>} : vector<16xi1> -> vector<16xi32>
      %slice3A_2487 = vector.extract_strided_slice %all_reduce_population_count3A_2486 {offsets = [0], sizes = [1], strides = [1]} : vector<16xi32> to vector<1xi32>
      %squeeze3A_2488 = vector.extract %slice3A_2487[0] : i32 from vector<1xi32>
      %gt3A_2489 = arith.constant 0 : i32
      %gt3A_2490 = arith.cmpi sgt, %squeeze3A_2488, %gt3A_2489 : i32
      %all_reduce_ffs3A_2491 = tpu.all_reduce %ge3A_2485 {dim = 0 : i64, kind = #tpu.reduction_kind<find_first_set>} : vector<16xi1> -> vector<16xi32>
      %broadcast_in_dim3A_2492 = vector.shape_cast %all_reduce_ffs3A_2491 : vector<16xi32> to vector<16x1xi32>
      %gather3A_2493 = vector.shape_cast %broadcast_in_dim3A_2492 : vector<16x1xi32> to vector<16xi32>
      %gather3A_2494 = tpu.dynamic_gather %add3A_2484[%gather3A_2493] in [0] : vector<16xi32>, vector<16xi32> -> vector<16xi32>
      %slice3A_2495 = vector.extract_strided_slice %gather3A_2494 {offsets = [0], sizes = [1], strides = [1]} : vector<16xi32> to vector<1xi32>
      %squeeze3A_2496 = vector.extract %slice3A_2495[0] : i32 from vector<1xi32>
      %broadcast_in_dim3A_2497 = vector.shape_cast %all_reduce_ffs3A_2491 : vector<16xi32> to vector<16x1xi32>
      %gather3A_2498 = vector.shape_cast %broadcast_in_dim3A_2497 : vector<16x1xi32> to vector<16xi32>
      %gather3A_2499 = tpu.dynamic_gather %rev3A_2383[%gather3A_2498] in [0] : vector<16xi32>, vector<16xi32> -> vector<16xi32>
      %slice3A_2500 = vector.extract_strided_slice %gather3A_2499 {offsets = [0], sizes = [1], strides = [1]} : vector<16xi32> to vector<1xi32>
      %squeeze3A_2501 = vector.extract %slice3A_2500[0] : i32 from vector<1xi32>
      %not3A_2502 = arith.constant false
      %not3A_2503 = arith.constant true
      %not3A_2504 = arith.xori %not3A_2502, %not3A_2503 : i1
      %and3A_2505 = arith.andi %gt3A_2490, %not3A_2504 : i1
      %slice3A_2506 = vector.extract_strided_slice %all_reduce_ffs3A_2491 {offsets = [0], sizes = [1], strides = [1]} : vector<16xi32> to vector<1xi32>
      %squeeze3A_2507 = vector.extract %slice3A_2506[0] : i32 from vector<1xi32>
      %sub3A_2508 = arith.constant 255 : i32
      %sub3A_2509 = arith.subi %sub3A_2508, %squeeze3A_2507 : i32
      %jit3A_2510 = arith.constant 0 : i32
      %select_n3A_2511 = arith.select %and3A_2505, %sub3A_2509, %jit3A_2510 : i32
      %sub3A_2512 = arith.subi %squeeze3A_2496, %squeeze3A_2501 : i32
      %jit3A_2513 = arith.constant 0 : i32
      %select_n3A_2514 = arith.select %and3A_2505, %sub3A_2512, %jit3A_2513 : i32
      %or3A_2515 = arith.constant false
      %or3A_2516 = arith.ori %or3A_2515, %gt3A_2490 : i1
      %broadcast_in_dim3A_2517 = vector.broadcast %add3A_2465 : i32 to vector<16xi32>
      %add3A_2518 = arith.addi %masked_cumsum3A_2428, %broadcast_in_dim3A_2517 : vector<16xi32>
      %ge3A_2519 = arith.cmpi sge, %add3A_2518, %broadcast_in_dim3A_2481 : vector<16xi32>
      %all_reduce_population_count3A_2520 = tpu.all_reduce %ge3A_2519 {dim = 0 : i64, kind = #tpu.reduction_kind<sum>} : vector<16xi1> -> vector<16xi32>
      %slice3A_2521 = vector.extract_strided_slice %all_reduce_population_count3A_2520 {offsets = [0], sizes = [1], strides = [1]} : vector<16xi32> to vector<1xi32>
      %squeeze3A_2522 = vector.extract %slice3A_2521[0] : i32 from vector<1xi32>
      %gt3A_2523 = arith.constant 0 : i32
      %gt3A_2524 = arith.cmpi sgt, %squeeze3A_2522, %gt3A_2523 : i32
      %all_reduce_ffs3A_2525 = tpu.all_reduce %ge3A_2519 {dim = 0 : i64, kind = #tpu.reduction_kind<find_first_set>} : vector<16xi1> -> vector<16xi32>
      %broadcast_in_dim3A_2526 = vector.shape_cast %all_reduce_ffs3A_2525 : vector<16xi32> to vector<16x1xi32>
      %gather3A_2527 = vector.shape_cast %broadcast_in_dim3A_2526 : vector<16x1xi32> to vector<16xi32>
      %gather3A_2528 = tpu.dynamic_gather %add3A_2518[%gather3A_2527] in [0] : vector<16xi32>, vector<16xi32> -> vector<16xi32>
      %slice3A_2529 = vector.extract_strided_slice %gather3A_2528 {offsets = [0], sizes = [1], strides = [1]} : vector<16xi32> to vector<1xi32>
      %squeeze3A_2530 = vector.extract %slice3A_2529[0] : i32 from vector<1xi32>
      %broadcast_in_dim3A_2531 = vector.shape_cast %all_reduce_ffs3A_2525 : vector<16xi32> to vector<16x1xi32>
      %gather3A_2532 = vector.shape_cast %broadcast_in_dim3A_2531 : vector<16x1xi32> to vector<16xi32>
      %gather3A_2533 = tpu.dynamic_gather %rev3A_2378[%gather3A_2532] in [0] : vector<16xi32>, vector<16xi32> -> vector<16xi32>
      %slice3A_2534 = vector.extract_strided_slice %gather3A_2533 {offsets = [0], sizes = [1], strides = [1]} : vector<16xi32> to vector<1xi32>
      %squeeze3A_2535 = vector.extract %slice3A_2534[0] : i32 from vector<1xi32>
      %not3A_2536 = arith.constant true
      %not3A_2537 = arith.xori %or3A_2516, %not3A_2536 : i1
      %and3A_2538 = arith.andi %gt3A_2524, %not3A_2537 : i1
      %slice3A_2539 = vector.extract_strided_slice %all_reduce_ffs3A_2525 {offsets = [0], sizes = [1], strides = [1]} : vector<16xi32> to vector<1xi32>
      %squeeze3A_2540 = vector.extract %slice3A_2539[0] : i32 from vector<1xi32>
      %sub3A_2541 = arith.constant 239 : i32
      %sub3A_2542 = arith.subi %sub3A_2541, %squeeze3A_2540 : i32
      %select_n3A_2543 = arith.select %and3A_2538, %sub3A_2542, %select_n3A_2511 : i32
      %sub3A_2544 = arith.subi %squeeze3A_2530, %squeeze3A_2535 : i32
      %select_n3A_2545 = arith.select %and3A_2538, %sub3A_2544, %select_n3A_2514 : i32
      %or3A_2546 = arith.ori %or3A_2516, %gt3A_2524 : i1
      %broadcast_in_dim3A_2547 = vector.broadcast %add3A_2466 : i32 to vector<16xi32>
      %add3A_2548 = arith.addi %masked_cumsum3A_2425, %broadcast_in_dim3A_2547 : vector<16xi32>
      %ge3A_2549 = arith.cmpi sge, %add3A_2548, %broadcast_in_dim3A_2481 : vector<16xi32>
      %all_reduce_population_count3A_2550 = tpu.all_reduce %ge3A_2549 {dim = 0 : i64, kind = #tpu.reduction_kind<sum>} : vector<16xi1> -> vector<16xi32>
      %slice3A_2551 = vector.extract_strided_slice %all_reduce_population_count3A_2550 {offsets = [0], sizes = [1], strides = [1]} : vector<16xi32> to vector<1xi32>
      %squeeze3A_2552 = vector.extract %slice3A_2551[0] : i32 from vector<1xi32>
      %gt3A_2553 = arith.constant 0 : i32
      %gt3A_2554 = arith.cmpi sgt, %squeeze3A_2552, %gt3A_2553 : i32
      %all_reduce_ffs3A_2555 = tpu.all_reduce %ge3A_2549 {dim = 0 : i64, kind = #tpu.reduction_kind<find_first_set>} : vector<16xi1> -> vector<16xi32>
      %broadcast_in_dim3A_2556 = vector.shape_cast %all_reduce_ffs3A_2555 : vector<16xi32> to vector<16x1xi32>
      %gather3A_2557 = vector.shape_cast %broadcast_in_dim3A_2556 : vector<16x1xi32> to vector<16xi32>
      %gather3A_2558 = tpu.dynamic_gather %add3A_2548[%gather3A_2557] in [0] : vector<16xi32>, vector<16xi32> -> vector<16xi32>
      %slice3A_2559 = vector.extract_strided_slice %gather3A_2558 {offsets = [0], sizes = [1], strides = [1]} : vector<16xi32> to vector<1xi32>
      %squeeze3A_2560 = vector.extract %slice3A_2559[0] : i32 from vector<1xi32>
      %broadcast_in_dim3A_2561 = vector.shape_cast %all_reduce_ffs3A_2555 : vector<16xi32> to vector<16x1xi32>
      %gather3A_2562 = vector.shape_cast %broadcast_in_dim3A_2561 : vector<16x1xi32> to vector<16xi32>
      %gather3A_2563 = tpu.dynamic_gather %rev3A_2373[%gather3A_2562] in [0] : vector<16xi32>, vector<16xi32> -> vector<16xi32>
      %slice3A_2564 = vector.extract_strided_slice %gather3A_2563 {offsets = [0], sizes = [1], strides = [1]} : vector<16xi32> to vector<1xi32>
      %squeeze3A_2565 = vector.extract %slice3A_2564[0] : i32 from vector<1xi32>
      %not3A_2566 = arith.constant true
      %not3A_2567 = arith.xori %or3A_2546, %not3A_2566 : i1
      %and3A_2568 = arith.andi %gt3A_2554, %not3A_2567 : i1
      %slice3A_2569 = vector.extract_strided_slice %all_reduce_ffs3A_2555 {offsets = [0], sizes = [1], strides = [1]} : vector<16xi32> to vector<1xi32>
      %squeeze3A_2570 = vector.extract %slice3A_2569[0] : i32 from vector<1xi32>
      %sub3A_2571 = arith.constant 223 : i32
      %sub3A_2572 = arith.subi %sub3A_2571, %squeeze3A_2570 : i32
      %select_n3A_2573 = arith.select %and3A_2568, %sub3A_2572, %select_n3A_2543 : i32
      %sub3A_2574 = arith.subi %squeeze3A_2560, %squeeze3A_2565 : i32
      %select_n3A_2575 = arith.select %and3A_2568, %sub3A_2574, %select_n3A_2545 : i32
      %or3A_2576 = arith.ori %or3A_2546, %gt3A_2554 : i1
      %broadcast_in_dim3A_2577 = vector.broadcast %add3A_2467 : i32 to vector<16xi32>
      %add3A_2578 = arith.addi %masked_cumsum3A_2422, %broadcast_in_dim3A_2577 : vector<16xi32>
      %ge3A_2579 = arith.cmpi sge, %add3A_2578, %broadcast_in_dim3A_2481 : vector<16xi32>
      %all_reduce_population_count3A_2580 = tpu.all_reduce %ge3A_2579 {dim = 0 : i64, kind = #tpu.reduction_kind<sum>} : vector<16xi1> -> vector<16xi32>
      %slice3A_2581 = vector.extract_strided_slice %all_reduce_population_count3A_2580 {offsets = [0], sizes = [1], strides = [1]} : vector<16xi32> to vector<1xi32>
      %squeeze3A_2582 = vector.extract %slice3A_2581[0] : i32 from vector<1xi32>
      %gt3A_2583 = arith.constant 0 : i32
      %gt3A_2584 = arith.cmpi sgt, %squeeze3A_2582, %gt3A_2583 : i32
      %all_reduce_ffs3A_2585 = tpu.all_reduce %ge3A_2579 {dim = 0 : i64, kind = #tpu.reduction_kind<find_first_set>} : vector<16xi1> -> vector<16xi32>
      %broadcast_in_dim3A_2586 = vector.shape_cast %all_reduce_ffs3A_2585 : vector<16xi32> to vector<16x1xi32>
      %gather3A_2587 = vector.shape_cast %broadcast_in_dim3A_2586 : vector<16x1xi32> to vector<16xi32>
      %gather3A_2588 = tpu.dynamic_gather %add3A_2578[%gather3A_2587] in [0] : vector<16xi32>, vector<16xi32> -> vector<16xi32>
      %slice3A_2589 = vector.extract_strided_slice %gather3A_2588 {offsets = [0], sizes = [1], strides = [1]} : vector<16xi32> to vector<1xi32>
      %squeeze3A_2590 = vector.extract %slice3A_2589[0] : i32 from vector<1xi32>
      %broadcast_in_dim3A_2591 = vector.shape_cast %all_reduce_ffs3A_2585 : vector<16xi32> to vector<16x1xi32>
      %gather3A_2592 = vector.shape_cast %broadcast_in_dim3A_2591 : vector<16x1xi32> to vector<16xi32>
      %gather3A_2593 = tpu.dynamic_gather %rev3A_2368[%gather3A_2592] in [0] : vector<16xi32>, vector<16xi32> -> vector<16xi32>
      %slice3A_2594 = vector.extract_strided_slice %gather3A_2593 {offsets = [0], sizes = [1], strides = [1]} : vector<16xi32> to vector<1xi32>
      %squeeze3A_2595 = vector.extract %slice3A_2594[0] : i32 from vector<1xi32>
      %not3A_2596 = arith.constant true
      %not3A_2597 = arith.xori %or3A_2576, %not3A_2596 : i1
      %and3A_2598 = arith.andi %gt3A_2584, %not3A_2597 : i1
      %slice3A_2599 = vector.extract_strided_slice %all_reduce_ffs3A_2585 {offsets = [0], sizes = [1], strides = [1]} : vector<16xi32> to vector<1xi32>
      %squeeze3A_2600 = vector.extract %slice3A_2599[0] : i32 from vector<1xi32>
      %sub3A_2601 = arith.constant 207 : i32
      %sub3A_2602 = arith.subi %sub3A_2601, %squeeze3A_2600 : i32
      %select_n3A_2603 = arith.select %and3A_2598, %sub3A_2602, %select_n3A_2573 : i32
      %sub3A_2604 = arith.subi %squeeze3A_2590, %squeeze3A_2595 : i32
      %select_n3A_2605 = arith.select %and3A_2598, %sub3A_2604, %select_n3A_2575 : i32
      %or3A_2606 = arith.ori %or3A_2576, %gt3A_2584 : i1
      %broadcast_in_dim3A_2607 = vector.broadcast %add3A_2468 : i32 to vector<16xi32>
      %add3A_2608 = arith.addi %masked_cumsum3A_2419, %broadcast_in_dim3A_2607 : vector<16xi32>
      %ge3A_2609 = arith.cmpi sge, %add3A_2608, %broadcast_in_dim3A_2481 : vector<16xi32>
      %all_reduce_population_count3A_2610 = tpu.all_reduce %ge3A_2609 {dim = 0 : i64, kind = #tpu.reduction_kind<sum>} : vector<16xi1> -> vector<16xi32>
      %slice3A_2611 = vector.extract_strided_slice %all_reduce_population_count3A_2610 {offsets = [0], sizes = [1], strides = [1]} : vector<16xi32> to vector<1xi32>
      %squeeze3A_2612 = vector.extract %slice3A_2611[0] : i32 from vector<1xi32>
      %gt3A_2613 = arith.constant 0 : i32
      %gt3A_2614 = arith.cmpi sgt, %squeeze3A_2612, %gt3A_2613 : i32
      %all_reduce_ffs3A_2615 = tpu.all_reduce %ge3A_2609 {dim = 0 : i64, kind = #tpu.reduction_kind<find_first_set>} : vector<16xi1> -> vector<16xi32>
      %broadcast_in_dim3A_2616 = vector.shape_cast %all_reduce_ffs3A_2615 : vector<16xi32> to vector<16x1xi32>
      %gather3A_2617 = vector.shape_cast %broadcast_in_dim3A_2616 : vector<16x1xi32> to vector<16xi32>
      %gather3A_2618 = tpu.dynamic_gather %add3A_2608[%gather3A_2617] in [0] : vector<16xi32>, vector<16xi32> -> vector<16xi32>
      %slice3A_2619 = vector.extract_strided_slice %gather3A_2618 {offsets = [0], sizes = [1], strides = [1]} : vector<16xi32> to vector<1xi32>
      %squeeze3A_2620 = vector.extract %slice3A_2619[0] : i32 from vector<1xi32>
      %broadcast_in_dim3A_2621 = vector.shape_cast %all_reduce_ffs3A_2615 : vector<16xi32> to vector<16x1xi32>
      %gather3A_2622 = vector.shape_cast %broadcast_in_dim3A_2621 : vector<16x1xi32> to vector<16xi32>
      %gather3A_2623 = tpu.dynamic_gather %rev3A_2363[%gather3A_2622] in [0] : vector<16xi32>, vector<16xi32> -> vector<16xi32>
      %slice3A_2624 = vector.extract_strided_slice %gather3A_2623 {offsets = [0], sizes = [1], strides = [1]} : vector<16xi32> to vector<1xi32>
      %squeeze3A_2625 = vector.extract %slice3A_2624[0] : i32 from vector<1xi32>
      %not3A_2626 = arith.constant true
      %not3A_2627 = arith.xori %or3A_2606, %not3A_2626 : i1
      %and3A_2628 = arith.andi %gt3A_2614, %not3A_2627 : i1
      %slice3A_2629 = vector.extract_strided_slice %all_reduce_ffs3A_2615 {offsets = [0], sizes = [1], strides = [1]} : vector<16xi32> to vector<1xi32>
      %squeeze3A_2630 = vector.extract %slice3A_2629[0] : i32 from vector<1xi32>
      %sub3A_2631 = arith.constant 191 : i32
      %sub3A_2632 = arith.subi %sub3A_2631, %squeeze3A_2630 : i32
      %select_n3A_2633 = arith.select %and3A_2628, %sub3A_2632, %select_n3A_2603 : i32
      %sub3A_2634 = arith.subi %squeeze3A_2620, %squeeze3A_2625 : i32
      %select_n3A_2635 = arith.select %and3A_2628, %sub3A_2634, %select_n3A_2605 : i32
      %or3A_2636 = arith.ori %or3A_2606, %gt3A_2614 : i1
      %broadcast_in_dim3A_2637 = vector.broadcast %add3A_2469 : i32 to vector<16xi32>
      %add3A_2638 = arith.addi %masked_cumsum3A_2416, %broadcast_in_dim3A_2637 : vector<16xi32>
      %ge3A_2639 = arith.cmpi sge, %add3A_2638, %broadcast_in_dim3A_2481 : vector<16xi32>
      %all_reduce_population_count3A_2640 = tpu.all_reduce %ge3A_2639 {dim = 0 : i64, kind = #tpu.reduction_kind<sum>} : vector<16xi1> -> vector<16xi32>
      %slice3A_2641 = vector.extract_strided_slice %all_reduce_population_count3A_2640 {offsets = [0], sizes = [1], strides = [1]} : vector<16xi32> to vector<1xi32>
      %squeeze3A_2642 = vector.extract %slice3A_2641[0] : i32 from vector<1xi32>
      %gt3A_2643 = arith.constant 0 : i32
      %gt3A_2644 = arith.cmpi sgt, %squeeze3A_2642, %gt3A_2643 : i32
      %all_reduce_ffs3A_2645 = tpu.all_reduce %ge3A_2639 {dim = 0 : i64, kind = #tpu.reduction_kind<find_first_set>} : vector<16xi1> -> vector<16xi32>
      %broadcast_in_dim3A_2646 = vector.shape_cast %all_reduce_ffs3A_2645 : vector<16xi32> to vector<16x1xi32>
      %gather3A_2647 = vector.shape_cast %broadcast_in_dim3A_2646 : vector<16x1xi32> to vector<16xi32>
      %gather3A_2648 = tpu.dynamic_gather %add3A_2638[%gather3A_2647] in [0] : vector<16xi32>, vector<16xi32> -> vector<16xi32>
      %slice3A_2649 = vector.extract_strided_slice %gather3A_2648 {offsets = [0], sizes = [1], strides = [1]} : vector<16xi32> to vector<1xi32>
      %squeeze3A_2650 = vector.extract %slice3A_2649[0] : i32 from vector<1xi32>
      %broadcast_in_dim3A_2651 = vector.shape_cast %all_reduce_ffs3A_2645 : vector<16xi32> to vector<16x1xi32>
      %gather3A_2652 = vector.shape_cast %broadcast_in_dim3A_2651 : vector<16x1xi32> to vector<16xi32>
      %gather3A_2653 = tpu.dynamic_gather %rev3A_2358[%gather3A_2652] in [0] : vector<16xi32>, vector<16xi32> -> vector<16xi32>
      %slice3A_2654 = vector.extract_strided_slice %gather3A_2653 {offsets = [0], sizes = [1], strides = [1]} : vector<16xi32> to vector<1xi32>
      %squeeze3A_2655 = vector.extract %slice3A_2654[0] : i32 from vector<1xi32>
      %not3A_2656 = arith.constant true
      %not3A_2657 = arith.xori %or3A_2636, %not3A_2656 : i1
      %and3A_2658 = arith.andi %gt3A_2644, %not3A_2657 : i1
      %slice3A_2659 = vector.extract_strided_slice %all_reduce_ffs3A_2645 {offsets = [0], sizes = [1], strides = [1]} : vector<16xi32> to vector<1xi32>
      %squeeze3A_2660 = vector.extract %slice3A_2659[0] : i32 from vector<1xi32>
      %sub3A_2661 = arith.constant 175 : i32
      %sub3A_2662 = arith.subi %sub3A_2661, %squeeze3A_2660 : i32
      %select_n3A_2663 = arith.select %and3A_2658, %sub3A_2662, %select_n3A_2633 : i32
      %sub3A_2664 = arith.subi %squeeze3A_2650, %squeeze3A_2655 : i32
      %select_n3A_2665 = arith.select %and3A_2658, %sub3A_2664, %select_n3A_2635 : i32
      %or3A_2666 = arith.ori %or3A_2636, %gt3A_2644 : i1
      %broadcast_in_dim3A_2667 = vector.broadcast %add3A_2470 : i32 to vector<16xi32>
      %add3A_2668 = arith.addi %masked_cumsum3A_2413, %broadcast_in_dim3A_2667 : vector<16xi32>
      %ge3A_2669 = arith.cmpi sge, %add3A_2668, %broadcast_in_dim3A_2481 : vector<16xi32>
      %all_reduce_population_count3A_2670 = tpu.all_reduce %ge3A_2669 {dim = 0 : i64, kind = #tpu.reduction_kind<sum>} : vector<16xi1> -> vector<16xi32>
      %slice3A_2671 = vector.extract_strided_slice %all_reduce_population_count3A_2670 {offsets = [0], sizes = [1], strides = [1]} : vector<16xi32> to vector<1xi32>
      %squeeze3A_2672 = vector.extract %slice3A_2671[0] : i32 from vector<1xi32>
      %gt3A_2673 = arith.constant 0 : i32
      %gt3A_2674 = arith.cmpi sgt, %squeeze3A_2672, %gt3A_2673 : i32
      %all_reduce_ffs3A_2675 = tpu.all_reduce %ge3A_2669 {dim = 0 : i64, kind = #tpu.reduction_kind<find_first_set>} : vector<16xi1> -> vector<16xi32>
      %broadcast_in_dim3A_2676 = vector.shape_cast %all_reduce_ffs3A_2675 : vector<16xi32> to vector<16x1xi32>
      %gather3A_2677 = vector.shape_cast %broadcast_in_dim3A_2676 : vector<16x1xi32> to vector<16xi32>
      %gather3A_2678 = tpu.dynamic_gather %add3A_2668[%gather3A_2677] in [0] : vector<16xi32>, vector<16xi32> -> vector<16xi32>
      %slice3A_2679 = vector.extract_strided_slice %gather3A_2678 {offsets = [0], sizes = [1], strides = [1]} : vector<16xi32> to vector<1xi32>
      %squeeze3A_2680 = vector.extract %slice3A_2679[0] : i32 from vector<1xi32>
      %broadcast_in_dim3A_2681 = vector.shape_cast %all_reduce_ffs3A_2675 : vector<16xi32> to vector<16x1xi32>
      %gather3A_2682 = vector.shape_cast %broadcast_in_dim3A_2681 : vector<16x1xi32> to vector<16xi32>
      %gather3A_2683 = tpu.dynamic_gather %rev3A_2353[%gather3A_2682] in [0] : vector<16xi32>, vector<16xi32> -> vector<16xi32>
      %slice3A_2684 = vector.extract_strided_slice %gather3A_2683 {offsets = [0], sizes = [1], strides = [1]} : vector<16xi32> to vector<1xi32>
      %squeeze3A_2685 = vector.extract %slice3A_2684[0] : i32 from vector<1xi32>
      %not3A_2686 = arith.constant true
      %not3A_2687 = arith.xori %or3A_2666, %not3A_2686 : i1
      %and3A_2688 = arith.andi %gt3A_2674, %not3A_2687 : i1
      %slice3A_2689 = vector.extract_strided_slice %all_reduce_ffs3A_2675 {offsets = [0], sizes = [1], strides = [1]} : vector<16xi32> to vector<1xi32>
      %squeeze3A_2690 = vector.extract %slice3A_2689[0] : i32 from vector<1xi32>
      %sub3A_2691 = arith.constant 159 : i32
      %sub3A_2692 = arith.subi %sub3A_2691, %squeeze3A_2690 : i32
      %select_n3A_2693 = arith.select %and3A_2688, %sub3A_2692, %select_n3A_2663 : i32
      %sub3A_2694 = arith.subi %squeeze3A_2680, %squeeze3A_2685 : i32
      %select_n3A_2695 = arith.select %and3A_2688, %sub3A_2694, %select_n3A_2665 : i32
      %or3A_2696 = arith.ori %or3A_2666, %gt3A_2674 : i1
      %broadcast_in_dim3A_2697 = vector.broadcast %add3A_2471 : i32 to vector<16xi32>
      %add3A_2698 = arith.addi %masked_cumsum3A_2410, %broadcast_in_dim3A_2697 : vector<16xi32>
      %ge3A_2699 = arith.cmpi sge, %add3A_2698, %broadcast_in_dim3A_2481 : vector<16xi32>
      %all_reduce_population_count3A_2700 = tpu.all_reduce %ge3A_2699 {dim = 0 : i64, kind = #tpu.reduction_kind<sum>} : vector<16xi1> -> vector<16xi32>
      %slice3A_2701 = vector.extract_strided_slice %all_reduce_population_count3A_2700 {offsets = [0], sizes = [1], strides = [1]} : vector<16xi32> to vector<1xi32>
      %squeeze3A_2702 = vector.extract %slice3A_2701[0] : i32 from vector<1xi32>
      %gt3A_2703 = arith.constant 0 : i32
      %gt3A_2704 = arith.cmpi sgt, %squeeze3A_2702, %gt3A_2703 : i32
      %all_reduce_ffs3A_2705 = tpu.all_reduce %ge3A_2699 {dim = 0 : i64, kind = #tpu.reduction_kind<find_first_set>} : vector<16xi1> -> vector<16xi32>
      %broadcast_in_dim3A_2706 = vector.shape_cast %all_reduce_ffs3A_2705 : vector<16xi32> to vector<16x1xi32>
      %gather3A_2707 = vector.shape_cast %broadcast_in_dim3A_2706 : vector<16x1xi32> to vector<16xi32>
      %gather3A_2708 = tpu.dynamic_gather %add3A_2698[%gather3A_2707] in [0] : vector<16xi32>, vector<16xi32> -> vector<16xi32>
      %slice3A_2709 = vector.extract_strided_slice %gather3A_2708 {offsets = [0], sizes = [1], strides = [1]} : vector<16xi32> to vector<1xi32>
      %squeeze3A_2710 = vector.extract %slice3A_2709[0] : i32 from vector<1xi32>
      %broadcast_in_dim3A_2711 = vector.shape_cast %all_reduce_ffs3A_2705 : vector<16xi32> to vector<16x1xi32>
      %gather3A_2712 = vector.shape_cast %broadcast_in_dim3A_2711 : vector<16x1xi32> to vector<16xi32>
      %gather3A_2713 = tpu.dynamic_gather %rev3A_2348[%gather3A_2712] in [0] : vector<16xi32>, vector<16xi32> -> vector<16xi32>
      %slice3A_2714 = vector.extract_strided_slice %gather3A_2713 {offsets = [0], sizes = [1], strides = [1]} : vector<16xi32> to vector<1xi32>
      %squeeze3A_2715 = vector.extract %slice3A_2714[0] : i32 from vector<1xi32>
      %not3A_2716 = arith.constant true
      %not3A_2717 = arith.xori %or3A_2696, %not3A_2716 : i1
      %and3A_2718 = arith.andi %gt3A_2704, %not3A_2717 : i1
      %slice3A_2719 = vector.extract_strided_slice %all_reduce_ffs3A_2705 {offsets = [0], sizes = [1], strides = [1]} : vector<16xi32> to vector<1xi32>
      %squeeze3A_2720 = vector.extract %slice3A_2719[0] : i32 from vector<1xi32>
      %sub3A_2721 = arith.constant 143 : i32
      %sub3A_2722 = arith.subi %sub3A_2721, %squeeze3A_2720 : i32
      %select_n3A_2723 = arith.select %and3A_2718, %sub3A_2722, %select_n3A_2693 : i32
      %sub3A_2724 = arith.subi %squeeze3A_2710, %squeeze3A_2715 : i32
      %select_n3A_2725 = arith.select %and3A_2718, %sub3A_2724, %select_n3A_2695 : i32
      %or3A_2726 = arith.ori %or3A_2696, %gt3A_2704 : i1
      %broadcast_in_dim3A_2727 = vector.broadcast %add3A_2472 : i32 to vector<16xi32>
      %add3A_2728 = arith.addi %masked_cumsum3A_2407, %broadcast_in_dim3A_2727 : vector<16xi32>
      %ge3A_2729 = arith.cmpi sge, %add3A_2728, %broadcast_in_dim3A_2481 : vector<16xi32>
      %all_reduce_population_count3A_2730 = tpu.all_reduce %ge3A_2729 {dim = 0 : i64, kind = #tpu.reduction_kind<sum>} : vector<16xi1> -> vector<16xi32>
      %slice3A_2731 = vector.extract_strided_slice %all_reduce_population_count3A_2730 {offsets = [0], sizes = [1], strides = [1]} : vector<16xi32> to vector<1xi32>
      %squeeze3A_2732 = vector.extract %slice3A_2731[0] : i32 from vector<1xi32>
      %gt3A_2733 = arith.constant 0 : i32
      %gt3A_2734 = arith.cmpi sgt, %squeeze3A_2732, %gt3A_2733 : i32
      %all_reduce_ffs3A_2735 = tpu.all_reduce %ge3A_2729 {dim = 0 : i64, kind = #tpu.reduction_kind<find_first_set>} : vector<16xi1> -> vector<16xi32>
      %broadcast_in_dim3A_2736 = vector.shape_cast %all_reduce_ffs3A_2735 : vector<16xi32> to vector<16x1xi32>
      %gather3A_2737 = vector.shape_cast %broadcast_in_dim3A_2736 : vector<16x1xi32> to vector<16xi32>
      %gather3A_2738 = tpu.dynamic_gather %add3A_2728[%gather3A_2737] in [0] : vector<16xi32>, vector<16xi32> -> vector<16xi32>
      %slice3A_2739 = vector.extract_strided_slice %gather3A_2738 {offsets = [0], sizes = [1], strides = [1]} : vector<16xi32> to vector<1xi32>
      %squeeze3A_2740 = vector.extract %slice3A_2739[0] : i32 from vector<1xi32>
      %broadcast_in_dim3A_2741 = vector.shape_cast %all_reduce_ffs3A_2735 : vector<16xi32> to vector<16x1xi32>
      %gather3A_2742 = vector.shape_cast %broadcast_in_dim3A_2741 : vector<16x1xi32> to vector<16xi32>
      %gather3A_2743 = tpu.dynamic_gather %rev3A_2343[%gather3A_2742] in [0] : vector<16xi32>, vector<16xi32> -> vector<16xi32>
      %slice3A_2744 = vector.extract_strided_slice %gather3A_2743 {offsets = [0], sizes = [1], strides = [1]} : vector<16xi32> to vector<1xi32>
      %squeeze3A_2745 = vector.extract %slice3A_2744[0] : i32 from vector<1xi32>
      %not3A_2746 = arith.constant true
      %not3A_2747 = arith.xori %or3A_2726, %not3A_2746 : i1
      %and3A_2748 = arith.andi %gt3A_2734, %not3A_2747 : i1
      %slice3A_2749 = vector.extract_strided_slice %all_reduce_ffs3A_2735 {offsets = [0], sizes = [1], strides = [1]} : vector<16xi32> to vector<1xi32>
      %squeeze3A_2750 = vector.extract %slice3A_2749[0] : i32 from vector<1xi32>
      %sub3A_2751 = arith.constant 127 : i32
      %sub3A_2752 = arith.subi %sub3A_2751, %squeeze3A_2750 : i32
      %select_n3A_2753 = arith.select %and3A_2748, %sub3A_2752, %select_n3A_2723 : i32
      %sub3A_2754 = arith.subi %squeeze3A_2740, %squeeze3A_2745 : i32
      %select_n3A_2755 = arith.select %and3A_2748, %sub3A_2754, %select_n3A_2725 : i32
      %or3A_2756 = arith.ori %or3A_2726, %gt3A_2734 : i1
      %broadcast_in_dim3A_2757 = vector.broadcast %add3A_2473 : i32 to vector<16xi32>
      %add3A_2758 = arith.addi %masked_cumsum3A_2404, %broadcast_in_dim3A_2757 : vector<16xi32>
      %ge3A_2759 = arith.cmpi sge, %add3A_2758, %broadcast_in_dim3A_2481 : vector<16xi32>
      %all_reduce_population_count3A_2760 = tpu.all_reduce %ge3A_2759 {dim = 0 : i64, kind = #tpu.reduction_kind<sum>} : vector<16xi1> -> vector<16xi32>
      %slice3A_2761 = vector.extract_strided_slice %all_reduce_population_count3A_2760 {offsets = [0], sizes = [1], strides = [1]} : vector<16xi32> to vector<1xi32>
      %squeeze3A_2762 = vector.extract %slice3A_2761[0] : i32 from vector<1xi32>
      %gt3A_2763 = arith.constant 0 : i32
      %gt3A_2764 = arith.cmpi sgt, %squeeze3A_2762, %gt3A_2763 : i32
      %all_reduce_ffs3A_2765 = tpu.all_reduce %ge3A_2759 {dim = 0 : i64, kind = #tpu.reduction_kind<find_first_set>} : vector<16xi1> -> vector<16xi32>
      %broadcast_in_dim3A_2766 = vector.shape_cast %all_reduce_ffs3A_2765 : vector<16xi32> to vector<16x1xi32>
      %gather3A_2767 = vector.shape_cast %broadcast_in_dim3A_2766 : vector<16x1xi32> to vector<16xi32>
      %gather3A_2768 = tpu.dynamic_gather %add3A_2758[%gather3A_2767] in [0] : vector<16xi32>, vector<16xi32> -> vector<16xi32>
      %slice3A_2769 = vector.extract_strided_slice %gather3A_2768 {offsets = [0], sizes = [1], strides = [1]} : vector<16xi32> to vector<1xi32>
      %squeeze3A_2770 = vector.extract %slice3A_2769[0] : i32 from vector<1xi32>
      %broadcast_in_dim3A_2771 = vector.shape_cast %all_reduce_ffs3A_2765 : vector<16xi32> to vector<16x1xi32>
      %gather3A_2772 = vector.shape_cast %broadcast_in_dim3A_2771 : vector<16x1xi32> to vector<16xi32>
      %gather3A_2773 = tpu.dynamic_gather %rev3A_2338[%gather3A_2772] in [0] : vector<16xi32>, vector<16xi32> -> vector<16xi32>
      %slice3A_2774 = vector.extract_strided_slice %gather3A_2773 {offsets = [0], sizes = [1], strides = [1]} : vector<16xi32> to vector<1xi32>
      %squeeze3A_2775 = vector.extract %slice3A_2774[0] : i32 from vector<1xi32>
      %not3A_2776 = arith.constant true
      %not3A_2777 = arith.xori %or3A_2756, %not3A_2776 : i1
      %and3A_2778 = arith.andi %gt3A_2764, %not3A_2777 : i1
      %slice3A_2779 = vector.extract_strided_slice %all_reduce_ffs3A_2765 {offsets = [0], sizes = [1], strides = [1]} : vector<16xi32> to vector<1xi32>
      %squeeze3A_2780 = vector.extract %slice3A_2779[0] : i32 from vector<1xi32>
      %sub3A_2781 = arith.constant 111 : i32
      %sub3A_2782 = arith.subi %sub3A_2781, %squeeze3A_2780 : i32
      %select_n3A_2783 = arith.select %and3A_2778, %sub3A_2782, %select_n3A_2753 : i32
      %sub3A_2784 = arith.subi %squeeze3A_2770, %squeeze3A_2775 : i32
      %select_n3A_2785 = arith.select %and3A_2778, %sub3A_2784, %select_n3A_2755 : i32
      %or3A_2786 = arith.ori %or3A_2756, %gt3A_2764 : i1
      %broadcast_in_dim3A_2787 = vector.broadcast %add3A_2474 : i32 to vector<16xi32>
      %add3A_2788 = arith.addi %masked_cumsum3A_2401, %broadcast_in_dim3A_2787 : vector<16xi32>
      %ge3A_2789 = arith.cmpi sge, %add3A_2788, %broadcast_in_dim3A_2481 : vector<16xi32>
      %all_reduce_population_count3A_2790 = tpu.all_reduce %ge3A_2789 {dim = 0 : i64, kind = #tpu.reduction_kind<sum>} : vector<16xi1> -> vector<16xi32>
      %slice3A_2791 = vector.extract_strided_slice %all_reduce_population_count3A_2790 {offsets = [0], sizes = [1], strides = [1]} : vector<16xi32> to vector<1xi32>
      %squeeze3A_2792 = vector.extract %slice3A_2791[0] : i32 from vector<1xi32>
      %gt3A_2793 = arith.constant 0 : i32
      %gt3A_2794 = arith.cmpi sgt, %squeeze3A_2792, %gt3A_2793 : i32
      %all_reduce_ffs3A_2795 = tpu.all_reduce %ge3A_2789 {dim = 0 : i64, kind = #tpu.reduction_kind<find_first_set>} : vector<16xi1> -> vector<16xi32>
      %broadcast_in_dim3A_2796 = vector.shape_cast %all_reduce_ffs3A_2795 : vector<16xi32> to vector<16x1xi32>
      %gather3A_2797 = vector.shape_cast %broadcast_in_dim3A_2796 : vector<16x1xi32> to vector<16xi32>
      %gather3A_2798 = tpu.dynamic_gather %add3A_2788[%gather3A_2797] in [0] : vector<16xi32>, vector<16xi32> -> vector<16xi32>
      %slice3A_2799 = vector.extract_strided_slice %gather3A_2798 {offsets = [0], sizes = [1], strides = [1]} : vector<16xi32> to vector<1xi32>
      %squeeze3A_2800 = vector.extract %slice3A_2799[0] : i32 from vector<1xi32>
      %broadcast_in_dim3A_2801 = vector.shape_cast %all_reduce_ffs3A_2795 : vector<16xi32> to vector<16x1xi32>
      %gather3A_2802 = vector.shape_cast %broadcast_in_dim3A_2801 : vector<16x1xi32> to vector<16xi32>
      %gather3A_2803 = tpu.dynamic_gather %rev3A_2333[%gather3A_2802] in [0] : vector<16xi32>, vector<16xi32> -> vector<16xi32>
      %slice3A_2804 = vector.extract_strided_slice %gather3A_2803 {offsets = [0], sizes = [1], strides = [1]} : vector<16xi32> to vector<1xi32>
      %squeeze3A_2805 = vector.extract %slice3A_2804[0] : i32 from vector<1xi32>
      %not3A_2806 = arith.constant true
      %not3A_2807 = arith.xori %or3A_2786, %not3A_2806 : i1
      %and3A_2808 = arith.andi %gt3A_2794, %not3A_2807 : i1
      %slice3A_2809 = vector.extract_strided_slice %all_reduce_ffs3A_2795 {offsets = [0], sizes = [1], strides = [1]} : vector<16xi32> to vector<1xi32>
      %squeeze3A_2810 = vector.extract %slice3A_2809[0] : i32 from vector<1xi32>
      %sub3A_2811 = arith.constant 95 : i32
      %sub3A_2812 = arith.subi %sub3A_2811, %squeeze3A_2810 : i32
      %select_n3A_2813 = arith.select %and3A_2808, %sub3A_2812, %select_n3A_2783 : i32
      %sub3A_2814 = arith.subi %squeeze3A_2800, %squeeze3A_2805 : i32
      %select_n3A_2815 = arith.select %and3A_2808, %sub3A_2814, %select_n3A_2785 : i32
      %or3A_2816 = arith.ori %or3A_2786, %gt3A_2794 : i1
      %broadcast_in_dim3A_2817 = vector.broadcast %add3A_2475 : i32 to vector<16xi32>
      %add3A_2818 = arith.addi %masked_cumsum3A_2398, %broadcast_in_dim3A_2817 : vector<16xi32>
      %ge3A_2819 = arith.cmpi sge, %add3A_2818, %broadcast_in_dim3A_2481 : vector<16xi32>
      %all_reduce_population_count3A_2820 = tpu.all_reduce %ge3A_2819 {dim = 0 : i64, kind = #tpu.reduction_kind<sum>} : vector<16xi1> -> vector<16xi32>
      %slice3A_2821 = vector.extract_strided_slice %all_reduce_population_count3A_2820 {offsets = [0], sizes = [1], strides = [1]} : vector<16xi32> to vector<1xi32>
      %squeeze3A_2822 = vector.extract %slice3A_2821[0] : i32 from vector<1xi32>
      %gt3A_2823 = arith.constant 0 : i32
      %gt3A_2824 = arith.cmpi sgt, %squeeze3A_2822, %gt3A_2823 : i32
      %all_reduce_ffs3A_2825 = tpu.all_reduce %ge3A_2819 {dim = 0 : i64, kind = #tpu.reduction_kind<find_first_set>} : vector<16xi1> -> vector<16xi32>
      %broadcast_in_dim3A_2826 = vector.shape_cast %all_reduce_ffs3A_2825 : vector<16xi32> to vector<16x1xi32>
      %gather3A_2827 = vector.shape_cast %broadcast_in_dim3A_2826 : vector<16x1xi32> to vector<16xi32>
      %gather3A_2828 = tpu.dynamic_gather %add3A_2818[%gather3A_2827] in [0] : vector<16xi32>, vector<16xi32> -> vector<16xi32>
      %slice3A_2829 = vector.extract_strided_slice %gather3A_2828 {offsets = [0], sizes = [1], strides = [1]} : vector<16xi32> to vector<1xi32>
      %squeeze3A_2830 = vector.extract %slice3A_2829[0] : i32 from vector<1xi32>
      %broadcast_in_dim3A_2831 = vector.shape_cast %all_reduce_ffs3A_2825 : vector<16xi32> to vector<16x1xi32>
      %gather3A_2832 = vector.shape_cast %broadcast_in_dim3A_2831 : vector<16x1xi32> to vector<16xi32>
      %gather3A_2833 = tpu.dynamic_gather %rev3A_2328[%gather3A_2832] in [0] : vector<16xi32>, vector<16xi32> -> vector<16xi32>
      %slice3A_2834 = vector.extract_strided_slice %gather3A_2833 {offsets = [0], sizes = [1], strides = [1]} : vector<16xi32> to vector<1xi32>
      %squeeze3A_2835 = vector.extract %slice3A_2834[0] : i32 from vector<1xi32>
      %not3A_2836 = arith.constant true
      %not3A_2837 = arith.xori %or3A_2816, %not3A_2836 : i1
      %and3A_2838 = arith.andi %gt3A_2824, %not3A_2837 : i1
      %slice3A_2839 = vector.extract_strided_slice %all_reduce_ffs3A_2825 {offsets = [0], sizes = [1], strides = [1]} : vector<16xi32> to vector<1xi32>
      %squeeze3A_2840 = vector.extract %slice3A_2839[0] : i32 from vector<1xi32>
      %sub3A_2841 = arith.constant 79 : i32
      %sub3A_2842 = arith.subi %sub3A_2841, %squeeze3A_2840 : i32
      %select_n3A_2843 = arith.select %and3A_2838, %sub3A_2842, %select_n3A_2813 : i32
      %sub3A_2844 = arith.subi %squeeze3A_2830, %squeeze3A_2835 : i32
      %select_n3A_2845 = arith.select %and3A_2838, %sub3A_2844, %select_n3A_2815 : i32
      %or3A_2846 = arith.ori %or3A_2816, %gt3A_2824 : i1
      %broadcast_in_dim3A_2847 = vector.broadcast %add3A_2476 : i32 to vector<16xi32>
      %add3A_2848 = arith.addi %masked_cumsum3A_2395, %broadcast_in_dim3A_2847 : vector<16xi32>
      %ge3A_2849 = arith.cmpi sge, %add3A_2848, %broadcast_in_dim3A_2481 : vector<16xi32>
      %all_reduce_population_count3A_2850 = tpu.all_reduce %ge3A_2849 {dim = 0 : i64, kind = #tpu.reduction_kind<sum>} : vector<16xi1> -> vector<16xi32>
      %slice3A_2851 = vector.extract_strided_slice %all_reduce_population_count3A_2850 {offsets = [0], sizes = [1], strides = [1]} : vector<16xi32> to vector<1xi32>
      %squeeze3A_2852 = vector.extract %slice3A_2851[0] : i32 from vector<1xi32>
      %gt3A_2853 = arith.constant 0 : i32
      %gt3A_2854 = arith.cmpi sgt, %squeeze3A_2852, %gt3A_2853 : i32
      %all_reduce_ffs3A_2855 = tpu.all_reduce %ge3A_2849 {dim = 0 : i64, kind = #tpu.reduction_kind<find_first_set>} : vector<16xi1> -> vector<16xi32>
      %broadcast_in_dim3A_2856 = vector.shape_cast %all_reduce_ffs3A_2855 : vector<16xi32> to vector<16x1xi32>
      %gather3A_2857 = vector.shape_cast %broadcast_in_dim3A_2856 : vector<16x1xi32> to vector<16xi32>
      %gather3A_2858 = tpu.dynamic_gather %add3A_2848[%gather3A_2857] in [0] : vector<16xi32>, vector<16xi32> -> vector<16xi32>
      %slice3A_2859 = vector.extract_strided_slice %gather3A_2858 {offsets = [0], sizes = [1], strides = [1]} : vector<16xi32> to vector<1xi32>
      %squeeze3A_2860 = vector.extract %slice3A_2859[0] : i32 from vector<1xi32>
      %broadcast_in_dim3A_2861 = vector.shape_cast %all_reduce_ffs3A_2855 : vector<16xi32> to vector<16x1xi32>
      %gather3A_2862 = vector.shape_cast %broadcast_in_dim3A_2861 : vector<16x1xi32> to vector<16xi32>
      %gather3A_2863 = tpu.dynamic_gather %rev3A_2323[%gather3A_2862] in [0] : vector<16xi32>, vector<16xi32> -> vector<16xi32>
      %slice3A_2864 = vector.extract_strided_slice %gather3A_2863 {offsets = [0], sizes = [1], strides = [1]} : vector<16xi32> to vector<1xi32>
      %squeeze3A_2865 = vector.extract %slice3A_2864[0] : i32 from vector<1xi32>
      %not3A_2866 = arith.constant true
      %not3A_2867 = arith.xori %or3A_2846, %not3A_2866 : i1
      %and3A_2868 = arith.andi %gt3A_2854, %not3A_2867 : i1
      %slice3A_2869 = vector.extract_strided_slice %all_reduce_ffs3A_2855 {offsets = [0], sizes = [1], strides = [1]} : vector<16xi32> to vector<1xi32>
      %squeeze3A_2870 = vector.extract %slice3A_2869[0] : i32 from vector<1xi32>
      %sub3A_2871 = arith.constant 63 : i32
      %sub3A_2872 = arith.subi %sub3A_2871, %squeeze3A_2870 : i32
      %select_n3A_2873 = arith.select %and3A_2868, %sub3A_2872, %select_n3A_2843 : i32
      %sub3A_2874 = arith.subi %squeeze3A_2860, %squeeze3A_2865 : i32
      %select_n3A_2875 = arith.select %and3A_2868, %sub3A_2874, %select_n3A_2845 : i32
      %or3A_2876 = arith.ori %or3A_2846, %gt3A_2854 : i1
      %broadcast_in_dim3A_2877 = vector.broadcast %add3A_2477 : i32 to vector<16xi32>
      %add3A_2878 = arith.addi %masked_cumsum3A_2392, %broadcast_in_dim3A_2877 : vector<16xi32>
      %ge3A_2879 = arith.cmpi sge, %add3A_2878, %broadcast_in_dim3A_2481 : vector<16xi32>
      %all_reduce_population_count3A_2880 = tpu.all_reduce %ge3A_2879 {dim = 0 : i64, kind = #tpu.reduction_kind<sum>} : vector<16xi1> -> vector<16xi32>
      %slice3A_2881 = vector.extract_strided_slice %all_reduce_population_count3A_2880 {offsets = [0], sizes = [1], strides = [1]} : vector<16xi32> to vector<1xi32>
      %squeeze3A_2882 = vector.extract %slice3A_2881[0] : i32 from vector<1xi32>
      %gt3A_2883 = arith.constant 0 : i32
      %gt3A_2884 = arith.cmpi sgt, %squeeze3A_2882, %gt3A_2883 : i32
      %all_reduce_ffs3A_2885 = tpu.all_reduce %ge3A_2879 {dim = 0 : i64, kind = #tpu.reduction_kind<find_first_set>} : vector<16xi1> -> vector<16xi32>
      %broadcast_in_dim3A_2886 = vector.shape_cast %all_reduce_ffs3A_2885 : vector<16xi32> to vector<16x1xi32>
      %gather3A_2887 = vector.shape_cast %broadcast_in_dim3A_2886 : vector<16x1xi32> to vector<16xi32>
      %gather3A_2888 = tpu.dynamic_gather %add3A_2878[%gather3A_2887] in [0] : vector<16xi32>, vector<16xi32> -> vector<16xi32>
      %slice3A_2889 = vector.extract_strided_slice %gather3A_2888 {offsets = [0], sizes = [1], strides = [1]} : vector<16xi32> to vector<1xi32>
      %squeeze3A_2890 = vector.extract %slice3A_2889[0] : i32 from vector<1xi32>
      %broadcast_in_dim3A_2891 = vector.shape_cast %all_reduce_ffs3A_2885 : vector<16xi32> to vector<16x1xi32>
      %gather3A_2892 = vector.shape_cast %broadcast_in_dim3A_2891 : vector<16x1xi32> to vector<16xi32>
      %gather3A_2893 = tpu.dynamic_gather %rev3A_2318[%gather3A_2892] in [0] : vector<16xi32>, vector<16xi32> -> vector<16xi32>
      %slice3A_2894 = vector.extract_strided_slice %gather3A_2893 {offsets = [0], sizes = [1], strides = [1]} : vector<16xi32> to vector<1xi32>
      %squeeze3A_2895 = vector.extract %slice3A_2894[0] : i32 from vector<1xi32>
      %not3A_2896 = arith.constant true
      %not3A_2897 = arith.xori %or3A_2876, %not3A_2896 : i1
      %and3A_2898 = arith.andi %gt3A_2884, %not3A_2897 : i1
      %slice3A_2899 = vector.extract_strided_slice %all_reduce_ffs3A_2885 {offsets = [0], sizes = [1], strides = [1]} : vector<16xi32> to vector<1xi32>
      %squeeze3A_2900 = vector.extract %slice3A_2899[0] : i32 from vector<1xi32>
      %sub3A_2901 = arith.constant 47 : i32
      %sub3A_2902 = arith.subi %sub3A_2901, %squeeze3A_2900 : i32
      %select_n3A_2903 = arith.select %and3A_2898, %sub3A_2902, %select_n3A_2873 : i32
      %sub3A_2904 = arith.subi %squeeze3A_2890, %squeeze3A_2895 : i32
      %select_n3A_2905 = arith.select %and3A_2898, %sub3A_2904, %select_n3A_2875 : i32
      %or3A_2906 = arith.ori %or3A_2876, %gt3A_2884 : i1
      %broadcast_in_dim3A_2907 = vector.broadcast %add3A_2478 : i32 to vector<16xi32>
      %add3A_2908 = arith.addi %masked_cumsum3A_2389, %broadcast_in_dim3A_2907 : vector<16xi32>
      %ge3A_2909 = arith.cmpi sge, %add3A_2908, %broadcast_in_dim3A_2481 : vector<16xi32>
      %all_reduce_population_count3A_2910 = tpu.all_reduce %ge3A_2909 {dim = 0 : i64, kind = #tpu.reduction_kind<sum>} : vector<16xi1> -> vector<16xi32>
      %slice3A_2911 = vector.extract_strided_slice %all_reduce_population_count3A_2910 {offsets = [0], sizes = [1], strides = [1]} : vector<16xi32> to vector<1xi32>
      %squeeze3A_2912 = vector.extract %slice3A_2911[0] : i32 from vector<1xi32>
      %gt3A_2913 = arith.constant 0 : i32
      %gt3A_2914 = arith.cmpi sgt, %squeeze3A_2912, %gt3A_2913 : i32
      %all_reduce_ffs3A_2915 = tpu.all_reduce %ge3A_2909 {dim = 0 : i64, kind = #tpu.reduction_kind<find_first_set>} : vector<16xi1> -> vector<16xi32>
      %broadcast_in_dim3A_2916 = vector.shape_cast %all_reduce_ffs3A_2915 : vector<16xi32> to vector<16x1xi32>
      %gather3A_2917 = vector.shape_cast %broadcast_in_dim3A_2916 : vector<16x1xi32> to vector<16xi32>
      %gather3A_2918 = tpu.dynamic_gather %add3A_2908[%gather3A_2917] in [0] : vector<16xi32>, vector<16xi32> -> vector<16xi32>
      %slice3A_2919 = vector.extract_strided_slice %gather3A_2918 {offsets = [0], sizes = [1], strides = [1]} : vector<16xi32> to vector<1xi32>
      %squeeze3A_2920 = vector.extract %slice3A_2919[0] : i32 from vector<1xi32>
      %broadcast_in_dim3A_2921 = vector.shape_cast %all_reduce_ffs3A_2915 : vector<16xi32> to vector<16x1xi32>
      %gather3A_2922 = vector.shape_cast %broadcast_in_dim3A_2921 : vector<16x1xi32> to vector<16xi32>
      %gather3A_2923 = tpu.dynamic_gather %rev3A_2313[%gather3A_2922] in [0] : vector<16xi32>, vector<16xi32> -> vector<16xi32>
      %slice3A_2924 = vector.extract_strided_slice %gather3A_2923 {offsets = [0], sizes = [1], strides = [1]} : vector<16xi32> to vector<1xi32>
      %squeeze3A_2925 = vector.extract %slice3A_2924[0] : i32 from vector<1xi32>
      %not3A_2926 = arith.constant true
      %not3A_2927 = arith.xori %or3A_2906, %not3A_2926 : i1
      %and3A_2928 = arith.andi %gt3A_2914, %not3A_2927 : i1
      %slice3A_2929 = vector.extract_strided_slice %all_reduce_ffs3A_2915 {offsets = [0], sizes = [1], strides = [1]} : vector<16xi32> to vector<1xi32>
      %squeeze3A_2930 = vector.extract %slice3A_2929[0] : i32 from vector<1xi32>
      %sub3A_2931 = arith.constant 31 : i32
      %sub3A_2932 = arith.subi %sub3A_2931, %squeeze3A_2930 : i32
      %select_n3A_2933 = arith.select %and3A_2928, %sub3A_2932, %select_n3A_2903 : i32
      %sub3A_2934 = arith.subi %squeeze3A_2920, %squeeze3A_2925 : i32
      %select_n3A_2935 = arith.select %and3A_2928, %sub3A_2934, %select_n3A_2905 : i32
      %or3A_2936 = arith.ori %or3A_2906, %gt3A_2914 : i1
      %broadcast_in_dim3A_2937 = vector.broadcast %add3A_2479 : i32 to vector<16xi32>
      %add3A_2938 = arith.addi %masked_cumsum3A_2386, %broadcast_in_dim3A_2937 : vector<16xi32>
      %ge3A_2939 = arith.cmpi sge, %add3A_2938, %broadcast_in_dim3A_2481 : vector<16xi32>
      %all_reduce_population_count3A_2940 = tpu.all_reduce %ge3A_2939 {dim = 0 : i64, kind = #tpu.reduction_kind<sum>} : vector<16xi1> -> vector<16xi32>
      %slice3A_2941 = vector.extract_strided_slice %all_reduce_population_count3A_2940 {offsets = [0], sizes = [1], strides = [1]} : vector<16xi32> to vector<1xi32>
      %squeeze3A_2942 = vector.extract %slice3A_2941[0] : i32 from vector<1xi32>
      %gt3A_2943 = arith.constant 0 : i32
      %gt3A_2944 = arith.cmpi sgt, %squeeze3A_2942, %gt3A_2943 : i32
      %all_reduce_ffs3A_2945 = tpu.all_reduce %ge3A_2939 {dim = 0 : i64, kind = #tpu.reduction_kind<find_first_set>} : vector<16xi1> -> vector<16xi32>
      %broadcast_in_dim3A_2946 = vector.shape_cast %all_reduce_ffs3A_2945 : vector<16xi32> to vector<16x1xi32>
      %gather3A_2947 = vector.shape_cast %broadcast_in_dim3A_2946 : vector<16x1xi32> to vector<16xi32>
      %gather3A_2948 = tpu.dynamic_gather %add3A_2938[%gather3A_2947] in [0] : vector<16xi32>, vector<16xi32> -> vector<16xi32>
      %slice3A_2949 = vector.extract_strided_slice %gather3A_2948 {offsets = [0], sizes = [1], strides = [1]} : vector<16xi32> to vector<1xi32>
      %squeeze3A_2950 = vector.extract %slice3A_2949[0] : i32 from vector<1xi32>
      %broadcast_in_dim3A_2951 = vector.shape_cast %all_reduce_ffs3A_2945 : vector<16xi32> to vector<16x1xi32>
      %gather3A_2952 = vector.shape_cast %broadcast_in_dim3A_2951 : vector<16x1xi32> to vector<16xi32>
      %gather3A_2953 = tpu.dynamic_gather %rev3A_2308[%gather3A_2952] in [0] : vector<16xi32>, vector<16xi32> -> vector<16xi32>
      %slice3A_2954 = vector.extract_strided_slice %gather3A_2953 {offsets = [0], sizes = [1], strides = [1]} : vector<16xi32> to vector<1xi32>
      %squeeze3A_2955 = vector.extract %slice3A_2954[0] : i32 from vector<1xi32>
      %not3A_2956 = arith.constant true
      %not3A_2957 = arith.xori %or3A_2936, %not3A_2956 : i1
      %and3A_2958 = arith.andi %gt3A_2944, %not3A_2957 : i1
      %slice3A_2959 = vector.extract_strided_slice %all_reduce_ffs3A_2945 {offsets = [0], sizes = [1], strides = [1]} : vector<16xi32> to vector<1xi32>
      %squeeze3A_2960 = vector.extract %slice3A_2959[0] : i32 from vector<1xi32>
      %sub3A_2961 = arith.constant 15 : i32
      %sub3A_2962 = arith.subi %sub3A_2961, %squeeze3A_2960 : i32
      %select_n3A_2963 = arith.select %and3A_2958, %sub3A_2962, %select_n3A_2933 : i32
      %sub3A_2964 = arith.subi %squeeze3A_2950, %squeeze3A_2955 : i32
      %select_n3A_2965 = arith.select %and3A_2958, %sub3A_2964, %select_n3A_2935 : i32
      %or3A_2966 = arith.ori %or3A_2936, %gt3A_2944 : i1
      %sub3A_2967 = arith.subi %sub3A_2221, %select_n3A_2965 : i32
      %shift_left3A = arith.constant 23 : i32
      %shift_left3A_2968 = arith.shli %select_n3A_741, %shift_left3A : i32
      %shift_left3A_2969 = arith.constant 15 : i32
      %shift_left3A_2970 = arith.shli %select_n3A_1473, %shift_left3A_2969 : i32
      %or3A_2971 = arith.ori %shift_left3A_2968, %shift_left3A_2970 : i32
      %shift_left3A_2972 = arith.constant 7 : i32
      %shift_left3A_2973 = arith.shli %select_n3A_2217, %shift_left3A_2972 : i32
      %or3A_2974 = arith.ori %or3A_2971, %shift_left3A_2973 : i32
      %or3A_2975 = arith.ori %or3A_2974, %select_n3A_2963 : i32
      %jit3A_2976 = arith.constant 1 : i32
      %select_n3A_2977 = arith.select %or3A_737, %or3A_2975, %jit3A_2976 : i32
      %broadcast_in_dim3A_2978 = vector.broadcast %select_n3A_2977 : i32 to vector<16xi32>
      %bitcast3A = vector.bitcast %broadcast_in_dim3A_2978 : vector<16xi32> to vector<16xf32>
      %scan3A_2979 = arith.constant 0 : i32
      %scan3A_2980 = arith.constant 0 : i32
      %scan3A_2981 = arith.constant 1024 : i32
      %scan3A_2982 = arith.addi %scan3A_2980, %scan3A_2981 : i32
      %scan3A_2983 = arith.constant 8 : i32
      %scan3A_2984 = scf.for %scan3A_2987 = %scan3A_2980 to %scan3A_2982 step %scan3A_2983 iter_args(%scan3A_2988 = %scan3A_2979) -> (i32)  : i32 {
        %mul3A_2989 = arith.constant 16 : i32
        %mul3A_2990 = arith.muli %scan3A_2987, %mul3A_2989 : i32
        %get3A_2991 = arith.index_cast %mul3A_2990 : i32 to index
        %get3A_2992 = tpu.vector_load %arg4[%get3A_2991] {strides = array<i32>} : memref<16384xf32, #tpu.memory_space<vmem>>, vector<16xf32>,
        %ge3A_2993 = arith.cmpf oge, %get3A_2992, %bitcast3A : vector<16xf32>
        %jit3A_2994 = arith.constant 0.000000e+00 : f32
        %broadcast_in_dim3A_2995 = vector.broadcast %jit3A_2994 : f32 to vector<16xf32>
        %select_n3A_2996 = arith.select %ge3A_2993, %get3A_2992, %broadcast_in_dim3A_2995 : vector<16xi1>, vector<16xf32>
        %mul3A_2997 = arith.constant 16 : i32
        %mul3A_2998 = arith.muli %scan3A_2987, %mul3A_2997 : i32
        %swap3A_2999 = arith.index_cast %mul3A_2998 : i32 to index
        %swap3A_3000 = tpu.vector_load %arg4[%swap3A_2999] {strides = array<i32>} : memref<16384xf32, #tpu.memory_space<vmem>>, vector<16xf32>,
        tpu.vector_store %arg4[%swap3A_2999], %select_n3A_2996 {strides = array<i32>} : memref<16384xf32, #tpu.memory_space<vmem>>, vector<16xf32>,
        %scan3A_3001 = arith.constant 0 : i32
        %scan3A_3002 = arith.constant 1 : i32
        %scan3A_3003 = arith.addi %scan3A_2987, %scan3A_3002 : i32
        %mul3A_3004 = arith.constant 16 : i32
        %mul3A_3005 = arith.muli %scan3A_3003, %mul3A_3004 : i32
        %get3A_3006 = arith.index_cast %mul3A_3005 : i32 to index
        %get3A_3007 = tpu.vector_load %arg4[%get3A_3006] {strides = array<i32>} : memref<16384xf32, #tpu.memory_space<vmem>>, vector<16xf32>,
        %ge3A_3008 = arith.cmpf oge, %get3A_3007, %bitcast3A : vector<16xf32>
        %jit3A_3009 = arith.constant 0.000000e+00 : f32
        %broadcast_in_dim3A_3010 = vector.broadcast %jit3A_3009 : f32 to vector<16xf32>
        %select_n3A_3011 = arith.select %ge3A_3008, %get3A_3007, %broadcast_in_dim3A_3010 : vector<16xi1>, vector<16xf32>
        %mul3A_3012 = arith.constant 16 : i32
        %mul3A_3013 = arith.muli %scan3A_3003, %mul3A_3012 : i32
        %swap3A_3014 = arith.index_cast %mul3A_3013 : i32 to index
        %swap3A_3015 = tpu.vector_load %arg4[%swap3A_3014] {strides = array<i32>} : memref<16384xf32, #tpu.memory_space<vmem>>, vector<16xf32>,
        tpu.vector_store %arg4[%swap3A_3014], %select_n3A_3011 {strides = array<i32>} : memref<16384xf32, #tpu.memory_space<vmem>>, vector<16xf32>,
        %scan3A_3016 = arith.constant 0 : i32
        %scan3A_3017 = arith.constant 2 : i32
        %scan3A_3018 = arith.addi %scan3A_2987, %scan3A_3017 : i32
        %mul3A_3019 = arith.constant 16 : i32
        %mul3A_3020 = arith.muli %scan3A_3018, %mul3A_3019 : i32
        %get3A_3021 = arith.index_cast %mul3A_3020 : i32 to index
        %get3A_3022 = tpu.vector_load %arg4[%get3A_3021] {strides = array<i32>} : memref<16384xf32, #tpu.memory_space<vmem>>, vector<16xf32>,
        %ge3A_3023 = arith.cmpf oge, %get3A_3022, %bitcast3A : vector<16xf32>
        %jit3A_3024 = arith.constant 0.000000e+00 : f32
        %broadcast_in_dim3A_3025 = vector.broadcast %jit3A_3024 : f32 to vector<16xf32>
        %select_n3A_3026 = arith.select %ge3A_3023, %get3A_3022, %broadcast_in_dim3A_3025 : vector<16xi1>, vector<16xf32>
        %mul3A_3027 = arith.constant 16 : i32
        %mul3A_3028 = arith.muli %scan3A_3018, %mul3A_3027 : i32
        %swap3A_3029 = arith.index_cast %mul3A_3028 : i32 to index
        %swap3A_3030 = tpu.vector_load %arg4[%swap3A_3029] {strides = array<i32>} : memref<16384xf32, #tpu.memory_space<vmem>>, vector<16xf32>,
        tpu.vector_store %arg4[%swap3A_3029], %select_n3A_3026 {strides = array<i32>} : memref<16384xf32, #tpu.memory_space<vmem>>, vector<16xf32>,
        %scan3A_3031 = arith.constant 0 : i32
        %scan3A_3032 = arith.constant 3 : i32
        %scan3A_3033 = arith.addi %scan3A_2987, %scan3A_3032 : i32
        %mul3A_3034 = arith.constant 16 : i32
        %mul3A_3035 = arith.muli %scan3A_3033, %mul3A_3034 : i32
        %get3A_3036 = arith.index_cast %mul3A_3035 : i32 to index
        %get3A_3037 = tpu.vector_load %arg4[%get3A_3036] {strides = array<i32>} : memref<16384xf32, #tpu.memory_space<vmem>>, vector<16xf32>,
        %ge3A_3038 = arith.cmpf oge, %get3A_3037, %bitcast3A : vector<16xf32>
        %jit3A_3039 = arith.constant 0.000000e+00 : f32
        %broadcast_in_dim3A_3040 = vector.broadcast %jit3A_3039 : f32 to vector<16xf32>
        %select_n3A_3041 = arith.select %ge3A_3038, %get3A_3037, %broadcast_in_dim3A_3040 : vector<16xi1>, vector<16xf32>
        %mul3A_3042 = arith.constant 16 : i32
        %mul3A_3043 = arith.muli %scan3A_3033, %mul3A_3042 : i32
        %swap3A_3044 = arith.index_cast %mul3A_3043 : i32 to index
        %swap3A_3045 = tpu.vector_load %arg4[%swap3A_3044] {strides = array<i32>} : memref<16384xf32, #tpu.memory_space<vmem>>, vector<16xf32>,
        tpu.vector_store %arg4[%swap3A_3044], %select_n3A_3041 {strides = array<i32>} : memref<16384xf32, #tpu.memory_space<vmem>>, vector<16xf32>,
        %scan3A_3046 = arith.constant 0 : i32
        %scan3A_3047 = arith.constant 4 : i32
        %scan3A_3048 = arith.addi %scan3A_2987, %scan3A_3047 : i32
        %mul3A_3049 = arith.constant 16 : i32
        %mul3A_3050 = arith.muli %scan3A_3048, %mul3A_3049 : i32
        %get3A_3051 = arith.index_cast %mul3A_3050 : i32 to index
        %get3A_3052 = tpu.vector_load %arg4[%get3A_3051] {strides = array<i32>} : memref<16384xf32, #tpu.memory_space<vmem>>, vector<16xf32>,
        %ge3A_3053 = arith.cmpf oge, %get3A_3052, %bitcast3A : vector<16xf32>
        %jit3A_3054 = arith.constant 0.000000e+00 : f32
        %broadcast_in_dim3A_3055 = vector.broadcast %jit3A_3054 : f32 to vector<16xf32>
        %select_n3A_3056 = arith.select %ge3A_3053, %get3A_3052, %broadcast_in_dim3A_3055 : vector<16xi1>, vector<16xf32>
        %mul3A_3057 = arith.constant 16 : i32
        %mul3A_3058 = arith.muli %scan3A_3048, %mul3A_3057 : i32
        %swap3A_3059 = arith.index_cast %mul3A_3058 : i32 to index
        %swap3A_3060 = tpu.vector_load %arg4[%swap3A_3059] {strides = array<i32>} : memref<16384xf32, #tpu.memory_space<vmem>>, vector<16xf32>,
        tpu.vector_store %arg4[%swap3A_3059], %select_n3A_3056 {strides = array<i32>} : memref<16384xf32, #tpu.memory_space<vmem>>, vector<16xf32>,
        %scan3A_3061 = arith.constant 0 : i32
        %scan3A_3062 = arith.constant 5 : i32
        %scan3A_3063 = arith.addi %scan3A_2987, %scan3A_3062 : i32
        %mul3A_3064 = arith.constant 16 : i32
        %mul3A_3065 = arith.muli %scan3A_3063, %mul3A_3064 : i32
        %get3A_3066 = arith.index_cast %mul3A_3065 : i32 to index
        %get3A_3067 = tpu.vector_load %arg4[%get3A_3066] {strides = array<i32>} : memref<16384xf32, #tpu.memory_space<vmem>>, vector<16xf32>,
        %ge3A_3068 = arith.cmpf oge, %get3A_3067, %bitcast3A : vector<16xf32>
        %jit3A_3069 = arith.constant 0.000000e+00 : f32
        %broadcast_in_dim3A_3070 = vector.broadcast %jit3A_3069 : f32 to vector<16xf32>
        %select_n3A_3071 = arith.select %ge3A_3068, %get3A_3067, %broadcast_in_dim3A_3070 : vector<16xi1>, vector<16xf32>
        %mul3A_3072 = arith.constant 16 : i32
        %mul3A_3073 = arith.muli %scan3A_3063, %mul3A_3072 : i32
        %swap3A_3074 = arith.index_cast %mul3A_3073 : i32 to index
        %swap3A_3075 = tpu.vector_load %arg4[%swap3A_3074] {strides = array<i32>} : memref<16384xf32, #tpu.memory_space<vmem>>, vector<16xf32>,
        tpu.vector_store %arg4[%swap3A_3074], %select_n3A_3071 {strides = array<i32>} : memref<16384xf32, #tpu.memory_space<vmem>>, vector<16xf32>,
        %scan3A_3076 = arith.constant 0 : i32
        %scan3A_3077 = arith.constant 6 : i32
        %scan3A_3078 = arith.addi %scan3A_2987, %scan3A_3077 : i32
        %mul3A_3079 = arith.constant 16 : i32
        %mul3A_3080 = arith.muli %scan3A_3078, %mul3A_3079 : i32
        %get3A_3081 = arith.index_cast %mul3A_3080 : i32 to index
        %get3A_3082 = tpu.vector_load %arg4[%get3A_3081] {strides = array<i32>} : memref<16384xf32, #tpu.memory_space<vmem>>, vector<16xf32>,
        %ge3A_3083 = arith.cmpf oge, %get3A_3082, %bitcast3A : vector<16xf32>
        %jit3A_3084 = arith.constant 0.000000e+00 : f32
        %broadcast_in_dim3A_3085 = vector.broadcast %jit3A_3084 : f32 to vector<16xf32>
        %select_n3A_3086 = arith.select %ge3A_3083, %get3A_3082, %broadcast_in_dim3A_3085 : vector<16xi1>, vector<16xf32>
        %mul3A_3087 = arith.constant 16 : i32
        %mul3A_3088 = arith.muli %scan3A_3078, %mul3A_3087 : i32
        %swap3A_3089 = arith.index_cast %mul3A_3088 : i32 to index
        %swap3A_3090 = tpu.vector_load %arg4[%swap3A_3089] {strides = array<i32>} : memref<16384xf32, #tpu.memory_space<vmem>>, vector<16xf32>,
        tpu.vector_store %arg4[%swap3A_3089], %select_n3A_3086 {strides = array<i32>} : memref<16384xf32, #tpu.memory_space<vmem>>, vector<16xf32>,
        %scan3A_3091 = arith.constant 0 : i32
        %scan3A_3092 = arith.constant 7 : i32
        %scan3A_3093 = arith.addi %scan3A_2987, %scan3A_3092 : i32
        %mul3A_3094 = arith.constant 16 : i32
        %mul3A_3095 = arith.muli %scan3A_3093, %mul3A_3094 : i32
        %get3A_3096 = arith.index_cast %mul3A_3095 : i32 to index
        %get3A_3097 = tpu.vector_load %arg4[%get3A_3096] {strides = array<i32>} : memref<16384xf32, #tpu.memory_space<vmem>>, vector<16xf32>,
        %ge3A_3098 = arith.cmpf oge, %get3A_3097, %bitcast3A : vector<16xf32>
        %jit3A_3099 = arith.constant 0.000000e+00 : f32
        %broadcast_in_dim3A_3100 = vector.broadcast %jit3A_3099 : f32 to vector<16xf32>
        %select_n3A_3101 = arith.select %ge3A_3098, %get3A_3097, %broadcast_in_dim3A_3100 : vector<16xi1>, vector<16xf32>
        %mul3A_3102 = arith.constant 16 : i32
        %mul3A_3103 = arith.muli %scan3A_3093, %mul3A_3102 : i32
        %swap3A_3104 = arith.index_cast %mul3A_3103 : i32 to index
        %swap3A_3105 = tpu.vector_load %arg4[%swap3A_3104] {strides = array<i32>} : memref<16384xf32, #tpu.memory_space<vmem>>, vector<16xf32>,
        tpu.vector_store %arg4[%swap3A_3104], %select_n3A_3101 {strides = array<i32>} : memref<16384xf32, #tpu.memory_space<vmem>>, vector<16xf32>,
        %scan3A_3106 = arith.constant 0 : i32
        scf.yield %scan3A_3106 : i32
      }
      %scan3A_2985 = arith.constant 1024 : i32
      "tpu.region"() ({
        %run_scoped3A = tpu.sem_alloc : memref<!tpu.dma_semaphore, #tpu.memory_space<semaphore_mem>>
        %dma_start3A = arith.constant 0 : i32
        %dma_start3A_2987 = tpu.memref_slice %arg3[%add3A_14, %dma_start3A] : memref<512x16384xf32, #tpu.memory_space<hbm>> -> memref<1x16384xf32, #tpu.memory_space<hbm>>
        %dma_start3A_2988 = tpu.memref_squeeze %dma_start3A_2987 : memref<1x16384xf32, #tpu.memory_space<hbm>> -> memref<16384xf32, #tpu.memory_space<hbm>>
        %dma_start3A_2989 = arith.constant 0 : i32
        %dma_start3A_2990 = tpu.memref_slice %arg3[%add3A_14, %dma_start3A_2989] : memref<512x16384xf32, #tpu.memory_space<hbm>> -> memref<1x16384xf32, #tpu.memory_space<hbm>>
        %dma_start3A_2991 = tpu.memref_squeeze %dma_start3A_2990 : memref<1x16384xf32, #tpu.memory_space<hbm>> -> memref<16384xf32, #tpu.memory_space<hbm>>
        tpu.enqueue_dma source(%arg4 : memref<16384xf32, #tpu.memory_space<vmem>>) target(%dma_start3A_2991 : memref<16384xf32, #tpu.memory_space<hbm>>) target_semaphore(%run_scoped3A : memref<!tpu.dma_semaphore, #tpu.memory_space<semaphore_mem>>)
        %dma_wait3A = arith.constant 0 : i32
        %dma_wait3A_2992 = tpu.memref_slice %arg3[%add3A_14, %dma_wait3A] : memref<512x16384xf32, #tpu.memory_space<hbm>> -> memref<1x16384xf32, #tpu.memory_space<hbm>>
        %dma_wait3A_2993 = tpu.memref_squeeze %dma_wait3A_2992 : memref<1x16384xf32, #tpu.memory_space<hbm>> -> memref<16384xf32, #tpu.memory_space<hbm>>
        %dma_wait3A_2994 = arith.constant 0 : i32
        %dma_wait3A_2995 = tpu.memref_slice %arg3[%add3A_14, %dma_wait3A_2994] : memref<512x16384xf32, #tpu.memory_space<hbm>> -> memref<1x16384xf32, #tpu.memory_space<hbm>>
        %dma_wait3A_2996 = tpu.memref_squeeze %dma_wait3A_2995 : memref<1x16384xf32, #tpu.memory_space<hbm>> -> memref<16384xf32, #tpu.memory_space<hbm>>
        tpu.wait_dma2 semaphore(%run_scoped3A : memref<!tpu.dma_semaphore, #tpu.memory_space<semaphore_mem>>) src(%arg4 : memref<16384xf32, #tpu.memory_space<vmem>>) dst(%dma_wait3A_2996 : memref<16384xf32, #tpu.memory_space<hbm>>)
        tpu.yield
      }) : () -> ()
      %scan3A_2986 = arith.constant 0 : i32
      scf.yield %scan3A_2986 : i32
    }
    %scan3A_9 = arith.constant 16 : i32
    return
  }
}

module attributes {stable_mosaic.version = 14 : i64} {
  func.func @_tc_block(%arg0: i32, %arg1: memref<32x16384xf32, #tpu.memory_space<vmem>>, %arg2: memref<32x16384xf32, #tpu.memory_space<vmem>>) attributes {dimension_semantics = [#tpu.dimension_semantics<arbitrary>], iteration_bounds = array<i64: 48>, scalar_prefetch = 0 : i64, scratch_operands = 0 : i64, tpu.core_type = #tpu.core_type<tc>, window_params = [{transform_indices = @transform_0, window_bounds = array<i64: 32, 16384>}, {transform_indices = @transform_1, window_bounds = array<i64: 32, 16384>}]} {
    %get3A = arith.constant 0 : index
    %get3A_0 = arith.constant 0 : index
    %get3A_1 = vector.load %arg1[%get3A, %get3A_0] : memref<32x16384xf32, #tpu.memory_space<vmem>>, vector<32x16384xf32>
    %broadcast_in_dim3A = arith.constant 0 : i32
    %broadcast_in_dim3A_2 = vector.broadcast %broadcast_in_dim3A : i32 to vector<32x1xi32>
    %broadcast_in_dim3A_3 = arith.constant 16384 : i32
    %broadcast_in_dim3A_4 = vector.broadcast %broadcast_in_dim3A_3 : i32 to vector<32x1xi32>
    %scan3A = arith.constant 0 : i32
    %sub3A = arith.constant 30 : i32
    %sub3A_5 = arith.subi %sub3A, %scan3A : i32
    %shift_left3A = arith.constant 1 : i32
    %shift_left3A_6 = arith.shli %shift_left3A, %sub3A_5 : i32
    %or3A = vector.broadcast %shift_left3A_6 : i32 to vector<32x1xi32>
    %or3A_7 = arith.ori %broadcast_in_dim3A_2, %or3A : vector<32x1xi32>
    %bitcast_convert_type3A = tpu.bitcast %or3A_7 : vector<32x1xi32> -> vector<32x1xf32>
    %ge3A = vector.broadcast %bitcast_convert_type3A : vector<32x1xf32> to vector<32x16384xf32>
    %ge3A_8 = arith.cmpf oge, %get3A_1, %ge3A : vector<32x16384xf32>
    %convert_element_type3A = arith.extui %ge3A_8 : vector<32x16384xi1> to vector<32x16384xi32>
    %reduce_sum3A = arith.constant dense<0> : vector<32xi32>
    %reduce_sum3A_9 = vector.multi_reduction <add>, %convert_element_type3A, %reduce_sum3A [1] : vector<32x16384xi32> to vector<32xi32>
    %broadcast_in_dim3A_10 = vector.shape_cast %reduce_sum3A_9 : vector<32xi32> to vector<32x1xi32>
    %ge3A_11 = arith.constant 64 : i32
    %ge3A_12 = vector.broadcast %ge3A_11 : i32 to vector<32x1xi32>
    %ge3A_13 = arith.cmpi sge, %broadcast_in_dim3A_10, %ge3A_12 : vector<32x1xi32>
    %select_n3A = arith.select %ge3A_13, %or3A_7, %broadcast_in_dim3A_2 : vector<32x1xi1>, vector<32x1xi32>
    %select_n3A_14 = arith.select %ge3A_13, %broadcast_in_dim3A_10, %broadcast_in_dim3A_4 : vector<32x1xi1>, vector<32x1xi32>
    %scan3A_15 = arith.constant 1 : i32
    %sub3A_16 = arith.constant 30 : i32
    %sub3A_17 = arith.subi %sub3A_16, %scan3A_15 : i32
    %shift_left3A_18 = arith.constant 1 : i32
    %shift_left3A_19 = arith.shli %shift_left3A_18, %sub3A_17 : i32
    %or3A_20 = vector.broadcast %shift_left3A_19 : i32 to vector<32x1xi32>
    %or3A_21 = arith.ori %select_n3A, %or3A_20 : vector<32x1xi32>
    %bitcast_convert_type3A_22 = tpu.bitcast %or3A_21 : vector<32x1xi32> -> vector<32x1xf32>
    %ge3A_23 = vector.broadcast %bitcast_convert_type3A_22 : vector<32x1xf32> to vector<32x16384xf32>
    %ge3A_24 = arith.cmpf oge, %get3A_1, %ge3A_23 : vector<32x16384xf32>
    %convert_element_type3A_25 = arith.extui %ge3A_24 : vector<32x16384xi1> to vector<32x16384xi32>
    %reduce_sum3A_26 = arith.constant dense<0> : vector<32xi32>
    %reduce_sum3A_27 = vector.multi_reduction <add>, %convert_element_type3A_25, %reduce_sum3A_26 [1] : vector<32x16384xi32> to vector<32xi32>
    %broadcast_in_dim3A_28 = vector.shape_cast %reduce_sum3A_27 : vector<32xi32> to vector<32x1xi32>
    %ge3A_29 = arith.constant 64 : i32
    %ge3A_30 = vector.broadcast %ge3A_29 : i32 to vector<32x1xi32>
    %ge3A_31 = arith.cmpi sge, %broadcast_in_dim3A_28, %ge3A_30 : vector<32x1xi32>
    %select_n3A_32 = arith.select %ge3A_31, %or3A_21, %select_n3A : vector<32x1xi1>, vector<32x1xi32>
    %select_n3A_33 = arith.select %ge3A_31, %broadcast_in_dim3A_28, %select_n3A_14 : vector<32x1xi1>, vector<32x1xi32>
    %scan3A_34 = arith.constant 2 : i32
    %sub3A_35 = arith.constant 30 : i32
    %sub3A_36 = arith.subi %sub3A_35, %scan3A_34 : i32
    %shift_left3A_37 = arith.constant 1 : i32
    %shift_left3A_38 = arith.shli %shift_left3A_37, %sub3A_36 : i32
    %or3A_39 = vector.broadcast %shift_left3A_38 : i32 to vector<32x1xi32>
    %or3A_40 = arith.ori %select_n3A_32, %or3A_39 : vector<32x1xi32>
    %bitcast_convert_type3A_41 = tpu.bitcast %or3A_40 : vector<32x1xi32> -> vector<32x1xf32>
    %ge3A_42 = vector.broadcast %bitcast_convert_type3A_41 : vector<32x1xf32> to vector<32x16384xf32>
    %ge3A_43 = arith.cmpf oge, %get3A_1, %ge3A_42 : vector<32x16384xf32>
    %convert_element_type3A_44 = arith.extui %ge3A_43 : vector<32x16384xi1> to vector<32x16384xi32>
    %reduce_sum3A_45 = arith.constant dense<0> : vector<32xi32>
    %reduce_sum3A_46 = vector.multi_reduction <add>, %convert_element_type3A_44, %reduce_sum3A_45 [1] : vector<32x16384xi32> to vector<32xi32>
    %broadcast_in_dim3A_47 = vector.shape_cast %reduce_sum3A_46 : vector<32xi32> to vector<32x1xi32>
    %ge3A_48 = arith.constant 64 : i32
    %ge3A_49 = vector.broadcast %ge3A_48 : i32 to vector<32x1xi32>
    %ge3A_50 = arith.cmpi sge, %broadcast_in_dim3A_47, %ge3A_49 : vector<32x1xi32>
    %select_n3A_51 = arith.select %ge3A_50, %or3A_40, %select_n3A_32 : vector<32x1xi1>, vector<32x1xi32>
    %select_n3A_52 = arith.select %ge3A_50, %broadcast_in_dim3A_47, %select_n3A_33 : vector<32x1xi1>, vector<32x1xi32>
    %scan3A_53 = arith.constant 3 : i32
    %sub3A_54 = arith.constant 30 : i32
    %sub3A_55 = arith.subi %sub3A_54, %scan3A_53 : i32
    %shift_left3A_56 = arith.constant 1 : i32
    %shift_left3A_57 = arith.shli %shift_left3A_56, %sub3A_55 : i32
    %or3A_58 = vector.broadcast %shift_left3A_57 : i32 to vector<32x1xi32>
    %or3A_59 = arith.ori %select_n3A_51, %or3A_58 : vector<32x1xi32>
    %bitcast_convert_type3A_60 = tpu.bitcast %or3A_59 : vector<32x1xi32> -> vector<32x1xf32>
    %ge3A_61 = vector.broadcast %bitcast_convert_type3A_60 : vector<32x1xf32> to vector<32x16384xf32>
    %ge3A_62 = arith.cmpf oge, %get3A_1, %ge3A_61 : vector<32x16384xf32>
    %convert_element_type3A_63 = arith.extui %ge3A_62 : vector<32x16384xi1> to vector<32x16384xi32>
    %reduce_sum3A_64 = arith.constant dense<0> : vector<32xi32>
    %reduce_sum3A_65 = vector.multi_reduction <add>, %convert_element_type3A_63, %reduce_sum3A_64 [1] : vector<32x16384xi32> to vector<32xi32>
    %broadcast_in_dim3A_66 = vector.shape_cast %reduce_sum3A_65 : vector<32xi32> to vector<32x1xi32>
    %ge3A_67 = arith.constant 64 : i32
    %ge3A_68 = vector.broadcast %ge3A_67 : i32 to vector<32x1xi32>
    %ge3A_69 = arith.cmpi sge, %broadcast_in_dim3A_66, %ge3A_68 : vector<32x1xi32>
    %select_n3A_70 = arith.select %ge3A_69, %or3A_59, %select_n3A_51 : vector<32x1xi1>, vector<32x1xi32>
    %select_n3A_71 = arith.select %ge3A_69, %broadcast_in_dim3A_66, %select_n3A_52 : vector<32x1xi1>, vector<32x1xi32>
    %scan3A_72 = arith.constant 4 : i32
    %sub3A_73 = arith.constant 30 : i32
    %sub3A_74 = arith.subi %sub3A_73, %scan3A_72 : i32
    %shift_left3A_75 = arith.constant 1 : i32
    %shift_left3A_76 = arith.shli %shift_left3A_75, %sub3A_74 : i32
    %or3A_77 = vector.broadcast %shift_left3A_76 : i32 to vector<32x1xi32>
    %or3A_78 = arith.ori %select_n3A_70, %or3A_77 : vector<32x1xi32>
    %bitcast_convert_type3A_79 = tpu.bitcast %or3A_78 : vector<32x1xi32> -> vector<32x1xf32>
    %ge3A_80 = vector.broadcast %bitcast_convert_type3A_79 : vector<32x1xf32> to vector<32x16384xf32>
    %ge3A_81 = arith.cmpf oge, %get3A_1, %ge3A_80 : vector<32x16384xf32>
    %convert_element_type3A_82 = arith.extui %ge3A_81 : vector<32x16384xi1> to vector<32x16384xi32>
    %reduce_sum3A_83 = arith.constant dense<0> : vector<32xi32>
    %reduce_sum3A_84 = vector.multi_reduction <add>, %convert_element_type3A_82, %reduce_sum3A_83 [1] : vector<32x16384xi32> to vector<32xi32>
    %broadcast_in_dim3A_85 = vector.shape_cast %reduce_sum3A_84 : vector<32xi32> to vector<32x1xi32>
    %ge3A_86 = arith.constant 64 : i32
    %ge3A_87 = vector.broadcast %ge3A_86 : i32 to vector<32x1xi32>
    %ge3A_88 = arith.cmpi sge, %broadcast_in_dim3A_85, %ge3A_87 : vector<32x1xi32>
    %select_n3A_89 = arith.select %ge3A_88, %or3A_78, %select_n3A_70 : vector<32x1xi1>, vector<32x1xi32>
    %select_n3A_90 = arith.select %ge3A_88, %broadcast_in_dim3A_85, %select_n3A_71 : vector<32x1xi1>, vector<32x1xi32>
    %scan3A_91 = arith.constant 5 : i32
    %sub3A_92 = arith.constant 30 : i32
    %sub3A_93 = arith.subi %sub3A_92, %scan3A_91 : i32
    %shift_left3A_94 = arith.constant 1 : i32
    %shift_left3A_95 = arith.shli %shift_left3A_94, %sub3A_93 : i32
    %or3A_96 = vector.broadcast %shift_left3A_95 : i32 to vector<32x1xi32>
    %or3A_97 = arith.ori %select_n3A_89, %or3A_96 : vector<32x1xi32>
    %bitcast_convert_type3A_98 = tpu.bitcast %or3A_97 : vector<32x1xi32> -> vector<32x1xf32>
    %ge3A_99 = vector.broadcast %bitcast_convert_type3A_98 : vector<32x1xf32> to vector<32x16384xf32>
    %ge3A_100 = arith.cmpf oge, %get3A_1, %ge3A_99 : vector<32x16384xf32>
    %convert_element_type3A_101 = arith.extui %ge3A_100 : vector<32x16384xi1> to vector<32x16384xi32>
    %reduce_sum3A_102 = arith.constant dense<0> : vector<32xi32>
    %reduce_sum3A_103 = vector.multi_reduction <add>, %convert_element_type3A_101, %reduce_sum3A_102 [1] : vector<32x16384xi32> to vector<32xi32>
    %broadcast_in_dim3A_104 = vector.shape_cast %reduce_sum3A_103 : vector<32xi32> to vector<32x1xi32>
    %ge3A_105 = arith.constant 64 : i32
    %ge3A_106 = vector.broadcast %ge3A_105 : i32 to vector<32x1xi32>
    %ge3A_107 = arith.cmpi sge, %broadcast_in_dim3A_104, %ge3A_106 : vector<32x1xi32>
    %select_n3A_108 = arith.select %ge3A_107, %or3A_97, %select_n3A_89 : vector<32x1xi1>, vector<32x1xi32>
    %select_n3A_109 = arith.select %ge3A_107, %broadcast_in_dim3A_104, %select_n3A_90 : vector<32x1xi1>, vector<32x1xi32>
    %scan3A_110 = arith.constant 6 : i32
    %sub3A_111 = arith.constant 30 : i32
    %sub3A_112 = arith.subi %sub3A_111, %scan3A_110 : i32
    %shift_left3A_113 = arith.constant 1 : i32
    %shift_left3A_114 = arith.shli %shift_left3A_113, %sub3A_112 : i32
    %or3A_115 = vector.broadcast %shift_left3A_114 : i32 to vector<32x1xi32>
    %or3A_116 = arith.ori %select_n3A_108, %or3A_115 : vector<32x1xi32>
    %bitcast_convert_type3A_117 = tpu.bitcast %or3A_116 : vector<32x1xi32> -> vector<32x1xf32>
    %ge3A_118 = vector.broadcast %bitcast_convert_type3A_117 : vector<32x1xf32> to vector<32x16384xf32>
    %ge3A_119 = arith.cmpf oge, %get3A_1, %ge3A_118 : vector<32x16384xf32>
    %convert_element_type3A_120 = arith.extui %ge3A_119 : vector<32x16384xi1> to vector<32x16384xi32>
    %reduce_sum3A_121 = arith.constant dense<0> : vector<32xi32>
    %reduce_sum3A_122 = vector.multi_reduction <add>, %convert_element_type3A_120, %reduce_sum3A_121 [1] : vector<32x16384xi32> to vector<32xi32>
    %broadcast_in_dim3A_123 = vector.shape_cast %reduce_sum3A_122 : vector<32xi32> to vector<32x1xi32>
    %ge3A_124 = arith.constant 64 : i32
    %ge3A_125 = vector.broadcast %ge3A_124 : i32 to vector<32x1xi32>
    %ge3A_126 = arith.cmpi sge, %broadcast_in_dim3A_123, %ge3A_125 : vector<32x1xi32>
    %select_n3A_127 = arith.select %ge3A_126, %or3A_116, %select_n3A_108 : vector<32x1xi1>, vector<32x1xi32>
    %select_n3A_128 = arith.select %ge3A_126, %broadcast_in_dim3A_123, %select_n3A_109 : vector<32x1xi1>, vector<32x1xi32>
    %scan3A_129 = arith.constant 7 : i32
    %sub3A_130 = arith.constant 30 : i32
    %sub3A_131 = arith.subi %sub3A_130, %scan3A_129 : i32
    %shift_left3A_132 = arith.constant 1 : i32
    %shift_left3A_133 = arith.shli %shift_left3A_132, %sub3A_131 : i32
    %or3A_134 = vector.broadcast %shift_left3A_133 : i32 to vector<32x1xi32>
    %or3A_135 = arith.ori %select_n3A_127, %or3A_134 : vector<32x1xi32>
    %bitcast_convert_type3A_136 = tpu.bitcast %or3A_135 : vector<32x1xi32> -> vector<32x1xf32>
    %ge3A_137 = vector.broadcast %bitcast_convert_type3A_136 : vector<32x1xf32> to vector<32x16384xf32>
    %ge3A_138 = arith.cmpf oge, %get3A_1, %ge3A_137 : vector<32x16384xf32>
    %convert_element_type3A_139 = arith.extui %ge3A_138 : vector<32x16384xi1> to vector<32x16384xi32>
    %reduce_sum3A_140 = arith.constant dense<0> : vector<32xi32>
    %reduce_sum3A_141 = vector.multi_reduction <add>, %convert_element_type3A_139, %reduce_sum3A_140 [1] : vector<32x16384xi32> to vector<32xi32>
    %broadcast_in_dim3A_142 = vector.shape_cast %reduce_sum3A_141 : vector<32xi32> to vector<32x1xi32>
    %ge3A_143 = arith.constant 64 : i32
    %ge3A_144 = vector.broadcast %ge3A_143 : i32 to vector<32x1xi32>
    %ge3A_145 = arith.cmpi sge, %broadcast_in_dim3A_142, %ge3A_144 : vector<32x1xi32>
    %select_n3A_146 = arith.select %ge3A_145, %or3A_135, %select_n3A_127 : vector<32x1xi1>, vector<32x1xi32>
    %select_n3A_147 = arith.select %ge3A_145, %broadcast_in_dim3A_142, %select_n3A_128 : vector<32x1xi1>, vector<32x1xi32>
    %scan3A_148 = arith.constant 8 : i32
    %sub3A_149 = arith.constant 30 : i32
    %sub3A_150 = arith.subi %sub3A_149, %scan3A_148 : i32
    %shift_left3A_151 = arith.constant 1 : i32
    %shift_left3A_152 = arith.shli %shift_left3A_151, %sub3A_150 : i32
    %or3A_153 = vector.broadcast %shift_left3A_152 : i32 to vector<32x1xi32>
    %or3A_154 = arith.ori %select_n3A_146, %or3A_153 : vector<32x1xi32>
    %bitcast_convert_type3A_155 = tpu.bitcast %or3A_154 : vector<32x1xi32> -> vector<32x1xf32>
    %ge3A_156 = vector.broadcast %bitcast_convert_type3A_155 : vector<32x1xf32> to vector<32x16384xf32>
    %ge3A_157 = arith.cmpf oge, %get3A_1, %ge3A_156 : vector<32x16384xf32>
    %convert_element_type3A_158 = arith.extui %ge3A_157 : vector<32x16384xi1> to vector<32x16384xi32>
    %reduce_sum3A_159 = arith.constant dense<0> : vector<32xi32>
    %reduce_sum3A_160 = vector.multi_reduction <add>, %convert_element_type3A_158, %reduce_sum3A_159 [1] : vector<32x16384xi32> to vector<32xi32>
    %broadcast_in_dim3A_161 = vector.shape_cast %reduce_sum3A_160 : vector<32xi32> to vector<32x1xi32>
    %ge3A_162 = arith.constant 64 : i32
    %ge3A_163 = vector.broadcast %ge3A_162 : i32 to vector<32x1xi32>
    %ge3A_164 = arith.cmpi sge, %broadcast_in_dim3A_161, %ge3A_163 : vector<32x1xi32>
    %select_n3A_165 = arith.select %ge3A_164, %or3A_154, %select_n3A_146 : vector<32x1xi1>, vector<32x1xi32>
    %select_n3A_166 = arith.select %ge3A_164, %broadcast_in_dim3A_161, %select_n3A_147 : vector<32x1xi1>, vector<32x1xi32>
    %scan3A_167 = arith.constant 9 : i32
    %sub3A_168 = arith.constant 30 : i32
    %sub3A_169 = arith.subi %sub3A_168, %scan3A_167 : i32
    %shift_left3A_170 = arith.constant 1 : i32
    %shift_left3A_171 = arith.shli %shift_left3A_170, %sub3A_169 : i32
    %or3A_172 = vector.broadcast %shift_left3A_171 : i32 to vector<32x1xi32>
    %or3A_173 = arith.ori %select_n3A_165, %or3A_172 : vector<32x1xi32>
    %bitcast_convert_type3A_174 = tpu.bitcast %or3A_173 : vector<32x1xi32> -> vector<32x1xf32>
    %ge3A_175 = vector.broadcast %bitcast_convert_type3A_174 : vector<32x1xf32> to vector<32x16384xf32>
    %ge3A_176 = arith.cmpf oge, %get3A_1, %ge3A_175 : vector<32x16384xf32>
    %convert_element_type3A_177 = arith.extui %ge3A_176 : vector<32x16384xi1> to vector<32x16384xi32>
    %reduce_sum3A_178 = arith.constant dense<0> : vector<32xi32>
    %reduce_sum3A_179 = vector.multi_reduction <add>, %convert_element_type3A_177, %reduce_sum3A_178 [1] : vector<32x16384xi32> to vector<32xi32>
    %broadcast_in_dim3A_180 = vector.shape_cast %reduce_sum3A_179 : vector<32xi32> to vector<32x1xi32>
    %ge3A_181 = arith.constant 64 : i32
    %ge3A_182 = vector.broadcast %ge3A_181 : i32 to vector<32x1xi32>
    %ge3A_183 = arith.cmpi sge, %broadcast_in_dim3A_180, %ge3A_182 : vector<32x1xi32>
    %select_n3A_184 = arith.select %ge3A_183, %or3A_173, %select_n3A_165 : vector<32x1xi1>, vector<32x1xi32>
    %select_n3A_185 = arith.select %ge3A_183, %broadcast_in_dim3A_180, %select_n3A_166 : vector<32x1xi1>, vector<32x1xi32>
    %scan3A_186 = arith.constant 10 : i32
    %sub3A_187 = arith.constant 30 : i32
    %sub3A_188 = arith.subi %sub3A_187, %scan3A_186 : i32
    %shift_left3A_189 = arith.constant 1 : i32
    %shift_left3A_190 = arith.shli %shift_left3A_189, %sub3A_188 : i32
    %or3A_191 = vector.broadcast %shift_left3A_190 : i32 to vector<32x1xi32>
    %or3A_192 = arith.ori %select_n3A_184, %or3A_191 : vector<32x1xi32>
    %bitcast_convert_type3A_193 = tpu.bitcast %or3A_192 : vector<32x1xi32> -> vector<32x1xf32>
    %ge3A_194 = vector.broadcast %bitcast_convert_type3A_193 : vector<32x1xf32> to vector<32x16384xf32>
    %ge3A_195 = arith.cmpf oge, %get3A_1, %ge3A_194 : vector<32x16384xf32>
    %convert_element_type3A_196 = arith.extui %ge3A_195 : vector<32x16384xi1> to vector<32x16384xi32>
    %reduce_sum3A_197 = arith.constant dense<0> : vector<32xi32>
    %reduce_sum3A_198 = vector.multi_reduction <add>, %convert_element_type3A_196, %reduce_sum3A_197 [1] : vector<32x16384xi32> to vector<32xi32>
    %broadcast_in_dim3A_199 = vector.shape_cast %reduce_sum3A_198 : vector<32xi32> to vector<32x1xi32>
    %ge3A_200 = arith.constant 64 : i32
    %ge3A_201 = vector.broadcast %ge3A_200 : i32 to vector<32x1xi32>
    %ge3A_202 = arith.cmpi sge, %broadcast_in_dim3A_199, %ge3A_201 : vector<32x1xi32>
    %select_n3A_203 = arith.select %ge3A_202, %or3A_192, %select_n3A_184 : vector<32x1xi1>, vector<32x1xi32>
    %select_n3A_204 = arith.select %ge3A_202, %broadcast_in_dim3A_199, %select_n3A_185 : vector<32x1xi1>, vector<32x1xi32>
    %scan3A_205 = arith.constant 11 : i32
    %sub3A_206 = arith.constant 30 : i32
    %sub3A_207 = arith.subi %sub3A_206, %scan3A_205 : i32
    %shift_left3A_208 = arith.constant 1 : i32
    %shift_left3A_209 = arith.shli %shift_left3A_208, %sub3A_207 : i32
    %or3A_210 = vector.broadcast %shift_left3A_209 : i32 to vector<32x1xi32>
    %or3A_211 = arith.ori %select_n3A_203, %or3A_210 : vector<32x1xi32>
    %bitcast_convert_type3A_212 = tpu.bitcast %or3A_211 : vector<32x1xi32> -> vector<32x1xf32>
    %ge3A_213 = vector.broadcast %bitcast_convert_type3A_212 : vector<32x1xf32> to vector<32x16384xf32>
    %ge3A_214 = arith.cmpf oge, %get3A_1, %ge3A_213 : vector<32x16384xf32>
    %convert_element_type3A_215 = arith.extui %ge3A_214 : vector<32x16384xi1> to vector<32x16384xi32>
    %reduce_sum3A_216 = arith.constant dense<0> : vector<32xi32>
    %reduce_sum3A_217 = vector.multi_reduction <add>, %convert_element_type3A_215, %reduce_sum3A_216 [1] : vector<32x16384xi32> to vector<32xi32>
    %broadcast_in_dim3A_218 = vector.shape_cast %reduce_sum3A_217 : vector<32xi32> to vector<32x1xi32>
    %ge3A_219 = arith.constant 64 : i32
    %ge3A_220 = vector.broadcast %ge3A_219 : i32 to vector<32x1xi32>
    %ge3A_221 = arith.cmpi sge, %broadcast_in_dim3A_218, %ge3A_220 : vector<32x1xi32>
    %select_n3A_222 = arith.select %ge3A_221, %or3A_211, %select_n3A_203 : vector<32x1xi1>, vector<32x1xi32>
    %select_n3A_223 = arith.select %ge3A_221, %broadcast_in_dim3A_218, %select_n3A_204 : vector<32x1xi1>, vector<32x1xi32>
    %scan3A_224 = arith.constant 12 : i32
    %sub3A_225 = arith.constant 30 : i32
    %sub3A_226 = arith.subi %sub3A_225, %scan3A_224 : i32
    %shift_left3A_227 = arith.constant 1 : i32
    %shift_left3A_228 = arith.shli %shift_left3A_227, %sub3A_226 : i32
    %or3A_229 = vector.broadcast %shift_left3A_228 : i32 to vector<32x1xi32>
    %or3A_230 = arith.ori %select_n3A_222, %or3A_229 : vector<32x1xi32>
    %bitcast_convert_type3A_231 = tpu.bitcast %or3A_230 : vector<32x1xi32> -> vector<32x1xf32>
    %ge3A_232 = vector.broadcast %bitcast_convert_type3A_231 : vector<32x1xf32> to vector<32x16384xf32>
    %ge3A_233 = arith.cmpf oge, %get3A_1, %ge3A_232 : vector<32x16384xf32>
    %convert_element_type3A_234 = arith.extui %ge3A_233 : vector<32x16384xi1> to vector<32x16384xi32>
    %reduce_sum3A_235 = arith.constant dense<0> : vector<32xi32>
    %reduce_sum3A_236 = vector.multi_reduction <add>, %convert_element_type3A_234, %reduce_sum3A_235 [1] : vector<32x16384xi32> to vector<32xi32>
    %broadcast_in_dim3A_237 = vector.shape_cast %reduce_sum3A_236 : vector<32xi32> to vector<32x1xi32>
    %ge3A_238 = arith.constant 64 : i32
    %ge3A_239 = vector.broadcast %ge3A_238 : i32 to vector<32x1xi32>
    %ge3A_240 = arith.cmpi sge, %broadcast_in_dim3A_237, %ge3A_239 : vector<32x1xi32>
    %select_n3A_241 = arith.select %ge3A_240, %or3A_230, %select_n3A_222 : vector<32x1xi1>, vector<32x1xi32>
    %select_n3A_242 = arith.select %ge3A_240, %broadcast_in_dim3A_237, %select_n3A_223 : vector<32x1xi1>, vector<32x1xi32>
    %scan3A_243 = arith.constant 13 : i32
    %sub3A_244 = arith.constant 30 : i32
    %sub3A_245 = arith.subi %sub3A_244, %scan3A_243 : i32
    %shift_left3A_246 = arith.constant 1 : i32
    %shift_left3A_247 = arith.shli %shift_left3A_246, %sub3A_245 : i32
    %or3A_248 = vector.broadcast %shift_left3A_247 : i32 to vector<32x1xi32>
    %or3A_249 = arith.ori %select_n3A_241, %or3A_248 : vector<32x1xi32>
    %bitcast_convert_type3A_250 = tpu.bitcast %or3A_249 : vector<32x1xi32> -> vector<32x1xf32>
    %ge3A_251 = vector.broadcast %bitcast_convert_type3A_250 : vector<32x1xf32> to vector<32x16384xf32>
    %ge3A_252 = arith.cmpf oge, %get3A_1, %ge3A_251 : vector<32x16384xf32>
    %convert_element_type3A_253 = arith.extui %ge3A_252 : vector<32x16384xi1> to vector<32x16384xi32>
    %reduce_sum3A_254 = arith.constant dense<0> : vector<32xi32>
    %reduce_sum3A_255 = vector.multi_reduction <add>, %convert_element_type3A_253, %reduce_sum3A_254 [1] : vector<32x16384xi32> to vector<32xi32>
    %broadcast_in_dim3A_256 = vector.shape_cast %reduce_sum3A_255 : vector<32xi32> to vector<32x1xi32>
    %ge3A_257 = arith.constant 64 : i32
    %ge3A_258 = vector.broadcast %ge3A_257 : i32 to vector<32x1xi32>
    %ge3A_259 = arith.cmpi sge, %broadcast_in_dim3A_256, %ge3A_258 : vector<32x1xi32>
    %select_n3A_260 = arith.select %ge3A_259, %or3A_249, %select_n3A_241 : vector<32x1xi1>, vector<32x1xi32>
    %select_n3A_261 = arith.select %ge3A_259, %broadcast_in_dim3A_256, %select_n3A_242 : vector<32x1xi1>, vector<32x1xi32>
    %scan3A_262 = arith.constant 14 : i32
    %sub3A_263 = arith.constant 30 : i32
    %sub3A_264 = arith.subi %sub3A_263, %scan3A_262 : i32
    %shift_left3A_265 = arith.constant 1 : i32
    %shift_left3A_266 = arith.shli %shift_left3A_265, %sub3A_264 : i32
    %or3A_267 = vector.broadcast %shift_left3A_266 : i32 to vector<32x1xi32>
    %or3A_268 = arith.ori %select_n3A_260, %or3A_267 : vector<32x1xi32>
    %bitcast_convert_type3A_269 = tpu.bitcast %or3A_268 : vector<32x1xi32> -> vector<32x1xf32>
    %ge3A_270 = vector.broadcast %bitcast_convert_type3A_269 : vector<32x1xf32> to vector<32x16384xf32>
    %ge3A_271 = arith.cmpf oge, %get3A_1, %ge3A_270 : vector<32x16384xf32>
    %convert_element_type3A_272 = arith.extui %ge3A_271 : vector<32x16384xi1> to vector<32x16384xi32>
    %reduce_sum3A_273 = arith.constant dense<0> : vector<32xi32>
    %reduce_sum3A_274 = vector.multi_reduction <add>, %convert_element_type3A_272, %reduce_sum3A_273 [1] : vector<32x16384xi32> to vector<32xi32>
    %broadcast_in_dim3A_275 = vector.shape_cast %reduce_sum3A_274 : vector<32xi32> to vector<32x1xi32>
    %ge3A_276 = arith.constant 64 : i32
    %ge3A_277 = vector.broadcast %ge3A_276 : i32 to vector<32x1xi32>
    %ge3A_278 = arith.cmpi sge, %broadcast_in_dim3A_275, %ge3A_277 : vector<32x1xi32>
    %select_n3A_279 = arith.select %ge3A_278, %or3A_268, %select_n3A_260 : vector<32x1xi1>, vector<32x1xi32>
    %select_n3A_280 = arith.select %ge3A_278, %broadcast_in_dim3A_275, %select_n3A_261 : vector<32x1xi1>, vector<32x1xi32>
    %scan3A_281 = arith.constant 15 : i32
    %sub3A_282 = arith.constant 30 : i32
    %sub3A_283 = arith.subi %sub3A_282, %scan3A_281 : i32
    %shift_left3A_284 = arith.constant 1 : i32
    %shift_left3A_285 = arith.shli %shift_left3A_284, %sub3A_283 : i32
    %or3A_286 = vector.broadcast %shift_left3A_285 : i32 to vector<32x1xi32>
    %or3A_287 = arith.ori %select_n3A_279, %or3A_286 : vector<32x1xi32>
    %bitcast_convert_type3A_288 = tpu.bitcast %or3A_287 : vector<32x1xi32> -> vector<32x1xf32>
    %ge3A_289 = vector.broadcast %bitcast_convert_type3A_288 : vector<32x1xf32> to vector<32x16384xf32>
    %ge3A_290 = arith.cmpf oge, %get3A_1, %ge3A_289 : vector<32x16384xf32>
    %convert_element_type3A_291 = arith.extui %ge3A_290 : vector<32x16384xi1> to vector<32x16384xi32>
    %reduce_sum3A_292 = arith.constant dense<0> : vector<32xi32>
    %reduce_sum3A_293 = vector.multi_reduction <add>, %convert_element_type3A_291, %reduce_sum3A_292 [1] : vector<32x16384xi32> to vector<32xi32>
    %broadcast_in_dim3A_294 = vector.shape_cast %reduce_sum3A_293 : vector<32xi32> to vector<32x1xi32>
    %ge3A_295 = arith.constant 64 : i32
    %ge3A_296 = vector.broadcast %ge3A_295 : i32 to vector<32x1xi32>
    %ge3A_297 = arith.cmpi sge, %broadcast_in_dim3A_294, %ge3A_296 : vector<32x1xi32>
    %select_n3A_298 = arith.select %ge3A_297, %or3A_287, %select_n3A_279 : vector<32x1xi1>, vector<32x1xi32>
    %select_n3A_299 = arith.select %ge3A_297, %broadcast_in_dim3A_294, %select_n3A_280 : vector<32x1xi1>, vector<32x1xi32>
    %scan3A_300 = arith.constant 16 : i32
    %sub3A_301 = arith.constant 30 : i32
    %sub3A_302 = arith.subi %sub3A_301, %scan3A_300 : i32
    %shift_left3A_303 = arith.constant 1 : i32
    %shift_left3A_304 = arith.shli %shift_left3A_303, %sub3A_302 : i32
    %or3A_305 = vector.broadcast %shift_left3A_304 : i32 to vector<32x1xi32>
    %or3A_306 = arith.ori %select_n3A_298, %or3A_305 : vector<32x1xi32>
    %bitcast_convert_type3A_307 = tpu.bitcast %or3A_306 : vector<32x1xi32> -> vector<32x1xf32>
    %ge3A_308 = vector.broadcast %bitcast_convert_type3A_307 : vector<32x1xf32> to vector<32x16384xf32>
    %ge3A_309 = arith.cmpf oge, %get3A_1, %ge3A_308 : vector<32x16384xf32>
    %convert_element_type3A_310 = arith.extui %ge3A_309 : vector<32x16384xi1> to vector<32x16384xi32>
    %reduce_sum3A_311 = arith.constant dense<0> : vector<32xi32>
    %reduce_sum3A_312 = vector.multi_reduction <add>, %convert_element_type3A_310, %reduce_sum3A_311 [1] : vector<32x16384xi32> to vector<32xi32>
    %broadcast_in_dim3A_313 = vector.shape_cast %reduce_sum3A_312 : vector<32xi32> to vector<32x1xi32>
    %ge3A_314 = arith.constant 64 : i32
    %ge3A_315 = vector.broadcast %ge3A_314 : i32 to vector<32x1xi32>
    %ge3A_316 = arith.cmpi sge, %broadcast_in_dim3A_313, %ge3A_315 : vector<32x1xi32>
    %select_n3A_317 = arith.select %ge3A_316, %or3A_306, %select_n3A_298 : vector<32x1xi1>, vector<32x1xi32>
    %select_n3A_318 = arith.select %ge3A_316, %broadcast_in_dim3A_313, %select_n3A_299 : vector<32x1xi1>, vector<32x1xi32>
    %scan3A_319 = arith.constant 17 : i32
    %sub3A_320 = arith.constant 30 : i32
    %sub3A_321 = arith.subi %sub3A_320, %scan3A_319 : i32
    %shift_left3A_322 = arith.constant 1 : i32
    %shift_left3A_323 = arith.shli %shift_left3A_322, %sub3A_321 : i32
    %or3A_324 = vector.broadcast %shift_left3A_323 : i32 to vector<32x1xi32>
    %or3A_325 = arith.ori %select_n3A_317, %or3A_324 : vector<32x1xi32>
    %bitcast_convert_type3A_326 = tpu.bitcast %or3A_325 : vector<32x1xi32> -> vector<32x1xf32>
    %ge3A_327 = vector.broadcast %bitcast_convert_type3A_326 : vector<32x1xf32> to vector<32x16384xf32>
    %ge3A_328 = arith.cmpf oge, %get3A_1, %ge3A_327 : vector<32x16384xf32>
    %convert_element_type3A_329 = arith.extui %ge3A_328 : vector<32x16384xi1> to vector<32x16384xi32>
    %reduce_sum3A_330 = arith.constant dense<0> : vector<32xi32>
    %reduce_sum3A_331 = vector.multi_reduction <add>, %convert_element_type3A_329, %reduce_sum3A_330 [1] : vector<32x16384xi32> to vector<32xi32>
    %broadcast_in_dim3A_332 = vector.shape_cast %reduce_sum3A_331 : vector<32xi32> to vector<32x1xi32>
    %ge3A_333 = arith.constant 64 : i32
    %ge3A_334 = vector.broadcast %ge3A_333 : i32 to vector<32x1xi32>
    %ge3A_335 = arith.cmpi sge, %broadcast_in_dim3A_332, %ge3A_334 : vector<32x1xi32>
    %select_n3A_336 = arith.select %ge3A_335, %or3A_325, %select_n3A_317 : vector<32x1xi1>, vector<32x1xi32>
    %select_n3A_337 = arith.select %ge3A_335, %broadcast_in_dim3A_332, %select_n3A_318 : vector<32x1xi1>, vector<32x1xi32>
    %scan3A_338 = arith.constant 18 : i32
    %while3A = arith.constant 12 : i32
    %while3A_339:3 = scf.while (%while3A_349 = %while3A, %while3A_350 = %select_n3A_336, %while3A_351 = %select_n3A_337) : (i32, vector<32x1xi32>, vector<32x1xi32>) -> (i32, vector<32x1xi32>, vector<32x1xi32>) {
      %ge3A_352 = arith.constant 0 : i32
      %ge3A_353 = arith.cmpi sge, %while3A_349, %ge3A_352 : i32
      %ne3A = arith.constant 64 : i32
      %ne3A_354 = vector.broadcast %ne3A : i32 to vector<32x1xi32>
      %ne3A_355 = arith.cmpi ne, %while3A_351, %ne3A_354 : vector<32x1xi32>
      %reduce_or3A = arith.constant 1.000000e+00 : f32
      %reduce_or3A_356 = arith.constant 0.000000e+00 : f32
      %reduce_or3A_357 = vector.broadcast %reduce_or3A : f32 to vector<32x1xf32>
      %reduce_or3A_358 = vector.broadcast %reduce_or3A_356 : f32 to vector<32x1xf32>
      %reduce_or3A_359 = arith.select %ne3A_355, %reduce_or3A_357, %reduce_or3A_358 : vector<32x1xi1>, vector<32x1xf32>
      %reduce_or3A_360 = vector.shape_cast %reduce_or3A_359 : vector<32x1xf32> to vector<1x32x1xf32>
      %reduce_or3A_361 = arith.constant dense<0xFF800000> : vector<1xf32>
      %reduce_or3A_362 = vector.multi_reduction <maximumf>, %reduce_or3A_360, %reduce_or3A_361 [1, 2] : vector<1x32x1xf32> to vector<1xf32>
      %reduce_or3A_363 = vector.shape_cast %reduce_or3A_362 : vector<1xf32> to vector<1x1x1xf32>
      %reduce_or3A_364 = vector.extract %reduce_or3A_363[0, 0, 0] : f32 from vector<1x1x1xf32>
      %reduce_or3A_365 = arith.constant 0.000000e+00 : f32
      %reduce_or3A_366 = arith.cmpf ogt, %reduce_or3A_364, %reduce_or3A_365 : f32
      %and3A_367 = arith.andi %ge3A_353, %reduce_or3A_366 : i1
      scf.condition(%and3A_367) %while3A_349, %while3A_350, %while3A_351 : i32, vector<32x1xi32>, vector<32x1xi32>
    } do {
    ^bb0(%while3A_349: i32, %while3A_350: vector<32x1xi32>, %while3A_351: vector<32x1xi32>):
      %shift_left3A_352 = arith.constant 1 : i32
      %shift_left3A_353 = arith.shli %shift_left3A_352, %while3A_349 : i32
      %or3A_354 = vector.broadcast %shift_left3A_353 : i32 to vector<32x1xi32>
      %or3A_355 = arith.ori %while3A_350, %or3A_354 : vector<32x1xi32>
      %bitcast_convert_type3A_356 = tpu.bitcast %or3A_355 : vector<32x1xi32> -> vector<32x1xf32>
      %ge3A_357 = vector.broadcast %bitcast_convert_type3A_356 : vector<32x1xf32> to vector<32x16384xf32>
      %ge3A_358 = arith.cmpf oge, %get3A_1, %ge3A_357 : vector<32x16384xf32>
      %convert_element_type3A_359 = arith.extui %ge3A_358 : vector<32x16384xi1> to vector<32x16384xi32>
      %reduce_sum3A_360 = arith.constant dense<0> : vector<32xi32>
      %reduce_sum3A_361 = vector.multi_reduction <add>, %convert_element_type3A_359, %reduce_sum3A_360 [1] : vector<32x16384xi32> to vector<32xi32>
      %broadcast_in_dim3A_362 = vector.shape_cast %reduce_sum3A_361 : vector<32xi32> to vector<32x1xi32>
      %ge3A_363 = arith.constant 64 : i32
      %ge3A_364 = vector.broadcast %ge3A_363 : i32 to vector<32x1xi32>
      %ge3A_365 = arith.cmpi sge, %broadcast_in_dim3A_362, %ge3A_364 : vector<32x1xi32>
      %select_n3A_366 = arith.select %ge3A_365, %or3A_355, %while3A_350 : vector<32x1xi1>, vector<32x1xi32>
      %select_n3A_367 = arith.select %ge3A_365, %broadcast_in_dim3A_362, %while3A_351 : vector<32x1xi1>, vector<32x1xi32>
      %sub3A_368 = arith.constant 1 : i32
      %sub3A_369 = arith.subi %while3A_349, %sub3A_368 : i32
      scf.yield %sub3A_369, %select_n3A_366, %select_n3A_367 : i32, vector<32x1xi32>, vector<32x1xi32>
    }
    %bitcast_convert_type3A_340 = tpu.bitcast %while3A_339#1 : vector<32x1xi32> -> vector<32x1xf32>
    %ge3A_341 = vector.broadcast %bitcast_convert_type3A_340 : vector<32x1xf32> to vector<32x16384xf32>
    %ge3A_342 = arith.cmpf oge, %get3A_1, %ge3A_341 : vector<32x16384xf32>
    %gt3A = arith.constant 0.000000e+00 : f32
    %gt3A_343 = vector.broadcast %gt3A : f32 to vector<32x16384xf32>
    %gt3A_344 = arith.cmpf ogt, %get3A_1, %gt3A_343 : vector<32x16384xf32>
    %and3A = arith.andi %ge3A_342, %gt3A_344 : vector<32x16384xi1>
    %jit3A = arith.constant 0.000000e+00 : f32
    %broadcast_in_dim3A_345 = vector.broadcast %jit3A : f32 to vector<32x16384xf32>
    %select_n3A_346 = arith.select %and3A, %get3A_1, %broadcast_in_dim3A_345 : vector<32x16384xi1>, vector<32x16384xf32>
    %swap3A = arith.constant 0 : index
    %swap3A_347 = arith.constant 0 : index
    %swap3A_348 = vector.load %arg2[%swap3A, %swap3A_347] : memref<32x16384xf32, #tpu.memory_space<vmem>>, vector<32x16384xf32>
    tpu.vector_store %arg2[%swap3A, %swap3A_347], %select_n3A_346 {strides = array<i32>} : memref<32x16384xf32, #tpu.memory_space<vmem>>, vector<32x16384xf32>,
    return
  }
  func.func @transform_0(%arg0: i32) -> (i32, i32) {
    %c0_i32 = arith.constant 0 : i32
    %c0_i32_0 = arith.constant 0 : i32
    return %arg0, %c0_i32 : i32, i32
  }
  func.func @transform_1(%arg0: i32) -> (i32, i32) {
    %c0_i32 = arith.constant 0 : i32
    %c0_i32_0 = arith.constant 0 : i32
    return %arg0, %c0_i32 : i32, i32
  }
}

</mosaic_0001>

<sc_bundles>
// kernel: kernel.4.cloned.1.call-start
scs
__scs_entry_jumppad:
0x0: {  	(pc) =	sbr.rel $0x88, $3  }
0x1: {  	(tag) =	ssettag $0x0;
	lr =	simm.s32 $0x1  }
0x2: {  	[smem:$0x3FA0] =	sst lr;
	_ =	strace $0xD0000000  }
0x3: {  	_ = 	snop  }
0x4: {  	_ = 	snop  }
0x5: {  	_ = 	snop  }
0x6: {  	_ = 	snop  }
0x7: {  	_ = 	snop  }
__scs_overlays_trampoline_lowered:
0x8: {  	[smem:$0x3FAF] =	sst s0  }
0x9: {  	[smem:$0x3FB0] =	sst s1  }
0xa: {  	[smem:$0x3FB1] =	sst s2  }
0xb: {  	[smem:$0x3FB2] =	sst s3  }
0xc: {  	[smem:$0x3FB3] =	sst s4  }
0xd: {  	[smem:$0x3FB4] =	sst s5  }
0xe: {  	[smem:$0x3FB5] =	sst s6  }
0xf: {  	[smem:$0x3FB6] =	sst s7  }
0x10: {  	[smem:$0x3FB7] =	sst s8  }
0x11: {  	[smem:$0x3FB8] =	sst s9;
	s0 =	simm.s32 @!p0 $0x0  }
0x12: {  	s1 =	sld [smem:$0x3F9E];
	s0 =	simm.s32 @p0 $0x1  }
0x13: {  	[smem:$0x3FB9] =	sst s0;
	s0 =	simm.s32 @!p1 $0x0  }
0x14: {  	s2 =	sld [smem:$0x3F9D];
	s0 =	simm.s32 @p1 $0x1  }
0x15: {  	[smem:$0x3FBA] =	sst s0;
	s0 =	simm.s32 @!p2 $0x0  }
0x16: {  	s3 =	sld [smem:$0x3FDB];
	s0 =	simm.s32 @p2 $0x1  }
0x17: {  	s4 =	simm.s32 $0x1BF5;
	[smem:$0x3FBC] =	sst s0  }
0x18: {  	s0 =	sld [smem:$0x3F9F];
	_ =	swait.ge [sflag:s4], $0x0  }
0x19: {  	s7 =	sld [smem:$0x3FA0]  }
0x1a: {  	s8 =	sadd.s32 $0xFFFFE003, lr  }
0x1b: {  	s9 =	sadd.s32 $0xFFFFFEF7, lr;
	s5 =	simm.s32 $0xFFFFFFFF;
	p2 =	slt.u32 s8, $0xFFFFF086  }
0x1c: {  	p1 =	slt.u32 s9, $0xF7A;
	s5 =	simm.s32 @!p2 $0x0  }
0x1d: {  	s5 =	simm.s32 @p1 $0x1;
	p0 =	seq.s32 s7, s2  }
0x1e: {  	s7 =	smul.u32 @!p0 $0xF7A, s2;
	p2 =	seq.s32 @!p0 s5, $0x0  }
0x1f: {  	s9 =	smul.u32 $0xF7A, s1;
	s8 =	simm.s32 @!p0 $0x1BF5;
	p2 =	por !p2, p0  }
0x20: {  	[sflag:s8] =	ssyncset.s32 @!p0 $0xFFFFF086;
	s6 =	sadd.s32 @!p0 s3, s7;
	s7 =	simm.s32 @!p0 $0x108  }
0x21: {  	s3 =	sadd.s32 s3, s9;
	s6 =	sadd.s32 @!p0 $0x88, s6;
	s7 =	simm.s32 @p2 $0x1082  }
0x22: {  	[simem:s7], [sflag:s8] =	dma.local @!p0 [hbm:s6], $0xF7A  }
0x23: {  	s9 =	sor.u32 $0xD0000000, s2;
	s6 =	simm.s32 $0x108;
	_ =	swait.ge @!p0 [sflag:s8], $0x0  }
0x24: {  	s3 =	sadd.s32 $0x88, s3;
	s6 =	simm.s32 @!p1 $0x1082;
	[sflag:s4] =	ssyncset.s32 $0xFFFFF086  }
0x25: {  	[simem:s6], [sflag:s4] =	dma.local [hbm:s3], $0xF7A  }
0x26: {  	[smem:$0x3FA0] =	sst s1;
	(tag) =	ssettag s2;
	_ =	strace s9  }
0x27: {  	s1 =	sld [smem:$0x3FB0]  }
0x28: {  	s2 =	sld [smem:$0x3FB1]  }
0x29: {  	s4 =	sld [smem:$0x3FB3]  }
0x2a: {  	p0 =	seq.s32 s5, $0x0;
	s5 =	sld [smem:$0x3FB4]  }
0x2b: {  	s6 =	sld [smem:$0x3FB5]  }
0x2c: {  	s7 =	sld [smem:$0x3FB6]  }
0x2d: {  	s3 =	simm.s32 $0x108;
	s8 =	sld [smem:$0x3FB7]  }
0x2e: {  	s3 =	simm.s32 @!p0 $0x1082;
	s9 =	sld [smem:$0x3FB8]  }
0x2f: {  	lr =	sadd.s32 s0, s3;
	s0 =	sld [smem:$0x3FAF]  }
0x30: {  	s3 =	sld [smem:$0x3FB2]  }
0x31: {  	[smem:$0x3FBB] =	sst s10  }
0x32: {  	s10 =	sld [smem:$0x3FB9];
	_ =	sdelay $0x3  }
0x33: {  	p0 =	seq.s32 s10, $0x1;
	s10 =	sld [smem:$0x3FBB];
	_ =	sdelay $0x3  }
0x34: {  	[smem:$0x3FBB] =	sst s10  }
0x35: {  	s10 =	sld [smem:$0x3FBA];
	_ =	sdelay $0x3  }
0x36: {  	p1 =	seq.s32 s10, $0x1;
	s10 =	sld [smem:$0x3FBB];
	_ =	sdelay $0x3  }
0x37: {  	[smem:$0x3FBB] =	sst s10  }
0x38: {  	s10 =	sld [smem:$0x3FBC]  }
0x39: {  	_ = 	snop;
	(pc) =	sbr.ind lr, $3  }
0x3a: {  	_ = 	snop  }
0x3b: {  	_ = 	snop  }
0x3c: {  	p2 =	seq.s32 s10, $0x1;
	s10 =	sld [smem:$0x3FBB]  }
0x3d: {  	_ =	shalt  }
0x3e: {  	_ =	shalt  }
0x3f: {  	_ =	shalt  }
0x40: {  	_ =	shalt  }
0x41: {  	_ =	shalt  }
0x42: {  	_ =	shalt  }
0x43: {  	_ =	shalt  }
0x44: {  	_ =	shalt  }
0x45: {  	_ =	shalt  }
0x46: {  	_ =	shalt  }
0x47: {  	_ =	shalt  }
0x48: {  	_ =	shalt  }
0x49: {  	_ =	shalt  }
0x4a: {  	_ =	shalt  }
0x4b: {  	_ =	shalt  }
0x4c: {  	_ =	shalt  }
0x4d: {  	_ =	shalt  }
0x4e: {  	_ =	shalt  }
0x4f: {  	_ =	shalt  }
0x50: {  	_ =	shalt  }
0x51: {  	_ =	shalt  }
0x52: {  	_ =	shalt  }
0x53: {  	_ =	shalt  }
0x54: {  	_ =	shalt  }
0x55: {  	_ =	shalt  }
0x56: {  	_ =	shalt  }
0x57: {  	_ =	shalt  }
0x58: {  	_ =	shalt  }
0x59: {  	_ =	shalt  }
0x5a: {  	_ =	shalt  }
0x5b: {  	_ =	shalt  }
0x5c: {  	_ =	shalt  }
0x5d: {  	_ =	shalt  }
0x5e: {  	_ =	shalt  }
0x5f: {  	_ =	shalt  }
0x60: {  	_ =	shalt  }
0x61: {  	_ =	shalt  }
0x62: {  	_ =	shalt  }
0x63: {  	_ =	shalt  }
0x64: {  	_ =	shalt  }
0x65: {  	_ =	shalt  }
0x66: {  	_ =	shalt  }
0x67: {  	_ =	shalt  }
0x68: {  	_ =	shalt  }
0x69: {  	_ =	shalt  }
0x6a: {  	_ =	shalt  }
0x6b: {  	_ =	shalt  }
0x6c: {  	_ =	shalt  }
0x6d: {  	_ =	shalt  }
0x6e: {  	_ =	shalt  }
0x6f: {  	_ =	shalt  }
0x70: {  	_ =	shalt  }
0x71: {  	_ =	shalt  }
0x72: {  	_ =	shalt  }
0x73: {  	_ =	shalt  }
0x74: {  	_ =	shalt  }
0x75: {  	_ =	shalt  }
0x76: {  	_ =	shalt  }
0x77: {  	_ =	shalt  }
0x78: {  	_ =	shalt  }
0x79: {  	_ =	shalt  }
0x7a: {  	_ =	shalt  }
0x7b: {  	_ =	shalt  }
0x7c: {  	_ =	shalt  }
0x7d: {  	_ =	shalt  }
0x7e: {  	_ =	shalt  }
0x7f: {  	_ =	shalt  }
0x80: {  	_ =	shalt  }
0x81: {  	_ =	shalt  }
0x82: {  	_ =	shalt  }
0x83: {  	_ =	shalt  }
0x84: {  	_ =	shalt  }
0x85: {  	_ =	shalt  }
0x86: {  	_ =	shalt  }
0x87: {  	_ =	shalt  }
.Lfunc_end0:
.L_simem_size_0:
called_computation_lowered:
.L_overlay_start_0:
0x88: {  	s2 =	sld [smem:$0x3FD9]  }
0x89: {  	s3 =	sld [smem:$0x3FFE];
	_ =	sdelay $0x1  }
0x8a: {  	s1 =	srdreg.scid  }
0x8b: {  	s0 =	sand.u32 $0x1, s1  }
0x8c: {  	s17 =	sshll.u32 s0, $0xA;
	s2 =	sadd.s32 s3, s2  }
0x8d: {  	s2 =	sadd.s32 s2, s17  }
0x8e: {  	[smem:$0x3FC7] =	sst s2  }
0x8f: {  	_ = 	snop  }
0x90: {  	s2 =	sld [smem:$0x3FC9];
	(tm) =	ssettm $0x1  }
0x91: {  	s18 =	sld [smem:$0x3FFB];
	_ =	sdelay $0x3  }
0x92: {  	_ =	strace s18  }
0x93: {  	s3 =	sld [smem:$0x3FFC];
	_ =	sdelay $0x3  }
0x94: {  	_ =	strace s3  }
0x95: {  	s3 =	sld [smem:$0x3FFD];
	_ =	sdelay $0x3  }
0x96: {  	_ =	strace s3  }
0x97: {  	_ =	strace $0x8FFFFFFF  }
0x98: {  	s19 =	sld [smem:$0x3FDB];
	_ =	sdelay $0x1  }
0x99: {  	s4 =	simm.s32 $_scs_section_size  }
0x9a: {  	s5 =	simm.s32 $_size__tile_overlayer_lowered;
	s6 =	simm.s32 $_tile_overlayer_lowered  }
0x9b: {  	s22 =	simm.s32 $0x1BFF;
	s21 =	sshll.u32 s6, $0x1;
	s3 =	sadd.s32 s4, s19  }
0x9c: {  	s7 =	simm.s32 $0x0;
	s20 =	sshll.u32 s5, $0x1;
	s5 =	sadd.s32 s21, s3  }
0x9d: {  	[timem:s7], [sflag:s22] =	dma.local [hbm:s5], s20  }
0x9e: {  	_ =	swait.ge [sflag:s22], s20  }
0x9f: {  	s4 =	ssub.s32 $0x0, s20;
	[sflag:s22] =	ssyncset.done $0x0  }
0xa0: {  	[sflag:s22] =	ssyncadd.s32 s4;
	_ =	sdelay $0x1  }
0xa1: {  	s23 =	simm.s32 $0x1B8B  }
0xa2: {  	_ =	swait.ge [sflag:s23], $0x1  }
0xa3: {  	[sflag:s23] =	ssyncset.done $0x0  }
0xa4: {  	s25 =	simm.s32 $0x1B8E;
	s24 =	sld [smem:$0x3FFE];
	[sflag:s23] =	ssyncadd.s32 $0xFFFFFFFF  }
0xa5: {  	s26 =	simm.s32 $execute0_lowered;
	[smem:$0x3FD2] =	sst s25  }
0xa6: {  	s5 =	sshll.u32 s26, $0x1;
	_ =	strace $0x80000046;
	[dreg:$0x1] =	wrdreg $0xFFFFFFFF  }
0xa7: {  	s28 =	simm.s32 $_size_execute0_lowered;
	s3 =	sadd.s32 s3, s5;
	[dreg:$0x0] =	wrdreg $0x0  }
0xa8: {  	s5 =	sshll.u32 s28, $0x1;
	[dreg:$0x2] =	wrdreg s3  }
0xa9: {  	[dreg:$0x3] =	wrdreg s5  }
0xaa: {  	[dreg:$0x4] =	wrdreg $0xC0  }
0xab: {  	_ =	task [dreg:s7], $0x5FFFF  }
0xac: {  	[dreg:$0x1] =	wrdreg $0xFFFFFFFF  }
0xad: {  	[dreg:$0x0] =	wrdreg $0x60  }
0xae: {  	[dreg:$0x2] =	wrdreg s2  }
0xaf: {  	[dreg:$0x3] =	wrdreg s24  }
0xb0: {  	[dreg:$0x4] =	wrdreg $0x9  }
0xb1: {  	_ =	task.clear_ibuf [dreg:s7], $0x5FFFF;
	_ =	strace $0x90000046  }
0xb2: {  	s29 =	simm.s32 $0x9;
	_ =	strace $0x80000048  }
0xb3: {  	_ =	swait.ge [sflag:s29], $0x1  }
0xb4: {  	[sflag:s29] =	ssyncadd.s32 $0xFFFFFFFF  }
0xb5: {  	_ =	strace $0x90000048  }
0xb6: {  	_ =	sfence  }
0xb7: {  	s30 =	sld [smem:$0x0];
	_ =	sdelay $0x2  }
0xb8: {  	s31 =	sshll.u32 s1, $0xD;
	s1 =	sshrl.u32 s1, $0x2  }
0xb9: {  	s3 =	sand.u32 $0x4000, s31;
	s1 =	sadd.s32 s1, s30  }
0xba: {  	s0 =	sor.u32 s3, s0;
	s1 =	sshll.u32 s1, $0x11  }
0xbb: {  	s0 =	sor.u32 s1, s0  }
0xbc: {  	s0 =	sadd.s32 $0x8F2B, s0  }
0xbd: {  	[sflag:s0] =	ssyncadd.remote.s32 $0x1  }
0xbe: {  	_ =	sfence.sel $0xFFFF  }
0xbf: {  	[dreg:$0x0] =	wrdreg $0xFFFFFFFF;
	(pc) =	sbr.abs _section_cstart, $3  }
0xc0: {  	[dreg:$0x1] =	wrdreg $0xFFFFFFFF  }
0xc1: {  	_ =	task.clear_ibuf [dreg:s7], $0x2FFFF;
	_ =	strace $0x9FFFFFFF  }
0xc2: {  	(tm) =	ssettm $0x7FFFFFFF  }
0xc3: {  	_ =	shalt  }
tec
execute0_lowered:
.L_overlay_start_1:
0x0: {  	(tag) =	ssettag $0x1  }
0x1: {  	s0 =	rddreg [dreg:$0x0]  }
0x2: {  	s1 =	rddreg [dreg:$0x1];
	s5 =	simm.s32 $0x0  }
0x3: {  	s2 =	srdreg.scid;
	s4 =	stileid.u32;
	s10 =	simm.s32 $0x4000  }
0x4: {  	[smem:$0x7FF] =	sst s5;
	s2 =	sand.u32 $0x1, s2;
	s1 =	sadd.s32 $0x400, s1  }
0x5: {  	s4 =	sshll.u32 s4, $0x5;
	s0 =	sadd.s32 $0x300000, s0;
	_ =	strace $0x80000047  }
.Ltmp0:
0x6: {  	[dreg:$0x3] =	wrdreg s1;
	s30 =	ssub.s32 $0x2, s2;
	(pc) =	sbr.rel .LBB2_1-.Ltmp0, $4  }
0x7: {  	v0 =	vlaneseq.u32;
	s2 =	sshll.u32 s2, $0x4;
	[dreg:$0x5] =	wrdreg s0;
	s3 =	sshrl.u32 s30, $0x1  }
0x8: {  	v3 =	vmul.u32 $0xFFFFFFFF, v0;
	s2 =	sor.u32 s2, s4;
	s4 =	simm.s32 $0x1;
	s1 =	ssub.s32 s30, s3  }
0x9: {  	v1 =	vimm.s32 $0x0;
	[dreg:$0x4] =	wrdreg s2;
	s2 =	simm.s32 $0x80;
	s31 =	smax.u32 s1, $0x1  }
0xa: {  	v2 =	vimm.s32 $0x1;
	vm0 =	vmmov $0x7fff;
	v3 =	vadd.s32 $0xF, v3;
	s3 =	simm.s32 $0x400;
	s1 =	simm.s32 $0x0;
	[dreg:$0x6] =	wrdreg s31  }
.LBB2_26:
0xb: {  	s1 =	rddreg [dreg:$0x7]  }
0xc: {  	s0 =	rddreg [dreg:$0x6];
	s1 =	sadd.s32 $0x1, s1  }
0xd: {  	p0 =	sne.s32 s1, s0  }
.Ltmp1:
0xe: {  	_ = 	snop;
	(pc) =	sbr.rel @!p0 .LBB2_27-.Ltmp1, $1  }
0xf: {  	_ =	sdelay $0x3  }
.LBB2_1:
0x10: {  	[dreg:$0x7] =	wrdreg s1;
	s1 =	simm.s32 $0x0  }
.LBB2_2:
0x11: {  	s0 =	rddreg [dreg:$0x4]  }
0x12: {  	s0 =	sadd.s32 s0, s1  }
0x13: {  	s30 =	sshll.u32 s1, $0x4;
	s0 =	sshll.u32 s0, $0xB  }
0x14: {  	[dreg:$0x8] =	wrdreg s1;
	s1 =	sand.u32 $0x70, s30;
	s0 =	sand.u32 $0xFC000, s0  }
0x15: {  	s31 =	rddreg [dreg:$0x5];
	s1 =	sor.u32 s1, s0  }
0x16: {  	[dreg:$0x9] =	wrdreg s1;
	s0 =	sadd.s32 s1, s31  }
0x17: {  	[tilespmem:s5], [sflag:$0x1] =	stream.strided.gather [hbm4b:s0+s2], $0x4000, s3, s2, $0x38;
	[tilespmem:$0xC200] =	vst v63  }
0x18: {  	_ =	swait.ge [sflag:s4], $0x4000  }
0x19: {  	[sflag:s4] =	ssyncset.done $0x0  }
0x1a: {  	[sflag:s4] =	ssyncadd.s32 $0xFFFFC000  }
0x1b: {  	[tilespmem:$0x4000] =	vst v1  }
0x1c: {  	[tilespmem:$0x4010] =	vst v1  }
0x1d: {  	[tilespmem:$0x4020] =	vst v1  }
0x1e: {  	[tilespmem:$0x4030] =	vst v1  }
0x1f: {  	[tilespmem:$0x4040] =	vst v1  }
0x20: {  	[tilespmem:$0x4050] =	vst v1  }
0x21: {  	[tilespmem:$0x4060] =	vst v1  }
0x22: {  	[tilespmem:$0x4070] =	vst v1  }
0x23: {  	[tilespmem:$0x4080] =	vst v1  }
0x24: {  	[tilespmem:$0x4090] =	vst v1  }
0x25: {  	[tilespmem:$0x40A0] =	vst v1  }
0x26: {  	[tilespmem:$0x40B0] =	vst v1  }
0x27: {  	[tilespmem:$0x40C0] =	vst v1  }
0x28: {  	[tilespmem:$0x40D0] =	vst v1  }
0x29: {  	[tilespmem:$0x40E0] =	vst v1  }
0x2a: {  	s1 =	simm.s32 $0x40;
	s0 =	simm.s32 $0xFFFFFFF8;
	[tilespmem:$0x40F0] =	vst v1  }
.LBB2_3:
0x2b: {  	v4 =	vld [tilespmem:s1+$0xFFFFFFC0];
	_ =	sdelay $0x4  }
0x2c: {  	v4 =	vmax.f32 v4, $0.0e+00  }
0x2d: {  	v4 =	vshrl.u32 v4, $0x17;
	_ =	sdelay $0x4  }
0x2e: {  	[tilespmem:v4+s10+$0x0] =	vst.idx.add.s32.msk $0xffff, v2  }
0x2f: {  	v4 =	vld [tilespmem:s1+$0xFFFFFFD0];
	_ =	sdelay $0x4  }
0x30: {  	v4 =	vmax.f32 v4, $0.0e+00  }
0x31: {  	v4 =	vshrl.u32 v4, $0x17;
	_ =	sdelay $0x4  }
0x32: {  	[tilespmem:v4+s10+$0x0] =	vst.idx.add.s32.msk $0xffff, v2  }
0x33: {  	v4 =	vld [tilespmem:s1+$0xFFFFFFE0];
	_ =	sdelay $0x4  }
0x34: {  	v4 =	vmax.f32 v4, $0.0e+00  }
0x35: {  	v4 =	vshrl.u32 v4, $0x17;
	_ =	sdelay $0x4  }
0x36: {  	[tilespmem:v4+s10+$0x0] =	vst.idx.add.s32.msk $0xffff, v2  }
0x37: {  	v4 =	vld [tilespmem:s1+$0xFFFFFFF0];
	_ =	sdelay $0x4  }
0x38: {  	v4 =	vmax.f32 v4, $0.0e+00  }
0x39: {  	v4 =	vshrl.u32 v4, $0x17;
	_ =	sdelay $0x4  }
0x3a: {  	[tilespmem:v4+s10+$0x0] =	vst.idx.add.s32.msk $0xffff, v2  }
0x3b: {  	v4 =	vld [tilespmem:s1+$0x0];
	_ =	sdelay $0x4  }
0x3c: {  	v4 =	vmax.f32 v4, $0.0e+00  }
0x3d: {  	v4 =	vshrl.u32 v4, $0x17;
	_ =	sdelay $0x4  }
0x3e: {  	[tilespmem:v4+s10+$0x0] =	vst.idx.add.s32.msk $0xffff, v2  }
0x3f: {  	v4 =	vld [tilespmem:s1+$0x10];
	_ =	sdelay $0x4  }
0x40: {  	v4 =	vmax.f32 v4, $0.0e+00  }
0x41: {  	v4 =	vshrl.u32 v4, $0x17;
	_ =	sdelay $0x4  }
0x42: {  	[tilespmem:v4+s10+$0x0] =	vst.idx.add.s32.msk $0xffff, v2  }
0x43: {  	v4 =	vld [tilespmem:s1+$0x20];
	_ =	sdelay $0x4  }
0x44: {  	v4 =	vmax.f32 v4, $0.0e+00  }
0x45: {  	v4 =	vshrl.u32 v4, $0x17;
	_ =	sdelay $0x4  }
0x46: {  	[tilespmem:v4+s10+$0x0] =	vst.idx.add.s32.msk $0xffff, v2  }
0x47: {  	v4 =	vld [tilespmem:s1+$0x30];
	_ =	sdelay $0x4  }
0x48: {  	s0 =	sadd.s32 $0x8, s0;
	v4 =	vmax.f32 v4, $0.0e+00  }
0x49: {  	p0 =	slt.u32 s0, $0x3F8;
	v4 =	vshrl.u32 v4, $0x17  }
.Ltmp2:
0x4a: {  	_ = 	snop;
	(pc) =	sbr.rel @p0 .LBB2_3-.Ltmp2, $2  }
0x4b: {  	_ =	sdelay $0x2  }
0x4c: {  	s1 =	sadd.s32 $0x80, s1;
	[tilespmem:v4+s10+$0x0] =	vst.idx.add.s32.msk $0xffff, v2  }
0x4d: {  	v4 =	vld [tilespmem:$0x4000]  }
0x4e: {  	v5 =	vld [tilespmem:$0x4010]  }
0x4f: {  	v6 =	vld [tilespmem:$0x4020]  }
0x50: {  	v7 =	vld [tilespmem:$0x4030]  }
0x51: {  	v8 =	vld [tilespmem:$0x4040]  }
0x52: {  	v9 =	vld [tilespmem:$0x4050];
	v4 =	vperm.xlane v4, v3  }
0x53: {  	v10 =	vld [tilespmem:$0x4060];
	v5 =	vperm.xlane v5, v3  }
0x54: {  	v11 =	vld [tilespmem:$0x4070];
	v6 =	vperm.xlane v6, v3;
	(xrf0) =	vadd.scan.msk.s32 $0xffff, v4  }
0x55: {  	v12 =	vld [tilespmem:$0x4080];
	v7 =	vperm.xlane v7, v3;
	(xrf0) =	vadd.scan.msk.s32 $0xffff, v5  }
0x56: {  	v13 =	vld [tilespmem:$0x4090];
	v8 =	vperm.xlane v8, v3;
	(xrf0) =	vadd.scan.msk.s32 $0xffff, v6  }
0x57: {  	v15 =	vld [tilespmem:$0x40A0];
	v9 =	vperm.xlane v9, v3;
	(xrf0) =	vadd.scan.msk.s32 $0xffff, v7  }
0x58: {  	v16 =	vld [tilespmem:$0x40B0];
	v10 =	vperm.xlane v10, v3;
	(xrf0) =	vadd.scan.msk.s32 $0xffff, v8  }
0x59: {  	v17 =	vld [tilespmem:$0x40C0];
	v11 =	vperm.xlane v11, v3;
	(xrf0) =	vadd.scan.msk.s32 $0xffff, v9  }
0x5a: {  	v18 =	vld [tilespmem:$0x40D0];
	v12 =	vperm.xlane v12, v3;
	v14, _, _ =	vpop (xrf0);
	(xrf0) =	vadd.scan.msk.s32 $0xffff, v10  }
0x5b: {  	v19 =	vld [tilespmem:$0x40E0];
	v13 =	vperm.xlane v13, v3;
	v25, _, _ =	vpop (xrf0);
	(xrf0) =	vadd.scan.msk.s32 $0xffff, v11  }
0x5c: {  	v20 =	vld [tilespmem:$0x40F0];
	v15 =	vperm.xlane v15, v3;
	v26, _, _ =	vpop (xrf0);
	(xrf0) =	vadd.scan.msk.s32 $0xffff, v12;
	(v2sf) =	vpush v25, $0xF  }
0x5d: {  	v16 =	vperm.xlane v16, v3;
	v28, _, _ =	vpop (xrf0);
	(xrf0) =	vadd.scan.msk.s32 $0xffff, v13;
	(v2sf) =	vpush v26, $0xF  }
0x5e: {  	v17 =	vperm.xlane v17, v3;
	v33, _, _ =	vpop (xrf0);
	(xrf0) =	vadd.scan.msk.s32 $0xffff, v15;
	(v2sf) =	vpush v28, $0xF  }
0x5f: {  	v18 =	vperm.xlane v18, v3;
	v38, _, _ =	vpop (xrf0);
	(xrf0) =	vadd.scan.msk.s32 $0xffff, v16;
	(v2sf) =	vpush v33, $0xF  }
0x60: {  	v19 =	vperm.xlane v19, v3;
	v43, _, _ =	vpop (xrf0);
	(xrf0) =	vadd.scan.msk.s32 $0xffff, v17;
	(v2sf) =	vpush v38, $0xF  }
0x61: {  	v20 =	vperm.xlane v20, v3;
	v41, _, _ =	vpop (xrf0);
	(xrf0) =	vadd.scan.msk.s32 $0xffff, v18;
	(v2sf) =	vpush v43, $0xF  }
0x62: {  	v39, _, _ =	vpop (xrf0);
	(xrf0) =	vadd.scan.msk.s32 $0xffff, v19;
	(v2sf) =	vpush v41, $0xF  }
0x63: {  	v36, _, _ =	vpop (xrf0);
	(xrf0) =	vadd.scan.msk.s32 $0xffff, v20;
	(v2sf) =	vpush v39, $0xF  }
0x64: {  	v34, _, _ =	vpop (xrf0);
	(v2sf) =	vpush v36, $0xF  }
0x65: {  	v31, _, _ =	vpop (xrf0);
	(v2sf) =	vpush v34, $0xF  }
0x66: {  	v29, _, _ =	vpop (xrf0);
	(v2sf) =	vpush v31, $0xF  }
0x67: {  	v24, _, _ =	vpop (xrf0);
	(v2sf) =	vpush v29, $0xF  }
0x68: {  	v22, _, _ =	vpop (xrf0);
	(v2sf) =	vpush v24, $0xF  }
0x69: {  	v21, _, _ =	vpop (xrf0);
	(v2sf) =	vpush v22, $0xF  }
0x6a: {  	(v2sf) =	vpush v21, $0xF  }
0x6b: {  	s0 =	spop (v2sf)  }
0x6c: {  	s1 =	spop (v2sf)  }
0x6d: {  	s3 =	spop (v2sf)  }
0x6e: {  	s4 =	spop (v2sf)  }
0x6f: {  	s5 =	spop (v2sf)  }
0x70: {  	s6 =	spop (v2sf)  }
0x71: {  	s2 =	spop (v2sf)  }
0x72: {  	s7 =	spop (v2sf)  }
0x73: {  	v23 =	vbroadcast v21, $0xF;
	vm1 =	vgt.s32 v21, $0x3F;
	s8 =	spop (v2sf)  }
0x74: {  	v27 =	vmpcnt.ones.xlane vm1;
	s9 =	spop (v2sf)  }
0x75: {  	v22 =	vadd.s32 v22, v23;
	s11 =	spop (v2sf)  }
0x76: {  	v23 =	vmctz.xlane vm1;
	vm1 =	vgt.s32 v22, $0x3F;
	(v2sf) =	vpush v27, $0x0;
	s12 =	spop (v2sf)  }
0x77: {  	v30 =	vmpcnt.ones.xlane vm1;
	s13 =	spop (v2sf)  }
0x78: {  	(v2sf) =	vpush v23, $0x0;
	v27 =	vmctz.xlane vm1;
	s14 =	spop (v2sf)  }
0x79: {  	(v2sf) =	vpush v30, $0x0;
	s15 =	spop (v2sf)  }
0x7a: {  	(v2sf) =	vpush v27, $0x0;
	s14 =	sadd.s32 s14, s15  }
0x7b: {  	v24 =	vadd.s32 s14, v24  }
0x7c: {  	s13 =	sadd.s32 s13, s14;
	vm1 =	vgt.s32 v24, $0x3F  }
0x7d: {  	v30 =	vadd.s32 s13, v29;
	v32 =	vmpcnt.ones.xlane vm1  }
0x7e: {  	s12 =	sadd.s32 s12, s13;
	v29 =	vmctz.xlane vm1;
	vm1 =	vgt.s32 v30, $0x3F  }
0x7f: {  	v35 =	vmpcnt.ones.xlane vm1;
	(v2sf) =	vpush v32, $0x0;
	v32 =	vadd.s32 s12, v31  }
0x80: {  	v31 =	vmctz.xlane vm1;
	(v2sf) =	vpush v29, $0x0;
	vm1 =	vgt.s32 v32, $0x3F  }
0x81: {  	s11 =	sadd.s32 s11, s12;
	(v2sf) =	vpush v35, $0x0;
	v37 =	vmpcnt.ones.xlane vm1  }
0x82: {  	v34 =	vadd.s32 s11, v34;
	(v2sf) =	vpush v31, $0x0  }
0x83: {  	v35 =	vmctz.xlane vm1;
	vm1 =	vgt.s32 v34, $0x3F;
	(v2sf) =	vpush v37, $0x0  }
0x84: {  	s9 =	sadd.s32 s9, s11;
	v62 =	vmpcnt.ones.xlane vm1  }
0x85: {  	s21 =	spop (v2sf);
	v36 =	vadd.s32 s9, v36;
	s8 =	sadd.s32 s8, s9;
	(v2sf) =	vpush v35, $0x0  }
0x86: {  	p6 =	sgt.s32 s21, $0x0;
	s7 =	sadd.s32 s7, s8;
	v37 =	vmctz.xlane vm1;
	vm1 =	vgt.s32 v36, $0x3F;
	(v2sf) =	vpush v62, $0x0  }
0x87: {  	p1 =	slt.s32 s21, $0x1;
	v41 =	vadd.s32 s7, v41;
	s7 =	sadd.s32 s2, s7;
	s2 =	spop (v2sf);
	v42 =	vmpcnt.ones.xlane vm1  }
0x88: {  	s22 =	spop (v2sf);
	v43 =	vadd.s32 s7, v43;
	s7 =	sadd.s32 s6, s7;
	s14 =	ssub.s32 $0xFF, s2;
	(v2sf) =	vpush v37, $0x0  }
0x89: {  	s2 =	simm.s32 @!p6 $0x0;
	s6 =	spop (v2sf);
	v63 =	vadd.s32 s7, v38;
	s7 =	sadd.s32 s5, s7;
	(v2sf) =	vpush v42, $0x0  }
0x8a: {  	v39 =	vadd.s32 s8, v39;
	p0 =	sgt.s32 s22, $0x0;
	s2 =	simm.s32 @p6 $0x1;
	s14 =	simm.s32 @!p6 $0x0  }
0x8b: {  	v40 =	vmctz.xlane vm1;
	vm1 =	vgt.s32 v39, $0x3F;
	s24 =	sadd.s32 s4, s7;
	p2 =	por p6, p0;
	p0 =	por !p1, !p0  }
0x8c: {  	[smem:$0x7EA] =	sst s2;
	v44 =	vmpcnt.ones.xlane vm1;
	s26 =	sadd.s32 s3, s24;
	s8 =	simm.s32 @!p0 $0x0  }
0x8d: {  	s2 =	ssub.s32 $0xEF, s6;
	s8 =	simm.s32 @p0 $0x1;
	s31 =	sadd.s32 s1, s26;
	(v2sf) =	vpush v40, $0x0  }
0x8e: {  	[smem:$0x7EB] =	sst s8;
	s0 =	sadd.s32 s0, s31;
	(v2sf) =	vpush v44, $0x0;
	s23 =	spop (v2sf)  }
0x8f: {  	v42 =	vmctz.xlane vm1;
	vm1 =	vgt.s32 v41, $0x3F;
	s22 =	sld [smem:$0x7EB];
	s5 =	spop (v2sf);
	p3 =	sgt.s32 s23, $0x0  }
0x90: {  	v45 =	vmpcnt.ones.xlane vm1;
	s25 =	spop (v2sf);
	p0 =	por p2, p3;
	p2 =	por !p2, !p2  }
0x91: {  	v56 =	vadd.s32 s0, v14;
	(v2sf) =	vpush v42, $0x0;
	s0 =	ssub.s32 $0xDF, s5;
	s28 =	spop (v2sf);
	p4 =	sgt.s32 s25, $0x0  }
0x92: {  	v44 =	vmctz.xlane vm1;
	vm1 =	vgt.s32 v43, $0x3F;
	(v2sf) =	vpush v45, $0x0;
	p5 =	por !p0, !p0;
	p3 =	por !p3, !p2;
	s29 =	spop (v2sf)  }
0x93: {  	v47 =	vmpcnt.ones.xlane vm1;
	p1 =	por !p4, !p5;
	p0 =	por p0, p4;
	p3 =	por !p3, !p3  }
0x94: {  	v46 =	vmctz.xlane vm1;
	vm1 =	vgt.s32 v63, $0x3F;
	(v2sf) =	vpush v44, $0x0;
	s4 =	spop (v2sf);
	s9 =	simm.s32 @!p1 $0x0;
	p5 =	sgt.s32 s29, $0x0  }
0x95: {  	v59 =	vmpcnt.ones.xlane vm1;
	(v2sf) =	vpush v47, $0x0;
	p4 =	por !p0, !p0;
	s30 =	spop (v2sf);
	s9 =	simm.s32 @p1 $0x1  }
0x96: {  	(v2sf) =	vpush v46, $0x0;
	p2 =	por !p5, !p4;
	p0 =	por p0, p5;
	[smem:$0x7EE] =	sst s9  }
0x97: {  	v60 =	vadd.s32 s7, v33;
	v48 =	vmctz.xlane vm1;
	(v2sf) =	vpush v59, $0x0;
	s7 =	spop (v2sf);
	s1 =	simm.s32 @!p2 $0x0;
	p5 =	sgt.s32 s30, $0x0  }
0x98: {  	vm1 =	vgt.s32 v60, $0x3F;
	s1 =	simm.s32 @p2 $0x1;
	s15 =	spop (v2sf);
	p2 =	por !p0, !p0  }
0x99: {  	v51 =	vadd.s32 s26, v26;
	v61 =	vmpcnt.ones.xlane vm1;
	(v2sf) =	vpush v48, $0x0;
	p0 =	por p0, p5;
	s26 =	sld [smem:$0x7EE];
	p2 =	por !p5, !p2  }
0x9a: {  	[smem:$0x7F0] =	sst s1;
	p5 =	sgt.s32 s15, $0x0;
	s1 =	simm.s32 @!p2 $0x0  }
0x9b: {  	v49 =	vadd.s32 s24, v28;
	v50 =	vmctz.xlane vm1;
	(v2sf) =	vpush v61, $0x0;
	s30 =	sld [smem:$0x7F0];
	s1 =	simm.s32 @p2 $0x1;
	p2 =	por !p0, !p0  }
0x9c: {  	vm1 =	vgt.s32 v49, $0x3F;
	[smem:$0x7F2] =	sst s1;
	s1 =	spop (v2sf);
	p2 =	por !p5, !p2  }
0x9d: {  	v28 =	vmpcnt.ones.xlane vm1;
	(v2sf) =	vpush v50, $0x0;
	p0 =	por p0, p5;
	s16 =	spop (v2sf);
	s8 =	simm.s32 @!p2 $0x0  }
0x9e: {  	s8 =	simm.s32 @p2 $0x1;
	p5 =	sgt.s32 s16, $0x0;
	p2 =	por !p0, !p0  }
0x9f: {  	p4 =	seq.s32 s22, $0x1;
	(v2sf) =	vpush v28, $0x0;
	s15 =	sld [smem:$0x7F2];
	p2 =	por !p5, !p2  }
0xa0: {  	v52 =	vmctz.xlane vm1;
	[smem:$0x7F4] =	sst s8;
	s8 =	spop (v2sf);
	s9 =	simm.s32 @!p2 $0x0  }
0xa1: {  	vm1 =	vgt.s32 v51, $0x3F;
	p0 =	por p0, p5;
	s17 =	spop (v2sf);
	s9 =	simm.s32 @p2 $0x1  }
0xa2: {  	v26 =	vmpcnt.ones.xlane vm1;
	(v2sf) =	vpush v52, $0x0;
	p5 =	por !p0, !p0;
	p1 =	sgt.s32 s17, $0x0;
	[smem:$0x7F6] =	sst s9  }
0xa3: {  	s9 =	spop (v2sf);
	p2 =	por !p1, !p5;
	p1 =	por p0, p1  }
0xa4: {  	v53 =	vadd.s32 s31, v25;
	(v2sf) =	vpush v26, $0x0;
	s18 =	spop (v2sf);
	s11 =	simm.s32 @!p2 $0x0;
	s17 =	sld [smem:$0x7F6]  }
0xa5: {  	v54 =	vmctz.xlane vm1;
	vm1 =	vgt.s32 v53, $0x3F;
	s11 =	simm.s32 @p2 $0x1;
	s19 =	spop (v2sf);
	p0 =	sgt.s32 s18, $0x0  }
0xa6: {  	v25 =	vmpcnt.ones.xlane vm1;
	p2 =	por !p1, !p1;
	[smem:$0x7F8] =	sst s11;
	s20 =	spop (v2sf)  }
0xa7: {  	(v2sf) =	vpush v54, $0x0;
	p5 =	por !p0, !p2;
	p0 =	por p1, p0;
	p2 =	por !p4, !p4  }
0xa8: {  	(v2sf) =	vpush v25, $0x0;
	s21 =	spop (v2sf);
	p1 =	sgt.s32 s20, $0x0;
	p6 =	por !p0, !p0  }
0xa9: {  	s13 =	simm.s32 @!p2 $0x0;
	s14 =	smov.u32 @p2 s2;
	s18 =	sld [smem:$0x7F8]  }
0xaa: {  	s20 =	simm.s32 $0x40;
	s16 =	spop (v2sf);
	p6 =	por !p1, !p6  }
0xab: {  	p0 =	por p0, p1;
	s13 =	simm.s32 @p2 $0x1;
	s14 =	smov.u32 @p3 s0  }
0xac: {  	s0 =	ssub.s32 $0xCF, s28;
	s23 =	spop (v2sf);
	[smem:$0x7EC] =	sst s13  }
0xad: {  	p1 =	sgt.s32 s16, $0x0;
	p4 =	por !p0, !p0;
	s13 =	simm.s32 @!p3 $0x0  }
0xae: {  	s16 =	sld [smem:$0x7F4];
	p4 =	por !p1, !p4;
	s24 =	spop (v2sf)  }
0xaf: {  	p2 =	por p0, p1;
	s13 =	simm.s32 @p3 $0x1;
	p1 =	seq.s32 s26, $0x1  }
0xb0: {  	p0 =	por !p1, !p1;
	p1 =	sgt.s32 s24, $0x0;
	p3 =	por !p2, !p2  }
0xb1: {  	[smem:$0x7ED] =	sst s13;
	s25 =	spop (v2sf);
	p3 =	por !p1, !p3  }
0xb2: {  	v55 =	vmctz.xlane vm1;
	vm1 =	vgt.s32 v56, $0x3F;
	p1 =	por p2, p1;
	s13 =	simm.s32 @!p0 $0x0;
	s14 =	smov.u32 @p0 s0  }
0xb3: {  	vm1 =	vmand vm1, vm0;
	p2 =	seq.s32 s30, $0x1;
	s0 =	ssub.s32 $0xBF, s4;
	s28 =	spop (v2sf)  }
0xb4: {  	v14 =	vmpcnt.ones.xlane vm1;
	(v2sf) =	vpush v55, $0x0;
	s13 =	simm.s32 @p0 $0x1;
	p0 =	por !p2, !p2;
	p2 =	seq.s32 s15, $0x1  }
0xb5: {  	[smem:$0x7EF] =	sst s13;
	s13 =	simm.s32 @!p0 $0x0;
	s14 =	smov.u32 @p0 s0  }
0xb6: {  	v57 =	vmctz.xlane vm1;
	(v2sf) =	vpush v14, $0x0;
	s0 =	ssub.s32 $0xAF, s7;
	s29 =	spop (v2sf);
	s13 =	simm.s32 @p0 $0x1  }
0xb7: {  	p0 =	por !p2, !p2;
	p2 =	seq.s32 s16, $0x1;
	s31 =	spop (v2sf)  }
0xb8: {  	(v2sf) =	vpush v57, $0x0;
	s7 =	simm.s32 @!p0 $0x0;
	s14 =	smov.u32 @p0 s0;
	s0 =	ssub.s32 $0x9F, s1  }
0xb9: {  	s2 =	ssub.s32 $0x2F, s29;
	s7 =	simm.s32 @p0 $0x1;
	p0 =	por !p2, !p2  }
0xba: {  	[tilespmem:$0x4000] =	vst v1;
	p2 =	seq.s32 s17, $0x1;
	s1 =	simm.s32 @!p0 $0x0;
	s14 =	smov.u32 @p0 s0  }
0xbb: {  	[tilespmem:$0x4010] =	vst v1;
	s0 =	ssub.s32 $0x8F, s8;
	s1 =	simm.s32 @p0 $0x1;
	p0 =	por !p2, !p2  }
0xbc: {  	[tilespmem:$0x4020] =	vst v1;
	p2 =	seq.s32 s18, $0x1;
	[smem:$0x7F5] =	sst s1;
	s1 =	simm.s32 @!p0 $0x0  }
0xbd: {  	[tilespmem:$0x4030] =	vst v1;
	s14 =	smov.u32 @p0 s0;
	s1 =	simm.s32 @p0 $0x1;
	p0 =	por !p2, !p2  }
0xbe: {  	[tilespmem:$0x4040] =	vst v1;
	s0 =	ssub.s32 $0x7F, s9;
	[smem:$0x7F7] =	sst s1;
	s1 =	simm.s32 @!p0 $0x0  }
0xbf: {  	[tilespmem:$0x4050] =	vst v1;
	p2 =	sgt.s32 s28, $0x0;
	s14 =	smov.u32 @p0 s0;
	s1 =	simm.s32 @p0 $0x1  }
0xc0: {  	[tilespmem:$0x4060] =	vst v1;
	s0 =	ssub.s32 $0x6F, s19;
	p0 =	por !p5, !p5;
	[smem:$0x7F9] =	sst s1  }
0xc1: {  	[tilespmem:$0x4070] =	vst v1;
	s1 =	simm.s32 @!p0 $0x0;
	s14 =	smov.u32 @p0 s0;
	s0 =	ssub.s32 $0x5F, s21  }
0xc2: {  	[tilespmem:$0x4080] =	vst v1;
	s1 =	simm.s32 @p0 $0x1;
	p0 =	por !p6, !p6;
	p6 =	por !p3, !p3  }
0xc3: {  	[tilespmem:$0x4090] =	vst v1;
	s19 =	spop (v2sf);
	[smem:$0x7FA] =	sst s1;
	s1 =	simm.s32 @!p0 $0x0  }
0xc4: {  	[tilespmem:$0x40A0] =	vst v1;
	s14 =	smov.u32 @p0 s0;
	s0 =	ssub.s32 $0x4F, s23;
	s1 =	simm.s32 @p0 $0x1  }
0xc5: {  	[tilespmem:$0x40B0] =	vst v1;
	p0 =	por !p4, !p4;
	s21 =	spop (v2sf);
	[smem:$0x7FB] =	sst s1  }
0xc6: {  	[tilespmem:$0x40C0] =	vst v1;
	s1 =	simm.s32 @!p0 $0x0;
	s14 =	smov.u32 @p0 s0;
	s0 =	ssub.s32 $0x3F, s25  }
0xc7: {  	[tilespmem:$0x40D0] =	vst v1;
	s22 =	spop (v2sf);
	s1 =	simm.s32 @p0 $0x1;
	p0 =	por !p1, !p1  }
0xc8: {  	[tilespmem:$0x40E0] =	vst v1;
	s14 =	smov.u32 @p6 s0;
	[smem:$0x7FC] =	sst s1;
	p5 =	por !p2, !p0  }
0xc9: {  	[tilespmem:$0x40F0] =	vst v1;
	p0 =	por p1, p2;
	p1 =	sgt.s32 s31, $0x0;
	s1 =	ssub.s32 $0x1F, s19  }
0xca: {  	v14 =	vld [tilespmem:s20+$0xFFFFFFC0];
	p2 =	por !p5, !p5;
	p5 =	por !p0, !p0;
	p0 =	por p0, p1  }
0xcb: {  	p4 =	por !p1, !p5;
	p5 =	sgt.s32 s21, $0x0;
	p1 =	por !p0, !p0  }
0xcc: {  	s14 =	smov.u32 @p2 s2;
	p3 =	por !p4, !p4;
	p4 =	por !p5, !p1  }
0xcd: {  	s14 =	smov.u32 @p3 s1;
	p4 =	por !p4, !p4;
	s1 =	ssub.s32 $0xF, s22  }
0xce: {  	p0 =	por p0, p5;
	s14 =	smov.u32 @p4 s1  }
0xcf: {  	v25 =	vmax.f32 v14, $0.0e+00;
	s14 =	simm.s32 @!p0 $0xFFFFFFFF  }
0xd0: {  	v26 =	vshrl.u32 v25, $0x17;
	v14 =	vmov s14  }
0xd1: {  	v28 =	vshrl.u32 v25, $0xF;
	vm1 =	veq.s32 v26, v14  }
0xd2: {  	v26 =	vand.u32 $0xFF, v28;
	_ =	sdelay $0x1  }
0xd3: {  	v28 =	vmpcnt.ones.xlane vm1;
	_ =	sdelay $0x1  }
0xd4: {  	(v2sf) =	vpush v28, $0x0  }
0xd5: {  	s23 =	simm.s32 $0x0;
	[tilespmem:v26+s10+$0x0] =	vst.idx.add.s32.msk vm1, v2  }
0xd6: {  	[tilespmem:s23+$0x4100] =	vst.msk vm1, v25  }
0xd7: {  	v25 =	vld [tilespmem:s20+$0xFFFFFFD0];
	_ =	sdelay $0x4  }
0xd8: {  	v25 =	vmax.f32 v25, $0.0e+00  }
0xd9: {  	v26 =	vshrl.u32 v25, $0x17  }
0xda: {  	v28 =	vshrl.u32 v25, $0xF;
	vm1 =	veq.s32 v26, v14  }
0xdb: {  	v26 =	vand.u32 $0xFF, v28;
	_ =	sdelay $0x1  }
0xdc: {  	v28 =	vmpcnt.ones.xlane vm1  }
0xdd: {  	s1 =	simm.s32 @!p0 $0x0  }
0xde: {  	s1 =	simm.s32 @p0 $0x1;
	s24 =	spop (v2sf);
	(v2sf) =	vpush v28, $0x0  }
0xdf: {  	[smem:$0x7FD] =	sst s1;
	s1 =	sadd.s32 $0x0, s24;
	[tilespmem:v26+s10+$0x0] =	vst.idx.add.s32.msk vm1, v2  }
0xe0: {  	[tilespmem:s1+$0x4100] =	vst.msk vm1, v25  }
0xe1: {  	v25 =	vld [tilespmem:s20+$0xFFFFFFE0];
	_ =	sdelay $0x4  }
0xe2: {  	v25 =	vmax.f32 v25, $0.0e+00  }
0xe3: {  	v26 =	vshrl.u32 v25, $0x17  }
0xe4: {  	v28 =	vshrl.u32 v25, $0xF;
	vm1 =	veq.s32 v26, v14  }
0xe5: {  	v26 =	vand.u32 $0xFF, v28;
	_ =	sdelay $0x1  }
0xe6: {  	v28 =	vmpcnt.ones.xlane vm1;
	_ =	sdelay $0x1  }
0xe7: {  	s25 =	spop (v2sf);
	(v2sf) =	vpush v28, $0x0  }
0xe8: {  	s1 =	sadd.s32 s1, s25;
	[tilespmem:v26+s10+$0x0] =	vst.idx.add.s32.msk vm1, v2  }
0xe9: {  	[tilespmem:s1+$0x4100] =	vst.msk vm1, v25  }
0xea: {  	v25 =	vld [tilespmem:s20+$0xFFFFFFF0];
	_ =	sdelay $0x4  }
0xeb: {  	v25 =	vmax.f32 v25, $0.0e+00  }
0xec: {  	v26 =	vshrl.u32 v25, $0x17  }
0xed: {  	v28 =	vshrl.u32 v25, $0xF;
	vm1 =	veq.s32 v26, v14  }
0xee: {  	v26 =	vand.u32 $0xFF, v28;
	_ =	sdelay $0x1  }
0xef: {  	v28 =	vmpcnt.ones.xlane vm1;
	_ =	sdelay $0x1  }
0xf0: {  	s26 =	spop (v2sf);
	(v2sf) =	vpush v28, $0x0  }
0xf1: {  	s1 =	sadd.s32 s1, s26;
	[tilespmem:v26+s10+$0x0] =	vst.idx.add.s32.msk vm1, v2  }
0xf2: {  	[tilespmem:s1+$0x4100] =	vst.msk vm1, v25  }
0xf3: {  	v25 =	vld [tilespmem:s20+$0x0];
	_ =	sdelay $0x4  }
0xf4: {  	v25 =	vmax.f32 v25, $0.0e+00  }
0xf5: {  	v26 =	vshrl.u32 v25, $0x17  }
0xf6: {  	v28 =	vshrl.u32 v25, $0xF;
	vm1 =	veq.s32 v26, v14  }
0xf7: {  	v26 =	vand.u32 $0xFF, v28;
	_ =	sdelay $0x1  }
0xf8: {  	v28 =	vmpcnt.ones.xlane vm1;
	_ =	sdelay $0x1  }
0xf9: {  	s28 =	spop (v2sf);
	(v2sf) =	vpush v28, $0x0  }
0xfa: {  	s1 =	sadd.s32 s1, s28;
	[tilespmem:v26+s10+$0x0] =	vst.idx.add.s32.msk vm1, v2  }
0xfb: {  	[tilespmem:s1+$0x4100] =	vst.msk vm1, v25  }
0xfc: {  	v25 =	vld [tilespmem:s20+$0x10];
	_ =	sdelay $0x4  }
0xfd: {  	v25 =	vmax.f32 v25, $0.0e+00  }
0xfe: {  	v26 =	vshrl.u32 v25, $0x17  }
0xff: {  	v28 =	vshrl.u32 v25, $0xF;
	vm1 =	veq.s32 v26, v14  }
0x100: {  	v26 =	vand.u32 $0xFF, v28;
	_ =	sdelay $0x1  }
0x101: {  	v28 =	vmpcnt.ones.xlane vm1;
	_ =	sdelay $0x1  }
0x102: {  	s29 =	spop (v2sf);
	(v2sf) =	vpush v28, $0x0  }
0x103: {  	s1 =	sadd.s32 s1, s29;
	[tilespmem:v26+s10+$0x0] =	vst.idx.add.s32.msk vm1, v2  }
0x104: {  	[tilespmem:s1+$0x4100] =	vst.msk vm1, v25  }
0x105: {  	v25 =	vld [tilespmem:s20+$0x20];
	_ =	sdelay $0x4  }
0x106: {  	v25 =	vmax.f32 v25, $0.0e+00  }
0x107: {  	v26 =	vshrl.u32 v25, $0x17  }
0x108: {  	v28 =	vshrl.u32 v25, $0xF;
	vm1 =	veq.s32 v26, v14  }
0x109: {  	v26 =	vand.u32 $0xFF, v28;
	_ =	sdelay $0x1  }
0x10a: {  	v28 =	vmpcnt.ones.xlane vm1;
	_ =	sdelay $0x1  }
0x10b: {  	s30 =	spop (v2sf);
	(v2sf) =	vpush v28, $0x0  }
0x10c: {  	s1 =	sadd.s32 s1, s30;
	[tilespmem:v26+s10+$0x0] =	vst.idx.add.s32.msk vm1, v2  }
0x10d: {  	[tilespmem:s1+$0x4100] =	vst.msk vm1, v25  }
0x10e: {  	v25 =	vld [tilespmem:s20+$0x30];
	_ =	sdelay $0x4  }
0x10f: {  	v62 =	vmax.f32 v25, $0.0e+00  }
0x110: {  	v25 =	vshrl.u32 v62, $0x17  }
0x111: {  	v26 =	vshrl.u32 v62, $0xF;
	vm1 =	veq.s32 v25, v14  }
0x112: {  	v58 =	vand.u32 $0xFF, v26;
	v28 =	vmpcnt.ones.xlane vm1  }
0x113: {  	v30 =	vperm.xlane v30, v31;
	v31 =	vperm.xlane v17, v31  }
0x114: {  	v33 =	vperm.xlane v32, v35;
	v32 =	vperm.xlane v16, v35;
	(v2sf) =	vpush v28, $0x0  }
0x115: {  	v34 =	vperm.xlane v34, v37;
	v35 =	vperm.xlane v15, v37  }
0x116: {  	v38 =	vperm.xlane v36, v40;
	v36 =	vperm.xlane v13, v40;
	s31 =	spop (v2sf)  }
0x117: {  	v37 =	vperm.xlane v39, v42;
	v17 =	vperm.xlane v9, v48;
	s2 =	sadd.s32 s1, s31;
	[tilespmem:v58+s10+$0x0] =	vst.idx.add.s32.msk vm1, v2  }
0x118: {  	v16 =	vperm.xlane v60, v50;
	v15 =	vperm.xlane v8, v50;
	s0 =	simm.s32 $0xC0;
	[tilespmem:s2+$0x4100] =	vst.msk vm1, v62  }
0x119: {  	v9 =	vperm.xlane v53, v55;
	v8 =	vperm.xlane v5, v55;
	v13 =	vld [tilespmem:s0+$0xFFFFFFC0]  }
0x11a: {  	v25 =	vperm.xlane v21, v23;
	v23 =	vperm.xlane v20, v23  }
0x11b: {  	v26 =	vperm.xlane v22, v27;
	v27 =	vperm.xlane v19, v27  }
0x11c: {  	v22 =	vperm.xlane v41, v44;
	v21 =	vperm.xlane v11, v44  }
0x11d: {  	v20 =	vperm.xlane v43, v46;
	v19 =	vperm.xlane v10, v46  }
0x11e: {  	v11 =	vperm.xlane v6, v54;
	v6 =	vperm.xlane v4, v57;
	v39 =	vmax.f32 v13, $0.0e+00  }
0x11f: {  	v28 =	vperm.xlane v24, v29;
	v13 =	vperm.xlane v7, v52;
	v7 =	vshrl.u32 v39, $0x17  }
0x120: {  	v29 =	vperm.xlane v18, v29;
	v5 =	vshrl.u32 v39, $0xF;
	vm1 =	veq.s32 v7, v14  }
0x121: {  	v18 =	vperm.xlane v63, v48;
	v4 =	vand.u32 $0xFF, v5;
	v63 =	vmpcnt.ones.xlane vm1  }
0x122: {  	[smem:$0x7F1] =	sst s13;
	v10 =	vperm.xlane v49, v52;
	v24 =	vperm.xlane v12, v42  }
0x123: {  	[smem:$0x7F3] =	sst s7;
	v12 =	vperm.xlane v51, v54;
	s1 =	simm.s32 $0x8;
	v7 =	vperm.xlane v56, v57;
	(v2sf) =	vpush v63, $0x0;
	s3 =	spop (v2sf)  }
.LBB2_5:
0x124: {  	s1 =	sadd.s32 $0x8, s1;
	s2 =	sadd.s32 s2, s3  }
0x125: {  	p5 =	slt.u32 s1, $0x3F8  }
0x126: {  	[tilespmem:v4+s10+$0x0] =	vst.idx.add.s32.msk vm1, v2  }
0x127: {  	[tilespmem:s2+$0x4100] =	vst.msk vm1, v39  }
0x128: {  	v4 =	vld [tilespmem:s0+$0xFFFFFFD0];
	_ =	sdelay $0x4  }
0x129: {  	v4 =	vmax.f32 v4, $0.0e+00  }
0x12a: {  	v5 =	vshrl.u32 v4, $0x17;
	v39 =	vshrl.u32 v4, $0xF  }
0x12b: {  	vm1 =	veq.s32 v5, v14  }
0x12c: {  	v5 =	vand.u32 $0xFF, v39;
	v39 =	vmpcnt.ones.xlane vm1;
	_ =	sdelay $0x1  }
0x12d: {  	s3 =	spop (v2sf);
	(v2sf) =	vpush v39, $0x0;
	_ =	sdelay $0x2  }
0x12e: {  	s2 =	sadd.s32 s2, s3;
	[tilespmem:v5+s10+$0x0] =	vst.idx.add.s32.msk vm1, v2  }
0x12f: {  	[tilespmem:s2+$0x4100] =	vst.msk vm1, v4  }
0x130: {  	v4 =	vld [tilespmem:s0+$0xFFFFFFE0];
	_ =	sdelay $0x4  }
0x131: {  	v4 =	vmax.f32 v4, $0.0e+00  }
0x132: {  	v5 =	vshrl.u32 v4, $0x17;
	v39 =	vshrl.u32 v4, $0xF  }
0x133: {  	vm1 =	veq.s32 v5, v14  }
0x134: {  	v5 =	vand.u32 $0xFF, v39;
	v39 =	vmpcnt.ones.xlane vm1;
	_ =	sdelay $0x1  }
0x135: {  	s3 =	spop (v2sf);
	(v2sf) =	vpush v39, $0x0  }
0x136: {  	s2 =	sadd.s32 s2, s3;
	_ =	sdelay $0x1  }
0x137: {  	[tilespmem:v5+s10+$0x0] =	vst.idx.add.s32.msk vm1, v2  }
0x138: {  	[tilespmem:s2+$0x4100] =	vst.msk vm1, v4  }
0x139: {  	v4 =	vld [tilespmem:s0+$0xFFFFFFF0];
	_ =	sdelay $0x4  }
0x13a: {  	v4 =	vmax.f32 v4, $0.0e+00  }
0x13b: {  	v5 =	vshrl.u32 v4, $0x17;
	v39 =	vshrl.u32 v4, $0xF  }
0x13c: {  	vm1 =	veq.s32 v5, v14  }
0x13d: {  	v5 =	vand.u32 $0xFF, v39;
	v39 =	vmpcnt.ones.xlane vm1;
	_ =	sdelay $0x1  }
0x13e: {  	s3 =	spop (v2sf);
	(v2sf) =	vpush v39, $0x0  }
0x13f: {  	s2 =	sadd.s32 s2, s3;
	_ =	sdelay $0x1  }
0x140: {  	[tilespmem:v5+s10+$0x0] =	vst.idx.add.s32.msk vm1, v2  }
0x141: {  	[tilespmem:s2+$0x4100] =	vst.msk vm1, v4  }
0x142: {  	v4 =	vld [tilespmem:s0+$0x0];
	_ =	sdelay $0x4  }
0x143: {  	v4 =	vmax.f32 v4, $0.0e+00  }
0x144: {  	v5 =	vshrl.u32 v4, $0x17;
	v39 =	vshrl.u32 v4, $0xF  }
0x145: {  	vm1 =	veq.s32 v5, v14  }
0x146: {  	v5 =	vand.u32 $0xFF, v39;
	v39 =	vmpcnt.ones.xlane vm1;
	_ =	sdelay $0x1  }
0x147: {  	s3 =	spop (v2sf);
	(v2sf) =	vpush v39, $0x0  }
0x148: {  	s2 =	sadd.s32 s2, s3;
	_ =	sdelay $0x1  }
0x149: {  	[tilespmem:v5+s10+$0x0] =	vst.idx.add.s32.msk vm1, v2  }
0x14a: {  	[tilespmem:s2+$0x4100] =	vst.msk vm1, v4  }
0x14b: {  	v4 =	vld [tilespmem:s0+$0x10];
	_ =	sdelay $0x4  }
0x14c: {  	v4 =	vmax.f32 v4, $0.0e+00  }
0x14d: {  	v5 =	vshrl.u32 v4, $0x17;
	v39 =	vshrl.u32 v4, $0xF  }
0x14e: {  	vm1 =	veq.s32 v5, v14  }
0x14f: {  	v5 =	vand.u32 $0xFF, v39;
	v39 =	vmpcnt.ones.xlane vm1;
	_ =	sdelay $0x1  }
0x150: {  	s3 =	spop (v2sf);
	(v2sf) =	vpush v39, $0x0  }
0x151: {  	s2 =	sadd.s32 s2, s3;
	_ =	sdelay $0x1  }
0x152: {  	[tilespmem:v5+s10+$0x0] =	vst.idx.add.s32.msk vm1, v2  }
0x153: {  	[tilespmem:s2+$0x4100] =	vst.msk vm1, v4  }
0x154: {  	v4 =	vld [tilespmem:s0+$0x20];
	_ =	sdelay $0x4  }
0x155: {  	v4 =	vmax.f32 v4, $0.0e+00  }
0x156: {  	v5 =	vshrl.u32 v4, $0x17;
	v39 =	vshrl.u32 v4, $0xF  }
0x157: {  	vm1 =	veq.s32 v5, v14  }
0x158: {  	v5 =	vand.u32 $0xFF, v39;
	v39 =	vmpcnt.ones.xlane vm1;
	_ =	sdelay $0x1  }
0x159: {  	s3 =	spop (v2sf);
	(v2sf) =	vpush v39, $0x0  }
0x15a: {  	s2 =	sadd.s32 s2, s3;
	_ =	sdelay $0x1  }
0x15b: {  	[tilespmem:v5+s10+$0x0] =	vst.idx.add.s32.msk vm1, v2  }
0x15c: {  	[tilespmem:s2+$0x4100] =	vst.msk vm1, v4  }
0x15d: {  	v4 =	vld [tilespmem:s0+$0x30];
	_ =	sdelay $0x4  }
0x15e: {  	v4 =	vmax.f32 v4, $0.0e+00  }
0x15f: {  	v5 =	vshrl.u32 v4, $0x17;
	v39 =	vshrl.u32 v4, $0xF  }
0x160: {  	vm1 =	veq.s32 v5, v14  }
0x161: {  	v5 =	vand.u32 $0xFF, v39;
	v39 =	vmpcnt.ones.xlane vm1;
	_ =	sdelay $0x1  }
0x162: {  	s3 =	spop (v2sf);
	(v2sf) =	vpush v39, $0x0;
	_ =	sdelay $0x2  }
0x163: {  	s2 =	sadd.s32 s2, s3;
	[tilespmem:v5+s10+$0x0] =	vst.idx.add.s32.msk vm1, v2  }
0x164: {  	s0 =	sadd.s32 $0x80, s0;
	[tilespmem:s2+$0x4100] =	vst.msk vm1, v4  }
0x165: {  	v4 =	vld [tilespmem:s0+$0xFFFFFFC0];
	_ =	sdelay $0x4  }
0x166: {  	v39 =	vmax.f32 v4, $0.0e+00  }
.Ltmp3:
0x167: {  	v4 =	vshrl.u32 v39, $0x17;
	v5 =	vshrl.u32 v39, $0xF;
	(pc) =	sbr.rel @p5 .LBB2_5-.Ltmp3, $3  }
0x168: {  	vm1 =	veq.s32 v4, v14  }
0x169: {  	v4 =	vand.u32 $0xFF, v5;
	v5 =	vmpcnt.ones.xlane vm1;
	_ =	sdelay $0x1  }
0x16a: {  	(v2sf) =	vpush v5, $0x0;
	s3 =	spop (v2sf)  }
0x16b: {  	_ =	sdelay $0x4  }
0x16c: {  	s1 =	sadd.s32 s2, s3;
	[tilespmem:v4+s10+$0x0] =	vst.idx.add.s32.msk vm1, v2  }
0x16d: {  	[tilespmem:s1+$0x4100] =	vst.msk vm1, v39  }
0x16e: {  	v4 =	vld [tilespmem:s0+$0xFFFFFFD0];
	_ =	sdelay $0x4  }
0x16f: {  	v4 =	vmax.f32 v4, $0.0e+00  }
0x170: {  	v5 =	vshrl.u32 v4, $0x17  }
0x171: {  	v52 =	vshrl.u32 v4, $0xF;
	vm1 =	veq.s32 v5, v14  }
0x172: {  	v5 =	vand.u32 $0xFF, v52;
	_ =	sdelay $0x1  }
0x173: {  	v53 =	vmpcnt.ones.xlane vm1;
	_ =	sdelay $0x1  }
0x174: {  	(v2sf) =	vpush v53, $0x0;
	s21 =	spop (v2sf)  }
0x175: {  	s1 =	sadd.s32 s1, s21;
	[tilespmem:v5+s10+$0x0] =	vst.idx.add.s32.msk vm1, v2  }
0x176: {  	[tilespmem:s1+$0x4100] =	vst.msk vm1, v4  }
0x177: {  	v4 =	vld [tilespmem:s0+$0xFFFFFFE0];
	_ =	sdelay $0x4  }
0x178: {  	v4 =	vmax.f32 v4, $0.0e+00  }
0x179: {  	v5 =	vshrl.u32 v4, $0x17  }
0x17a: {  	v54 =	vshrl.u32 v4, $0xF;
	vm1 =	veq.s32 v5, v14  }
0x17b: {  	v5 =	vand.u32 $0xFF, v54;
	_ =	sdelay $0x1  }
0x17c: {  	v55 =	vmpcnt.ones.xlane vm1;
	_ =	sdelay $0x1  }
0x17d: {  	s22 =	spop (v2sf);
	(v2sf) =	vpush v55, $0x0  }
0x17e: {  	s1 =	sadd.s32 s1, s22;
	[tilespmem:v5+s10+$0x0] =	vst.idx.add.s32.msk vm1, v2  }
0x17f: {  	[tilespmem:s1+$0x4100] =	vst.msk vm1, v4  }
0x180: {  	v4 =	vld [tilespmem:s0+$0xFFFFFFF0];
	_ =	sdelay $0x4  }
0x181: {  	v4 =	vmax.f32 v4, $0.0e+00  }
0x182: {  	v5 =	vshrl.u32 v4, $0x17  }
0x183: {  	v56 =	vshrl.u32 v4, $0xF;
	vm1 =	veq.s32 v5, v14  }
0x184: {  	v5 =	vand.u32 $0xFF, v56;
	_ =	sdelay $0x1  }
0x185: {  	v57 =	vmpcnt.ones.xlane vm1;
	_ =	sdelay $0x1  }
0x186: {  	s23 =	spop (v2sf);
	(v2sf) =	vpush v57, $0x0  }
0x187: {  	s1 =	sadd.s32 s1, s23;
	[tilespmem:v5+s10+$0x0] =	vst.idx.add.s32.msk vm1, v2  }
0x188: {  	[tilespmem:s1+$0x4100] =	vst.msk vm1, v4  }
0x189: {  	v4 =	vld [tilespmem:s0+$0x0];
	_ =	sdelay $0x4  }
0x18a: {  	v4 =	vmax.f32 v4, $0.0e+00  }
0x18b: {  	v5 =	vshrl.u32 v4, $0x17  }
0x18c: {  	v58 =	vshrl.u32 v4, $0xF;
	vm1 =	veq.s32 v5, v14  }
0x18d: {  	v5 =	vand.u32 $0xFF, v58;
	_ =	sdelay $0x1  }
0x18e: {  	v59 =	vmpcnt.ones.xlane vm1;
	_ =	sdelay $0x1  }
0x18f: {  	s24 =	spop (v2sf);
	(v2sf) =	vpush v59, $0x0  }
0x190: {  	s1 =	sadd.s32 s1, s24;
	[tilespmem:v5+s10+$0x0] =	vst.idx.add.s32.msk vm1, v2  }
0x191: {  	[tilespmem:s1+$0x4100] =	vst.msk vm1, v4  }
0x192: {  	v4 =	vld [tilespmem:s0+$0x10];
	_ =	sdelay $0x4  }
0x193: {  	v4 =	vmax.f32 v4, $0.0e+00  }
0x194: {  	v5 =	vshrl.u32 v4, $0x17  }
0x195: {  	v60 =	vshrl.u32 v4, $0xF;
	vm1 =	veq.s32 v5, v14  }
0x196: {  	v5 =	vand.u32 $0xFF, v60;
	_ =	sdelay $0x1  }
0x197: {  	v61 =	vmpcnt.ones.xlane vm1;
	_ =	sdelay $0x1  }
0x198: {  	s25 =	spop (v2sf);
	(v2sf) =	vpush v61, $0x0  }
0x199: {  	s1 =	sadd.s32 s1, s25;
	[tilespmem:v5+s10+$0x0] =	vst.idx.add.s32.msk vm1, v2  }
0x19a: {  	[tilespmem:s1+$0x4100] =	vst.msk vm1, v4  }
0x19b: {  	v4 =	vld [tilespmem:s0+$0x20];
	_ =	sdelay $0x4  }
0x19c: {  	v4 =	vmax.f32 v4, $0.0e+00  }
0x19d: {  	v5 =	vshrl.u32 v4, $0x17  }
0x19e: {  	v62 =	vshrl.u32 v4, $0xF;
	vm1 =	veq.s32 v5, v14  }
0x19f: {  	v5 =	vand.u32 $0xFF, v62;
	_ =	sdelay $0x3  }
0x1a0: {  	s26 =	spop (v2sf)  }
0x1a1: {  	s1 =	sadd.s32 s1, s26;
	[tilespmem:v5+s10+$0x0] =	vst.idx.add.s32.msk vm1, v2  }
0x1a2: {  	[tilespmem:s1+$0x4100] =	vst.msk vm1, v4  }
0x1a3: {  	v4 =	vld [tilespmem:s0+$0x30];
	_ =	sdelay $0x4  }
0x1a4: {  	v4 =	vmax.f32 v4, $0.0e+00  }
0x1a5: {  	v5 =	vshrl.u32 v4, $0x17  }
0x1a6: {  	v63 =	vmpcnt.ones.xlane vm1;
	vm1 =	veq.s32 v5, v14  }
0x1a7: {  	v5 =	vmpcnt.ones.xlane vm1  }
0x1a8: {  	(v2sf) =	vpush v63, $0x0  }
0x1a9: {  	(v2sf) =	vpush v5, $0x0  }
0x1aa: {  	(v2sf) =	vpush v25, $0x0  }
0x1ab: {  	(v2sf) =	vpush v23, $0x0  }
0x1ac: {  	(v2sf) =	vpush v26, $0x0  }
0x1ad: {  	(v2sf) =	vpush v27, $0x0  }
0x1ae: {  	(v2sf) =	vpush v28, $0x0  }
0x1af: {  	(v2sf) =	vpush v29, $0x0  }
0x1b0: {  	(v2sf) =	vpush v30, $0x0  }
0x1b1: {  	(v2sf) =	vpush v31, $0x0  }
0x1b2: {  	(v2sf) =	vpush v33, $0x0  }
0x1b3: {  	(v2sf) =	vpush v32, $0x0  }
0x1b4: {  	v5 =	vshrl.u32 v4, $0xF;
	(v2sf) =	vpush v34, $0x0  }
0x1b5: {  	v5 =	vand.u32 $0xFF, v5;
	(v2sf) =	vpush v35, $0x0  }
0x1b6: {  	(v2sf) =	vpush v38, $0x0  }
0x1b7: {  	s3 =	spop (v2sf);
	(v2sf) =	vpush v36, $0x0  }
0x1b8: {  	s15 =	spop (v2sf);
	(v2sf) =	vpush v37, $0x0  }
0x1b9: {  	s28 =	sld [smem:$0x7EA];
	s16 =	sadd.s32 s1, s3;
	s3 =	spop (v2sf);
	(v2sf) =	vpush v24, $0x0  }
0x1ba: {  	[tilespmem:v5+s10+$0x0] =	vst.idx.add.s32.msk vm1, v2;
	s8 =	spop (v2sf);
	(v2sf) =	vpush v22, $0x0  }
0x1bb: {  	[tilespmem:s16+$0x4100] =	vst.msk vm1, v4;
	s1 =	spop (v2sf);
	(v2sf) =	vpush v21, $0x0  }
0x1bc: {  	p0 =	seq.s32 s28, $0x1;
	v4 =	vld [tilespmem:$0x4000];
	s6 =	spop (v2sf)  }
0x1bd: {  	s28 =	sld [smem:$0x7EC];
	v5 =	vld [tilespmem:$0x4010];
	s8 =	ssub.s32 s8, s3;
	(v2sf) =	vpush v20, $0x0;
	s0 =	spop (v2sf)  }
0x1be: {  	v28 =	vld [tilespmem:$0x4020];
	s8 =	simm.s32 @!p0 $0x0;
	(v2sf) =	vpush v19, $0x0;
	s4 =	spop (v2sf)  }
0x1bf: {  	v29 =	vld [tilespmem:$0x4030];
	(v2sf) =	vpush v18, $0x0;
	s2 =	spop (v2sf);
	s0 =	ssub.s32 s4, s0;
	s4 =	sld [smem:$0x7ED]  }
0x1c0: {  	v30 =	vld [tilespmem:$0x4040];
	p0 =	seq.s32 s28, $0x1;
	s1 =	ssub.s32 s6, s1;
	(v2sf) =	vpush v17, $0x0;
	s7 =	spop (v2sf)  }
0x1c1: {  	v31 =	vld [tilespmem:$0x4050];
	v4 =	vperm.xlane v4, v3;
	s8 =	smov.u32 @p0 s1;
	(v2sf) =	vpush v16, $0x0;
	s5 =	spop (v2sf)  }
0x1c2: {  	v32 =	vld [tilespmem:$0x4060];
	v5 =	vperm.xlane v5, v3;
	(v2sf) =	vpush v15, $0x0;
	s9 =	spop (v2sf);
	p0 =	seq.s32 s4, $0x1;
	s4 =	sld [smem:$0x7EF]  }
0x1c3: {  	v33 =	vld [tilespmem:$0x4070];
	(xrf0) =	vadd.scan.msk.s32 $0xffff, v4;
	(v2sf) =	vpush v10, $0x0;
	v10 =	vperm.xlane v28, v3;
	s11 =	spop (v2sf)  }
0x1c4: {  	v34 =	vld [tilespmem:$0x4080];
	(xrf0) =	vadd.scan.msk.s32 $0xffff, v5;
	(v2sf) =	vpush v13, $0x0;
	v13 =	vperm.xlane v29, v3;
	s8 =	smov.u32 @p0 s0;
	s12 =	spop (v2sf)  }
0x1c5: {  	v35 =	vld [tilespmem:$0x4090];
	s0 =	ssub.s32 s7, s2;
	(v2sf) =	vpush v12, $0x0;
	v12 =	vperm.xlane v30, v3;
	(xrf0) =	vadd.scan.msk.s32 $0xffff, v10;
	s13 =	spop (v2sf);
	p0 =	seq.s32 s4, $0x1  }
0x1c6: {  	v36 =	vld [tilespmem:$0x40A0];
	(v2sf) =	vpush v11, $0x0;
	v11 =	vperm.xlane v31, v3;
	(xrf0) =	vadd.scan.msk.s32 $0xffff, v13;
	s17 =	spop (v2sf);
	s8 =	smov.u32 @p0 s0  }
0x1c7: {  	v37 =	vld [tilespmem:$0x40B0];
	v14 =	vperm.xlane v32, v3;
	(v2sf) =	vpush v9, $0x0;
	(xrf0) =	vadd.scan.msk.s32 $0xffff, v12;
	s0 =	ssub.s32 s9, s5;
	s9 =	sld [smem:$0x7F1];
	s18 =	spop (v2sf)  }
0x1c8: {  	v38 =	vld [tilespmem:$0x40C0];
	v16 =	vperm.xlane v33, v3;
	(v2sf) =	vpush v8, $0x0;
	(xrf0) =	vadd.scan.msk.s32 $0xffff, v11;
	s19 =	spop (v2sf)  }
0x1c9: {  	v39 =	vld [tilespmem:$0x40D0];
	v18 =	vperm.xlane v34, v3;
	(v2sf) =	vpush v7, $0x0;
	v7, _, _ =	vpop (xrf0);
	(xrf0) =	vadd.scan.msk.s32 $0xffff, v14;
	s20 =	spop (v2sf)  }
0x1ca: {  	v40 =	vld [tilespmem:$0x40E0];
	v20 =	vperm.xlane v35, v3;
	(v2sf) =	vpush v6, $0x0;
	v6, _, _ =	vpop (xrf0);
	(xrf0) =	vadd.scan.msk.s32 $0xffff, v16;
	p0 =	seq.s32 s9, $0x1;
	s21 =	spop (v2sf)  }
0x1cb: {  	v41 =	vld [tilespmem:$0x40F0];
	v22 =	vperm.xlane v36, v3;
	v8, _, _ =	vpop (xrf0);
	(xrf0) =	vadd.scan.msk.s32 $0xffff, v18;
	(v2sf) =	vpush v6, $0xF;
	s8 =	smov.u32 @p0 s0;
	s0 =	ssub.s32 s12, s11;
	s11 =	sld [smem:$0x7F3]  }
0x1cc: {  	v42 =	vperm.xlane v37, v3;
	s22 =	spop (v2sf);
	v9, _, _ =	vpop (xrf0);
	(xrf0) =	vadd.scan.msk.s32 $0xffff, v20;
	(v2sf) =	vpush v8, $0xF  }
0x1cd: {  	v43 =	vperm.xlane v38, v3;
	s12 =	sld [smem:$0x7F5];
	s23 =	spop (v2sf);
	v15, _, _ =	vpop (xrf0);
	(xrf0) =	vadd.scan.msk.s32 $0xffff, v22;
	(v2sf) =	vpush v9, $0xF  }
0x1ce: {  	v44 =	vperm.xlane v39, v3;
	s24 =	spop (v2sf);
	v17, _, _ =	vpop (xrf0);
	(xrf0) =	vadd.scan.msk.s32 $0xffff, v42;
	(v2sf) =	vpush v15, $0xF;
	p0 =	seq.s32 s11, $0x1  }
0x1cf: {  	v45 =	vperm.xlane v40, v3;
	s25 =	spop (v2sf);
	v19, _, _ =	vpop (xrf0);
	(xrf0) =	vadd.scan.msk.s32 $0xffff, v43;
	(v2sf) =	vpush v17, $0xF;
	s8 =	smov.u32 @p0 s0  }
0x1d0: {  	v46 =	vperm.xlane v41, v3;
	s0 =	ssub.s32 s17, s13;
	p0 =	seq.s32 s12, $0x1;
	s26 =	spop (v2sf);
	v47, _, _ =	vpop (xrf0);
	(xrf0) =	vadd.scan.msk.s32 $0xffff, v44;
	(v2sf) =	vpush v19, $0xF  }
0x1d1: {  	s8 =	smov.u32 @p0 s0;
	s3 =	spop (v2sf);
	v48, _, _ =	vpop (xrf0);
	(xrf0) =	vadd.scan.msk.s32 $0xffff, v45;
	(v2sf) =	vpush v47, $0xF  }
0x1d2: {  	s0 =	ssub.s32 s19, s18;
	s19 =	sld [smem:$0x7F7];
	s6 =	spop (v2sf);
	v49, _, _ =	vpop (xrf0);
	(xrf0) =	vadd.scan.msk.s32 $0xffff, v46;
	(v2sf) =	vpush v48, $0xF  }
0x1d3: {  	v50, _, _ =	vpop (xrf0);
	s28 =	spop (v2sf);
	(v2sf) =	vpush v49, $0xF  }
0x1d4: {  	s17 =	sld [smem:$0x7F9];
	v51, _, _ =	vpop (xrf0);
	s7 =	spop (v2sf);
	(v2sf) =	vpush v50, $0xF  }
0x1d5: {  	s18 =	sld [smem:$0x7FA];
	p0 =	seq.s32 s19, $0x1;
	v52, _, _ =	vpop (xrf0);
	s5 =	spop (v2sf);
	(v2sf) =	vpush v51, $0xF  }
0x1d6: {  	s19 =	sld [smem:$0x7FB];
	s8 =	smov.u32 @p0 s0;
	v53, _, _ =	vpop (xrf0);
	s9 =	spop (v2sf);
	(v2sf) =	vpush v52, $0xF  }
0x1d7: {  	s0 =	ssub.s32 s21, s20;
	p0 =	seq.s32 s17, $0x1;
	v54, _, _ =	vpop (xrf0);
	s11 =	spop (v2sf);
	(v2sf) =	vpush v53, $0xF  }
0x1d8: {  	s20 =	sld [smem:$0x7FC];
	s8 =	smov.u32 @p0 s0;
	s13 =	spop (v2sf);
	v55, _, _ =	vpop (xrf0);
	(v2sf) =	vpush v54, $0xF  }
0x1d9: {  	s0 =	ssub.s32 s23, s22;
	p0 =	seq.s32 s18, $0x1;
	s21 =	spop (v2sf);
	(v2sf) =	vpush v55, $0xF  }
0x1da: {  	s2 =	ssub.s32 s3, s26;
	s8 =	smov.u32 @p0 s0;
	s4 =	spop (v2sf)  }
0x1db: {  	s0 =	ssub.s32 s25, s24;
	p0 =	seq.s32 s19, $0x1;
	s1 =	spop (v2sf)  }
0x1dc: {  	s8 =	smov.u32 @p0 s0;
	p0 =	seq.s32 s20, $0x1;
	s0 =	spop (v2sf)  }
0x1dd: {  	s3 =	ssub.s32 s28, s6;
	s8 =	smov.u32 @p0 s2;
	s2 =	spop (v2sf)  }
0x1de: {  	s5 =	ssub.s32 s5, s7;
	s8 =	smov.u32 @p6 s3;
	s3 =	spop (v2sf)  }
0x1df: {  	s6 =	ssub.s32 s11, s9;
	s8 =	smov.u32 @p2 s5;
	s5 =	spop (v2sf)  }
0x1e0: {  	s7 =	ssub.s32 s21, s13;
	s8 =	smov.u32 @p3 s6;
	s6 =	spop (v2sf)  }
0x1e1: {  	s8 =	smov.u32 @p4 s7;
	s7 =	spop (v2sf)  }
0x1e2: {  	s17 =	sadd.s32 $0x40, s8;
	s8 =	spop (v2sf)  }
0x1e3: {  	vm1 =	vge.s32 v55, s17;
	s21 =	spop (v2sf)  }
0x1e4: {  	v57 =	vbroadcast v55, $0xF;
	v56 =	vmctz.xlane vm1;
	s22 =	spop (v2sf)  }
0x1e5: {  	v58 =	vmpcnt.ones.xlane vm1;
	s23 =	spop (v2sf)  }
0x1e6: {  	v34 =	vadd.s32 v54, v57;
	v35 =	vperm.xlane v55, v56;
	s24 =	spop (v2sf)  }
0x1e7: {  	vm1 =	vge.s32 v34, s17;
	v29 =	vperm.xlane v46, v56;
	(v2sf) =	vpush v58, $0x0;
	s25 =	spop (v2sf)  }
0x1e8: {  	v59 =	vmctz.xlane vm1;
	(v2sf) =	vpush v35, $0x0;
	s26 =	spop (v2sf)  }
0x1e9: {  	v60 =	vmpcnt.ones.xlane vm1;
	(v2sf) =	vpush v29, $0x0;
	s18 =	sadd.s32 s25, s26  }
0x1ea: {  	v34 =	vperm.xlane v34, v59;
	(v2sf) =	vpush v56, $0x0;
	v33 =	vadd.s32 s18, v53  }
0x1eb: {  	v28 =	vperm.xlane v45, v59;
	(v2sf) =	vpush v60, $0x0;
	vm1 =	vge.s32 v33, s17  }
0x1ec: {  	(v2sf) =	vpush v34, $0x0;
	v61 =	vmctz.xlane vm1  }
0x1ed: {  	s13 =	sadd.s32 s24, s18;
	(v2sf) =	vpush v28, $0x0;
	v62 =	vmpcnt.ones.xlane vm1  }
0x1ee: {  	v32 =	vadd.s32 s13, v52;
	(v2sf) =	vpush v59, $0x0;
	v33 =	vperm.xlane v33, v61  }
0x1ef: {  	vm1 =	vge.s32 v32, s17;
	(v2sf) =	vpush v62, $0x0;
	v27 =	vperm.xlane v44, v61  }
0x1f0: {  	v63 =	vmctz.xlane vm1;
	(v2sf) =	vpush v33, $0x0  }
0x1f1: {  	s12 =	sadd.s32 s23, s13;
	v33 =	vmpcnt.ones.xlane vm1;
	(v2sf) =	vpush v27, $0x0  }
0x1f2: {  	s11 =	sadd.s32 s22, s12;
	v34 =	vperm.xlane v32, v63;
	(v2sf) =	vpush v61, $0x0  }
0x1f3: {  	s9 =	sadd.s32 s21, s11;
	(v2sf) =	vpush v33, $0x0  }
0x1f4: {  	v31 =	vadd.s32 s12, v51;
	s8 =	sadd.s32 s8, s9;
	v25 =	vperm.xlane v43, v63;
	(v2sf) =	vpush v34, $0x0  }
0x1f5: {  	v26 =	vadd.s32 s9, v49;
	s9 =	sadd.s32 s7, s8;
	vm1 =	vge.s32 v31, s17  }
0x1f6: {  	s18 =	sadd.s32 s6, s9;
	v35 =	vmctz.xlane vm1;
	(v2sf) =	vpush v25, $0x0;
	s12 =	spop (v2sf)  }
0x1f7: {  	v36 =	vmpcnt.ones.xlane vm1;
	s7 =	sadd.s32 s5, s18;
	(v2sf) =	vpush v63, $0x0;
	s30 =	spop (v2sf)  }
0x1f8: {  	s6 =	sadd.s32 s3, s7;
	v37 =	vperm.xlane v31, v35;
	s31 =	spop (v2sf)  }
0x1f9: {  	v38 =	vadd.s32 s11, v50;
	s5 =	sadd.s32 s2, s6;
	(v2sf) =	vpush v36, $0x0;
	s13 =	spop (v2sf)  }
0x1fa: {  	vm1 =	vge.s32 v38, s17;
	v24 =	vperm.xlane v42, v35;
	s3 =	sadd.s32 s0, s5;
	(v2sf) =	vpush v37, $0x0;
	s20 =	spop (v2sf)  }
0x1fb: {  	v39 =	vmctz.xlane vm1;
	p1 =	slt.s32 s12, $0x1;
	s29 =	spop (v2sf);
	p4 =	sgt.s32 s20, $0x0  }
0x1fc: {  	v40 =	vmpcnt.ones.xlane vm1;
	p5 =	sgt.s32 s12, $0x0;
	(v2sf) =	vpush v24, $0x0;
	s21 =	spop (v2sf);
	p1 =	por !p1, !p4  }
0x1fd: {  	v41 =	vperm.xlane v38, v39;
	(v2sf) =	vpush v35, $0x0;
	p0 =	por p5, p4;
	[dreg:$0xb] =	wrdreg s21;
	s19 =	spop (v2sf)  }
0x1fe: {  	(v2sf) =	vpush v40, $0x0;
	s21 =	ssub.s32 $0xFF, s13;
	p3 =	por !p1, !p1;
	s22 =	spop (v2sf)  }
0x1ff: {  	v22 =	vperm.xlane v22, v39;
	(v2sf) =	vpush v41, $0x0;
	p4 =	por !p0, !p0;
	s21 =	simm.s32 @!p5 $0x0;
	s23 =	spop (v2sf)  }
0x200: {  	vm1 =	vge.s32 v26, s17;
	s11 =	ssub.s32 $0xEF, s19;
	p6 =	sgt.s32 s22, $0x0;
	s24 =	spop (v2sf)  }
0x201: {  	v42 =	vmctz.xlane vm1;
	v43 =	vmpcnt.ones.xlane vm1;
	(v2sf) =	vpush v22, $0x0;
	s21 =	smov.u32 @p3 s11;
	p2 =	por !p6, !p4;
	s25 =	spop (v2sf)  }
0x202: {  	(v2sf) =	vpush v39, $0x0;
	p0 =	por p0, p6;
	[dreg:$0xc] =	wrdreg s23;
	s26 =	spop (v2sf)  }
0x203: {  	v44 =	vperm.xlane v26, v42;
	(v2sf) =	vpush v43, $0x0;
	p4 =	por !p0, !p0;
	[dreg:$0xd] =	wrdreg s24;
	s12 =	spop (v2sf)  }
0x204: {  	s0 =	ssub.s32 $0xDF, s25;
	p6 =	sgt.s32 s26, $0x0;
	[dreg:$0xe] =	wrdreg s12  }
0x205: {  	(v2sf) =	vpush v44, $0x0;
	s13 =	spop (v2sf);
	s12 =	simm.s32 @!p3 $0x0;
	p0 =	por p0, p6  }
0x206: {  	v23 =	vadd.s32 s8, v48;
	v20 =	vperm.xlane v20, v42;
	[dreg:$0xf] =	wrdreg s13;
	s8 =	spop (v2sf);
	s12 =	simm.s32 @p3 $0x1  }
0x207: {  	vm1 =	vge.s32 v23, s17;
	p3 =	por !p2, !p2;
	p2 =	por !p6, !p4;
	p4 =	por !p0, !p0  }
0x208: {  	v45 =	vmctz.xlane vm1;
	(v2sf) =	vpush v20, $0x0;
	s22 =	spop (v2sf);
	[smem:$0x7DF] =	sst s12;
	s2 =	simm.s32 @!p3 $0x0  }
0x209: {  	v46 =	vmpcnt.ones.xlane vm1;
	(v2sf) =	vpush v42, $0x0;
	s21 =	smov.u32 @p3 s0;
	s0 =	ssub.s32 $0xCF, s8;
	s23 =	spop (v2sf)  }
0x20a: {  	v23 =	vperm.xlane v23, v45;
	s2 =	simm.s32 @p3 $0x1;
	p3 =	por !p2, !p2;
	[dreg:$0x10] =	wrdreg s23  }
0x20b: {  	v21 =	vadd.s32 s9, v47;
	v18 =	vperm.xlane v18, v45;
	(v2sf) =	vpush v46, $0x0;
	p6 =	sgt.s32 s22, $0x0;
	s24 =	spop (v2sf);
	[smem:$0x7E0] =	sst s2  }
0x20c: {  	vm1 =	vge.s32 v21, s17;
	(v2sf) =	vpush v23, $0x0;
	p2 =	por !p6, !p4;
	s21 =	smov.u32 @p3 s0;
	s25 =	spop (v2sf)  }
0x20d: {  	v47 =	vmctz.xlane vm1;
	(v2sf) =	vpush v18, $0x0;
	p0 =	por p0, p6;
	[dreg:$0x13] =	wrdreg s24;
	s26 =	spop (v2sf)  }
0x20e: {  	v15 =	vadd.s32 s6, v15;
	v48 =	vmpcnt.ones.xlane vm1;
	p4 =	por !p0, !p0;
	s6 =	ssub.s32 $0xBF, s25;
	s2 =	spop (v2sf)  }
0x20f: {  	v19 =	vadd.s32 s18, v19;
	v21 =	vperm.xlane v21, v47;
	(v2sf) =	vpush v45, $0x0;
	s25 =	sadd.s32 s1, s3;
	p6 =	sgt.s32 s26, $0x0;
	[dreg:$0x16] =	wrdreg s2  }
0x210: {  	v17 =	vadd.s32 s7, v17;
	v16 =	vperm.xlane v16, v47;
	(v2sf) =	vpush v48, $0x0;
	s7 =	spop (v2sf);
	s2 =	simm.s32 @!p3 $0x0;
	p0 =	por p0, p6  }
0x211: {  	vm1 =	vge.s32 v19, s17;
	(v2sf) =	vpush v21, $0x0;
	[dreg:$0x19] =	wrdreg s7;
	s13 =	spop (v2sf);
	s2 =	simm.s32 @p3 $0x1  }
0x212: {  	v49 =	vmctz.xlane vm1;
	(v2sf) =	vpush v16, $0x0;
	p3 =	por !p2, !p2;
	p2 =	por !p6, !p4;
	s18 =	spop (v2sf)  }
0x213: {  	v50 =	vmpcnt.ones.xlane vm1;
	[smem:$0x7E1] =	sst s2;
	s0 =	simm.s32 @!p3 $0x0;
	s21 =	smov.u32 @p3 s6  }
0x214: {  	v9 =	vadd.s32 s5, v9;
	v19 =	vperm.xlane v19, v49;
	(v2sf) =	vpush v47, $0x0;
	p2 =	por !p2, !p2;
	s5 =	ssub.s32 $0xAF, s13;
	s19 =	spop (v2sf)  }
0x215: {  	vm1 =	vge.s32 v17, s17;
	v14 =	vperm.xlane v14, v49;
	(v2sf) =	vpush v50, $0x0;
	s0 =	simm.s32 @p3 $0x1;
	s21 =	smov.u32 @p2 s5;
	p6 =	sgt.s32 s18, $0x0  }
0x216: {  	v51 =	vmctz.xlane vm1;
	(v2sf) =	vpush v19, $0x0;
	p3 =	por !p0, !p0;
	s18 =	sadd.s32 s4, s25;
	[dreg:$0x1b] =	wrdreg s19  }
0x217: {  	v52 =	vmpcnt.ones.xlane vm1;
	(v2sf) =	vpush v14, $0x0;
	s20 =	spop (v2sf);
	[smem:$0x7E2] =	sst s0;
	s0 =	simm.s32 @!p2 $0x0  }
0x218: {  	v17 =	vperm.xlane v17, v51;
	(v2sf) =	vpush v49, $0x0;
	p0 =	por p0, p6;
	[dreg:$0x1d] =	wrdreg s20;
	s22 =	spop (v2sf)  }
0x219: {  	(v2sf) =	vpush v52, $0x0;
	s0 =	simm.s32 @p2 $0x1;
	p2 =	por !p6, !p3;
	p6 =	por !p0, !p0  }
0x21a: {  	vm1 =	vge.s32 v15, s17;
	v11 =	vperm.xlane v11, v51;
	(v2sf) =	vpush v17, $0x0;
	s23 =	spop (v2sf);
	[smem:$0x7E3] =	sst s0;
	p2 =	por !p2, !p2  }
0x21b: {  	v8 =	vadd.s32 s3, v8;
	v53 =	vmctz.xlane vm1;
	s3 =	ssub.s32 $0x9F, s22;
	s6 =	spop (v2sf);
	s0 =	simm.s32 @!p2 $0x0  }
0x21c: {  	v54 =	vmpcnt.ones.xlane vm1;
	(v2sf) =	vpush v11, $0x0;
	s21 =	smov.u32 @p2 s3;
	p4 =	sgt.s32 s23, $0x0;
	s11 =	spop (v2sf)  }
0x21d: {  	v15 =	vperm.xlane v15, v53;
	(v2sf) =	vpush v51, $0x0;
	s0 =	simm.s32 @p2 $0x1;
	p2 =	por !p4, !p6;
	p1 =	por p0, p4  }
0x21e: {  	vm1 =	vge.s32 v9, s17;
	v55 =	vperm.xlane v12, v53;
	(v2sf) =	vpush v54, $0x0;
	s24 =	spop (v2sf);
	[smem:$0x7E4] =	sst s0;
	p2 =	por !p2, !p2  }
0x21f: {  	v56 =	vmctz.xlane vm1;
	(v2sf) =	vpush v15, $0x0;
	p4 =	por !p1, !p1;
	s26 =	spop (v2sf);
	s0 =	simm.s32 @!p2 $0x0  }
0x220: {  	v57 =	vmpcnt.ones.xlane vm1;
	(v2sf) =	vpush v55, $0x0;
	s5 =	ssub.s32 $0x8F, s24;
	s1 =	spop (v2sf);
	s0 =	simm.s32 @p2 $0x1  }
0x221: {  	v9 =	vperm.xlane v9, v56;
	(v2sf) =	vpush v53, $0x0;
	s21 =	smov.u32 @p2 s5;
	p0 =	sgt.s32 s26, $0x0;
	s3 =	spop (v2sf)  }
0x222: {  	vm1 =	vge.s32 v8, s17;
	v58 =	vperm.xlane v13, v56;
	(v2sf) =	vpush v57, $0x0;
	[smem:$0x7E5] =	sst s0;
	p3 =	por !p0, !p4;
	p1 =	por p1, p0  }
0x223: {  	v59 =	vmctz.xlane vm1;
	(v2sf) =	vpush v9, $0x0;
	s2 =	spop (v2sf);
	p3 =	por !p3, !p3;
	p2 =	por !p1, !p1  }
0x224: {  	v60 =	vmpcnt.ones.xlane vm1;
	(v2sf) =	vpush v58, $0x0;
	s19 =	spop (v2sf);
	s9 =	ssub.s32 $0x7F, s2;
	s0 =	simm.s32 @!p3 $0x0  }
0x225: {  	v8 =	vperm.xlane v8, v59;
	v6 =	vadd.s32 s25, v6;
	(v2sf) =	vpush v56, $0x0;
	s4 =	spop (v2sf);
	p6 =	sgt.s32 s19, $0x0;
	s0 =	simm.s32 @p3 $0x1  }
0x226: {  	v10 =	vperm.xlane v10, v59;
	vm1 =	vge.s32 v6, s17;
	(v2sf) =	vpush v60, $0x0;
	s21 =	smov.u32 @p3 s9;
	s5 =	spop (v2sf);
	[smem:$0x7E6] =	sst s0  }
0x227: {  	v62 =	vmctz.xlane vm1;
	(v2sf) =	vpush v8, $0x0;
	p2 =	por !p6, !p2;
	p1 =	por p1, p6;
	s20 =	spop (v2sf)  }
0x228: {  	v61 =	vmpcnt.ones.xlane vm1;
	(v2sf) =	vpush v10, $0x0;
	p2 =	por !p2, !p2;
	p4 =	por !p1, !p1;
	s22 =	spop (v2sf)  }
0x229: {  	v6 =	vperm.xlane v6, v62;
	(v2sf) =	vpush v59, $0x0;
	s9 =	ssub.s32 $0x6F, s20;
	s0 =	simm.s32 @!p2 $0x0;
	s7 =	spop (v2sf)  }
0x22a: {  	v5 =	vperm.xlane v5, v62;
	v7 =	vadd.s32 s18, v7;
	(v2sf) =	vpush v61, $0x0;
	s0 =	simm.s32 @p2 $0x1;
	s21 =	smov.u32 @p2 s9;
	p0 =	sgt.s32 s22, $0x0  }
0x22b: {  	vm1 =	vge.s32 v7, s17;
	s8 =	spop (v2sf);
	(v2sf) =	vpush v6, $0x0;
	[smem:$0x7E7] =	sst s0;
	p3 =	por !p0, !p4  }
0x22c: {  	p1 =	por p1, p0;
	s23 =	spop (v2sf);
	(v2sf) =	vpush v5, $0x0;
	v5 =	vmpcnt.ones.xlane vm1;
	p3 =	por !p3, !p3  }
0x22d: {  	v63 =	vmctz.xlane vm1;
	p2 =	por !p1, !p1;
	s24 =	spop (v2sf);
	(v2sf) =	vpush v62, $0x0;
	s18 =	ssub.s32 $0x5F, s23  }
0x22e: {  	s0 =	simm.s32 @!p3 $0x0;
	s9 =	spop (v2sf);
	(v2sf) =	vpush v5, $0x0;
	p6 =	sgt.s32 s24, $0x0  }
0x22f: {  	v7 =	vperm.xlane v7, v63;
	s0 =	simm.s32 @p3 $0x1;
	s21 =	smov.u32 @p3 s18;
	s13 =	spop (v2sf)  }
0x230: {  	v4 =	vperm.xlane v4, v63;
	[smem:$0x7E8] =	sst s0;
	p2 =	por !p6, !p2;
	s25 =	spop (v2sf)  }
0x231: {  	(v2sf) =	vpush v7, $0x0;
	p1 =	por p1, p6;
	p2 =	por !p2, !p2;
	s26 =	spop (v2sf)  }
0x232: {  	(v2sf) =	vpush v4, $0x0;
	p6 =	por !p1, !p1;
	s0 =	simm.s32 @!p2 $0x0;
	s12 =	spop (v2sf)  }
0x233: {  	(v2sf) =	vpush v63, $0x0;
	s19 =	ssub.s32 $0x4F, s25;
	s0 =	simm.s32 @p2 $0x1;
	s18 =	spop (v2sf)  }
0x234: {  	s21 =	smov.u32 @p2 s19;
	p4 =	sgt.s32 s26, $0x0;
	s2 =	spop (v2sf)  }
0x235: {  	[smem:$0x7E9] =	sst s0;
	p3 =	por !p4, !p6;
	s24 =	spop (v2sf)  }
0x236: {  	[tilespmem:$0x4000] =	vst v1;
	p1 =	por p1, p4;
	p6 =	por !p3, !p3;
	s19 =	spop (v2sf)  }
0x237: {  	[tilespmem:$0x4010] =	vst v1;
	p2 =	por !p1, !p1;
	s22 =	ssub.s32 $0x3F, s2;
	s20 =	spop (v2sf)  }
0x238: {  	[tilespmem:$0x4020] =	vst v1;
	p0 =	sgt.s32 s24, $0x0;
	s21 =	smov.u32 @p6 s22;
	s25 =	spop (v2sf)  }
0x239: {  	[tilespmem:$0x4030] =	vst v1;
	p4 =	por !p0, !p2;
	p2 =	por p1, p0;
	s26 =	spop (v2sf)  }
0x23a: {  	[tilespmem:$0x4040] =	vst v1;
	p1 =	por !p4, !p4;
	p0 =	por !p2, !p2;
	s22 =	spop (v2sf)  }
0x23b: {  	[tilespmem:$0x4050] =	vst v1;
	s24 =	ssub.s32 $0x2F, s25;
	p3 =	sgt.s32 s26, $0x0;
	s23 =	spop (v2sf)  }
0x23c: {  	[tilespmem:$0x40D0] =	vst v1;
	s21 =	smov.u32 @p1 s24;
	s26 =	sadd.s32 s16, s15;
	s0 =	spop (v2sf)  }
0x23d: {  	[tilespmem:$0x40E0] =	vst v1;
	p0 =	por !p3, !p0;
	s15 =	sadd.s32 $0xF, s26;
	s2 =	spop (v2sf)  }
0x23e: {  	[tilespmem:$0x40F0] =	vst v1;
	p0 =	por !p0, !p0;
	s24 =	ssub.s32 $0x1F, s0;
	p4 =	slt.s32 s2, $0x1  }
0x23f: {  	[tilespmem:$0x4070] =	vst v1;
	s28 =	sshrl.u32 s15, $0x4;
	s21 =	smov.u32 @p0 s24;
	p3 =	por p3, p4  }
0x240: {  	[tilespmem:$0x4060] =	vst v1;
	s24 =	spop (v2sf);
	p2 =	por p2, p3;
	p3 =	seq.s32 s28, $0x0  }
.Ltmp4:
0x241: {  	[tilespmem:$0x4080] =	vst v1;
	s25 =	spop (v2sf);
	(pc) =	sbr.rel @p3 .LBB2_16-.Ltmp4, $4  }
0x242: {  	[tilespmem:$0x4090] =	vst v1;
	s16 =	spop (v2sf)  }
0x243: {  	[tilespmem:$0x40C0] =	vst v1;
	s15 =	ssub.s32 $0xF, s16  }
0x244: {  	[tilespmem:$0x40A0] =	vst v1;
	s15 =	smov.u32 @p2 s21  }
0x245: {  	[tilespmem:$0x40B0] =	vst v1;
	s16 =	simm.s32 $0x0;
	s21 =	simm.s32 $0x0;
	[dreg:$0xa] =	wrdreg s15  }
0x246: {  	s0 =	simm.s32 @!p5 $0x0  }
0x247: {  	s0 =	simm.s32 @p5 $0x1;
	p5 =	sne.s32 s28, $0x1  }
.Ltmp5:
0x248: {  	_ = 	snop;
	(pc) =	sbr.rel @!p5 .LBB2_8-.Ltmp5, $4  }
0x249: {  	_ = 	snop  }
0x24a: {  	s15 =	simm.s32 $0x4100  }
0x24b: {  	s21 =	rddreg [dreg:$0xa];
	p3 =	por $0x0, $0x0;
	p4 =	por $0x0, $0x0  }
0x24c: {  	v5 =	vmov s26;
	s2 =	smov.u32 s29;
	v4 =	vmov s21;
	s21 =	sadd.s32 $0xFFFFFFFF, s28;
	[smem:$0x7DE] =	sst s0  }
0x24d: {  	p5 =	sne.s32 s21, $0x1  }
.Ltmp6:
0x24e: {  	_ = 	snop;
	(pc) =	sbr.rel @!p5 .LBB2_10-.Ltmp6, $2  }
0x24f: {  	_ =	sdelay $0x2  }
0x250: {  	v6 =	vld [tilespmem:s15+$0x0];
	s26 =	sadd.s32 $0xFFFFFFFF, s21;
	p3 =	por $0x1, $0x1  }
0x251: {  	_ =	sdelay $0x3  }
0x252: {  	v7 =	vshrl.u32 v6, $0xF  }
0x253: {  	v8 =	vor.u32 s16, v0;
	v7 =	vand.u32 $0xFF, v7  }
0x254: {  	vm1 =	vlt.s32 v8, v5;
	vm2 =	veq.s32 v7, v4  }
0x255: {  	v7 =	vshrl.u32 v6, $0x7;
	vm1 =	vmand vm1, vm2  }
0x256: {  	v7 =	vand.u32 $0xFF, v7;
	v8 =	vmpcnt.ones.xlane vm1;
	_ =	sdelay $0x1  }
0x257: {  	(v2sf) =	vpush v8, $0x0;
	_ =	sdelay $0x2  }
0x258: {  	[tilespmem:v7+s10+$0x0] =	vst.idx.add.s32.msk vm1, v2  }
0x259: {  	p5 =	sne.s32 s26, $0x1;
	s21 =	simm.s32 $0x4110;
	[tilespmem:s16+$0x8180] =	vst.msk vm1, v6  }
.Ltmp7:
0x25a: {  	v6 =	vld [tilespmem:s21+$0x0];
	(pc) =	sbr.rel @!p5 .LBB2_12-.Ltmp7, $3  }
0x25b: {  	_ =	sdelay $0x1  }
0x25c: {  	s0 =	smov.u32 s31;
	s31 =	smov.u32 s30;
	s29 =	sadd.s32 $0xFFFFFFFF, s26  }
0x25d: {  	p4 =	por $0x1, $0x1;
	s28 =	simm.s32 $0x0;
	s26 =	simm.s32 $0x0  }
.LBB2_13:
0x25e: {  	p5 =	sne.s32 s29, $0x1;
	v7 =	vshrl.u32 v6, $0xF;
	s28 =	sadd.s32 $0x10, s28  }
0x25f: {  	v8 =	vor.u32 s28, v0;
	v7 =	vand.u32 $0xFF, v7  }
0x260: {  	vm1 =	vlt.s32 v8, v5;
	vm2 =	veq.s32 v7, v4  }
0x261: {  	v7 =	vshrl.u32 v6, $0x7;
	vm1 =	vmand vm1, vm2  }
0x262: {  	v7 =	vand.u32 $0xFF, v7;
	v8 =	vmpcnt.ones.xlane vm1  }
0x263: {  	s30 =	spop (v2sf)  }
0x264: {  	(v2sf) =	vpush v8, $0x0;
	s26 =	sadd.s32 s26, s30;
	_ =	sdelay $0x2  }
0x265: {  	[tilespmem:v7+s10+$0x0] =	vst.idx.add.s32.msk vm1, v2  }
0x266: {  	s21 =	sadd.s32 $0x10, s21;
	[tilespmem:s26+$0x8180] =	vst.msk vm1, v6  }
.Ltmp8:
0x267: {  	v6 =	vld [tilespmem:s21+$0x0];
	(pc) =	sbr.rel @p5 .LBB2_13-.Ltmp8, $2  }
0x268: {  	_ =	sdelay $0x2  }
0x269: {  	s29 =	sadd.s32 $0xFFFFFFFF, s29  }
0x26a: {  	s30 =	smov.u32 s31;
	s31 =	smov.u32 s0  }
.LBB2_15:
0x26b: {  	s28 =	sadd.s32 @p4 $0x10, s28;
	s29 =	simm.s32 $0x0  }
0x26c: {  	v7 =	vshrl.u32 @p3 v6, $0xF;
	s29 =	smov.u32 @p4 s28  }
0x26d: {  	v7 =	vand.u32 @p3 $0xFF, v7;
	v8 =	vor.u32 @p3 s29, v0  }
0x26e: {  	vm2 =	veq.s32 @p3 v7, v4;
	vm1 =	vlt.s32 @p3 v8, v5  }
0x26f: {  	v7 =	vshrl.u32 @p3 v6, $0x7;
	vm1 =	vmand @p3 vm1, vm2  }
0x270: {  	v7 =	vand.u32 @p3 $0xFF, v7;
	_ =	sdelay $0x2  }
0x271: {  	s28 =	spop @p4 (v2sf)  }
0x272: {  	s26 =	sadd.s32 @p4 s26, s28;
	s28 =	simm.s32 $0x0  }
0x273: {  	s21 =	sadd.s32 @p3 $0x10, s21;
	s28 =	smov.u32 @p4 s26;
	[tilespmem:v7+s10+$0x0] =	vst.idx.add.s32.msk @p3 vm1, v2  }
0x274: {  	s15 =	smov.u32 @p3 s21;
	[tilespmem:s28+$0x8180] =	vst.msk @p3 vm1, v6  }
0x275: {  	v6 =	vld [tilespmem:s15+$0x0];
	_ =	sdelay $0x3  }
0x276: {  	s21 =	simm.s32 $0x0;
	s15 =	sadd.s32 @p3 $0x10, s29  }
0x277: {  	s21 =	smov.u32 @p3 s15;
	v62 =	vshrl.u32 v6, $0xF  }
0x278: {  	v63 =	vor.u32 s21, v0;
	v7 =	vand.u32 $0xFF, v62  }
0x279: {  	vm2 =	vlt.s32 v63, v5;
	v5 =	vmpcnt.ones.xlane @p3 vm1;
	vm1 =	veq.s32 v7, v4  }
0x27a: {  	vm1 =	vmand vm2, vm1  }
0x27b: {  	(v2sf) =	vpush @p3 v5, $0x0;
	v4 =	vmpcnt.ones.xlane vm1;
	_ =	sdelay $0x1  }
0x27c: {  	(v2sf) =	vpush v4, $0x0;
	_ =	sdelay $0x8  }
0x27d: {  	v4 =	vshrl.u32 v6, $0x7  }
0x27e: {  	v4 =	vand.u32 $0xFF, v4;
	_ =	sdelay $0x2  }
0x27f: {  	s0 =	sld [smem:$0x7DE];
	s15 =	spop @p3 (v2sf)  }
0x280: {  	s21 =	simm.s32 $0x0;
	s15 =	sadd.s32 @p3 s28, s15  }
0x281: {  	[tilespmem:v4+s10+$0x0] =	vst.idx.add.s32.msk vm1, v2;
	s21 =	smov.u32 @p3 s15;
	s28 =	spop (v2sf)  }
0x282: {  	p5 =	seq.s32 s0, $0x1;
	s29 =	smov.u32 s2;
	[tilespmem:s21+$0x8180] =	vst.msk vm1, v6;
	s21 =	sadd.s32 s21, s28  }
.LBB2_16:
0x283: {  	s2 =	sld [smem:$0x7DF]  }
0x284: {  	s0 =	rddreg [dreg:$0xb]  }
0x285: {  	s15 =	ssub.s32 s31, s30;
	s26 =	ssub.s32 s0, s29  }
0x286: {  	s15 =	simm.s32 @!p5 $0x0;
	p3 =	seq.s32 s2, $0x1;
	s2 =	rddreg [dreg:$0xd]  }
0x287: {  	s15 =	smov.u32 @p3 s26;
	s26 =	rddreg [dreg:$0xc]  }
0x288: {  	s26 =	ssub.s32 s2, s26;
	s2 =	sld [smem:$0x7E0];
	_ =	sdelay $0x2  }
0x289: {  	p3 =	seq.s32 s2, $0x1;
	s2 =	rddreg [dreg:$0xe]  }
0x28a: {  	s15 =	smov.u32 @p3 s26;
	s26 =	rddreg [dreg:$0xf]  }
0x28b: {  	v4 =	vld [tilespmem:$0x4000];
	s26 =	ssub.s32 s26, s2;
	s2 =	sld [smem:$0x7E1]  }
0x28c: {  	v5 =	vld [tilespmem:$0x4010]  }
0x28d: {  	v6 =	vld [tilespmem:$0x4020]  }
0x28e: {  	v7 =	vld [tilespmem:$0x4030];
	p3 =	seq.s32 s2, $0x1;
	s2 =	rddreg [dreg:$0x10]  }
0x28f: {  	v9 =	vld [tilespmem:$0x4040];
	s15 =	smov.u32 @p3 s26;
	s26 =	rddreg [dreg:$0x13]  }
0x290: {  	v11 =	vld [tilespmem:$0x4050];
	v4 =	vperm.xlane v4, v3;
	s26 =	ssub.s32 s26, s2;
	s2 =	sld [smem:$0x7E2]  }
0x291: {  	v13 =	vld [tilespmem:$0x4060];
	v5 =	vperm.xlane v5, v3  }
0x292: {  	v15 =	vld [tilespmem:$0x4070];
	v6 =	vperm.xlane v6, v3;
	(xrf0) =	vadd.scan.msk.s32 $0xffff, v4  }
0x293: {  	v17 =	vld [tilespmem:$0x4080];
	v8 =	vperm.xlane v7, v3;
	(xrf0) =	vadd.scan.msk.s32 $0xffff, v5;
	p3 =	seq.s32 s2, $0x1;
	s2 =	rddreg [dreg:$0x16]  }
0x294: {  	v19 =	vld [tilespmem:$0x4090];
	v10 =	vperm.xlane v9, v3;
	(xrf0) =	vadd.scan.msk.s32 $0xffff, v6;
	s15 =	smov.u32 @p3 s26;
	s26 =	rddreg [dreg:$0x19]  }
0x295: {  	v21 =	vld [tilespmem:$0x40A0];
	v12 =	vperm.xlane v11, v3;
	(xrf0) =	vadd.scan.msk.s32 $0xffff, v8;
	s26 =	ssub.s32 s26, s2;
	s2 =	sld [smem:$0x7E3]  }
0x296: {  	v23 =	vld [tilespmem:$0x40B0];
	v14 =	vperm.xlane v13, v3;
	(xrf0) =	vadd.scan.msk.s32 $0xffff, v10  }
0x297: {  	v25 =	vld [tilespmem:$0x40C0];
	v16 =	vperm.xlane v15, v3;
	(xrf0) =	vadd.scan.msk.s32 $0xffff, v12  }
0x298: {  	v26 =	vld [tilespmem:$0x40D0];
	v18 =	vperm.xlane v17, v3;
	v7, _, _ =	vpop (xrf0);
	(xrf0) =	vadd.scan.msk.s32 $0xffff, v14;
	p3 =	seq.s32 s2, $0x1;
	s2 =	rddreg [dreg:$0x1b]  }
0x299: {  	v27 =	vld [tilespmem:$0x40E0];
	v20 =	vperm.xlane v19, v3;
	v9, _, _ =	vpop (xrf0);
	(xrf0) =	vadd.scan.msk.s32 $0xffff, v16;
	s15 =	smov.u32 @p3 s26;
	s26 =	rddreg [dreg:$0x1d]  }
0x29a: {  	v28 =	vld [tilespmem:$0x40F0];
	v22 =	vperm.xlane v21, v3;
	v11, _, _ =	vpop (xrf0);
	(xrf0) =	vadd.scan.msk.s32 $0xffff, v18;
	(v2sf) =	vpush v9, $0xF;
	s0 =	ssub.s32 s26, s2;
	s26 =	sld [smem:$0x7E4]  }
0x29b: {  	v24 =	vperm.xlane v23, v3;
	v13, _, _ =	vpop (xrf0);
	(xrf0) =	vadd.scan.msk.s32 $0xffff, v20;
	(v2sf) =	vpush v11, $0xF  }
0x29c: {  	v29 =	vperm.xlane v25, v3;
	v15, _, _ =	vpop (xrf0);
	(xrf0) =	vadd.scan.msk.s32 $0xffff, v22;
	(v2sf) =	vpush v13, $0xF  }
0x29d: {  	v26 =	vperm.xlane v26, v3;
	v53, _, _ =	vpop (xrf0);
	(xrf0) =	vadd.scan.msk.s32 $0xffff, v24;
	(v2sf) =	vpush v15, $0xF;
	p3 =	seq.s32 s26, $0x1;
	s26 =	sld [smem:$0x7E5]  }
0x29e: {  	v27 =	vperm.xlane v27, v3;
	v54, _, _ =	vpop (xrf0);
	(xrf0) =	vadd.scan.msk.s32 $0xffff, v29;
	(v2sf) =	vpush v53, $0xF  }
0x29f: {  	v28 =	vperm.xlane v28, v3;
	v55, _, _ =	vpop (xrf0);
	(xrf0) =	vadd.scan.msk.s32 $0xffff, v26;
	(v2sf) =	vpush v54, $0xF  }
0x2a0: {  	v56, _, _ =	vpop (xrf0);
	(xrf0) =	vadd.scan.msk.s32 $0xffff, v27;
	(v2sf) =	vpush v55, $0xF;
	s15 =	smov.u32 @p3 s0;
	s0 =	ssub.s32 s11, s6;
	p3 =	seq.s32 s26, $0x1  }
0x2a1: {  	v57, _, _ =	vpop (xrf0);
	(xrf0) =	vadd.scan.msk.s32 $0xffff, v28;
	(v2sf) =	vpush v56, $0xF;
	s15 =	smov.u32 @p3 s0;
	s0 =	ssub.s32 s3, s1;
	s3 =	sld [smem:$0x7E6]  }
0x2a2: {  	v30, _, _ =	vpop (xrf0);
	(v2sf) =	vpush v57, $0xF;
	s6 =	sld [smem:$0x7E7]  }
0x2a3: {  	v31, _, _ =	vpop (xrf0);
	(v2sf) =	vpush v30, $0xF;
	s11 =	sld [smem:$0x7E8]  }
0x2a4: {  	v32, _, _ =	vpop (xrf0);
	(v2sf) =	vpush v31, $0xF;
	p3 =	seq.s32 s3, $0x1  }
0x2a5: {  	v33, _, _ =	vpop (xrf0);
	(v2sf) =	vpush v32, $0xF;
	s15 =	smov.u32 @p3 s0;
	s0 =	ssub.s32 s5, s4;
	p3 =	seq.s32 s6, $0x1  }
0x2a6: {  	v34, _, _ =	vpop (xrf0);
	(v2sf) =	vpush v33, $0xF;
	s15 =	smov.u32 @p3 s0;
	s0 =	ssub.s32 s8, s7;
	p3 =	seq.s32 s11, $0x1  }
0x2a7: {  	v35, _, _ =	vpop (xrf0);
	(v2sf) =	vpush v34, $0xF;
	s15 =	smov.u32 @p3 s0;
	s0 =	ssub.s32 s13, s9;
	s13 =	sld [smem:$0x7E9]  }
0x2a8: {  	(v2sf) =	vpush v35, $0xF  }
0x2a9: {  	s29 =	spop (v2sf)  }
0x2aa: {  	s7 =	spop (v2sf);
	p3 =	seq.s32 s13, $0x1  }
0x2ab: {  	s1 =	ssub.s32 s18, s12;
	s4 =	spop (v2sf);
	s15 =	smov.u32 @p3 s0  }
0x2ac: {  	s2 =	ssub.s32 s20, s19;
	s0 =	spop (v2sf);
	s15 =	smov.u32 @p6 s1  }
0x2ad: {  	s3 =	ssub.s32 s23, s22;
	s1 =	spop (v2sf);
	s15 =	smov.u32 @p1 s2  }
0x2ae: {  	s5 =	ssub.s32 s25, s24;
	s2 =	spop (v2sf);
	s15 =	smov.u32 @p0 s3  }
0x2af: {  	s3 =	spop (v2sf);
	s5 =	smov.u32 @p2 s15  }
0x2b0: {  	s6 =	spop (v2sf);
	s17 =	sadd.s32 s17, s5  }
0x2b1: {  	s18 =	spop (v2sf);
	vm1 =	vge.s32 v35, s17  }
0x2b2: {  	v37 =	vbroadcast v35, $0xF;
	s19 =	spop (v2sf);
	v36 =	vmctz.xlane vm1  }
0x2b3: {  	s20 =	spop (v2sf);
	v38 =	vmpcnt.ones.xlane vm1  }
0x2b4: {  	v34 =	vadd.s32 v34, v37;
	s22 =	spop (v2sf);
	v35 =	vperm.xlane v35, v36  }
0x2b5: {  	vm1 =	vge.s32 v34, s17;
	s23 =	spop (v2sf);
	(v2sf) =	vpush v38, $0x0;
	v28 =	vperm.xlane v28, v36  }
0x2b6: {  	v58 =	vmctz.xlane vm1;
	s24 =	spop (v2sf);
	(v2sf) =	vpush v35, $0x0  }
0x2b7: {  	v59 =	vmpcnt.ones.xlane vm1;
	s25 =	spop (v2sf);
	(v2sf) =	vpush v28, $0x0  }
0x2b8: {  	v34 =	vperm.xlane v34, v58;
	s13 =	sadd.s32 s24, s25;
	(v2sf) =	vpush v36, $0x0  }
0x2b9: {  	v27 =	vperm.xlane v27, v58;
	v33 =	vadd.s32 s13, v33;
	(v2sf) =	vpush v59, $0x0  }
0x2ba: {  	vm1 =	vge.s32 v33, s17;
	(v2sf) =	vpush v34, $0x0  }
0x2bb: {  	v60 =	vmctz.xlane vm1;
	(v2sf) =	vpush v27, $0x0  }
0x2bc: {  	v61 =	vmpcnt.ones.xlane vm1  }
0x2bd: {  	s12 =	sadd.s32 s23, s13;
	(v2sf) =	vpush v58, $0x0;
	v33 =	vperm.xlane v33, v60  }
0x2be: {  	v32 =	vadd.s32 s12, v32;
	s11 =	sadd.s32 s22, s12;
	(v2sf) =	vpush v61, $0x0  }
0x2bf: {  	v31 =	vadd.s32 s11, v31;
	s11 =	sadd.s32 s20, s11;
	v26 =	vperm.xlane v26, v60;
	(v2sf) =	vpush v33, $0x0  }
0x2c0: {  	vm1 =	vge.s32 v32, s17;
	v38 =	vadd.s32 s11, v30;
	s11 =	sadd.s32 s19, s11  }
0x2c1: {  	v62 =	vmctz.xlane vm1;
	s9 =	sadd.s32 s18, s11;
	(v2sf) =	vpush v26, $0x0  }
0x2c2: {  	v63 =	vmpcnt.ones.xlane vm1;
	s6 =	sadd.s32 s6, s9  }
0x2c3: {  	v33 =	vperm.xlane v32, v62;
	s3 =	sadd.s32 s3, s6;
	(v2sf) =	vpush v60, $0x0  }
0x2c4: {  	v34 =	vperm.xlane v29, v62;
	s2 =	sadd.s32 s2, s3;
	(v2sf) =	vpush v63, $0x0;
	s12 =	spop (v2sf)  }
0x2c5: {  	vm1 =	vge.s32 v31, s17;
	v17 =	vadd.s32 s2, v53;
	s2 =	sadd.s32 s1, s2;
	(v2sf) =	vpush v33, $0x0;
	s26 =	spop (v2sf)  }
0x2c6: {  	v35 =	vmctz.xlane vm1;
	s0 =	sadd.s32 s0, s2;
	(v2sf) =	vpush v34, $0x0;
	s13 =	spop (v2sf)  }
0x2c7: {  	v36 =	vmpcnt.ones.xlane vm1;
	v13 =	vadd.s32 s0, v13;
	s0 =	sadd.s32 s4, s0;
	s5 =	spop (v2sf)  }
0x2c8: {  	v37 =	vperm.xlane v31, v35;
	(v2sf) =	vpush v62, $0x0;
	p5 =	sgt.s32 s12, $0x0;
	[dreg:$0x11] =	wrdreg s26;
	s15 =	spop (v2sf)  }
0x2c9: {  	vm1 =	vge.s32 v38, s17;
	v24 =	vperm.xlane v24, v35;
	p2 =	slt.s32 s12, $0x1;
	(v2sf) =	vpush v36, $0x0;
	[dreg:$0x12] =	wrdreg s13;
	s19 =	spop (v2sf)  }
0x2ca: {  	v39 =	vmctz.xlane vm1;
	(v2sf) =	vpush v37, $0x0;
	p6 =	sgt.s32 s15, $0x0;
	[dreg:$0x14] =	wrdreg s19;
	s20 =	spop (v2sf)  }
0x2cb: {  	v42 =	vadd.s32 s11, v57;
	v40 =	vmpcnt.ones.xlane vm1;
	(v2sf) =	vpush v24, $0x0;
	p0 =	por !p2, !p6;
	p4 =	por p5, p6;
	[dreg:$0x15] =	wrdreg s20  }
0x2cc: {  	v21 =	vadd.s32 s6, v55;
	v41 =	vperm.xlane v38, v39;
	(v2sf) =	vpush v35, $0x0;
	s8 =	spop (v2sf);
	s6 =	simm.s32 @!p0 $0x0;
	p1 =	por !p4, !p4  }
0x2cd: {  	vm1 =	vge.s32 v42, s17;
	v22 =	vperm.xlane v22, v39;
	(v2sf) =	vpush v40, $0x0;
	s22 =	spop (v2sf);
	s6 =	simm.s32 @p0 $0x1;
	p0 =	por p5, p5  }
0x2ce: {  	v44 =	vmctz.xlane vm1;
	(v2sf) =	vpush v41, $0x0;
	s1 =	ssub.s32 $0xEF, s8;
	s23 =	spop (v2sf);
	[smem:$0x7D2] =	sst s6  }
0x2cf: {  	v43 =	vmpcnt.ones.xlane vm1;
	v19 =	vadd.s32 s3, v54;
	(v2sf) =	vpush v22, $0x0;
	p5 =	sgt.s32 s22, $0x0;
	s3 =	simm.s32 @!p0 $0x0;
	[dreg:$0x17] =	wrdreg s23  }
0x2d0: {  	v45 =	vperm.xlane v42, v44;
	(v2sf) =	vpush v39, $0x0;
	s24 =	spop (v2sf);
	p1 =	por !p5, !p1;
	s18 =	sld [smem:$0x7D2]  }
0x2d1: {  	(v2sf) =	vpush v43, $0x0;
	p2 =	por p4, p5;
	s3 =	simm.s32 @p0 $0x1;
	[dreg:$0x18] =	wrdreg s24  }
0x2d2: {  	v23 =	vadd.s32 s9, v56;
	v20 =	vperm.xlane v20, v44;
	(v2sf) =	vpush v45, $0x0;
	s9 =	spop (v2sf);
	s13 =	simm.s32 @!p1 $0x0;
	p3 =	por !p2, !p2  }
0x2d3: {  	[smem:$0x7D1] =	sst s3;
	s25 =	spop (v2sf);
	s13 =	simm.s32 @p1 $0x1  }
0x2d4: {  	vm1 =	vge.s32 v23, s17;
	(v2sf) =	vpush v20, $0x0;
	s26 =	spop (v2sf);
	[smem:$0x7D4] =	sst s13;
	p4 =	sgt.s32 s25, $0x0  }
0x2d5: {  	v46 =	vmctz.xlane vm1;
	v47 =	vmpcnt.ones.xlane vm1;
	(v2sf) =	vpush v44, $0x0;
	[dreg:$0x1a] =	wrdreg s26;
	s19 =	spop (v2sf);
	p3 =	por !p4, !p3  }
0x2d6: {  	p4 =	por p2, p4;
	s26 =	ssub.s32 $0xFF, s5;
	[dreg:$0x1c] =	wrdreg s19  }
0x2d7: {  	v23 =	vperm.xlane v23, v46;
	(v2sf) =	vpush v47, $0x0;
	s12 =	spop (v2sf);
	p2 =	por !p4, !p4;
	s26 =	simm.s32 @!p0 $0x0  }
0x2d8: {  	v18 =	vperm.xlane v18, v46;
	p0 =	seq.s32 s18, $0x1;
	s19 =	sld [smem:$0x7D4];
	s20 =	spop (v2sf)  }
0x2d9: {  	(v2sf) =	vpush v23, $0x0;
	p0 =	por !p0, !p0;
	s22 =	spop (v2sf);
	p6 =	sgt.s32 s20, $0x0  }
0x2da: {  	vm1 =	vge.s32 v21, s17;
	(v2sf) =	vpush v18, $0x0;
	s3 =	simm.s32 @!p0 $0x0;
	s26 =	smov.u32 @p0 s1;
	s28 =	spop (v2sf)  }
0x2db: {  	v49 =	vmpcnt.ones.xlane vm1;
	[dreg:$0x1e] =	wrdreg s22;
	p2 =	por !p6, !p2;
	s23 =	spop (v2sf)  }
0x2dc: {  	v48 =	vmctz.xlane vm1;
	(v2sf) =	vpush v46, $0x0;
	p5 =	por p4, p6;
	s3 =	simm.s32 @p0 $0x1;
	s24 =	spop (v2sf)  }
0x2dd: {  	(v2sf) =	vpush v49, $0x0;
	p4 =	por !p5, !p5;
	[smem:$0x7D3] =	sst s3;
	s6 =	spop (v2sf)  }
0x2de: {  	v21 =	vperm.xlane v21, v48;
	s8 =	ssub.s32 $0xBF, s23;
	s23 =	sadd.s32 s7, s0;
	s11 =	spop (v2sf)  }
0x2df: {  	p1 =	sgt.s32 s24, $0x0;
	s18 =	sadd.s32 s29, s23;
	s25 =	spop (v2sf)  }
0x2e0: {  	v16 =	vperm.xlane v16, v48;
	(v2sf) =	vpush v21, $0x0;
	p4 =	por !p1, !p4;
	p6 =	por p5, p1;
	s5 =	spop (v2sf)  }
0x2e1: {  	vm1 =	vge.s32 v19, s17;
	p5 =	por !p6, !p6;
	p1 =	sgt.s32 s5, $0x0;
	s1 =	spop (v2sf)  }
0x2e2: {  	v50 =	vmctz.xlane vm1;
	(v2sf) =	vpush v16, $0x0;
	p5 =	por !p1, !p5;
	p6 =	por p6, p1;
	p1 =	seq.s32 s19, $0x1  }
0x2e3: {  	v51 =	vmpcnt.ones.xlane vm1;
	(v2sf) =	vpush v48, $0x0;
	s5 =	ssub.s32 $0xDF, s9;
	s3 =	spop (v2sf);
	p0 =	por !p1, !p1  }
0x2e4: {  	v15 =	vadd.s32 s2, v15;
	v19 =	vperm.xlane v19, v50;
	s20 =	spop (v2sf);
	s2 =	simm.s32 @!p0 $0x0;
	s26 =	smov.u32 @p0 s5  }
0x2e5: {  	vm1 =	vge.s32 v17, s17;
	v14 =	vperm.xlane v14, v50;
	(v2sf) =	vpush v51, $0x0;
	s5 =	ssub.s32 $0xCF, s12;
	s2 =	simm.s32 @p0 $0x1;
	p0 =	por !p3, !p3  }
0x2e6: {  	v52 =	vmctz.xlane vm1;
	(v2sf) =	vpush v19, $0x0;
	s22 =	spop (v2sf);
	[smem:$0x7D5] =	sst s2;
	s4 =	simm.s32 @!p0 $0x0  }
0x2e7: {  	v53 =	vmpcnt.ones.xlane vm1;
	(v2sf) =	vpush v14, $0x0;
	s26 =	smov.u32 @p0 s5;
	s2 =	ssub.s32 $0x9F, s20;
	s4 =	simm.s32 @p0 $0x1  }
0x2e8: {  	v17 =	vperm.xlane v17, v52;
	(v2sf) =	vpush v50, $0x0;
	p0 =	por !p2, !p2;
	[smem:$0x7D6] =	sst s4;
	s4 =	spop (v2sf)  }
0x2e9: {  	vm1 =	vge.s32 v15, s17;
	v12 =	vperm.xlane v12, v52;
	(v2sf) =	vpush v53, $0x0;
	s7 =	simm.s32 @!p0 $0x0;
	s26 =	smov.u32 @p0 s8;
	s5 =	spop (v2sf)  }
0x2ea: {  	v54 =	vmctz.xlane vm1;
	(v2sf) =	vpush v17, $0x0;
	s7 =	simm.s32 @p0 $0x1;
	p0 =	por !p4, !p4;
	p4 =	sgt.s32 s22, $0x0  }
0x2eb: {  	v55 =	vmpcnt.ones.xlane vm1;
	(v2sf) =	vpush v12, $0x0;
	[smem:$0x7D7] =	sst s7;
	s24 =	spop (v2sf);
	s7 =	ssub.s32 $0xAF, s25  }
0x2ec: {  	v15 =	vperm.xlane v15, v54;
	(v2sf) =	vpush v52, $0x0;
	s8 =	simm.s32 @!p0 $0x0;
	p1 =	por p6, p4;
	s25 =	spop (v2sf)  }
0x2ed: {  	vm1 =	vge.s32 v13, s17;
	v10 =	vperm.xlane v10, v54;
	(v2sf) =	vpush v55, $0x0;
	s8 =	simm.s32 @p0 $0x1;
	s26 =	smov.u32 @p0 s7;
	p0 =	por !p5, !p5  }
0x2ee: {  	v56 =	vmctz.xlane vm1;
	(v2sf) =	vpush v15, $0x0;
	p5 =	por !p6, !p6;
	s13 =	ssub.s32 $0x8F, s24;
	[smem:$0x7D8] =	sst s8  }
0x2ef: {  	v57 =	vmpcnt.ones.xlane vm1;
	(v2sf) =	vpush v10, $0x0;
	s7 =	spop (v2sf);
	s9 =	simm.s32 @!p0 $0x0;
	s26 =	smov.u32 @p0 s2  }
0x2f0: {  	v11 =	vadd.s32 s0, v11;
	v13 =	vperm.xlane v13, v56;
	(v2sf) =	vpush v54, $0x0;
	p2 =	por !p4, !p5;
	p3 =	sgt.s32 s25, $0x0;
	p4 =	por !p1, !p1  }
0x2f1: {  	vm1 =	vge.s32 v11, s17;
	v8 =	vperm.xlane v8, v56;
	(v2sf) =	vpush v57, $0x0;
	s8 =	spop (v2sf);
	s9 =	simm.s32 @p0 $0x1;
	p2 =	por !p2, !p2  }
0x2f2: {  	v58 =	vmctz.xlane vm1;
	(v2sf) =	vpush v13, $0x0;
	p0 =	por p1, p3;
	s19 =	spop (v2sf);
	[smem:$0x7D9] =	sst s9  }
0x2f3: {  	v59 =	vmpcnt.ones.xlane vm1;
	(v2sf) =	vpush v8, $0x0;
	s12 =	simm.s32 @!p2 $0x0;
	s26 =	smov.u32 @p2 s13;
	p6 =	por !p0, !p0  }
0x2f4: {  	v11 =	vperm.xlane v11, v58;
	v9 =	vadd.s32 s23, v9;
	s20 =	spop (v2sf);
	(v2sf) =	vpush v56, $0x0;
	s12 =	simm.s32 @p2 $0x1;
	p2 =	por !p3, !p4  }
0x2f5: {  	v6 =	vperm.xlane v6, v58;
	vm1 =	vge.s32 v9, s17;
	s0 =	ssub.s32 $0x7F, s19;
	s9 =	spop (v2sf);
	(v2sf) =	vpush v59, $0x0;
	[smem:$0x7DA] =	sst s12  }
0x2f6: {  	v61 =	vmctz.xlane vm1;
	p3 =	por !p2, !p2;
	p5 =	sgt.s32 s20, $0x0;
	s12 =	spop (v2sf);
	(v2sf) =	vpush v11, $0x0  }
0x2f7: {  	v60 =	vmpcnt.ones.xlane vm1;
	s2 =	simm.s32 @!p3 $0x0;
	s26 =	smov.u32 @p3 s0;
	s22 =	spop (v2sf);
	(v2sf) =	vpush v6, $0x0  }
0x2f8: {  	v62 =	vperm.xlane v9, v61;
	p2 =	por !p5, !p6;
	p1 =	por p0, p5;
	(v2sf) =	vpush v58, $0x0;
	s23 =	spop (v2sf)  }
0x2f9: {  	v7 =	vadd.s32 s18, v7;
	v5 =	vperm.xlane v5, v61;
	s2 =	simm.s32 @p3 $0x1;
	p2 =	por !p2, !p2;
	s13 =	spop (v2sf);
	(v2sf) =	vpush v60, $0x0  }
0x2fa: {  	vm1 =	vge.s32 v7, s17;
	p5 =	por !p1, !p1;
	[smem:$0x7DB] =	sst s2;
	s29 =	spop (v2sf);
	(v2sf) =	vpush v62, $0x0  }
0x2fb: {  	s2 =	ssub.s32 $0x6F, s22;
	s18 =	simm.s32 @!p2 $0x0;
	s24 =	spop (v2sf);
	(v2sf) =	vpush v5, $0x0;
	v5 =	vmpcnt.ones.xlane vm1  }
0x2fc: {  	s18 =	simm.s32 @p2 $0x1;
	s26 =	smov.u32 @p2 s2;
	s25 =	spop (v2sf);
	(v2sf) =	vpush v61, $0x0  }
0x2fd: {  	v63 =	vmctz.xlane vm1;
	p4 =	sgt.s32 s23, $0x0;
	[smem:$0x7DC] =	sst s18;
	s30 =	spop (v2sf);
	(v2sf) =	vpush v5, $0x0  }
0x2fe: {  	p3 =	por !p4, !p5;
	p1 =	por p1, p4;
	s31 =	spop (v2sf)  }
0x2ff: {  	v7 =	vperm.xlane v7, v63;
	p3 =	por !p3, !p3;
	p2 =	por !p1, !p1;
	s20 =	spop (v2sf)  }
0x300: {  	v4 =	vperm.xlane v4, v63;
	s0 =	ssub.s32 $0x5F, s24;
	s19 =	simm.s32 @!p3 $0x0;
	s22 =	spop (v2sf)  }
0x301: {  	p6 =	sgt.s32 s25, $0x0;
	s19 =	simm.s32 @p3 $0x1;
	(v2sf) =	vpush v7, $0x0;
	s18 =	spop (v2sf)  }
0x302: {  	s26 =	smov.u32 @p3 s0;
	[smem:$0x7DD] =	sst s19;
	(v2sf) =	vpush v4, $0x0;
	s19 =	spop (v2sf)  }
0x303: {  	p2 =	por !p6, !p2;
	p1 =	por p1, p6;
	(v2sf) =	vpush v63, $0x0;
	s23 =	spop (v2sf)  }
0x304: {  	p5 =	por !p2, !p2;
	p6 =	por !p1, !p1;
	s24 =	spop (v2sf)  }
0x305: {  	[tilespmem:$0x4000] =	vst v1;
	s0 =	ssub.s32 $0x4F, s20;
	p4 =	sgt.s32 s22, $0x0;
	s20 =	spop (v2sf)  }
0x306: {  	[tilespmem:$0x4010] =	vst v1;
	s26 =	smov.u32 @p5 s0;
	p3 =	por !p4, !p6;
	s15 =	spop (v2sf)  }
0x307: {  	[tilespmem:$0x4020] =	vst v1;
	p1 =	por p1, p4;
	p6 =	por !p3, !p3;
	s25 =	spop (v2sf)  }
0x308: {  	[tilespmem:$0x4030] =	vst v1;
	p2 =	por !p1, !p1;
	s2 =	ssub.s32 $0x3F, s23;
	s23 =	spop (v2sf)  }
0x309: {  	[tilespmem:$0x4040] =	vst v1;
	p0 =	sgt.s32 s24, $0x0;
	s26 =	smov.u32 @p6 s2;
	s22 =	spop (v2sf)  }
0x30a: {  	[tilespmem:$0x4050] =	vst v1;
	p4 =	por !p0, !p2;
	p3 =	sgt.s32 s23, $0x0;
	s23 =	spop (v2sf)  }
0x30b: {  	[tilespmem:$0x4060] =	vst v1;
	p2 =	por p1, p0;
	p0 =	por !p4, !p4;
	s24 =	spop (v2sf)  }
0x30c: {  	[tilespmem:$0x4070] =	vst v1;
	p1 =	por !p2, !p2;
	s0 =	ssub.s32 $0x2F, s25;
	s25 =	spop (v2sf)  }
0x30d: {  	[tilespmem:$0x4080] =	vst v1;
	s26 =	smov.u32 @p0 s0;
	p4 =	slt.s32 s25, $0x1;
	s25 =	sadd.s32 $0xF, s21  }
0x30e: {  	[tilespmem:$0x4090] =	vst v1;
	p1 =	por !p3, !p1;
	p3 =	por p3, p4;
	s2 =	sshrl.u32 s25, $0x4  }
0x30f: {  	[tilespmem:$0x40A0] =	vst v1;
	p1 =	por !p1, !p1;
	p2 =	por p2, p3;
	p3 =	seq.s32 s2, $0x0  }
.Ltmp9:
0x310: {  	[tilespmem:$0x40B0] =	vst v1;
	s0 =	ssub.s32 $0x1F, s24;
	s24 =	spop (v2sf);
	(pc) =	sbr.rel @p3 .LBB2_23-.Ltmp9, $4  }
0x311: {  	[tilespmem:$0x40C0] =	vst v1;
	s26 =	smov.u32 @p1 s0;
	s0 =	spop (v2sf)  }
0x312: {  	[tilespmem:$0x40D0] =	vst v1;
	s25 =	spop (v2sf)  }
0x313: {  	[tilespmem:$0x40E0] =	vst v1;
	s25 =	ssub.s32 $0xF, s25  }
0x314: {  	[tilespmem:$0x40F0] =	vst v1;
	s25 =	smov.u32 @p2 s26  }
0x315: {  	p4 =	sne.s32 s2, $0x1  }
.Ltmp10:
0x316: {  	_ = 	snop;
	(pc) =	sbr.rel @!p4 .LBB2_18-.Ltmp10, $3  }
0x317: {  	_ =	sdelay $0x1  }
0x318: {  	s26 =	simm.s32 $0x8180  }
0x319: {  	v4 =	vmov s25;
	v5 =	vmov s21;
	s2 =	sadd.s32 $0xFFFFFFFF, s2;
	p3 =	por $0x0, $0x0;
	v6 =	vld [tilespmem:s26+$0x0]  }
0x31a: {  	_ =	sdelay $0x3  }
0x31b: {  	v7 =	vshrl.u32 v6, $0x7  }
0x31c: {  	v8 =	vor.u32 s16, v0;
	v7 =	vand.u32 $0xFF, v7  }
0x31d: {  	vm1 =	vlt.s32 v8, v5;
	vm2 =	veq.s32 v7, v4  }
0x31e: {  	vm1 =	vmand vm1, vm2  }
0x31f: {  	v6 =	vand.u32 $0x7F, v6  }
0x320: {  	p4 =	sne.s32 s2, $0x1  }
.Ltmp11:
0x321: {  	_ = 	snop;
	(pc) =	sbr.rel @!p4 .LBB2_20-.Ltmp11, $3  }
0x322: {  	_ =	sdelay $0x1  }
0x323: {  	s26 =	simm.s32 $0x8190;
	[tilespmem:v6+s10+$0x0] =	vst.idx.add.s32.msk vm1, v2  }
0x324: {  	s2 =	sadd.s32 $0xFFFFFFFF, s2;
	p3 =	por $0x1, $0x1;
	s21 =	simm.s32 $0x0;
	v6 =	vld [tilespmem:s26+$0x0]  }
.LBB2_21:
0x325: {  	p4 =	sne.s32 s2, $0x1;
	_ =	sdelay $0x3  }
0x326: {  	s21 =	sadd.s32 $0x10, s21;
	v7 =	vshrl.u32 v6, $0x7  }
0x327: {  	v8 =	vor.u32 s21, v0;
	v7 =	vand.u32 $0xFF, v7  }
0x328: {  	vm1 =	vlt.s32 v8, v5;
	vm2 =	veq.s32 v7, v4  }
0x329: {  	vm1 =	vmand vm1, vm2  }
0x32a: {  	v6 =	vand.u32 $0x7F, v6;
	_ =	sdelay $0x1  }
.Ltmp12:
0x32b: {  	(pc) =	sbr.rel @p4 .LBB2_21-.Ltmp12, $3  }
0x32c: {  	_ =	sdelay $0x1  }
0x32d: {  	s26 =	sadd.s32 $0x10, s26;
	[tilespmem:v6+s10+$0x0] =	vst.idx.add.s32.msk vm1, v2  }
0x32e: {  	s2 =	sadd.s32 $0xFFFFFFFF, s2;
	v6 =	vld [tilespmem:s26+$0x0]  }
.LBB2_22:
0x32f: {  	_ =	sdelay $0x2  }
0x330: {  	s2 =	sadd.s32 @p3 $0x10, s21  }
0x331: {  	s16 =	smov.u32 @p3 s2;
	v7 =	vshrl.u32 v6, $0x7  }
0x332: {  	v8 =	vor.u32 s16, v0;
	v7 =	vand.u32 $0xFF, v7  }
0x333: {  	vm1 =	vlt.s32 v8, v5;
	vm2 =	veq.s32 v7, v4  }
0x334: {  	vm1 =	vmand vm1, vm2  }
0x335: {  	v4 =	vand.u32 $0x7F, v6;
	_ =	sdelay $0x4  }
0x336: {  	[tilespmem:v4+s10+$0x0] =	vst.idx.add.s32.msk vm1, v2  }
.LBB2_23:
0x337: {  	v4 =	vld [tilespmem:$0x4000]  }
0x338: {  	v5 =	vld [tilespmem:$0x4010]  }
0x339: {  	v6 =	vld [tilespmem:$0x4020]  }
0x33a: {  	v7 =	vld [tilespmem:$0x4030];
	s2 =	rddreg [dreg:$0x11]  }
0x33b: {  	v8 =	vld [tilespmem:$0x4040];
	s16 =	rddreg [dreg:$0x12]  }
0x33c: {  	v9 =	vld [tilespmem:$0x4050];
	s26 =	rddreg [dreg:$0x14]  }
0x33d: {  	v10 =	vld [tilespmem:$0x4060];
	s21 =	rddreg [dreg:$0x15];
	v4 =	vperm.xlane v4, v3  }
0x33e: {  	v11 =	vld [tilespmem:$0x4070];
	s2 =	ssub.s32 s16, s2;
	s16 =	ssub.s32 s21, s26;
	s26 =	sld [smem:$0x7D1];
	v5 =	vperm.xlane v5, v3  }
0x33f: {  	v6 =	vperm.xlane v6, v3;
	(xrf0) =	vadd.scan.msk.s32 $0xffff, v4;
	v4 =	vld [tilespmem:$0x4080]  }
0x340: {  	v7 =	vperm.xlane v7, v3;
	(xrf0) =	vadd.scan.msk.s32 $0xffff, v5;
	v5 =	vld [tilespmem:$0x4090]  }
0x341: {  	p3 =	seq.s32 s26, $0x1;
	s26 =	sld [smem:$0x7D3];
	v8 =	vperm.xlane v8, v3;
	(xrf0) =	vadd.scan.msk.s32 $0xffff, v6;
	v6 =	vld [tilespmem:$0x40A0]  }
0x342: {  	v9 =	vperm.xlane v9, v3;
	(xrf0) =	vadd.scan.msk.s32 $0xffff, v7;
	v7 =	vld [tilespmem:$0x40B0]  }
0x343: {  	s21 =	rddreg [dreg:$0x17];
	v10 =	vperm.xlane v10, v3;
	(xrf0) =	vadd.scan.msk.s32 $0xffff, v8;
	v8 =	vld [tilespmem:$0x40C0]  }
0x344: {  	v11 =	vperm.xlane v11, v3;
	s2 =	simm.s32 @!p3 $0x0;
	p3 =	seq.s32 s26, $0x1;
	s26 =	rddreg [dreg:$0x18];
	(xrf0) =	vadd.scan.msk.s32 $0xffff, v9;
	v9 =	vld [tilespmem:$0x40D0]  }
0x345: {  	s2 =	smov.u32 @p3 s16;
	s16 =	ssub.s32 s26, s21;
	s26 =	sld [smem:$0x7D5];
	v12 =	vperm.xlane v4, v3;
	v4, _, _ =	vpop (xrf0);
	(xrf0) =	vadd.scan.msk.s32 $0xffff, v10;
	v10 =	vld [tilespmem:$0x40E0]  }
0x346: {  	v13 =	vperm.xlane v5, v3;
	v5, _, _ =	vpop (xrf0);
	(xrf0) =	vadd.scan.msk.s32 $0xffff, v11;
	v11 =	vld [tilespmem:$0x40F0]  }
0x347: {  	s21 =	rddreg [dreg:$0x1a];
	v14 =	vperm.xlane v6, v3;
	v6, _, _ =	vpop (xrf0);
	(xrf0) =	vadd.scan.msk.s32 $0xffff, v12;
	(v2sf) =	vpush v5, $0xF  }
0x348: {  	p3 =	seq.s32 s26, $0x1;
	s26 =	rddreg [dreg:$0x1c];
	v48 =	vperm.xlane v7, v3;
	v7, _, _ =	vpop (xrf0);
	(xrf0) =	vadd.scan.msk.s32 $0xffff, v13;
	(v2sf) =	vpush v6, $0xF  }
0x349: {  	s2 =	smov.u32 @p3 s16;
	s16 =	ssub.s32 s26, s21;
	s26 =	sld [smem:$0x7D6];
	v49 =	vperm.xlane v8, v3;
	v8, _, _ =	vpop (xrf0);
	(xrf0) =	vadd.scan.msk.s32 $0xffff, v14;
	(v2sf) =	vpush v7, $0xF  }
0x34a: {  	v50 =	vperm.xlane v9, v3;
	v9, _, _ =	vpop (xrf0);
	(xrf0) =	vadd.scan.msk.s32 $0xffff, v48;
	(v2sf) =	vpush v8, $0xF  }
0x34b: {  	v51 =	vperm.xlane v10, v3;
	v10, _, _ =	vpop (xrf0);
	(xrf0) =	vadd.scan.msk.s32 $0xffff, v49;
	(v2sf) =	vpush v9, $0xF;
	v11 =	vperm.xlane v11, v3  }
0x34c: {  	p3 =	seq.s32 s26, $0x1;
	s26 =	rddreg [dreg:$0x1e];
	v52, _, _ =	vpop (xrf0);
	(xrf0) =	vadd.scan.msk.s32 $0xffff, v50;
	(v2sf) =	vpush v10, $0xF  }
0x34d: {  	s2 =	smov.u32 @p3 s16;
	s16 =	ssub.s32 s28, s26;
	s28 =	sld [smem:$0x7D7];
	v53, _, _ =	vpop (xrf0);
	(xrf0) =	vadd.scan.msk.s32 $0xffff, v51;
	(v2sf) =	vpush v52, $0xF  }
0x34e: {  	s26 =	sld [smem:$0x7D8];
	v54, _, _ =	vpop (xrf0);
	(xrf0) =	vadd.scan.msk.s32 $0xffff, v11;
	(v2sf) =	vpush v53, $0xF  }
0x34f: {  	v11, _, _ =	vpop (xrf0);
	(v2sf) =	vpush v54, $0xF  }
0x350: {  	s6 =	ssub.s32 s11, s6;
	p3 =	seq.s32 s28, $0x1;
	v15, _, _ =	vpop (xrf0);
	(v2sf) =	vpush v11, $0xF  }
0x351: {  	s28 =	sld [smem:$0x7D9];
	s2 =	smov.u32 @p3 s16;
	p3 =	seq.s32 s26, $0x1;
	v16, _, _ =	vpop (xrf0);
	(v2sf) =	vpush v15, $0xF  }
0x352: {  	s2 =	smov.u32 @p3 s6;
	s6 =	sld [smem:$0x7DA];
	v17, _, _ =	vpop (xrf0);
	(v2sf) =	vpush v16, $0xF  }
0x353: {  	s3 =	ssub.s32 s3, s1;
	v18, _, _ =	vpop (xrf0);
	(v2sf) =	vpush v17, $0xF  }
0x354: {  	s4 =	ssub.s32 s5, s4;
	s5 =	ssub.s32 s8, s7;
	p3 =	seq.s32 s28, $0x1;
	v19, _, _ =	vpop (xrf0);
	(v2sf) =	vpush v18, $0xF  }
0x355: {  	s11 =	sld [smem:$0x7DB];
	s2 =	smov.u32 @p3 s3;
	p3 =	seq.s32 s6, $0x1;
	(v2sf) =	vpush v19, $0xF  }
0x356: {  	s6 =	ssub.s32 s12, s9;
	s12 =	sld [smem:$0x7DC];
	s1 =	spop (v2sf)  }
0x357: {  	s7 =	ssub.s32 s29, s13;
	s16 =	sld [smem:$0x7DD];
	s3 =	spop (v2sf)  }
0x358: {  	s2 =	smov.u32 @p3 s4;
	p3 =	seq.s32 s11, $0x1;
	s4 =	spop (v2sf)  }
0x359: {  	s2 =	smov.u32 @p3 s5;
	p3 =	seq.s32 s12, $0x1;
	s5 =	spop (v2sf)  }
0x35a: {  	s2 =	smov.u32 @p3 s6;
	p3 =	seq.s32 s16, $0x1;
	s6 =	spop (v2sf)  }
0x35b: {  	s8 =	ssub.s32 s31, s30;
	s2 =	smov.u32 @p3 s7;
	s7 =	spop (v2sf)  }
0x35c: {  	s9 =	ssub.s32 s19, s18;
	s2 =	smov.u32 @p5 s8;
	s19 =	spop (v2sf)  }
0x35d: {  	s11 =	ssub.s32 s15, s20;
	s2 =	smov.u32 @p6 s9;
	s21 =	spop (v2sf)  }
0x35e: {  	s2 =	smov.u32 @p0 s11;
	s11 =	ssub.s32 s23, s22;
	s23 =	spop (v2sf)  }
0x35f: {  	s0 =	ssub.s32 s0, s24;
	s2 =	smov.u32 @p1 s11;
	s24 =	spop (v2sf)  }
0x360: {  	s0 =	smov.u32 @p2 s2;
	s26 =	spop (v2sf)  }
0x361: {  	s2 =	sadd.s32 s17, s0;
	s28 =	spop (v2sf)  }
0x362: {  	v20 =	vbroadcast v19, $0xF;
	vm1 =	vge.s32 v19, s2;
	s29 =	spop (v2sf)  }
0x363: {  	v19 =	vmpcnt.ones.xlane vm1;
	s30 =	spop (v2sf)  }
0x364: {  	v18 =	vadd.s32 v18, v20;
	v55 =	vmctz.xlane vm1;
	s31 =	spop (v2sf)  }
0x365: {  	vm1 =	vge.s32 v18, s2;
	(v2sf) =	vpush v19, $0x0;
	s16 =	sadd.s32 s30, s31  }
0x366: {  	v18 =	vmpcnt.ones.xlane vm1;
	(v2sf) =	vpush v55, $0x0;
	v17 =	vadd.s32 s16, v17  }
0x367: {  	v56 =	vmctz.xlane vm1;
	s15 =	sadd.s32 s29, s16;
	vm1 =	vge.s32 v17, s2  }
0x368: {  	(v2sf) =	vpush v18, $0x0;
	v16 =	vadd.s32 s15, v16;
	v17 =	vmpcnt.ones.xlane vm1  }
0x369: {  	(v2sf) =	vpush v56, $0x0;
	v57 =	vmctz.xlane vm1;
	vm1 =	vge.s32 v16, s2  }
0x36a: {  	v16 =	vmpcnt.ones.xlane vm1;
	(v2sf) =	vpush v17, $0x0  }
0x36b: {  	s0 =	sadd.s32 s28, s15;
	v58 =	vmctz.xlane vm1;
	(v2sf) =	vpush v57, $0x0  }
0x36c: {  	v15 =	vadd.s32 s0, v15;
	(v2sf) =	vpush v16, $0x0  }
0x36d: {  	s0 =	sadd.s32 s26, s0;
	vm1 =	vge.s32 v15, s2;
	(v2sf) =	vpush v58, $0x0  }
0x36e: {  	v11 =	vadd.s32 s0, v11;
	v15 =	vmpcnt.ones.xlane vm1  }
0x36f: {  	s0 =	sadd.s32 s24, s0;
	v59 =	vmctz.xlane vm1;
	vm1 =	vge.s32 v11, s2  }
0x370: {  	v12 =	vadd.s32 s0, v54;
	v11 =	vmpcnt.ones.xlane vm1;
	(v2sf) =	vpush v15, $0x0  }
0x371: {  	v60 =	vmctz.xlane vm1;
	vm1 =	vge.s32 v12, s2;
	(v2sf) =	vpush v59, $0x0  }
0x372: {  	s0 =	sadd.s32 s23, s0;
	(v2sf) =	vpush v11, $0x0;
	v11 =	vmpcnt.ones.xlane vm1  }
0x373: {  	v61 =	vadd.s32 s0, v53;
	s9 =	sadd.s32 s21, s0;
	v62 =	vmctz.xlane vm1;
	(v2sf) =	vpush v60, $0x0  }
0x374: {  	s8 =	sadd.s32 s19, s9;
	s16 =	spop (v2sf);
	vm1 =	vge.s32 v61, s2;
	(v2sf) =	vpush v11, $0x0  }
0x375: {  	v13 =	vadd.s32 s9, v52;
	s7 =	sadd.s32 s7, s8;
	s17 =	spop (v2sf);
	v11 =	vmpcnt.ones.xlane vm1;
	(v2sf) =	vpush v62, $0x0  }
0x376: {  	s6 =	sadd.s32 s6, s7;
	p0 =	sgt.s32 s16, $0x0;
	v12 =	vmctz.xlane vm1;
	vm1 =	vge.s32 v13, s2  }
0x377: {  	v10 =	vadd.s32 s8, v10;
	p2 =	slt.s32 s16, $0x1;
	s5 =	sadd.s32 s5, s6;
	s18 =	spop (v2sf);
	(v2sf) =	vpush v11, $0x0;
	v11 =	vmpcnt.ones.xlane vm1  }
0x378: {  	s0 =	ssub.s32 $0xFF, s17;
	s4 =	sadd.s32 s4, s5;
	s19 =	spop (v2sf);
	v63 =	vmctz.xlane vm1;
	vm1 =	vge.s32 v10, s2;
	(v2sf) =	vpush v12, $0x0  }
0x379: {  	s0 =	simm.s32 @!p0 $0x0;
	p1 =	sgt.s32 s18, $0x0;
	v10 =	vmpcnt.ones.xlane vm1;
	s20 =	spop (v2sf);
	(v2sf) =	vpush v11, $0x0  }
0x37a: {  	s9 =	ssub.s32 $0xEF, s19;
	s8 =	smov.u32 s0;
	v11 =	vmctz.xlane vm1;
	s21 =	spop (v2sf);
	(v2sf) =	vpush v63, $0x0  }
0x37b: {  	v9 =	vadd.s32 s7, v9;
	p0 =	por p0, p1;
	s8 =	smov.u32 @p1 s9;
	s22 =	spop (v2sf);
	(v2sf) =	vpush v10, $0x0  }
0x37c: {  	s0 =	smov.u32 @p2 s8;
	vm1 =	vge.s32 v9, s2;
	s8 =	ssub.s32 $0xDF, s21;
	s23 =	spop (v2sf);
	(v2sf) =	vpush v11, $0x0  }
0x37d: {  	v8 =	vadd.s32 s6, v8;
	s3 =	sadd.s32 s3, s4;
	p1 =	sgt.s32 s20, $0x0;
	v9 =	vmpcnt.ones.xlane vm1;
	s8 =	smov.u32 @p0 s0  }
0x37e: {  	s1 =	sadd.s32 s1, s3;
	v10 =	vmctz.xlane vm1;
	vm1 =	vge.s32 v8, s2;
	p0 =	por p0, p1;
	s0 =	smov.u32 @p1 s8  }
0x37f: {  	v7 =	vadd.s32 s5, v7;
	v8 =	vmpcnt.ones.xlane vm1;
	s8 =	ssub.s32 $0xCF, s23;
	p1 =	sgt.s32 s22, $0x0;
	s24 =	spop (v2sf);
	(v2sf) =	vpush v9, $0x0  }
0x380: {  	v9 =	vmctz.xlane vm1;
	vm1 =	vge.s32 v7, s2;
	s8 =	smov.u32 @p0 s0;
	p0 =	por p0, p1;
	s26 =	spop (v2sf);
	(v2sf) =	vpush v10, $0x0  }
0x381: {  	v7 =	vmpcnt.ones.xlane vm1;
	s0 =	smov.u32 @p1 s8;
	s5 =	ssub.s32 $0xBF, s26;
	s28 =	spop (v2sf);
	(v2sf) =	vpush v8, $0x0  }
0x382: {  	v6 =	vadd.s32 s4, v6;
	p1 =	sgt.s32 s24, $0x0;
	v8 =	vmctz.xlane vm1;
	s5 =	smov.u32 @p0 s0;
	s29 =	spop (v2sf);
	(v2sf) =	vpush v9, $0x0  }
0x383: {  	vm1 =	vge.s32 v6, s2;
	p0 =	por p0, p1;
	s0 =	smov.u32 @p1 s5;
	s30 =	spop (v2sf);
	(v2sf) =	vpush v7, $0x0  }
0x384: {  	v5 =	vadd.s32 s3, v5;
	v6 =	vmpcnt.ones.xlane vm1;
	s4 =	ssub.s32 $0xAF, s29;
	p1 =	sgt.s32 s28, $0x0;
	s31 =	spop (v2sf);
	(v2sf) =	vpush v8, $0x0  }
0x385: {  	v7 =	vmctz.xlane vm1;
	vm1 =	vge.s32 v5, s2;
	s28 =	sshll.u32 s14, $0x17;
	s4 =	smov.u32 @p0 s0;
	p0 =	por p0, p1  }
0x386: {  	v4 =	vadd.s32 s1, v4;
	v5 =	vmpcnt.ones.xlane vm1;
	s0 =	smov.u32 @p1 s4;
	s3 =	ssub.s32 $0x9F, s31;
	s6 =	spop (v2sf);
	(v2sf) =	vpush v6, $0x0  }
0x387: {  	p1 =	sgt.s32 s30, $0x0;
	v6 =	vmctz.xlane vm1;
	vm1 =	vge.s32 v4, s2;
	s3 =	smov.u32 @p0 s0;
	s7 =	spop (v2sf);
	(v2sf) =	vpush v7, $0x0  }
0x388: {  	p0 =	por p0, p1;
	v4 =	vmpcnt.ones.xlane vm1;
	s0 =	smov.u32 @p1 s3;
	s8 =	spop (v2sf);
	(v2sf) =	vpush v5, $0x0  }
0x389: {  	s1 =	ssub.s32 $0x8F, s7;
	p1 =	sgt.s32 s6, $0x0;
	v5 =	vmctz.xlane vm1;
	s9 =	spop (v2sf);
	(v2sf) =	vpush v6, $0x0  }
0x38a: {  	s1 =	smov.u32 @p0 s0;
	p0 =	por p0, p1;
	s11 =	spop (v2sf);
	(v2sf) =	vpush v4, $0x0  }
0x38b: {  	s0 =	smov.u32 @p1 s1;
	s1 =	ssub.s32 $0x7F, s9;
	s12 =	spop (v2sf);
	(v2sf) =	vpush v5, $0x0  }
0x38c: {  	s29 =	rddreg [dreg:$0xa];
	p1 =	sgt.s32 s8, $0x0;
	s1 =	smov.u32 @p0 s0  }
0x38d: {  	p0 =	por p0, p1;
	s0 =	smov.u32 @p1 s1;
	s1 =	ssub.s32 $0x6F, s12  }
0x38e: {  	s13 =	spop (v2sf);
	p1 =	sgt.s32 s11, $0x0;
	s1 =	smov.u32 @p0 s0  }
0x38f: {  	s15 =	spop (v2sf);
	p0 =	por p0, p1;
	s0 =	smov.u32 @p1 s1  }
0x390: {  	s16 =	spop (v2sf);
	s3 =	ssub.s32 $0x5F, s15;
	p1 =	sgt.s32 s13, $0x0  }
0x391: {  	s17 =	spop (v2sf);
	s3 =	smov.u32 @p0 s0;
	p0 =	por p0, p1  }
0x392: {  	s0 =	smov.u32 @p1 s3;
	s2 =	ssub.s32 $0x4F, s17;
	s18 =	spop (v2sf)  }
0x393: {  	p1 =	sgt.s32 s16, $0x0;
	s2 =	smov.u32 @p0 s0;
	s19 =	spop (v2sf)  }
0x394: {  	p0 =	por p0, p1;
	s0 =	smov.u32 @p1 s2;
	s1 =	ssub.s32 $0x3F, s19  }
0x395: {  	s20 =	spop (v2sf);
	p1 =	sgt.s32 s18, $0x0;
	s1 =	smov.u32 @p0 s0  }
0x396: {  	s21 =	spop (v2sf);
	p0 =	por p0, p1;
	s0 =	smov.u32 @p1 s1  }
0x397: {  	s1 =	ssub.s32 $0x2F, s21;
	p1 =	sgt.s32 s20, $0x0;
	s22 =	spop (v2sf)  }
0x398: {  	s1 =	smov.u32 @p0 s0;
	p0 =	por p0, p1;
	s23 =	spop (v2sf)  }
0x399: {  	s0 =	smov.u32 @p1 s1;
	s24 =	spop (v2sf);
	s2 =	ssub.s32 $0x1F, s23  }
0x39a: {  	p1 =	sgt.s32 s22, $0x0;
	s2 =	smov.u32 @p0 s0;
	s26 =	spop (v2sf)  }
0x39b: {  	p2 =	slt.s32 s24, $0x1;
	s0 =	smov.u32 @p1 s2;
	s1 =	ssub.s32 $0xF, s26  }
0x39c: {  	s31 =	sld [smem:$0x7FD];
	s3 =	sshll.u32 s29, $0xF;
	s1 =	smov.u32 @p2 s0  }
0x39d: {  	s30 =	sshll.u32 s25, $0x7;
	s2 =	sor.u32 s28, s3;
	s1 =	smov.u32 @p1 s0  }
0x39e: {  	s2 =	sor.u32 s30, s2;
	s1 =	smov.u32 @p0 s0;
	s0 =	simm.s32 $0x40  }
0x39f: {  	p0 =	seq.s32 s31, $0x1;
	s1 =	sor.u32 s1, s2;
	v5 =	vld [tilespmem:s0+$0xFFFFFFC0]  }
0x3a0: {  	v10 =	vld [tilespmem:s0+$0xFFFFFFD0];
	s1 =	simm.s32 @!p0 $0x1  }
0x3a1: {  	v9 =	vld [tilespmem:s0+$0xFFFFFFE0];
	v4 =	vmov s1  }
0x3a2: {  	v8 =	vld [tilespmem:s0+$0x0];
	v4 =	vbroadcast v4, $0x0  }
0x3a3: {  	v6 =	vld [tilespmem:s0+$0x10]  }
0x3a4: {  	v7 =	vld [tilespmem:s0+$0x20];
	vm1 =	vge.f32 v5, v4  }
0x3a5: {  	v11 =	vnsel vm1, $0x0, v5;
	vm1 =	vge.f32 v10, v4;
	v5 =	vld [tilespmem:s0+$0x30]  }
0x3a6: {  	s2 =	simm.s32 $0xC0;
	s1 =	simm.s32 $0x0;
	[tilespmem:s0+$0xFFFFFFC0] =	vst v11;
	v11 =	vnsel vm1, $0x0, v10;
	vm1 =	vge.f32 v9, v4;
	v10 =	vld [tilespmem:s0+$0xFFFFFFF0]  }
.LBB2_24:
0x3a7: {  	v12 =	vld [tilespmem:s2+$0xFFFFFFC0];
	[tilespmem:s0+$0xFFFFFFD0] =	vst v11;
	v9 =	vnsel vm1, $0x0, v9;
	vm1 =	vge.f32 v8, v4  }
0x3a8: {  	s1 =	sadd.s32 $0x8, s1;
	v11 =	vld [tilespmem:s2+$0xFFFFFFD0];
	[tilespmem:s0+$0xFFFFFFE0] =	vst v9;
	v8 =	vnsel vm1, $0x0, v8;
	vm1 =	vge.f32 v6, v4  }
0x3a9: {  	p0 =	slt.u32 s1, $0x3F8;
	v9 =	vld [tilespmem:s2+$0xFFFFFFE0];
	[tilespmem:s0+$0x0] =	vst v8;
	v6 =	vnsel vm1, $0x0, v6;
	vm1 =	vge.f32 v7, v4  }
.Ltmp13:
0x3aa: {  	v8 =	vld [tilespmem:s2+$0x0];
	[tilespmem:s0+$0x10] =	vst v6;
	v7 =	vnsel vm1, $0x0, v7;
	vm1 =	vge.f32 v5, v4;
	(pc) =	sbr.rel @p0 .LBB2_24-.Ltmp13, $4  }
0x3ab: {  	v6 =	vld [tilespmem:s2+$0x10];
	vm2 =	vge.f32 v10, v4;
	[tilespmem:s0+$0x20] =	vst v7;
	v5 =	vnsel vm1, $0x0, v5  }
0x3ac: {  	vm1 =	vge.f32 v12, v4;
	v7 =	vld [tilespmem:s2+$0x20];
	v10 =	vnsel vm2, $0x0, v10;
	[tilespmem:s0+$0x30] =	vst v5  }
0x3ad: {  	v12 =	vnsel vm1, $0x0, v12;
	vm1 =	vge.f32 v11, v4;
	v5 =	vld [tilespmem:s2+$0x30];
	[tilespmem:s0+$0xFFFFFFF0] =	vst v10;
	s0 =	smov.u32 s2  }
0x3ae: {  	s2 =	sadd.s32 $0x80, s2;
	[tilespmem:s0+$0xFFFFFFC0] =	vst v12;
	v11 =	vnsel vm1, $0x0, v11;
	vm1 =	vge.f32 v9, v4;
	v10 =	vld [tilespmem:s0+$0xFFFFFFF0]  }
0x3af: {  	[tilespmem:s0+$0xFFFFFFD0] =	vst v11;
	v9 =	vnsel vm1, $0x0, v9;
	vm1 =	vge.f32 v8, v4  }
0x3b0: {  	[tilespmem:s0+$0xFFFFFFE0] =	vst v9;
	v8 =	vnsel vm1, $0x0, v8;
	vm1 =	vge.f32 v6, v4  }
0x3b1: {  	[tilespmem:s0+$0x0] =	vst v8;
	v6 =	vnsel vm1, $0x0, v6;
	vm1 =	vge.f32 v7, v4  }
0x3b2: {  	[tilespmem:s0+$0x10] =	vst v6;
	v63 =	vnsel vm1, $0x0, v7;
	vm1 =	vge.f32 v5, v4  }
0x3b3: {  	s30 =	rddreg [dreg:$0x3];
	vm2 =	vge.f32 v10, v4;
	[tilespmem:s0+$0x20] =	vst v63;
	v4 =	vnsel vm1, $0x0, v5  }
0x3b4: {  	s1 =	rddreg [dreg:$0x9];
	s5 =	simm.s32 $0x0;
	s2 =	simm.s32 $0x80;
	v5 =	vnsel vm2, $0x0, v10;
	[tilespmem:s0+$0x30] =	vst v4  }
0x3b5: {  	s3 =	simm.s32 $0x400;
	s4 =	simm.s32 $0x1;
	[tilespmem:s0+$0xFFFFFFF0] =	vst v5;
	s0 =	sadd.s32 s30, s1  }
0x3b6: {  	[hbm4b:s0+s2] =	stream.strided.scatter [tilespmem:s5], [sflag:$0x1], $0x4000, s3, s2, $0x38;
	[tilespmem:$0xC200] =	vst v63  }
0x3b7: {  	_ =	swait.ge [sflag:s4], $0x4000  }
0x3b8: {  	s31 =	rddreg [dreg:$0x8]  }
0x3b9: {  	s1 =	sadd.s32 $0x1, s31  }
0x3ba: {  	p0 =	sne.s32 s1, $0x10  }
.Ltmp14:
0x3bb: {  	_ = 	snop;
	(pc) =	sbr.rel @p0 .LBB2_2-.Ltmp14, $4  }
.Ltmp15:
0x3bc: {  	_ = 	snop;
	(pc) =	sbr.rel @!p0 .LBB2_26-.Ltmp15, $4  }
0x3bd: {  	_ = 	snop  }
0x3be: {  	[sflag:s4] =	ssyncset.done $0x0  }
0x3bf: {  	[sflag:s4] =	ssyncadd.s32 $0xFFFFC000  }
0x3c0: {  	_ = 	snop  }
.LBB2_8:
.Ltmp16:
0x3c1: {  	(pc) =	sbr.rel .LBB2_15-.Ltmp16, $2  }
0x3c2: {  	_ =	sdelay $0x2  }
0x3c3: {  	s28 =	simm.s32 $0x0;
	s26 =	simm.s32 $0x0;
	s21 =	simm.s32 $0x4100  }
.LBB2_18:
.Ltmp17:
0x3c4: {  	(pc) =	sbr.rel .LBB2_22-.Ltmp17, $2  }
0x3c5: {  	_ =	sdelay $0x2  }
0x3c6: {  	s21 =	simm.s32 $0x0  }
.LBB2_10:
.Ltmp18:
0x3c7: {  	(pc) =	sbr.rel .LBB2_15-.Ltmp18, $2  }
0x3c8: {  	_ =	sdelay $0x2  }
0x3c9: {  	s28 =	simm.s32 $0x0;
	s26 =	simm.s32 $0x0;
	s21 =	simm.s32 $0x4100  }
.LBB2_20:
.Ltmp19:
0x3ca: {  	(pc) =	sbr.rel .LBB2_22-.Ltmp19, $2  }
0x3cb: {  	_ =	sdelay $0x2  }
0x3cc: {  	s21 =	simm.s32 $0x0  }
.LBB2_12:
.Ltmp20:
0x3cd: {  	(pc) =	sbr.rel .LBB2_15-.Ltmp20, $3  }
0x3ce: {  	_ =	sdelay $0x1  }
0x3cf: {  	s28 =	simm.s32 $0x0  }
0x3d0: {  	s26 =	simm.s32 $0x0;
	s30 =	smov.u32 s31;
	s31 =	smov.u32 s0  }
.LBB2_27:
0x3d1: {  	_ =	sfence.sel $0x180000  }
0x3d2: {  	[bflag:$0x0] =	sbarrier.arrive $0xFFFF  }
0x3d3: {  	_ =	strace $0x90000047  }
0x3d4: {  	s0 =	stileid.u32;
	[bflag:$0x2] =	sbarrier.arrive $0xFFFF  }
0x3d5: {  	p0 =	sne.s32 s0, $0x0;
	s0 =	rddreg [dreg:$0x2]  }
0x3d6: {  	s0 =	sadd.s32 @!p0 $0x100000, s0  }
0x3d7: {  	[sflag:s0] =	ssyncadd.tile.s32 @!p0 $0x1;
	_ =	shalt  }
.Lfunc_end2:
_tile_overlayer_lowered:
.L_overlay_start_2:
0x3d8: {  	(tag) =	ssettag $0x2  }
0x3d9: {  	s0 =	rddreg [dreg:$0x0];
	s2 =	stileid.u32  }
0x3da: {  	s1 =	rddreg [dreg:$0x1];
	p0 =	sne.s32 s2, $0x0  }
0x3db: {  	s3 =	rddreg [dreg:$0x2];
	[bflag:$0x3] =	sbarrier.arrive $0xFFFF;
	s2 =	simm.s32 @!p0 $0x1C01  }
0x3dc: {  	[timem:s3], [sflag:s2] =	dma.local @!p0 [hbm:s0], s1  }
0x3dd: {  	s0 =	simm.s32 @!p0 $0x1  }
0x3de: {  	_ =	swait.ge @!p0 [sflag:s0], s1  }
0x3df: {  	s1 =	ssub.s32 @!p0 $0x0, s1;
	[sflag:s0] =	ssyncset.done @!p0 $0x0  }
0x3e0: {  	[sflag:s0] =	ssyncadd.s32 @!p0 s1  }
0x3e1: {  	[bflag:$0x3] =	sbarrier.arrive $0xFFFF  }
0x3e2: {  	_ =	shalt  }

</sc_bundles>
